<compile_context>
chip_gen: v7x
topology: tpu7x:2x2x1
jax: 0.10.2.dev20260603
libtpu: 0.0.44.dev20260713+nightly
codegen_flags: <defaults>
</compile_context>

<pallas_src>
import jax
import jax.numpy as jnp
from jax import lax
from jax.experimental import pallas as pl
from jax.experimental.pallas import tpu as pltpu
from jax.experimental.pallas import tpu_sc as plsc

N = 10000
E = 160000
D = 256
H = 1024
DO = 512

NC = 2
NS = 16
NW = NC * NS


G_CH = 64
G_NCHUNK = E // G_CH
G_KMAX = 80


def _gather_body(x_hbm, dst_hbm, src_hbm, xi_hbm, xj_hbm,
                 idx_d0, idx_s0, rows_i0, rows_j0,
                 idx_d1, idx_s1, rows_i1, rows_j1,
                 sem_i0, sem_j0, sem_i1, sem_j1):
    w = lax.axis_index("s") * NC + lax.axis_index("c")
    banks = ((idx_d0, idx_s0, rows_i0, rows_j0, sem_i0, sem_j0),
             (idx_d1, idx_s1, rows_i1, rows_j1, sem_i1, sem_j1))

    def start(b, cid):
        idx_d, idx_s, rows_i, rows_j, sem_i, sem_j = banks[b]

        @pl.when(cid < G_NCHUNK)
        def _():
            off = cid * G_CH
            pltpu.sync_copy(dst_hbm.at[pl.ds(off, G_CH)], idx_d)
            pltpu.sync_copy(src_hbm.at[pl.ds(off, G_CH)], idx_s)
            pltpu.async_copy(x_hbm.at[idx_d], rows_i, sem_i)
            pltpu.async_copy(x_hbm.at[idx_s], rows_j, sem_j)

    def drain(b, cid):
        idx_d, idx_s, rows_i, rows_j, sem_i, sem_j = banks[b]

        @pl.when(cid < G_NCHUNK)
        def _():
            off = cid * G_CH
            pltpu.make_async_copy(x_hbm.at[idx_d], rows_i, sem_i).wait()
            pltpu.make_async_copy(x_hbm.at[idx_s], rows_j, sem_j).wait()
            pltpu.sync_copy(rows_i, xi_hbm.at[pl.ds(off, G_CH)])
            pltpu.sync_copy(rows_j, xj_hbm.at[pl.ds(off, G_CH)])

    start(0, w)

    def pair(k2, _):
        c0 = w + NW * (2 * k2)
        c1 = w + NW * (2 * k2 + 1)
        c2 = w + NW * (2 * k2 + 2)
        start(1, c1)
        drain(0, c0)
        start(0, c2)
        drain(1, c1)
        return 0

    lax.fori_loop(0, G_KMAX // 2, pair, 0)


def _sc_gather(x, dst, src):
    mesh = plsc.VectorSubcoreMesh(
        core_axis_name="c", subcore_axis_name="s",
        num_cores=NC, num_subcores=NS)
    f = pl.kernel(
        _gather_body,
        out_type=(
            jax.ShapeDtypeStruct((E, D), jnp.float32),
            jax.ShapeDtypeStruct((E, D), jnp.float32),
        ),
        mesh=mesh,
        scratch_types=[
            pltpu.VMEM((G_CH,), jnp.int32),
            pltpu.VMEM((G_CH,), jnp.int32),
            pltpu.VMEM((G_CH, D), jnp.float32),
            pltpu.VMEM((G_CH, D), jnp.float32),
            pltpu.VMEM((G_CH,), jnp.int32),
            pltpu.VMEM((G_CH,), jnp.int32),
            pltpu.VMEM((G_CH, D), jnp.float32),
            pltpu.VMEM((G_CH, D), jnp.float32),
            pltpu.SemaphoreType.DMA,
            pltpu.SemaphoreType.DMA,
            pltpu.SemaphoreType.DMA,
            pltpu.SemaphoreType.DMA,
        ],
        compiler_params=pltpu.CompilerParams(needs_layout_passes=False),
    )
    return f(x, dst, src)



T_E = 1600


def _mlp_body(xi_ref, xj_ref, w1_ref, b1_ref, w2_ref, b2_ref, out_ref):
    xi = xi_ref[...]
    xj = xj_ref[...]
    xcat = jnp.concatenate([xi, xj - xi], axis=1).astype(jnp.bfloat16)
    w1 = w1_ref[...].astype(jnp.bfloat16)
    h = lax.dot_general(xcat, w1, (((1,), (0,)), ((), ())),
                        preferred_element_type=jnp.float32)
    h = jnp.maximum(h + b1_ref[...], 0.0).astype(jnp.bfloat16)
    w2 = w2_ref[...].astype(jnp.bfloat16)
    m = lax.dot_general(h, w2, (((1,), (0,)), ((), ())),
                        preferred_element_type=jnp.float32)
    m = jnp.maximum(m + b2_ref[...], 0.0)
    ua = lax.bitcast_convert_type(m[:, :DO // 2], jnp.uint32)
    ub = lax.bitcast_convert_type(m[:, DO // 2:], jnp.uint32)
    ra = (ua + jnp.uint32(0x7FFF) + ((ua >> 16) & 1)) >> 16
    rb = (ub + jnp.uint32(0x7FFF) + ((ub >> 16) & 1)) >> 16
    out_ref[...] = lax.bitcast_convert_type(ra | (rb << 16), jnp.int32)


def _tc_mlp(xi, xj, W1, b1, W2, b2):
    grid = (E // T_E,)
    return pl.pallas_call(
        _mlp_body,
        grid=grid,
        in_specs=[
            pl.BlockSpec((T_E, D), lambda i: (i, 0)),
            pl.BlockSpec((T_E, D), lambda i: (i, 0)),
            pl.BlockSpec((2 * D, H), lambda i: (0, 0)),
            pl.BlockSpec((1, H), lambda i: (0, 0)),
            pl.BlockSpec((H, DO), lambda i: (0, 0)),
            pl.BlockSpec((1, DO), lambda i: (0, 0)),
        ],
        out_specs=pl.BlockSpec((T_E, DO // 2), lambda i: (i, 0)),
        out_shape=jax.ShapeDtypeStruct((E, DO // 2), jnp.int32),
        compiler_params=pltpu.CompilerParams(
            dimension_semantics=("arbitrary",),
        ),
    )(xi, xj, W1, b1.reshape(1, H), W2, b2.reshape(1, DO))



PAIR = 320
NPAD = NW * PAIR
DUMP = PAIR
CAP = 128
FLUSH_AT = CAP - 16
S_CH = 1600
S_NCHUNK = E // S_CH
S_NV = S_CH // 16
DO2 = DO // 2


def _segmax_body(dst_hbm, m_hbm, out_hbm, dstbuf, idbuf, ldbuf, rows_v,
                 agg, sem):
    w = lax.axis_index("s") * NC + lax.axis_index("c")
    lo = w * PAIR
    hi = lo + PAIR

    for k in range(CAP // 16):
        idbuf[pl.ds(k * 16, 16)] = jnp.zeros((16,), jnp.int32)
        ldbuf[pl.ds(k * 16, 16)] = jnp.full((16,), DUMP, jnp.int32)

    def zero_body(i, _):
        agg[pl.ds(i * 32, 32)] = jnp.zeros((32,), jnp.bfloat16)
        return 0

    lax.fori_loop(0, (PAIR + 1) * DO // 32, zero_body, 0)

    def flush(cnt):
        for k in range(CAP // 16):
            lv = ldbuf[pl.ds(k * 16, 16)]
            kl = k * 16 + lax.iota(jnp.int32, 16)
            ldbuf[pl.ds(k * 16, 16)] = jnp.where(kl < cnt, lv, DUMP)
        pltpu.async_copy(m_hbm.at[idbuf], rows_v, sem).wait()

        def row_group(g, _):
            ldvec = ldbuf[pl.ds(g * 16, 16)]
            for lane in range(16):
                ld = ldvec[lane]
                r = g * 16 + lane
                base = ld * DO

                def col_body(cb, _, base=base, r=r):
                    v32 = rows_v[r, pl.ds(cb * 16, 16)]
                    v = plsc.bitcast(v32, jnp.bfloat16)
                    a = agg[pl.ds(base + cb * 32, 32)]
                    agg[pl.ds(base + cb * 32, 32)] = jnp.maximum(a, v)
                    return 0

                lax.fori_loop(0, DO2 // 16, col_body, 0)
            return 0

        lax.fori_loop(0, CAP // 16, row_group, 0)
        return jnp.int32(0)

    def chunk_body(c, cnt):
        pltpu.sync_copy(dst_hbm.at[pl.ds(c * S_CH, S_CH)], dstbuf)

        def vreg_body(v, cnt):
            d = dstbuf[pl.ds(v * 16, 16)]
            inr = (d >= lo) & (d < hi)
            pos = jnp.cumsum(inr.astype(jnp.int32))
            nhits = pos[15]

            def do_hit(cnt):
                wpos = cnt + pos - 1
                ids = c * S_CH + v * 16 + lax.iota(jnp.int32, 16)
                plsc.store_scatter(idbuf, [wpos], ids, mask=inr)
                plsc.store_scatter(ldbuf, [wpos], d - lo, mask=inr)
                cnt = cnt + nhits
                return lax.cond(cnt >= FLUSH_AT, flush, lambda c_: c_, cnt)

            return lax.cond(nhits > 0, do_hit, lambda c_: c_, cnt)

        return lax.fori_loop(0, S_NV, vreg_body, cnt)

    cnt = lax.fori_loop(0, S_NCHUNK, chunk_body, jnp.int32(0))
    cnt = flush(cnt)
    pltpu.sync_copy(agg.at[pl.ds(0, PAIR * DO)],
                    out_hbm.at[pl.ds(w * PAIR * DO, PAIR * DO)])


def _sc_segmax(dst, m):
    mesh = plsc.VectorSubcoreMesh(
        core_axis_name="c", subcore_axis_name="s",
        num_cores=NC, num_subcores=NS)
    f = pl.kernel(
        _segmax_body,
        out_type=jax.ShapeDtypeStruct((NPAD * DO,), jnp.bfloat16),
        mesh=mesh,
        scratch_types=[
            pltpu.VMEM((S_CH,), jnp.int32),
            pltpu.VMEM((CAP,), jnp.int32),
            pltpu.VMEM((CAP,), jnp.int32),
            pltpu.VMEM((CAP, DO2), jnp.int32),
            pltpu.VMEM(((PAIR + 1) * DO,), jnp.bfloat16),
            pltpu.SemaphoreType.DMA,
        ],
        compiler_params=pltpu.CompilerParams(needs_layout_passes=False),
    )
    return f(dst, m)




def _cast_body(in_ref, out_ref):
    out_ref[...] = in_ref[...].astype(jnp.float32)


def _tc_cast(agg):
    return pl.pallas_call(
        _cast_body,
        grid=(NPAD // 1024,),
        in_specs=[pl.BlockSpec((1024, DO), lambda i: (i, 0))],
        out_specs=pl.BlockSpec((1024, DO), lambda i: (i, 0)),
        out_shape=jax.ShapeDtypeStruct((NPAD, DO), jnp.float32),
        compiler_params=pltpu.CompilerParams(
            dimension_semantics=("arbitrary",),
        ),
    )(agg)



@jax.jit
def kernel(x, edge_index, W1, b1, W2, b2):
    src = edge_index[0]
    dst = edge_index[1]
    W2p = jnp.concatenate([W2[:, 0::2], W2[:, 1::2]], axis=1)
    b2p = jnp.concatenate([b2[0::2], b2[1::2]])
    xi, xj = _sc_gather(x, dst, src)
    m = _tc_mlp(xi, xj, W1, b1, W2p, b2p)
    agg = _sc_segmax(dst, m)
    out = _tc_cast(agg.reshape(NPAD, DO))
    return out[:N]

# --- scband reference (transcript-rebuilt; emitter-appended) ---
"""Pipeline reference for scband-model-35064113004954 (READ-ONLY COPY).

The authoritative reference and input builder live on the scoring server;
editing this copy changes nothing except your own understanding.
"""

import jax, jax.numpy as jnp
import numpy as np

N = 10000
E = 160000
D = 256
H = 1024
DO = 512


def setup_inputs(seed: int = 0) -> dict:
    key = jax.random.key(seed)
    k1, k2, k3, k4, k5, k6 = jax.random.split(key, 6)
    x = jax.random.normal(k1, (N, D), dtype=jnp.float32)
    # int32 indices (jax x64 disabled by default); values in [0, N)
    edge_index = jax.random.randint(k2, (2, E), 0, N, dtype=jnp.int32)
    # EdgeConv MLP params: input is cat([x_i, x_j - x_i]) -> 2*D features
    W1 = jax.random.normal(k3, (2 * D, H), dtype=jnp.float32) * 0.02
    b1 = jnp.zeros((H,), dtype=jnp.float32)
    W2 = jax.random.normal(k4, (H, DO), dtype=jnp.float32) * 0.02
    b2 = jnp.zeros((DO,), dtype=jnp.float32)
    return {"x": x, "edge_index": edge_index, "W1": W1, "b1": b1, "W2": W2, "b2": b2}


def reference(x, edge_index, W1, b1, W2, b2):
    # EdgeConv (PyG semantics): for each edge (j -> i), message = mlp(cat[x_i, x_j - x_i]),
    # aggregated per destination node with max.
    src = edge_index[0]
    dst = edge_index[1]
    x_i = jnp.take(x, dst, axis=0)
    x_j = jnp.take(x, src, axis=0)
    m = jnp.concatenate([x_i, x_j - x_i], axis=-1)  # [E, 2D]
    m = jax.nn.relu(m @ W1 + b1)                    # [E, H]
    m = jax.nn.relu(m @ W2 + b2)                    # [E, DO]
    agg = jax.ops.segment_max(m, dst, num_segments=N)
    # isolated nodes: replace -inf identity with 0 (matches scatter-max fill behavior)
    agg = jnp.where(jnp.isfinite(agg), agg, 0.0)
    return agg

if __name__ == "__main__":
    import jax
    _d = setup_inputs()
    print(jax.jit(kernel)(*tuple(_d.values())))

</pallas_src>

<mosaic_0001>
#map = affine_map<(d0, d1) -> (0, 0)>
#map1 = affine_map<(d0, d1) -> (0)>
module attributes {stable_mosaic.version = 14 : i64} {
  func.func @_gather_body(%arg0: i32, %arg1: i32, %arg2: memref<10000x256xf32, #tpu.memory_space<hbm>>, %arg3: memref<160000xi32, #tpu.memory_space<hbm>>, %arg4: memref<160000xi32, #tpu.memory_space<hbm>>, %arg5: memref<160000x256xf32, #tpu.memory_space<hbm>>, %arg6: memref<160000x256xf32, #tpu.memory_space<hbm>>, %arg7: memref<64xi32, #tpu.memory_space<vmem>>, %arg8: memref<64xi32, #tpu.memory_space<vmem>>, %arg9: memref<64x256xf32, #tpu.memory_space<vmem>>, %arg10: memref<64x256xf32, #tpu.memory_space<vmem>>, %arg11: memref<64xi32, #tpu.memory_space<vmem>>, %arg12: memref<64xi32, #tpu.memory_space<vmem>>, %arg13: memref<64x256xf32, #tpu.memory_space<vmem>>, %arg14: memref<64x256xf32, #tpu.memory_space<vmem>>, %arg15: memref<!tpu.dma_semaphore, #tpu.memory_space<semaphore_mem>>, %arg16: memref<!tpu.dma_semaphore, #tpu.memory_space<semaphore_mem>>, %arg17: memref<!tpu.dma_semaphore, #tpu.memory_space<semaphore_mem>>, %arg18: memref<!tpu.dma_semaphore, #tpu.memory_space<semaphore_mem>>) attributes {dimension_semantics = [#tpu.dimension_semantics<core_parallel>, #tpu.dimension_semantics<subcore_parallel>], iteration_bounds = array<i64: 2, 16>, scalar_prefetch = 0 : i64, scratch_operands = 12 : i64, tpu.core_type = #tpu.core_type<sc_vector_subcore>, window_params = [{transform_indices = #map}, {transform_indices = #map1}, {transform_indices = #map1}, {transform_indices = #map}, {transform_indices = #map}]} {
    %mul3A = arith.constant 2 : i32
    %mul3A_0 = arith.muli %arg1, %mul3A : i32
    %add3A = arith.addi %mul3A_0, %arg0 : i32
    %lt3A = arith.constant 2500 : i32
    %lt3A_1 = arith.cmpi slt, %add3A, %lt3A : i32
    %convert_element_type3A = arith.extui %lt3A_1 : i1 to i32
    %cond3A = arith.constant 0 : i32
    %cond3A_2 = arith.cmpi ne, %convert_element_type3A, %cond3A : i32
    scf.if %cond3A_2 {
      %mul3A_9 = arith.constant 64 : i32
      %mul3A_10 = arith.muli %add3A, %mul3A_9 : i32
      "tpu.region"() ({
        %run_scoped3A = tpu.sem_alloc : memref<!tpu.dma_semaphore, #tpu.memory_space<semaphore_mem>>
        %dma_start3A_16 = tpu.memref_slice %arg3[%mul3A_10] : memref<160000xi32, #tpu.memory_space<hbm>> -> memref<64xi32, #tpu.memory_space<hbm>>
        %dma_start3A_17 = tpu.memref_slice %arg3[%mul3A_10] : memref<160000xi32, #tpu.memory_space<hbm>> -> memref<64xi32, #tpu.memory_space<hbm>>
        tpu.enqueue_dma source(%dma_start3A_17 : memref<64xi32, #tpu.memory_space<hbm>>) target(%arg7 : memref<64xi32, #tpu.memory_space<vmem>>) target_semaphore(%run_scoped3A : memref<!tpu.dma_semaphore, #tpu.memory_space<semaphore_mem>>)
        %dma_wait3A = tpu.memref_slice %arg3[%mul3A_10] : memref<160000xi32, #tpu.memory_space<hbm>> -> memref<64xi32, #tpu.memory_space<hbm>>
        %dma_wait3A_18 = tpu.memref_slice %arg3[%mul3A_10] : memref<160000xi32, #tpu.memory_space<hbm>> -> memref<64xi32, #tpu.memory_space<hbm>>
        tpu.wait_dma2 semaphore(%run_scoped3A : memref<!tpu.dma_semaphore, #tpu.memory_space<semaphore_mem>>) src(%dma_wait3A_18 : memref<64xi32, #tpu.memory_space<hbm>>) dst(%arg7 : memref<64xi32, #tpu.memory_space<vmem>>)
        tpu.yield
      }) : () -> ()
      "tpu.region"() ({
        %run_scoped3A = tpu.sem_alloc : memref<!tpu.dma_semaphore, #tpu.memory_space<semaphore_mem>>
        %dma_start3A_16 = tpu.memref_slice %arg4[%mul3A_10] : memref<160000xi32, #tpu.memory_space<hbm>> -> memref<64xi32, #tpu.memory_space<hbm>>
        %dma_start3A_17 = tpu.memref_slice %arg4[%mul3A_10] : memref<160000xi32, #tpu.memory_space<hbm>> -> memref<64xi32, #tpu.memory_space<hbm>>
        tpu.enqueue_dma source(%dma_start3A_17 : memref<64xi32, #tpu.memory_space<hbm>>) target(%arg8 : memref<64xi32, #tpu.memory_space<vmem>>) target_semaphore(%run_scoped3A : memref<!tpu.dma_semaphore, #tpu.memory_space<semaphore_mem>>)
        %dma_wait3A = tpu.memref_slice %arg4[%mul3A_10] : memref<160000xi32, #tpu.memory_space<hbm>> -> memref<64xi32, #tpu.memory_space<hbm>>
        %dma_wait3A_18 = tpu.memref_slice %arg4[%mul3A_10] : memref<160000xi32, #tpu.memory_space<hbm>> -> memref<64xi32, #tpu.memory_space<hbm>>
        tpu.wait_dma2 semaphore(%run_scoped3A : memref<!tpu.dma_semaphore, #tpu.memory_space<semaphore_mem>>) src(%dma_wait3A_18 : memref<64xi32, #tpu.memory_space<hbm>>) dst(%arg8 : memref<64xi32, #tpu.memory_space<vmem>>)
        tpu.yield
      }) : () -> ()
      %dma_start3A = arith.constant 0 : i32
      %dma_start3A_11 = arith.constant 0 : i32
      %dma_start3A_12 = tpu.memref_slice %arg2[%dma_start3A, %dma_start3A_11] : memref<10000x256xf32, #tpu.memory_space<hbm>> -> memref<10000x256xf32, #tpu.memory_space<hbm>>
      tpu.enqueue_indirect_dma source(%dma_start3A_12 : memref<10000x256xf32, #tpu.memory_space<hbm>>) target(%arg9 : memref<64x256xf32, #tpu.memory_space<vmem>>) offsets(%arg7 : memref<64xi32, #tpu.memory_space<vmem>>) semaphore(%arg15 : memref<!tpu.dma_semaphore, #tpu.memory_space<semaphore_mem>>)
      %dma_start3A_13 = arith.constant 0 : i32
      %dma_start3A_14 = arith.constant 0 : i32
      %dma_start3A_15 = tpu.memref_slice %arg2[%dma_start3A_13, %dma_start3A_14] : memref<10000x256xf32, #tpu.memory_space<hbm>> -> memref<10000x256xf32, #tpu.memory_space<hbm>>
      tpu.enqueue_indirect_dma source(%dma_start3A_15 : memref<10000x256xf32, #tpu.memory_space<hbm>>) target(%arg10 : memref<64x256xf32, #tpu.memory_space<vmem>>) offsets(%arg8 : memref<64xi32, #tpu.memory_space<vmem>>) semaphore(%arg16 : memref<!tpu.dma_semaphore, #tpu.memory_space<semaphore_mem>>)
    } else {
    }
    %scan3A = arith.constant 0 : i32
    %scan3A_3 = arith.constant 0 : i32
    %scan3A_4 = arith.constant 40 : i32
    %scan3A_5 = arith.addi %scan3A_3, %scan3A_4 : i32
    %scan3A_6 = arith.constant 1 : i32
    %scan3A_7 = scf.for %scan3A_9 = %scan3A_3 to %scan3A_5 step %scan3A_6 iter_args(%scan3A_10 = %scan3A) -> (i32)  : i32 {
      %mul3A_11 = arith.constant 2 : i32
      %mul3A_12 = arith.muli %mul3A_11, %scan3A_9 : i32
      %mul3A_13 = arith.constant 32 : i32
      %mul3A_14 = arith.muli %mul3A_13, %mul3A_12 : i32
      %add3A_15 = arith.addi %add3A, %mul3A_14 : i32
      %mul3A_16 = arith.constant 2 : i32
      %mul3A_17 = arith.muli %mul3A_16, %scan3A_9 : i32
      %add3A_18 = arith.constant 1 : i32
      %add3A_19 = arith.addi %mul3A_17, %add3A_18 : i32
      %mul3A_20 = arith.constant 32 : i32
      %mul3A_21 = arith.muli %mul3A_20, %add3A_19 : i32
      %add3A_22 = arith.addi %add3A, %mul3A_21 : i32
      %mul3A_23 = arith.constant 2 : i32
      %mul3A_24 = arith.muli %mul3A_23, %scan3A_9 : i32
      %add3A_25 = arith.constant 2 : i32
      %add3A_26 = arith.addi %mul3A_24, %add3A_25 : i32
      %mul3A_27 = arith.constant 32 : i32
      %mul3A_28 = arith.muli %mul3A_27, %add3A_26 : i32
      %add3A_29 = arith.addi %add3A, %mul3A_28 : i32
      %lt3A_30 = arith.constant 2500 : i32
      %lt3A_31 = arith.cmpi slt, %add3A_22, %lt3A_30 : i32
      %convert_element_type3A_32 = arith.extui %lt3A_31 : i1 to i32
      %cond3A_33 = arith.constant 0 : i32
      %cond3A_34 = arith.cmpi ne, %convert_element_type3A_32, %cond3A_33 : i32
      scf.if %cond3A_34 {
        %mul3A_51 = arith.constant 64 : i32
        %mul3A_52 = arith.muli %add3A_22, %mul3A_51 : i32
        "tpu.region"() ({
          %run_scoped3A = tpu.sem_alloc : memref<!tpu.dma_semaphore, #tpu.memory_space<semaphore_mem>>
          %dma_start3A_58 = tpu.memref_slice %arg3[%mul3A_52] : memref<160000xi32, #tpu.memory_space<hbm>> -> memref<64xi32, #tpu.memory_space<hbm>>
          %dma_start3A_59 = tpu.memref_slice %arg3[%mul3A_52] : memref<160000xi32, #tpu.memory_space<hbm>> -> memref<64xi32, #tpu.memory_space<hbm>>
          tpu.enqueue_dma source(%dma_start3A_59 : memref<64xi32, #tpu.memory_space<hbm>>) target(%arg11 : memref<64xi32, #tpu.memory_space<vmem>>) target_semaphore(%run_scoped3A : memref<!tpu.dma_semaphore, #tpu.memory_space<semaphore_mem>>)
          %dma_wait3A = tpu.memref_slice %arg3[%mul3A_52] : memref<160000xi32, #tpu.memory_space<hbm>> -> memref<64xi32, #tpu.memory_space<hbm>>
          %dma_wait3A_60 = tpu.memref_slice %arg3[%mul3A_52] : memref<160000xi32, #tpu.memory_space<hbm>> -> memref<64xi32, #tpu.memory_space<hbm>>
          tpu.wait_dma2 semaphore(%run_scoped3A : memref<!tpu.dma_semaphore, #tpu.memory_space<semaphore_mem>>) src(%dma_wait3A_60 : memref<64xi32, #tpu.memory_space<hbm>>) dst(%arg11 : memref<64xi32, #tpu.memory_space<vmem>>)
          tpu.yield
        }) : () -> ()
        "tpu.region"() ({
          %run_scoped3A = tpu.sem_alloc : memref<!tpu.dma_semaphore, #tpu.memory_space<semaphore_mem>>
          %dma_start3A_58 = tpu.memref_slice %arg4[%mul3A_52] : memref<160000xi32, #tpu.memory_space<hbm>> -> memref<64xi32, #tpu.memory_space<hbm>>
          %dma_start3A_59 = tpu.memref_slice %arg4[%mul3A_52] : memref<160000xi32, #tpu.memory_space<hbm>> -> memref<64xi32, #tpu.memory_space<hbm>>
          tpu.enqueue_dma source(%dma_start3A_59 : memref<64xi32, #tpu.memory_space<hbm>>) target(%arg12 : memref<64xi32, #tpu.memory_space<vmem>>) target_semaphore(%run_scoped3A : memref<!tpu.dma_semaphore, #tpu.memory_space<semaphore_mem>>)
          %dma_wait3A = tpu.memref_slice %arg4[%mul3A_52] : memref<160000xi32, #tpu.memory_space<hbm>> -> memref<64xi32, #tpu.memory_space<hbm>>
          %dma_wait3A_60 = tpu.memref_slice %arg4[%mul3A_52] : memref<160000xi32, #tpu.memory_space<hbm>> -> memref<64xi32, #tpu.memory_space<hbm>>
          tpu.wait_dma2 semaphore(%run_scoped3A : memref<!tpu.dma_semaphore, #tpu.memory_space<semaphore_mem>>) src(%dma_wait3A_60 : memref<64xi32, #tpu.memory_space<hbm>>) dst(%arg12 : memref<64xi32, #tpu.memory_space<vmem>>)
          tpu.yield
        }) : () -> ()
        %dma_start3A = arith.constant 0 : i32
        %dma_start3A_53 = arith.constant 0 : i32
        %dma_start3A_54 = tpu.memref_slice %arg2[%dma_start3A, %dma_start3A_53] : memref<10000x256xf32, #tpu.memory_space<hbm>> -> memref<10000x256xf32, #tpu.memory_space<hbm>>
        tpu.enqueue_indirect_dma source(%dma_start3A_54 : memref<10000x256xf32, #tpu.memory_space<hbm>>) target(%arg13 : memref<64x256xf32, #tpu.memory_space<vmem>>) offsets(%arg11 : memref<64xi32, #tpu.memory_space<vmem>>) semaphore(%arg17 : memref<!tpu.dma_semaphore, #tpu.memory_space<semaphore_mem>>)
        %dma_start3A_55 = arith.constant 0 : i32
        %dma_start3A_56 = arith.constant 0 : i32
        %dma_start3A_57 = tpu.memref_slice %arg2[%dma_start3A_55, %dma_start3A_56] : memref<10000x256xf32, #tpu.memory_space<hbm>> -> memref<10000x256xf32, #tpu.memory_space<hbm>>
        tpu.enqueue_indirect_dma source(%dma_start3A_57 : memref<10000x256xf32, #tpu.memory_space<hbm>>) target(%arg14 : memref<64x256xf32, #tpu.memory_space<vmem>>) offsets(%arg12 : memref<64xi32, #tpu.memory_space<vmem>>) semaphore(%arg18 : memref<!tpu.dma_semaphore, #tpu.memory_space<semaphore_mem>>)
      } else {
      }
      %lt3A_35 = arith.constant 2500 : i32
      %lt3A_36 = arith.cmpi slt, %add3A_15, %lt3A_35 : i32
      %convert_element_type3A_37 = arith.extui %lt3A_36 : i1 to i32
      %cond3A_38 = arith.constant 0 : i32
      %cond3A_39 = arith.cmpi ne, %convert_element_type3A_37, %cond3A_38 : i32
      scf.if %cond3A_39 {
        %mul3A_51 = arith.constant 64 : i32
        %mul3A_52 = arith.muli %add3A_15, %mul3A_51 : i32
        %dma_wait3A = arith.constant 0 : i32
        %dma_wait3A_53 = arith.constant 0 : i32
        %dma_wait3A_54 = tpu.memref_slice %arg2[%dma_wait3A, %dma_wait3A_53] : memref<10000x256xf32, #tpu.memory_space<hbm>> -> memref<10000x256xf32, #tpu.memory_space<hbm>>
        tpu.wait_indirect_dma semaphore(%arg15 : memref<!tpu.dma_semaphore, #tpu.memory_space<semaphore_mem>>) src(%dma_wait3A_54 : memref<10000x256xf32, #tpu.memory_space<hbm>>) dst(%arg9 : memref<64x256xf32, #tpu.memory_space<vmem>>)
        %dma_wait3A_55 = arith.constant 0 : i32
        %dma_wait3A_56 = arith.constant 0 : i32
        %dma_wait3A_57 = tpu.memref_slice %arg2[%dma_wait3A_55, %dma_wait3A_56] : memref<10000x256xf32, #tpu.memory_space<hbm>> -> memref<10000x256xf32, #tpu.memory_space<hbm>>
        tpu.wait_indirect_dma semaphore(%arg16 : memref<!tpu.dma_semaphore, #tpu.memory_space<semaphore_mem>>) src(%dma_wait3A_57 : memref<10000x256xf32, #tpu.memory_space<hbm>>) dst(%arg10 : memref<64x256xf32, #tpu.memory_space<vmem>>)
        "tpu.region"() ({
          %run_scoped3A = tpu.sem_alloc : memref<!tpu.dma_semaphore, #tpu.memory_space<semaphore_mem>>
          %dma_start3A = arith.constant 0 : i32
          %dma_start3A_58 = tpu.memref_slice %arg5[%mul3A_52, %dma_start3A] : memref<160000x256xf32, #tpu.memory_space<hbm>> -> memref<64x256xf32, #tpu.memory_space<hbm>>
          %dma_start3A_59 = arith.constant 0 : i32
          %dma_start3A_60 = tpu.memref_slice %arg5[%mul3A_52, %dma_start3A_59] : memref<160000x256xf32, #tpu.memory_space<hbm>> -> memref<64x256xf32, #tpu.memory_space<hbm>>
          tpu.enqueue_dma source(%arg9 : memref<64x256xf32, #tpu.memory_space<vmem>>) target(%dma_start3A_60 : memref<64x256xf32, #tpu.memory_space<hbm>>) target_semaphore(%run_scoped3A : memref<!tpu.dma_semaphore, #tpu.memory_space<semaphore_mem>>)
          %dma_wait3A_61 = arith.constant 0 : i32
          %dma_wait3A_62 = tpu.memref_slice %arg5[%mul3A_52, %dma_wait3A_61] : memref<160000x256xf32, #tpu.memory_space<hbm>> -> memref<64x256xf32, #tpu.memory_space<hbm>>
          %dma_wait3A_63 = arith.constant 0 : i32
          %dma_wait3A_64 = tpu.memref_slice %arg5[%mul3A_52, %dma_wait3A_63] : memref<160000x256xf32, #tpu.memory_space<hbm>> -> memref<64x256xf32, #tpu.memory_space<hbm>>
          tpu.wait_dma2 semaphore(%run_scoped3A : memref<!tpu.dma_semaphore, #tpu.memory_space<semaphore_mem>>) src(%arg9 : memref<64x256xf32, #tpu.memory_space<vmem>>) dst(%dma_wait3A_64 : memref<64x256xf32, #tpu.memory_space<hbm>>)
          tpu.yield
        }) : () -> ()
        "tpu.region"() ({
          %run_scoped3A = tpu.sem_alloc : memref<!tpu.dma_semaphore, #tpu.memory_space<semaphore_mem>>
          %dma_start3A = arith.constant 0 : i32
          %dma_start3A_58 = tpu.memref_slice %arg6[%mul3A_52, %dma_start3A] : memref<160000x256xf32, #tpu.memory_space<hbm>> -> memref<64x256xf32, #tpu.memory_space<hbm>>
          %dma_start3A_59 = arith.constant 0 : i32
          %dma_start3A_60 = tpu.memref_slice %arg6[%mul3A_52, %dma_start3A_59] : memref<160000x256xf32, #tpu.memory_space<hbm>> -> memref<64x256xf32, #tpu.memory_space<hbm>>
          tpu.enqueue_dma source(%arg10 : memref<64x256xf32, #tpu.memory_space<vmem>>) target(%dma_start3A_60 : memref<64x256xf32, #tpu.memory_space<hbm>>) target_semaphore(%run_scoped3A : memref<!tpu.dma_semaphore, #tpu.memory_space<semaphore_mem>>)
          %dma_wait3A_61 = arith.constant 0 : i32
          %dma_wait3A_62 = tpu.memref_slice %arg6[%mul3A_52, %dma_wait3A_61] : memref<160000x256xf32, #tpu.memory_space<hbm>> -> memref<64x256xf32, #tpu.memory_space<hbm>>
          %dma_wait3A_63 = arith.constant 0 : i32
          %dma_wait3A_64 = tpu.memref_slice %arg6[%mul3A_52, %dma_wait3A_63] : memref<160000x256xf32, #tpu.memory_space<hbm>> -> memref<64x256xf32, #tpu.memory_space<hbm>>
          tpu.wait_dma2 semaphore(%run_scoped3A : memref<!tpu.dma_semaphore, #tpu.memory_space<semaphore_mem>>) src(%arg10 : memref<64x256xf32, #tpu.memory_space<vmem>>) dst(%dma_wait3A_64 : memref<64x256xf32, #tpu.memory_space<hbm>>)
          tpu.yield
        }) : () -> ()
      } else {
      }
      %lt3A_40 = arith.constant 2500 : i32
      %lt3A_41 = arith.cmpi slt, %add3A_29, %lt3A_40 : i32
      %convert_element_type3A_42 = arith.extui %lt3A_41 : i1 to i32
      %cond3A_43 = arith.constant 0 : i32
      %cond3A_44 = arith.cmpi ne, %convert_element_type3A_42, %cond3A_43 : i32
      scf.if %cond3A_44 {
        %mul3A_51 = arith.constant 64 : i32
        %mul3A_52 = arith.muli %add3A_29, %mul3A_51 : i32
        "tpu.region"() ({
          %run_scoped3A = tpu.sem_alloc : memref<!tpu.dma_semaphore, #tpu.memory_space<semaphore_mem>>
          %dma_start3A_58 = tpu.memref_slice %arg3[%mul3A_52] : memref<160000xi32, #tpu.memory_space<hbm>> -> memref<64xi32, #tpu.memory_space<hbm>>
          %dma_start3A_59 = tpu.memref_slice %arg3[%mul3A_52] : memref<160000xi32, #tpu.memory_space<hbm>> -> memref<64xi32, #tpu.memory_space<hbm>>
          tpu.enqueue_dma source(%dma_start3A_59 : memref<64xi32, #tpu.memory_space<hbm>>) target(%arg7 : memref<64xi32, #tpu.memory_space<vmem>>) target_semaphore(%run_scoped3A : memref<!tpu.dma_semaphore, #tpu.memory_space<semaphore_mem>>)
          %dma_wait3A = tpu.memref_slice %arg3[%mul3A_52] : memref<160000xi32, #tpu.memory_space<hbm>> -> memref<64xi32, #tpu.memory_space<hbm>>
          %dma_wait3A_60 = tpu.memref_slice %arg3[%mul3A_52] : memref<160000xi32, #tpu.memory_space<hbm>> -> memref<64xi32, #tpu.memory_space<hbm>>
          tpu.wait_dma2 semaphore(%run_scoped3A : memref<!tpu.dma_semaphore, #tpu.memory_space<semaphore_mem>>) src(%dma_wait3A_60 : memref<64xi32, #tpu.memory_space<hbm>>) dst(%arg7 : memref<64xi32, #tpu.memory_space<vmem>>)
          tpu.yield
        }) : () -> ()
        "tpu.region"() ({
          %run_scoped3A = tpu.sem_alloc : memref<!tpu.dma_semaphore, #tpu.memory_space<semaphore_mem>>
          %dma_start3A_58 = tpu.memref_slice %arg4[%mul3A_52] : memref<160000xi32, #tpu.memory_space<hbm>> -> memref<64xi32, #tpu.memory_space<hbm>>
          %dma_start3A_59 = tpu.memref_slice %arg4[%mul3A_52] : memref<160000xi32, #tpu.memory_space<hbm>> -> memref<64xi32, #tpu.memory_space<hbm>>
          tpu.enqueue_dma source(%dma_start3A_59 : memref<64xi32, #tpu.memory_space<hbm>>) target(%arg8 : memref<64xi32, #tpu.memory_space<vmem>>) target_semaphore(%run_scoped3A : memref<!tpu.dma_semaphore, #tpu.memory_space<semaphore_mem>>)
          %dma_wait3A = tpu.memref_slice %arg4[%mul3A_52] : memref<160000xi32, #tpu.memory_space<hbm>> -> memref<64xi32, #tpu.memory_space<hbm>>
          %dma_wait3A_60 = tpu.memref_slice %arg4[%mul3A_52] : memref<160000xi32, #tpu.memory_space<hbm>> -> memref<64xi32, #tpu.memory_space<hbm>>
          tpu.wait_dma2 semaphore(%run_scoped3A : memref<!tpu.dma_semaphore, #tpu.memory_space<semaphore_mem>>) src(%dma_wait3A_60 : memref<64xi32, #tpu.memory_space<hbm>>) dst(%arg8 : memref<64xi32, #tpu.memory_space<vmem>>)
          tpu.yield
        }) : () -> ()
        %dma_start3A = arith.constant 0 : i32
        %dma_start3A_53 = arith.constant 0 : i32
        %dma_start3A_54 = tpu.memref_slice %arg2[%dma_start3A, %dma_start3A_53] : memref<10000x256xf32, #tpu.memory_space<hbm>> -> memref<10000x256xf32, #tpu.memory_space<hbm>>
        tpu.enqueue_indirect_dma source(%dma_start3A_54 : memref<10000x256xf32, #tpu.memory_space<hbm>>) target(%arg9 : memref<64x256xf32, #tpu.memory_space<vmem>>) offsets(%arg7 : memref<64xi32, #tpu.memory_space<vmem>>) semaphore(%arg15 : memref<!tpu.dma_semaphore, #tpu.memory_space<semaphore_mem>>)
        %dma_start3A_55 = arith.constant 0 : i32
        %dma_start3A_56 = arith.constant 0 : i32
        %dma_start3A_57 = tpu.memref_slice %arg2[%dma_start3A_55, %dma_start3A_56] : memref<10000x256xf32, #tpu.memory_space<hbm>> -> memref<10000x256xf32, #tpu.memory_space<hbm>>
        tpu.enqueue_indirect_dma source(%dma_start3A_57 : memref<10000x256xf32, #tpu.memory_space<hbm>>) target(%arg10 : memref<64x256xf32, #tpu.memory_space<vmem>>) offsets(%arg8 : memref<64xi32, #tpu.memory_space<vmem>>) semaphore(%arg16 : memref<!tpu.dma_semaphore, #tpu.memory_space<semaphore_mem>>)
      } else {
      }
      %lt3A_45 = arith.constant 2500 : i32
      %lt3A_46 = arith.cmpi slt, %add3A_22, %lt3A_45 : i32
      %convert_element_type3A_47 = arith.extui %lt3A_46 : i1 to i32
      %cond3A_48 = arith.constant 0 : i32
      %cond3A_49 = arith.cmpi ne, %convert_element_type3A_47, %cond3A_48 : i32
      scf.if %cond3A_49 {
        %mul3A_51 = arith.constant 64 : i32
        %mul3A_52 = arith.muli %add3A_22, %mul3A_51 : i32
        %dma_wait3A = arith.constant 0 : i32
        %dma_wait3A_53 = arith.constant 0 : i32
        %dma_wait3A_54 = tpu.memref_slice %arg2[%dma_wait3A, %dma_wait3A_53] : memref<10000x256xf32, #tpu.memory_space<hbm>> -> memref<10000x256xf32, #tpu.memory_space<hbm>>
        tpu.wait_indirect_dma semaphore(%arg17 : memref<!tpu.dma_semaphore, #tpu.memory_space<semaphore_mem>>) src(%dma_wait3A_54 : memref<10000x256xf32, #tpu.memory_space<hbm>>) dst(%arg13 : memref<64x256xf32, #tpu.memory_space<vmem>>)
        %dma_wait3A_55 = arith.constant 0 : i32
        %dma_wait3A_56 = arith.constant 0 : i32
        %dma_wait3A_57 = tpu.memref_slice %arg2[%dma_wait3A_55, %dma_wait3A_56] : memref<10000x256xf32, #tpu.memory_space<hbm>> -> memref<10000x256xf32, #tpu.memory_space<hbm>>
        tpu.wait_indirect_dma semaphore(%arg18 : memref<!tpu.dma_semaphore, #tpu.memory_space<semaphore_mem>>) src(%dma_wait3A_57 : memref<10000x256xf32, #tpu.memory_space<hbm>>) dst(%arg14 : memref<64x256xf32, #tpu.memory_space<vmem>>)
        "tpu.region"() ({
          %run_scoped3A = tpu.sem_alloc : memref<!tpu.dma_semaphore, #tpu.memory_space<semaphore_mem>>
          %dma_start3A = arith.constant 0 : i32
          %dma_start3A_58 = tpu.memref_slice %arg5[%mul3A_52, %dma_start3A] : memref<160000x256xf32, #tpu.memory_space<hbm>> -> memref<64x256xf32, #tpu.memory_space<hbm>>
          %dma_start3A_59 = arith.constant 0 : i32
          %dma_start3A_60 = tpu.memref_slice %arg5[%mul3A_52, %dma_start3A_59] : memref<160000x256xf32, #tpu.memory_space<hbm>> -> memref<64x256xf32, #tpu.memory_space<hbm>>
          tpu.enqueue_dma source(%arg13 : memref<64x256xf32, #tpu.memory_space<vmem>>) target(%dma_start3A_60 : memref<64x256xf32, #tpu.memory_space<hbm>>) target_semaphore(%run_scoped3A : memref<!tpu.dma_semaphore, #tpu.memory_space<semaphore_mem>>)
          %dma_wait3A_61 = arith.constant 0 : i32
          %dma_wait3A_62 = tpu.memref_slice %arg5[%mul3A_52, %dma_wait3A_61] : memref<160000x256xf32, #tpu.memory_space<hbm>> -> memref<64x256xf32, #tpu.memory_space<hbm>>
          %dma_wait3A_63 = arith.constant 0 : i32
          %dma_wait3A_64 = tpu.memref_slice %arg5[%mul3A_52, %dma_wait3A_63] : memref<160000x256xf32, #tpu.memory_space<hbm>> -> memref<64x256xf32, #tpu.memory_space<hbm>>
          tpu.wait_dma2 semaphore(%run_scoped3A : memref<!tpu.dma_semaphore, #tpu.memory_space<semaphore_mem>>) src(%arg13 : memref<64x256xf32, #tpu.memory_space<vmem>>) dst(%dma_wait3A_64 : memref<64x256xf32, #tpu.memory_space<hbm>>)
          tpu.yield
        }) : () -> ()
        "tpu.region"() ({
          %run_scoped3A = tpu.sem_alloc : memref<!tpu.dma_semaphore, #tpu.memory_space<semaphore_mem>>
          %dma_start3A = arith.constant 0 : i32
          %dma_start3A_58 = tpu.memref_slice %arg6[%mul3A_52, %dma_start3A] : memref<160000x256xf32, #tpu.memory_space<hbm>> -> memref<64x256xf32, #tpu.memory_space<hbm>>
          %dma_start3A_59 = arith.constant 0 : i32
          %dma_start3A_60 = tpu.memref_slice %arg6[%mul3A_52, %dma_start3A_59] : memref<160000x256xf32, #tpu.memory_space<hbm>> -> memref<64x256xf32, #tpu.memory_space<hbm>>
          tpu.enqueue_dma source(%arg14 : memref<64x256xf32, #tpu.memory_space<vmem>>) target(%dma_start3A_60 : memref<64x256xf32, #tpu.memory_space<hbm>>) target_semaphore(%run_scoped3A : memref<!tpu.dma_semaphore, #tpu.memory_space<semaphore_mem>>)
          %dma_wait3A_61 = arith.constant 0 : i32
          %dma_wait3A_62 = tpu.memref_slice %arg6[%mul3A_52, %dma_wait3A_61] : memref<160000x256xf32, #tpu.memory_space<hbm>> -> memref<64x256xf32, #tpu.memory_space<hbm>>
          %dma_wait3A_63 = arith.constant 0 : i32
          %dma_wait3A_64 = tpu.memref_slice %arg6[%mul3A_52, %dma_wait3A_63] : memref<160000x256xf32, #tpu.memory_space<hbm>> -> memref<64x256xf32, #tpu.memory_space<hbm>>
          tpu.wait_dma2 semaphore(%run_scoped3A : memref<!tpu.dma_semaphore, #tpu.memory_space<semaphore_mem>>) src(%arg14 : memref<64x256xf32, #tpu.memory_space<vmem>>) dst(%dma_wait3A_64 : memref<64x256xf32, #tpu.memory_space<hbm>>)
          tpu.yield
        }) : () -> ()
      } else {
      }
      %scan3A_50 = arith.constant 0 : i32
      scf.yield %scan3A_50 : i32
    }
    %scan3A_8 = arith.constant 40 : i32
    return
  }
}

#map = affine_map<(d0, d1) -> (0)>
#map1 = affine_map<(d0, d1) -> (0, 0)>
module attributes {stable_mosaic.version = 14 : i64} {
  func.func @_segmax_body(%arg0: i32, %arg1: i32, %arg2: memref<160000xi32, #tpu.memory_space<hbm>>, %arg3: memref<160000x256xi32, #tpu.memory_space<hbm>>, %arg4: memref<5242880xbf16, #tpu.memory_space<hbm>>, %arg5: memref<1600xi32, #tpu.memory_space<vmem>>, %arg6: memref<128xi32, #tpu.memory_space<vmem>>, %arg7: memref<128xi32, #tpu.memory_space<vmem>>, %arg8: memref<128x256xi32, #tpu.memory_space<vmem>>, %arg9: memref<164352xbf16, #tpu.memory_space<vmem>>, %arg10: memref<!tpu.dma_semaphore, #tpu.memory_space<semaphore_mem>>) attributes {dimension_semantics = [#tpu.dimension_semantics<core_parallel>, #tpu.dimension_semantics<subcore_parallel>], iteration_bounds = array<i64: 2, 16>, scalar_prefetch = 0 : i64, scratch_operands = 6 : i64, tpu.core_type = #tpu.core_type<sc_vector_subcore>, window_params = [{transform_indices = #map}, {transform_indices = #map1}, {transform_indices = #map}]} {
    %mul3A = arith.constant 2 : i32
    %mul3A_0 = arith.muli %arg1, %mul3A : i32
    %add3A = arith.addi %mul3A_0, %arg0 : i32
    %mul3A_1 = arith.constant 320 : i32
    %mul3A_2 = arith.muli %add3A, %mul3A_1 : i32
    %add3A_3 = arith.constant 320 : i32
    %add3A_4 = arith.addi %mul3A_2, %add3A_3 : i32
    %broadcast_in_dim3A = arith.constant 0 : i32
    %broadcast_in_dim3A_5 = vector.broadcast %broadcast_in_dim3A : i32 to vector<16xi32>
    %swap3A = arith.constant 0 : index
    %swap3A_6 = tpu.vector_load %arg6[%swap3A] {strides = array<i32>} : memref<128xi32, #tpu.memory_space<vmem>>, vector<16xi32>,
    tpu.vector_store %arg6[%swap3A], %broadcast_in_dim3A_5 {strides = array<i32>} : memref<128xi32, #tpu.memory_space<vmem>>, vector<16xi32>,
    %broadcast_in_dim3A_7 = arith.constant 320 : i32
    %broadcast_in_dim3A_8 = vector.broadcast %broadcast_in_dim3A_7 : i32 to vector<16xi32>
    %swap3A_9 = arith.constant 0 : index
    %swap3A_10 = tpu.vector_load %arg7[%swap3A_9] {strides = array<i32>} : memref<128xi32, #tpu.memory_space<vmem>>, vector<16xi32>,
    tpu.vector_store %arg7[%swap3A_9], %broadcast_in_dim3A_8 {strides = array<i32>} : memref<128xi32, #tpu.memory_space<vmem>>, vector<16xi32>,
    %broadcast_in_dim3A_11 = arith.constant 0 : i32
    %broadcast_in_dim3A_12 = vector.broadcast %broadcast_in_dim3A_11 : i32 to vector<16xi32>
    %swap3A_13 = arith.constant 16 : index
    %swap3A_14 = tpu.vector_load %arg6[%swap3A_13] {strides = array<i32>} : memref<128xi32, #tpu.memory_space<vmem>>, vector<16xi32>,
    tpu.vector_store %arg6[%swap3A_13], %broadcast_in_dim3A_12 {strides = array<i32>} : memref<128xi32, #tpu.memory_space<vmem>>, vector<16xi32>,
    %broadcast_in_dim3A_15 = arith.constant 320 : i32
    %broadcast_in_dim3A_16 = vector.broadcast %broadcast_in_dim3A_15 : i32 to vector<16xi32>
    %swap3A_17 = arith.constant 16 : index
    %swap3A_18 = tpu.vector_load %arg7[%swap3A_17] {strides = array<i32>} : memref<128xi32, #tpu.memory_space<vmem>>, vector<16xi32>,
    tpu.vector_store %arg7[%swap3A_17], %broadcast_in_dim3A_16 {strides = array<i32>} : memref<128xi32, #tpu.memory_space<vmem>>, vector<16xi32>,
    %broadcast_in_dim3A_19 = arith.constant 0 : i32
    %broadcast_in_dim3A_20 = vector.broadcast %broadcast_in_dim3A_19 : i32 to vector<16xi32>
    %swap3A_21 = arith.constant 32 : index
    %swap3A_22 = tpu.vector_load %arg6[%swap3A_21] {strides = array<i32>} : memref<128xi32, #tpu.memory_space<vmem>>, vector<16xi32>,
    tpu.vector_store %arg6[%swap3A_21], %broadcast_in_dim3A_20 {strides = array<i32>} : memref<128xi32, #tpu.memory_space<vmem>>, vector<16xi32>,
    %broadcast_in_dim3A_23 = arith.constant 320 : i32
    %broadcast_in_dim3A_24 = vector.broadcast %broadcast_in_dim3A_23 : i32 to vector<16xi32>
    %swap3A_25 = arith.constant 32 : index
    %swap3A_26 = tpu.vector_load %arg7[%swap3A_25] {strides = array<i32>} : memref<128xi32, #tpu.memory_space<vmem>>, vector<16xi32>,
    tpu.vector_store %arg7[%swap3A_25], %broadcast_in_dim3A_24 {strides = array<i32>} : memref<128xi32, #tpu.memory_space<vmem>>, vector<16xi32>,
    %broadcast_in_dim3A_27 = arith.constant 0 : i32
    %broadcast_in_dim3A_28 = vector.broadcast %broadcast_in_dim3A_27 : i32 to vector<16xi32>
    %swap3A_29 = arith.constant 48 : index
    %swap3A_30 = tpu.vector_load %arg6[%swap3A_29] {strides = array<i32>} : memref<128xi32, #tpu.memory_space<vmem>>, vector<16xi32>,
    tpu.vector_store %arg6[%swap3A_29], %broadcast_in_dim3A_28 {strides = array<i32>} : memref<128xi32, #tpu.memory_space<vmem>>, vector<16xi32>,
    %broadcast_in_dim3A_31 = arith.constant 320 : i32
    %broadcast_in_dim3A_32 = vector.broadcast %broadcast_in_dim3A_31 : i32 to vector<16xi32>
    %swap3A_33 = arith.constant 48 : index
    %swap3A_34 = tpu.vector_load %arg7[%swap3A_33] {strides = array<i32>} : memref<128xi32, #tpu.memory_space<vmem>>, vector<16xi32>,
    tpu.vector_store %arg7[%swap3A_33], %broadcast_in_dim3A_32 {strides = array<i32>} : memref<128xi32, #tpu.memory_space<vmem>>, vector<16xi32>,
    %broadcast_in_dim3A_35 = arith.constant 0 : i32
    %broadcast_in_dim3A_36 = vector.broadcast %broadcast_in_dim3A_35 : i32 to vector<16xi32>
    %swap3A_37 = arith.constant 64 : index
    %swap3A_38 = tpu.vector_load %arg6[%swap3A_37] {strides = array<i32>} : memref<128xi32, #tpu.memory_space<vmem>>, vector<16xi32>,
    tpu.vector_store %arg6[%swap3A_37], %broadcast_in_dim3A_36 {strides = array<i32>} : memref<128xi32, #tpu.memory_space<vmem>>, vector<16xi32>,
    %broadcast_in_dim3A_39 = arith.constant 320 : i32
    %broadcast_in_dim3A_40 = vector.broadcast %broadcast_in_dim3A_39 : i32 to vector<16xi32>
    %swap3A_41 = arith.constant 64 : index
    %swap3A_42 = tpu.vector_load %arg7[%swap3A_41] {strides = array<i32>} : memref<128xi32, #tpu.memory_space<vmem>>, vector<16xi32>,
    tpu.vector_store %arg7[%swap3A_41], %broadcast_in_dim3A_40 {strides = array<i32>} : memref<128xi32, #tpu.memory_space<vmem>>, vector<16xi32>,
    %broadcast_in_dim3A_43 = arith.constant 0 : i32
    %broadcast_in_dim3A_44 = vector.broadcast %broadcast_in_dim3A_43 : i32 to vector<16xi32>
    %swap3A_45 = arith.constant 80 : index
    %swap3A_46 = tpu.vector_load %arg6[%swap3A_45] {strides = array<i32>} : memref<128xi32, #tpu.memory_space<vmem>>, vector<16xi32>,
    tpu.vector_store %arg6[%swap3A_45], %broadcast_in_dim3A_44 {strides = array<i32>} : memref<128xi32, #tpu.memory_space<vmem>>, vector<16xi32>,
    %broadcast_in_dim3A_47 = arith.constant 320 : i32
    %broadcast_in_dim3A_48 = vector.broadcast %broadcast_in_dim3A_47 : i32 to vector<16xi32>
    %swap3A_49 = arith.constant 80 : index
    %swap3A_50 = tpu.vector_load %arg7[%swap3A_49] {strides = array<i32>} : memref<128xi32, #tpu.memory_space<vmem>>, vector<16xi32>,
    tpu.vector_store %arg7[%swap3A_49], %broadcast_in_dim3A_48 {strides = array<i32>} : memref<128xi32, #tpu.memory_space<vmem>>, vector<16xi32>,
    %broadcast_in_dim3A_51 = arith.constant 0 : i32
    %broadcast_in_dim3A_52 = vector.broadcast %broadcast_in_dim3A_51 : i32 to vector<16xi32>
    %swap3A_53 = arith.constant 96 : index
    %swap3A_54 = tpu.vector_load %arg6[%swap3A_53] {strides = array<i32>} : memref<128xi32, #tpu.memory_space<vmem>>, vector<16xi32>,
    tpu.vector_store %arg6[%swap3A_53], %broadcast_in_dim3A_52 {strides = array<i32>} : memref<128xi32, #tpu.memory_space<vmem>>, vector<16xi32>,
    %broadcast_in_dim3A_55 = arith.constant 320 : i32
    %broadcast_in_dim3A_56 = vector.broadcast %broadcast_in_dim3A_55 : i32 to vector<16xi32>
    %swap3A_57 = arith.constant 96 : index
    %swap3A_58 = tpu.vector_load %arg7[%swap3A_57] {strides = array<i32>} : memref<128xi32, #tpu.memory_space<vmem>>, vector<16xi32>,
    tpu.vector_store %arg7[%swap3A_57], %broadcast_in_dim3A_56 {strides = array<i32>} : memref<128xi32, #tpu.memory_space<vmem>>, vector<16xi32>,
    %broadcast_in_dim3A_59 = arith.constant 0 : i32
    %broadcast_in_dim3A_60 = vector.broadcast %broadcast_in_dim3A_59 : i32 to vector<16xi32>
    %swap3A_61 = arith.constant 112 : index
    %swap3A_62 = tpu.vector_load %arg6[%swap3A_61] {strides = array<i32>} : memref<128xi32, #tpu.memory_space<vmem>>, vector<16xi32>,
    tpu.vector_store %arg6[%swap3A_61], %broadcast_in_dim3A_60 {strides = array<i32>} : memref<128xi32, #tpu.memory_space<vmem>>, vector<16xi32>,
    %broadcast_in_dim3A_63 = arith.constant 320 : i32
    %broadcast_in_dim3A_64 = vector.broadcast %broadcast_in_dim3A_63 : i32 to vector<16xi32>
    %swap3A_65 = arith.constant 112 : index
    %swap3A_66 = tpu.vector_load %arg7[%swap3A_65] {strides = array<i32>} : memref<128xi32, #tpu.memory_space<vmem>>, vector<16xi32>,
    tpu.vector_store %arg7[%swap3A_65], %broadcast_in_dim3A_64 {strides = array<i32>} : memref<128xi32, #tpu.memory_space<vmem>>, vector<16xi32>,
    %scan3A = arith.constant 0 : i32
    %scan3A_67 = arith.constant 0 : i32
    %scan3A_68 = arith.constant 5136 : i32
    %scan3A_69 = arith.addi %scan3A_67, %scan3A_68 : i32
    %scan3A_70 = arith.constant 1 : i32
    %scan3A_71 = scf.for %scan3A_194 = %scan3A_67 to %scan3A_69 step %scan3A_70 iter_args(%scan3A_195 = %scan3A) -> (i32)  : i32 {
      %broadcast_in_dim3A_196 = arith.constant 0.000000e+00 : bf16
      %broadcast_in_dim3A_197 = vector.broadcast %broadcast_in_dim3A_196 : bf16 to vector<32xbf16>
      %mul3A_198 = arith.constant 32 : i32
      %mul3A_199 = arith.muli %scan3A_194, %mul3A_198 : i32
      %swap3A_200 = arith.index_cast %mul3A_199 : i32 to index
      %swap3A_201 = tpu.vector_load %arg9[%swap3A_200] {strides = array<i32>} : memref<164352xbf16, #tpu.memory_space<vmem>>, vector<32xbf16>,
      tpu.vector_store %arg9[%swap3A_200], %broadcast_in_dim3A_197 {strides = array<i32>} : memref<164352xbf16, #tpu.memory_space<vmem>>, vector<32xbf16>,
      %scan3A_202 = arith.constant 0 : i32
      scf.yield %scan3A_202 : i32
    }
    %scan3A_72 = arith.constant 5136 : i32
    %scan3A_73 = arith.constant 0 : i32
    %scan3A_74 = arith.constant 0 : i32
    %scan3A_75 = arith.constant 100 : i32
    %scan3A_76 = arith.addi %scan3A_74, %scan3A_75 : i32
    %scan3A_77 = arith.constant 1 : i32
    %scan3A_78 = scf.for %scan3A_194 = %scan3A_74 to %scan3A_76 step %scan3A_77 iter_args(%scan3A_195 = %scan3A_73) -> (i32)  : i32 {
      %mul3A_196 = arith.constant 1600 : i32
      %mul3A_197 = arith.muli %scan3A_194, %mul3A_196 : i32
      "tpu.region"() ({
        %run_scoped3A = tpu.sem_alloc : memref<!tpu.dma_semaphore, #tpu.memory_space<semaphore_mem>>
        %dma_start3A_204 = tpu.memref_slice %arg2[%mul3A_197] : memref<160000xi32, #tpu.memory_space<hbm>> -> memref<1600xi32, #tpu.memory_space<hbm>>
        %dma_start3A_205 = tpu.memref_slice %arg2[%mul3A_197] : memref<160000xi32, #tpu.memory_space<hbm>> -> memref<1600xi32, #tpu.memory_space<hbm>>
        tpu.enqueue_dma source(%dma_start3A_205 : memref<1600xi32, #tpu.memory_space<hbm>>) target(%arg5 : memref<1600xi32, #tpu.memory_space<vmem>>) target_semaphore(%run_scoped3A : memref<!tpu.dma_semaphore, #tpu.memory_space<semaphore_mem>>)
        %dma_wait3A_206 = tpu.memref_slice %arg2[%mul3A_197] : memref<160000xi32, #tpu.memory_space<hbm>> -> memref<1600xi32, #tpu.memory_space<hbm>>
        %dma_wait3A_207 = tpu.memref_slice %arg2[%mul3A_197] : memref<160000xi32, #tpu.memory_space<hbm>> -> memref<1600xi32, #tpu.memory_space<hbm>>
        tpu.wait_dma2 semaphore(%run_scoped3A : memref<!tpu.dma_semaphore, #tpu.memory_space<semaphore_mem>>) src(%dma_wait3A_207 : memref<1600xi32, #tpu.memory_space<hbm>>) dst(%arg5 : memref<1600xi32, #tpu.memory_space<vmem>>)
        tpu.yield
      }) : () -> ()
      %scan3A_198 = arith.constant 0 : i32
      %scan3A_199 = arith.constant 100 : i32
      %scan3A_200 = arith.addi %scan3A_198, %scan3A_199 : i32
      %scan3A_201 = arith.constant 1 : i32
      %scan3A_202 = scf.for %scan3A_204 = %scan3A_198 to %scan3A_200 step %scan3A_201 iter_args(%scan3A_205 = %scan3A_195) -> (i32)  : i32 {
        %mul3A_206 = arith.constant 16 : i32
        %mul3A_207 = arith.muli %scan3A_204, %mul3A_206 : i32
        %get3A_208 = arith.index_cast %mul3A_207 : i32 to index
        %get3A_209 = tpu.vector_load %arg5[%get3A_208] {strides = array<i32>} : memref<1600xi32, #tpu.memory_space<vmem>>, vector<16xi32>,
        %ge3A = vector.broadcast %mul3A_2 : i32 to vector<16xi32>
        %ge3A_210 = arith.cmpi sge, %get3A_209, %ge3A : vector<16xi32>
        %lt3A_211 = vector.broadcast %add3A_4 : i32 to vector<16xi32>
        %lt3A_212 = arith.cmpi slt, %get3A_209, %lt3A_211 : vector<16xi32>
        %and3A = arith.andi %ge3A_210, %lt3A_212 : vector<16xi1>
        %convert_element_type3A = arith.extui %and3A : vector<16xi1> to vector<16xi32>
        %cumsum3A = arith.constant true
        %cumsum3A_213 = vector.broadcast %cumsum3A : i1 to vector<16xi1>
        %cumsum3A_214 = tpu.scan <sum>, %convert_element_type3A masked %cumsum3A_213 : vector<16xi32>, vector<16xi1> -> vector<16xi32>
        %slice3A = vector.extract_strided_slice %cumsum3A_214 {offsets = [15], sizes = [1], strides = [1]} : vector<16xi32> to vector<1xi32>
        %squeeze3A = vector.extract %slice3A[0] : i32 from vector<1xi32>
        %gt3A = arith.constant 0 : i32
        %gt3A_215 = arith.cmpi sgt, %squeeze3A, %gt3A : i32
        %convert_element_type3A_216 = arith.extui %gt3A_215 : i1 to i32
        %cond3A = arith.constant 0 : i32
        %cond3A_217 = arith.cmpi ne, %convert_element_type3A_216, %cond3A : i32
        %cond3A_218 = scf.if %cond3A_217 -> (i32) {
          %add3A_219 = vector.broadcast %scan3A_205 : i32 to vector<16xi32>
          %add3A_220 = arith.addi %add3A_219, %cumsum3A_214 : vector<16xi32>
          %sub3A = arith.constant 1 : i32
          %sub3A_221 = vector.broadcast %sub3A : i32 to vector<16xi32>
          %sub3A_222 = arith.subi %add3A_220, %sub3A_221 : vector<16xi32>
          %mul3A_223 = arith.constant 1600 : i32
          %mul3A_224 = arith.muli %scan3A_194, %mul3A_223 : i32
          %mul3A_225 = arith.constant 16 : i32
          %mul3A_226 = arith.muli %scan3A_204, %mul3A_225 : i32
          %add3A_227 = arith.addi %mul3A_224, %mul3A_226 : i32
          %iota3A_228 = tpu.iota {dimensions = array<i32: 0>} : vector<16xi32>
          %add3A_229 = vector.broadcast %add3A_227 : i32 to vector<16xi32>
          %add3A_230 = arith.addi %add3A_229, %iota3A_228 : vector<16xi32>
          tpu.vector_store_idx %arg6[%sub3A_222], %add3A_230 masked %and3A : memref<128xi32, #tpu.memory_space<vmem>>[vector<16xi32>], vector<16xi32>, vector<16xi1>
          %sub3A_231 = vector.broadcast %mul3A_2 : i32 to vector<16xi32>
          %sub3A_232 = arith.subi %get3A_209, %sub3A_231 : vector<16xi32>
          tpu.vector_store_idx %arg7[%sub3A_222], %sub3A_232 masked %and3A : memref<128xi32, #tpu.memory_space<vmem>>[vector<16xi32>], vector<16xi32>, vector<16xi1>
          %add3A_233 = arith.addi %scan3A_205, %squeeze3A : i32
          %ge3A_234 = arith.constant 112 : i32
          %ge3A_235 = arith.cmpi sge, %add3A_233, %ge3A_234 : i32
          %convert_element_type3A_236 = arith.extui %ge3A_235 : i1 to i32
          %cond3A_237 = arith.constant 0 : i32
          %cond3A_238 = arith.cmpi ne, %convert_element_type3A_236, %cond3A_237 : i32
          %cond3A_239 = scf.if %cond3A_238 -> (i32) {
            %get3A_240 = arith.constant 0 : index
            %get3A_241 = tpu.vector_load %arg7[%get3A_240] {strides = array<i32>} : memref<128xi32, #tpu.memory_space<vmem>>, vector<16xi32>,
            %iota3A_242 = tpu.iota {dimensions = array<i32: 0>} : vector<16xi32>
            %add3A_243 = arith.constant 0 : i32
            %add3A_244 = vector.broadcast %add3A_243 : i32 to vector<16xi32>
            %add3A_245 = arith.addi %add3A_244, %iota3A_242 : vector<16xi32>
            %lt3A_246 = vector.broadcast %add3A_233 : i32 to vector<16xi32>
            %lt3A_247 = arith.cmpi slt, %add3A_245, %lt3A_246 : vector<16xi32>
            %jit3A_248 = arith.constant 320 : i32
            %broadcast_in_dim3A_249 = vector.broadcast %jit3A_248 : i32 to vector<16xi32>
            %select_n3A_250 = arith.select %lt3A_247, %get3A_241, %broadcast_in_dim3A_249 : vector<16xi1>, vector<16xi32>
            %swap3A_251 = arith.constant 0 : index
            %swap3A_252 = tpu.vector_load %arg7[%swap3A_251] {strides = array<i32>} : memref<128xi32, #tpu.memory_space<vmem>>, vector<16xi32>,
            tpu.vector_store %arg7[%swap3A_251], %select_n3A_250 {strides = array<i32>} : memref<128xi32, #tpu.memory_space<vmem>>, vector<16xi32>,
            %get3A_253 = arith.constant 16 : index
            %get3A_254 = tpu.vector_load %arg7[%get3A_253] {strides = array<i32>} : memref<128xi32, #tpu.memory_space<vmem>>, vector<16xi32>,
            %iota3A_255 = tpu.iota {dimensions = array<i32: 0>} : vector<16xi32>
            %add3A_256 = arith.constant 16 : i32
            %add3A_257 = vector.broadcast %add3A_256 : i32 to vector<16xi32>
            %add3A_258 = arith.addi %add3A_257, %iota3A_255 : vector<16xi32>
            %lt3A_259 = vector.broadcast %add3A_233 : i32 to vector<16xi32>
            %lt3A_260 = arith.cmpi slt, %add3A_258, %lt3A_259 : vector<16xi32>
            %jit3A_261 = arith.constant 320 : i32
            %broadcast_in_dim3A_262 = vector.broadcast %jit3A_261 : i32 to vector<16xi32>
            %select_n3A_263 = arith.select %lt3A_260, %get3A_254, %broadcast_in_dim3A_262 : vector<16xi1>, vector<16xi32>
            %swap3A_264 = arith.constant 16 : index
            %swap3A_265 = tpu.vector_load %arg7[%swap3A_264] {strides = array<i32>} : memref<128xi32, #tpu.memory_space<vmem>>, vector<16xi32>,
            tpu.vector_store %arg7[%swap3A_264], %select_n3A_263 {strides = array<i32>} : memref<128xi32, #tpu.memory_space<vmem>>, vector<16xi32>,
            %get3A_266 = arith.constant 32 : index
            %get3A_267 = tpu.vector_load %arg7[%get3A_266] {strides = array<i32>} : memref<128xi32, #tpu.memory_space<vmem>>, vector<16xi32>,
            %iota3A_268 = tpu.iota {dimensions = array<i32: 0>} : vector<16xi32>
            %add3A_269 = arith.constant 32 : i32
            %add3A_270 = vector.broadcast %add3A_269 : i32 to vector<16xi32>
            %add3A_271 = arith.addi %add3A_270, %iota3A_268 : vector<16xi32>
            %lt3A_272 = vector.broadcast %add3A_233 : i32 to vector<16xi32>
            %lt3A_273 = arith.cmpi slt, %add3A_271, %lt3A_272 : vector<16xi32>
            %jit3A_274 = arith.constant 320 : i32
            %broadcast_in_dim3A_275 = vector.broadcast %jit3A_274 : i32 to vector<16xi32>
            %select_n3A_276 = arith.select %lt3A_273, %get3A_267, %broadcast_in_dim3A_275 : vector<16xi1>, vector<16xi32>
            %swap3A_277 = arith.constant 32 : index
            %swap3A_278 = tpu.vector_load %arg7[%swap3A_277] {strides = array<i32>} : memref<128xi32, #tpu.memory_space<vmem>>, vector<16xi32>,
            tpu.vector_store %arg7[%swap3A_277], %select_n3A_276 {strides = array<i32>} : memref<128xi32, #tpu.memory_space<vmem>>, vector<16xi32>,
            %get3A_279 = arith.constant 48 : index
            %get3A_280 = tpu.vector_load %arg7[%get3A_279] {strides = array<i32>} : memref<128xi32, #tpu.memory_space<vmem>>, vector<16xi32>,
            %iota3A_281 = tpu.iota {dimensions = array<i32: 0>} : vector<16xi32>
            %add3A_282 = arith.constant 48 : i32
            %add3A_283 = vector.broadcast %add3A_282 : i32 to vector<16xi32>
            %add3A_284 = arith.addi %add3A_283, %iota3A_281 : vector<16xi32>
            %lt3A_285 = vector.broadcast %add3A_233 : i32 to vector<16xi32>
            %lt3A_286 = arith.cmpi slt, %add3A_284, %lt3A_285 : vector<16xi32>
            %jit3A_287 = arith.constant 320 : i32
            %broadcast_in_dim3A_288 = vector.broadcast %jit3A_287 : i32 to vector<16xi32>
            %select_n3A_289 = arith.select %lt3A_286, %get3A_280, %broadcast_in_dim3A_288 : vector<16xi1>, vector<16xi32>
            %swap3A_290 = arith.constant 48 : index
            %swap3A_291 = tpu.vector_load %arg7[%swap3A_290] {strides = array<i32>} : memref<128xi32, #tpu.memory_space<vmem>>, vector<16xi32>,
            tpu.vector_store %arg7[%swap3A_290], %select_n3A_289 {strides = array<i32>} : memref<128xi32, #tpu.memory_space<vmem>>, vector<16xi32>,
            %get3A_292 = arith.constant 64 : index
            %get3A_293 = tpu.vector_load %arg7[%get3A_292] {strides = array<i32>} : memref<128xi32, #tpu.memory_space<vmem>>, vector<16xi32>,
            %iota3A_294 = tpu.iota {dimensions = array<i32: 0>} : vector<16xi32>
            %add3A_295 = arith.constant 64 : i32
            %add3A_296 = vector.broadcast %add3A_295 : i32 to vector<16xi32>
            %add3A_297 = arith.addi %add3A_296, %iota3A_294 : vector<16xi32>
            %lt3A_298 = vector.broadcast %add3A_233 : i32 to vector<16xi32>
            %lt3A_299 = arith.cmpi slt, %add3A_297, %lt3A_298 : vector<16xi32>
            %jit3A_300 = arith.constant 320 : i32
            %broadcast_in_dim3A_301 = vector.broadcast %jit3A_300 : i32 to vector<16xi32>
            %select_n3A_302 = arith.select %lt3A_299, %get3A_293, %broadcast_in_dim3A_301 : vector<16xi1>, vector<16xi32>
            %swap3A_303 = arith.constant 64 : index
            %swap3A_304 = tpu.vector_load %arg7[%swap3A_303] {strides = array<i32>} : memref<128xi32, #tpu.memory_space<vmem>>, vector<16xi32>,
            tpu.vector_store %arg7[%swap3A_303], %select_n3A_302 {strides = array<i32>} : memref<128xi32, #tpu.memory_space<vmem>>, vector<16xi32>,
            %get3A_305 = arith.constant 80 : index
            %get3A_306 = tpu.vector_load %arg7[%get3A_305] {strides = array<i32>} : memref<128xi32, #tpu.memory_space<vmem>>, vector<16xi32>,
            %iota3A_307 = tpu.iota {dimensions = array<i32: 0>} : vector<16xi32>
            %add3A_308 = arith.constant 80 : i32
            %add3A_309 = vector.broadcast %add3A_308 : i32 to vector<16xi32>
            %add3A_310 = arith.addi %add3A_309, %iota3A_307 : vector<16xi32>
            %lt3A_311 = vector.broadcast %add3A_233 : i32 to vector<16xi32>
            %lt3A_312 = arith.cmpi slt, %add3A_310, %lt3A_311 : vector<16xi32>
            %jit3A_313 = arith.constant 320 : i32
            %broadcast_in_dim3A_314 = vector.broadcast %jit3A_313 : i32 to vector<16xi32>
            %select_n3A_315 = arith.select %lt3A_312, %get3A_306, %broadcast_in_dim3A_314 : vector<16xi1>, vector<16xi32>
            %swap3A_316 = arith.constant 80 : index
            %swap3A_317 = tpu.vector_load %arg7[%swap3A_316] {strides = array<i32>} : memref<128xi32, #tpu.memory_space<vmem>>, vector<16xi32>,
            tpu.vector_store %arg7[%swap3A_316], %select_n3A_315 {strides = array<i32>} : memref<128xi32, #tpu.memory_space<vmem>>, vector<16xi32>,
            %get3A_318 = arith.constant 96 : index
            %get3A_319 = tpu.vector_load %arg7[%get3A_318] {strides = array<i32>} : memref<128xi32, #tpu.memory_space<vmem>>, vector<16xi32>,
            %iota3A_320 = tpu.iota {dimensions = array<i32: 0>} : vector<16xi32>
            %add3A_321 = arith.constant 96 : i32
            %add3A_322 = vector.broadcast %add3A_321 : i32 to vector<16xi32>
            %add3A_323 = arith.addi %add3A_322, %iota3A_320 : vector<16xi32>
            %lt3A_324 = vector.broadcast %add3A_233 : i32 to vector<16xi32>
            %lt3A_325 = arith.cmpi slt, %add3A_323, %lt3A_324 : vector<16xi32>
            %jit3A_326 = arith.constant 320 : i32
            %broadcast_in_dim3A_327 = vector.broadcast %jit3A_326 : i32 to vector<16xi32>
            %select_n3A_328 = arith.select %lt3A_325, %get3A_319, %broadcast_in_dim3A_327 : vector<16xi1>, vector<16xi32>
            %swap3A_329 = arith.constant 96 : index
            %swap3A_330 = tpu.vector_load %arg7[%swap3A_329] {strides = array<i32>} : memref<128xi32, #tpu.memory_space<vmem>>, vector<16xi32>,
            tpu.vector_store %arg7[%swap3A_329], %select_n3A_328 {strides = array<i32>} : memref<128xi32, #tpu.memory_space<vmem>>, vector<16xi32>,
            %get3A_331 = arith.constant 112 : index
            %get3A_332 = tpu.vector_load %arg7[%get3A_331] {strides = array<i32>} : memref<128xi32, #tpu.memory_space<vmem>>, vector<16xi32>,
            %iota3A_333 = tpu.iota {dimensions = array<i32: 0>} : vector<16xi32>
            %add3A_334 = arith.constant 112 : i32
            %add3A_335 = vector.broadcast %add3A_334 : i32 to vector<16xi32>
            %add3A_336 = arith.addi %add3A_335, %iota3A_333 : vector<16xi32>
            %lt3A_337 = vector.broadcast %add3A_233 : i32 to vector<16xi32>
            %lt3A_338 = arith.cmpi slt, %add3A_336, %lt3A_337 : vector<16xi32>
            %jit3A_339 = arith.constant 320 : i32
            %broadcast_in_dim3A_340 = vector.broadcast %jit3A_339 : i32 to vector<16xi32>
            %select_n3A_341 = arith.select %lt3A_338, %get3A_332, %broadcast_in_dim3A_340 : vector<16xi1>, vector<16xi32>
            %swap3A_342 = arith.constant 112 : index
            %swap3A_343 = tpu.vector_load %arg7[%swap3A_342] {strides = array<i32>} : memref<128xi32, #tpu.memory_space<vmem>>, vector<16xi32>,
            tpu.vector_store %arg7[%swap3A_342], %select_n3A_341 {strides = array<i32>} : memref<128xi32, #tpu.memory_space<vmem>>, vector<16xi32>,
            %dma_start3A_344 = arith.constant 0 : i32
            %dma_start3A_345 = arith.constant 0 : i32
            %dma_start3A_346 = tpu.memref_slice %arg3[%dma_start3A_344, %dma_start3A_345] : memref<160000x256xi32, #tpu.memory_space<hbm>> -> memref<160000x256xi32, #tpu.memory_space<hbm>>
            tpu.enqueue_indirect_dma source(%dma_start3A_346 : memref<160000x256xi32, #tpu.memory_space<hbm>>) target(%arg8 : memref<128x256xi32, #tpu.memory_space<vmem>>) offsets(%arg6 : memref<128xi32, #tpu.memory_space<vmem>>) semaphore(%arg10 : memref<!tpu.dma_semaphore, #tpu.memory_space<semaphore_mem>>)
            %dma_wait3A_347 = arith.constant 0 : i32
            %dma_wait3A_348 = arith.constant 0 : i32
            %dma_wait3A_349 = tpu.memref_slice %arg3[%dma_wait3A_347, %dma_wait3A_348] : memref<160000x256xi32, #tpu.memory_space<hbm>> -> memref<160000x256xi32, #tpu.memory_space<hbm>>
            tpu.wait_indirect_dma semaphore(%arg10 : memref<!tpu.dma_semaphore, #tpu.memory_space<semaphore_mem>>) src(%dma_wait3A_349 : memref<160000x256xi32, #tpu.memory_space<hbm>>) dst(%arg8 : memref<128x256xi32, #tpu.memory_space<vmem>>)
            %scan3A_350 = arith.constant 0 : i32
            %scan3A_351 = arith.constant 0 : i32
            %scan3A_352 = arith.constant 8 : i32
            %scan3A_353 = arith.addi %scan3A_351, %scan3A_352 : i32
            %scan3A_354 = arith.constant 1 : i32
            %scan3A_355 = scf.for %scan3A_358 = %scan3A_351 to %scan3A_353 step %scan3A_354 iter_args(%scan3A_359 = %scan3A_350) -> (i32)  : i32 {
              %mul3A_360 = arith.constant 16 : i32
              %mul3A_361 = arith.muli %scan3A_358, %mul3A_360 : i32
              %get3A_362 = arith.index_cast %mul3A_361 : i32 to index
              %get3A_363 = tpu.vector_load %arg7[%get3A_362] {strides = array<i32>} : memref<128xi32, #tpu.memory_space<vmem>>, vector<16xi32>,
              %slice3A_364 = vector.extract_strided_slice %get3A_363 {offsets = [0], sizes = [1], strides = [1]} : vector<16xi32> to vector<1xi32>
              %squeeze3A_365 = vector.extract %slice3A_364[0] : i32 from vector<1xi32>
              %mul3A_366 = arith.constant 16 : i32
              %mul3A_367 = arith.muli %scan3A_358, %mul3A_366 : i32
              %add3A_368 = arith.constant 0 : i32
              %add3A_369 = arith.addi %mul3A_367, %add3A_368 : i32
              %mul3A_370 = arith.constant 512 : i32
              %mul3A_371 = arith.muli %squeeze3A_365, %mul3A_370 : i32
              %scan3A_372 = arith.constant 0 : i32
              %scan3A_373 = arith.constant 0 : i32
              %scan3A_374 = arith.constant 16 : i32
              %scan3A_375 = arith.addi %scan3A_373, %scan3A_374 : i32
              %scan3A_376 = arith.constant 1 : i32
              %scan3A_377 = scf.for %scan3A_605 = %scan3A_373 to %scan3A_375 step %scan3A_376 iter_args(%scan3A_606 = %scan3A_372) -> (i32)  : i32 {
                %mul3A_607 = arith.constant 16 : i32
                %mul3A_608 = arith.muli %scan3A_605, %mul3A_607 : i32
                %get3A_609 = arith.index_cast %add3A_369 : i32 to index
                %get3A_610 = arith.index_cast %mul3A_608 : i32 to index
                %get3A_611 = tpu.vector_load %arg8[%get3A_609, %get3A_610] {strides = array<i32>} : memref<128x256xi32, #tpu.memory_space<vmem>>, vector<16xi32>,
                %bitcast3A = vector.bitcast %get3A_611 : vector<16xi32> to vector<32xbf16>
                %mul3A_612 = arith.constant 32 : i32
                %mul3A_613 = arith.muli %scan3A_605, %mul3A_612 : i32
                %add3A_614 = arith.addi %mul3A_371, %mul3A_613 : i32
                %get3A_615 = arith.index_cast %add3A_614 : i32 to index
                %get3A_616 = tpu.vector_load %arg9[%get3A_615] {strides = array<i32>} : memref<164352xbf16, #tpu.memory_space<vmem>>, vector<32xbf16>,
                %max3A = arith.maximumf %get3A_616, %bitcast3A : vector<32xbf16>
                %mul3A_617 = arith.constant 32 : i32
                %mul3A_618 = arith.muli %scan3A_605, %mul3A_617 : i32
                %add3A_619 = arith.addi %mul3A_371, %mul3A_618 : i32
                %swap3A_620 = arith.index_cast %add3A_619 : i32 to index
                %swap3A_621 = tpu.vector_load %arg9[%swap3A_620] {strides = array<i32>} : memref<164352xbf16, #tpu.memory_space<vmem>>, vector<32xbf16>,
                tpu.vector_store %arg9[%swap3A_620], %max3A {strides = array<i32>} : memref<164352xbf16, #tpu.memory_space<vmem>>, vector<32xbf16>,
                %scan3A_622 = arith.constant 0 : i32
                scf.yield %scan3A_622 : i32
              }
              %scan3A_378 = arith.constant 16 : i32
              %slice3A_379 = vector.extract_strided_slice %get3A_363 {offsets = [1], sizes = [1], strides = [1]} : vector<16xi32> to vector<1xi32>
              %squeeze3A_380 = vector.extract %slice3A_379[0] : i32 from vector<1xi32>
              %mul3A_381 = arith.constant 16 : i32
              %mul3A_382 = arith.muli %scan3A_358, %mul3A_381 : i32
              %add3A_383 = arith.constant 1 : i32
              %add3A_384 = arith.addi %mul3A_382, %add3A_383 : i32
              %mul3A_385 = arith.constant 512 : i32
              %mul3A_386 = arith.muli %squeeze3A_380, %mul3A_385 : i32
              %scan3A_387 = arith.constant 0 : i32
              %scan3A_388 = arith.constant 0 : i32
              %scan3A_389 = arith.constant 16 : i32
              %scan3A_390 = arith.addi %scan3A_388, %scan3A_389 : i32
              %scan3A_391 = arith.constant 1 : i32
              %scan3A_392 = scf.for %scan3A_605 = %scan3A_388 to %scan3A_390 step %scan3A_391 iter_args(%scan3A_606 = %scan3A_387) -> (i32)  : i32 {
                %mul3A_607 = arith.constant 16 : i32
                %mul3A_608 = arith.muli %scan3A_605, %mul3A_607 : i32
                %get3A_609 = arith.index_cast %add3A_384 : i32 to index
                %get3A_610 = arith.index_cast %mul3A_608 : i32 to index
                %get3A_611 = tpu.vector_load %arg8[%get3A_609, %get3A_610] {strides = array<i32>} : memref<128x256xi32, #tpu.memory_space<vmem>>, vector<16xi32>,
                %bitcast3A = vector.bitcast %get3A_611 : vector<16xi32> to vector<32xbf16>
                %mul3A_612 = arith.constant 32 : i32
                %mul3A_613 = arith.muli %scan3A_605, %mul3A_612 : i32
                %add3A_614 = arith.addi %mul3A_386, %mul3A_613 : i32
                %get3A_615 = arith.index_cast %add3A_614 : i32 to index
                %get3A_616 = tpu.vector_load %arg9[%get3A_615] {strides = array<i32>} : memref<164352xbf16, #tpu.memory_space<vmem>>, vector<32xbf16>,
                %max3A = arith.maximumf %get3A_616, %bitcast3A : vector<32xbf16>
                %mul3A_617 = arith.constant 32 : i32
                %mul3A_618 = arith.muli %scan3A_605, %mul3A_617 : i32
                %add3A_619 = arith.addi %mul3A_386, %mul3A_618 : i32
                %swap3A_620 = arith.index_cast %add3A_619 : i32 to index
                %swap3A_621 = tpu.vector_load %arg9[%swap3A_620] {strides = array<i32>} : memref<164352xbf16, #tpu.memory_space<vmem>>, vector<32xbf16>,
                tpu.vector_store %arg9[%swap3A_620], %max3A {strides = array<i32>} : memref<164352xbf16, #tpu.memory_space<vmem>>, vector<32xbf16>,
                %scan3A_622 = arith.constant 0 : i32
                scf.yield %scan3A_622 : i32
              }
              %scan3A_393 = arith.constant 16 : i32
              %slice3A_394 = vector.extract_strided_slice %get3A_363 {offsets = [2], sizes = [1], strides = [1]} : vector<16xi32> to vector<1xi32>
              %squeeze3A_395 = vector.extract %slice3A_394[0] : i32 from vector<1xi32>
              %mul3A_396 = arith.constant 16 : i32
              %mul3A_397 = arith.muli %scan3A_358, %mul3A_396 : i32
              %add3A_398 = arith.constant 2 : i32
              %add3A_399 = arith.addi %mul3A_397, %add3A_398 : i32
              %mul3A_400 = arith.constant 512 : i32
              %mul3A_401 = arith.muli %squeeze3A_395, %mul3A_400 : i32
              %scan3A_402 = arith.constant 0 : i32
              %scan3A_403 = arith.constant 0 : i32
              %scan3A_404 = arith.constant 16 : i32
              %scan3A_405 = arith.addi %scan3A_403, %scan3A_404 : i32
              %scan3A_406 = arith.constant 1 : i32
              %scan3A_407 = scf.for %scan3A_605 = %scan3A_403 to %scan3A_405 step %scan3A_406 iter_args(%scan3A_606 = %scan3A_402) -> (i32)  : i32 {
                %mul3A_607 = arith.constant 16 : i32
                %mul3A_608 = arith.muli %scan3A_605, %mul3A_607 : i32
                %get3A_609 = arith.index_cast %add3A_399 : i32 to index
                %get3A_610 = arith.index_cast %mul3A_608 : i32 to index
                %get3A_611 = tpu.vector_load %arg8[%get3A_609, %get3A_610] {strides = array<i32>} : memref<128x256xi32, #tpu.memory_space<vmem>>, vector<16xi32>,
                %bitcast3A = vector.bitcast %get3A_611 : vector<16xi32> to vector<32xbf16>
                %mul3A_612 = arith.constant 32 : i32
                %mul3A_613 = arith.muli %scan3A_605, %mul3A_612 : i32
                %add3A_614 = arith.addi %mul3A_401, %mul3A_613 : i32
                %get3A_615 = arith.index_cast %add3A_614 : i32 to index
                %get3A_616 = tpu.vector_load %arg9[%get3A_615] {strides = array<i32>} : memref<164352xbf16, #tpu.memory_space<vmem>>, vector<32xbf16>,
                %max3A = arith.maximumf %get3A_616, %bitcast3A : vector<32xbf16>
                %mul3A_617 = arith.constant 32 : i32
                %mul3A_618 = arith.muli %scan3A_605, %mul3A_617 : i32
                %add3A_619 = arith.addi %mul3A_401, %mul3A_618 : i32
                %swap3A_620 = arith.index_cast %add3A_619 : i32 to index
                %swap3A_621 = tpu.vector_load %arg9[%swap3A_620] {strides = array<i32>} : memref<164352xbf16, #tpu.memory_space<vmem>>, vector<32xbf16>,
                tpu.vector_store %arg9[%swap3A_620], %max3A {strides = array<i32>} : memref<164352xbf16, #tpu.memory_space<vmem>>, vector<32xbf16>,
                %scan3A_622 = arith.constant 0 : i32
                scf.yield %scan3A_622 : i32
              }
              %scan3A_408 = arith.constant 16 : i32
              %slice3A_409 = vector.extract_strided_slice %get3A_363 {offsets = [3], sizes = [1], strides = [1]} : vector<16xi32> to vector<1xi32>
              %squeeze3A_410 = vector.extract %slice3A_409[0] : i32 from vector<1xi32>
              %mul3A_411 = arith.constant 16 : i32
              %mul3A_412 = arith.muli %scan3A_358, %mul3A_411 : i32
              %add3A_413 = arith.constant 3 : i32
              %add3A_414 = arith.addi %mul3A_412, %add3A_413 : i32
              %mul3A_415 = arith.constant 512 : i32
              %mul3A_416 = arith.muli %squeeze3A_410, %mul3A_415 : i32
              %scan3A_417 = arith.constant 0 : i32
              %scan3A_418 = arith.constant 0 : i32
              %scan3A_419 = arith.constant 16 : i32
              %scan3A_420 = arith.addi %scan3A_418, %scan3A_419 : i32
              %scan3A_421 = arith.constant 1 : i32
              %scan3A_422 = scf.for %scan3A_605 = %scan3A_418 to %scan3A_420 step %scan3A_421 iter_args(%scan3A_606 = %scan3A_417) -> (i32)  : i32 {
                %mul3A_607 = arith.constant 16 : i32
                %mul3A_608 = arith.muli %scan3A_605, %mul3A_607 : i32
                %get3A_609 = arith.index_cast %add3A_414 : i32 to index
                %get3A_610 = arith.index_cast %mul3A_608 : i32 to index
                %get3A_611 = tpu.vector_load %arg8[%get3A_609, %get3A_610] {strides = array<i32>} : memref<128x256xi32, #tpu.memory_space<vmem>>, vector<16xi32>,
                %bitcast3A = vector.bitcast %get3A_611 : vector<16xi32> to vector<32xbf16>
                %mul3A_612 = arith.constant 32 : i32
                %mul3A_613 = arith.muli %scan3A_605, %mul3A_612 : i32
                %add3A_614 = arith.addi %mul3A_416, %mul3A_613 : i32
                %get3A_615 = arith.index_cast %add3A_614 : i32 to index
                %get3A_616 = tpu.vector_load %arg9[%get3A_615] {strides = array<i32>} : memref<164352xbf16, #tpu.memory_space<vmem>>, vector<32xbf16>,
                %max3A = arith.maximumf %get3A_616, %bitcast3A : vector<32xbf16>
                %mul3A_617 = arith.constant 32 : i32
                %mul3A_618 = arith.muli %scan3A_605, %mul3A_617 : i32
                %add3A_619 = arith.addi %mul3A_416, %mul3A_618 : i32
                %swap3A_620 = arith.index_cast %add3A_619 : i32 to index
                %swap3A_621 = tpu.vector_load %arg9[%swap3A_620] {strides = array<i32>} : memref<164352xbf16, #tpu.memory_space<vmem>>, vector<32xbf16>,
                tpu.vector_store %arg9[%swap3A_620], %max3A {strides = array<i32>} : memref<164352xbf16, #tpu.memory_space<vmem>>, vector<32xbf16>,
                %scan3A_622 = arith.constant 0 : i32
                scf.yield %scan3A_622 : i32
              }
              %scan3A_423 = arith.constant 16 : i32
              %slice3A_424 = vector.extract_strided_slice %get3A_363 {offsets = [4], sizes = [1], strides = [1]} : vector<16xi32> to vector<1xi32>
              %squeeze3A_425 = vector.extract %slice3A_424[0] : i32 from vector<1xi32>
              %mul3A_426 = arith.constant 16 : i32
              %mul3A_427 = arith.muli %scan3A_358, %mul3A_426 : i32
              %add3A_428 = arith.constant 4 : i32
              %add3A_429 = arith.addi %mul3A_427, %add3A_428 : i32
              %mul3A_430 = arith.constant 512 : i32
              %mul3A_431 = arith.muli %squeeze3A_425, %mul3A_430 : i32
              %scan3A_432 = arith.constant 0 : i32
              %scan3A_433 = arith.constant 0 : i32
              %scan3A_434 = arith.constant 16 : i32
              %scan3A_435 = arith.addi %scan3A_433, %scan3A_434 : i32
              %scan3A_436 = arith.constant 1 : i32
              %scan3A_437 = scf.for %scan3A_605 = %scan3A_433 to %scan3A_435 step %scan3A_436 iter_args(%scan3A_606 = %scan3A_432) -> (i32)  : i32 {
                %mul3A_607 = arith.constant 16 : i32
                %mul3A_608 = arith.muli %scan3A_605, %mul3A_607 : i32
                %get3A_609 = arith.index_cast %add3A_429 : i32 to index
                %get3A_610 = arith.index_cast %mul3A_608 : i32 to index
                %get3A_611 = tpu.vector_load %arg8[%get3A_609, %get3A_610] {strides = array<i32>} : memref<128x256xi32, #tpu.memory_space<vmem>>, vector<16xi32>,
                %bitcast3A = vector.bitcast %get3A_611 : vector<16xi32> to vector<32xbf16>
                %mul3A_612 = arith.constant 32 : i32
                %mul3A_613 = arith.muli %scan3A_605, %mul3A_612 : i32
                %add3A_614 = arith.addi %mul3A_431, %mul3A_613 : i32
                %get3A_615 = arith.index_cast %add3A_614 : i32 to index
                %get3A_616 = tpu.vector_load %arg9[%get3A_615] {strides = array<i32>} : memref<164352xbf16, #tpu.memory_space<vmem>>, vector<32xbf16>,
                %max3A = arith.maximumf %get3A_616, %bitcast3A : vector<32xbf16>
                %mul3A_617 = arith.constant 32 : i32
                %mul3A_618 = arith.muli %scan3A_605, %mul3A_617 : i32
                %add3A_619 = arith.addi %mul3A_431, %mul3A_618 : i32
                %swap3A_620 = arith.index_cast %add3A_619 : i32 to index
                %swap3A_621 = tpu.vector_load %arg9[%swap3A_620] {strides = array<i32>} : memref<164352xbf16, #tpu.memory_space<vmem>>, vector<32xbf16>,
                tpu.vector_store %arg9[%swap3A_620], %max3A {strides = array<i32>} : memref<164352xbf16, #tpu.memory_space<vmem>>, vector<32xbf16>,
                %scan3A_622 = arith.constant 0 : i32
                scf.yield %scan3A_622 : i32
              }
              %scan3A_438 = arith.constant 16 : i32
              %slice3A_439 = vector.extract_strided_slice %get3A_363 {offsets = [5], sizes = [1], strides = [1]} : vector<16xi32> to vector<1xi32>
              %squeeze3A_440 = vector.extract %slice3A_439[0] : i32 from vector<1xi32>
              %mul3A_441 = arith.constant 16 : i32
              %mul3A_442 = arith.muli %scan3A_358, %mul3A_441 : i32
              %add3A_443 = arith.constant 5 : i32
              %add3A_444 = arith.addi %mul3A_442, %add3A_443 : i32
              %mul3A_445 = arith.constant 512 : i32
              %mul3A_446 = arith.muli %squeeze3A_440, %mul3A_445 : i32
              %scan3A_447 = arith.constant 0 : i32
              %scan3A_448 = arith.constant 0 : i32
              %scan3A_449 = arith.constant 16 : i32
              %scan3A_450 = arith.addi %scan3A_448, %scan3A_449 : i32
              %scan3A_451 = arith.constant 1 : i32
              %scan3A_452 = scf.for %scan3A_605 = %scan3A_448 to %scan3A_450 step %scan3A_451 iter_args(%scan3A_606 = %scan3A_447) -> (i32)  : i32 {
                %mul3A_607 = arith.constant 16 : i32
                %mul3A_608 = arith.muli %scan3A_605, %mul3A_607 : i32
                %get3A_609 = arith.index_cast %add3A_444 : i32 to index
                %get3A_610 = arith.index_cast %mul3A_608 : i32 to index
                %get3A_611 = tpu.vector_load %arg8[%get3A_609, %get3A_610] {strides = array<i32>} : memref<128x256xi32, #tpu.memory_space<vmem>>, vector<16xi32>,
                %bitcast3A = vector.bitcast %get3A_611 : vector<16xi32> to vector<32xbf16>
                %mul3A_612 = arith.constant 32 : i32
                %mul3A_613 = arith.muli %scan3A_605, %mul3A_612 : i32
                %add3A_614 = arith.addi %mul3A_446, %mul3A_613 : i32
                %get3A_615 = arith.index_cast %add3A_614 : i32 to index
                %get3A_616 = tpu.vector_load %arg9[%get3A_615] {strides = array<i32>} : memref<164352xbf16, #tpu.memory_space<vmem>>, vector<32xbf16>,
                %max3A = arith.maximumf %get3A_616, %bitcast3A : vector<32xbf16>
                %mul3A_617 = arith.constant 32 : i32
                %mul3A_618 = arith.muli %scan3A_605, %mul3A_617 : i32
                %add3A_619 = arith.addi %mul3A_446, %mul3A_618 : i32
                %swap3A_620 = arith.index_cast %add3A_619 : i32 to index
                %swap3A_621 = tpu.vector_load %arg9[%swap3A_620] {strides = array<i32>} : memref<164352xbf16, #tpu.memory_space<vmem>>, vector<32xbf16>,
                tpu.vector_store %arg9[%swap3A_620], %max3A {strides = array<i32>} : memref<164352xbf16, #tpu.memory_space<vmem>>, vector<32xbf16>,
                %scan3A_622 = arith.constant 0 : i32
                scf.yield %scan3A_622 : i32
              }
              %scan3A_453 = arith.constant 16 : i32
              %slice3A_454 = vector.extract_strided_slice %get3A_363 {offsets = [6], sizes = [1], strides = [1]} : vector<16xi32> to vector<1xi32>
              %squeeze3A_455 = vector.extract %slice3A_454[0] : i32 from vector<1xi32>
              %mul3A_456 = arith.constant 16 : i32
              %mul3A_457 = arith.muli %scan3A_358, %mul3A_456 : i32
              %add3A_458 = arith.constant 6 : i32
              %add3A_459 = arith.addi %mul3A_457, %add3A_458 : i32
              %mul3A_460 = arith.constant 512 : i32
              %mul3A_461 = arith.muli %squeeze3A_455, %mul3A_460 : i32
              %scan3A_462 = arith.constant 0 : i32
              %scan3A_463 = arith.constant 0 : i32
              %scan3A_464 = arith.constant 16 : i32
              %scan3A_465 = arith.addi %scan3A_463, %scan3A_464 : i32
              %scan3A_466 = arith.constant 1 : i32
              %scan3A_467 = scf.for %scan3A_605 = %scan3A_463 to %scan3A_465 step %scan3A_466 iter_args(%scan3A_606 = %scan3A_462) -> (i32)  : i32 {
                %mul3A_607 = arith.constant 16 : i32
                %mul3A_608 = arith.muli %scan3A_605, %mul3A_607 : i32
                %get3A_609 = arith.index_cast %add3A_459 : i32 to index
                %get3A_610 = arith.index_cast %mul3A_608 : i32 to index
                %get3A_611 = tpu.vector_load %arg8[%get3A_609, %get3A_610] {strides = array<i32>} : memref<128x256xi32, #tpu.memory_space<vmem>>, vector<16xi32>,
                %bitcast3A = vector.bitcast %get3A_611 : vector<16xi32> to vector<32xbf16>
                %mul3A_612 = arith.constant 32 : i32
                %mul3A_613 = arith.muli %scan3A_605, %mul3A_612 : i32
                %add3A_614 = arith.addi %mul3A_461, %mul3A_613 : i32
                %get3A_615 = arith.index_cast %add3A_614 : i32 to index
                %get3A_616 = tpu.vector_load %arg9[%get3A_615] {strides = array<i32>} : memref<164352xbf16, #tpu.memory_space<vmem>>, vector<32xbf16>,
                %max3A = arith.maximumf %get3A_616, %bitcast3A : vector<32xbf16>
                %mul3A_617 = arith.constant 32 : i32
                %mul3A_618 = arith.muli %scan3A_605, %mul3A_617 : i32
                %add3A_619 = arith.addi %mul3A_461, %mul3A_618 : i32
                %swap3A_620 = arith.index_cast %add3A_619 : i32 to index
                %swap3A_621 = tpu.vector_load %arg9[%swap3A_620] {strides = array<i32>} : memref<164352xbf16, #tpu.memory_space<vmem>>, vector<32xbf16>,
                tpu.vector_store %arg9[%swap3A_620], %max3A {strides = array<i32>} : memref<164352xbf16, #tpu.memory_space<vmem>>, vector<32xbf16>,
                %scan3A_622 = arith.constant 0 : i32
                scf.yield %scan3A_622 : i32
              }
              %scan3A_468 = arith.constant 16 : i32
              %slice3A_469 = vector.extract_strided_slice %get3A_363 {offsets = [7], sizes = [1], strides = [1]} : vector<16xi32> to vector<1xi32>
              %squeeze3A_470 = vector.extract %slice3A_469[0] : i32 from vector<1xi32>
              %mul3A_471 = arith.constant 16 : i32
              %mul3A_472 = arith.muli %scan3A_358, %mul3A_471 : i32
              %add3A_473 = arith.constant 7 : i32
              %add3A_474 = arith.addi %mul3A_472, %add3A_473 : i32
              %mul3A_475 = arith.constant 512 : i32
              %mul3A_476 = arith.muli %squeeze3A_470, %mul3A_475 : i32
              %scan3A_477 = arith.constant 0 : i32
              %scan3A_478 = arith.constant 0 : i32
              %scan3A_479 = arith.constant 16 : i32
              %scan3A_480 = arith.addi %scan3A_478, %scan3A_479 : i32
              %scan3A_481 = arith.constant 1 : i32
              %scan3A_482 = scf.for %scan3A_605 = %scan3A_478 to %scan3A_480 step %scan3A_481 iter_args(%scan3A_606 = %scan3A_477) -> (i32)  : i32 {
                %mul3A_607 = arith.constant 16 : i32
                %mul3A_608 = arith.muli %scan3A_605, %mul3A_607 : i32
                %get3A_609 = arith.index_cast %add3A_474 : i32 to index
                %get3A_610 = arith.index_cast %mul3A_608 : i32 to index
                %get3A_611 = tpu.vector_load %arg8[%get3A_609, %get3A_610] {strides = array<i32>} : memref<128x256xi32, #tpu.memory_space<vmem>>, vector<16xi32>,
                %bitcast3A = vector.bitcast %get3A_611 : vector<16xi32> to vector<32xbf16>
                %mul3A_612 = arith.constant 32 : i32
                %mul3A_613 = arith.muli %scan3A_605, %mul3A_612 : i32
                %add3A_614 = arith.addi %mul3A_476, %mul3A_613 : i32
                %get3A_615 = arith.index_cast %add3A_614 : i32 to index
                %get3A_616 = tpu.vector_load %arg9[%get3A_615] {strides = array<i32>} : memref<164352xbf16, #tpu.memory_space<vmem>>, vector<32xbf16>,
                %max3A = arith.maximumf %get3A_616, %bitcast3A : vector<32xbf16>
                %mul3A_617 = arith.constant 32 : i32
                %mul3A_618 = arith.muli %scan3A_605, %mul3A_617 : i32
                %add3A_619 = arith.addi %mul3A_476, %mul3A_618 : i32
                %swap3A_620 = arith.index_cast %add3A_619 : i32 to index
                %swap3A_621 = tpu.vector_load %arg9[%swap3A_620] {strides = array<i32>} : memref<164352xbf16, #tpu.memory_space<vmem>>, vector<32xbf16>,
                tpu.vector_store %arg9[%swap3A_620], %max3A {strides = array<i32>} : memref<164352xbf16, #tpu.memory_space<vmem>>, vector<32xbf16>,
                %scan3A_622 = arith.constant 0 : i32
                scf.yield %scan3A_622 : i32
              }
              %scan3A_483 = arith.constant 16 : i32
              %slice3A_484 = vector.extract_strided_slice %get3A_363 {offsets = [8], sizes = [1], strides = [1]} : vector<16xi32> to vector<1xi32>
              %squeeze3A_485 = vector.extract %slice3A_484[0] : i32 from vector<1xi32>
              %mul3A_486 = arith.constant 16 : i32
              %mul3A_487 = arith.muli %scan3A_358, %mul3A_486 : i32
              %add3A_488 = arith.constant 8 : i32
              %add3A_489 = arith.addi %mul3A_487, %add3A_488 : i32
              %mul3A_490 = arith.constant 512 : i32
              %mul3A_491 = arith.muli %squeeze3A_485, %mul3A_490 : i32
              %scan3A_492 = arith.constant 0 : i32
              %scan3A_493 = arith.constant 0 : i32
              %scan3A_494 = arith.constant 16 : i32
              %scan3A_495 = arith.addi %scan3A_493, %scan3A_494 : i32
              %scan3A_496 = arith.constant 1 : i32
              %scan3A_497 = scf.for %scan3A_605 = %scan3A_493 to %scan3A_495 step %scan3A_496 iter_args(%scan3A_606 = %scan3A_492) -> (i32)  : i32 {
                %mul3A_607 = arith.constant 16 : i32
                %mul3A_608 = arith.muli %scan3A_605, %mul3A_607 : i32
                %get3A_609 = arith.index_cast %add3A_489 : i32 to index
                %get3A_610 = arith.index_cast %mul3A_608 : i32 to index
                %get3A_611 = tpu.vector_load %arg8[%get3A_609, %get3A_610] {strides = array<i32>} : memref<128x256xi32, #tpu.memory_space<vmem>>, vector<16xi32>,
                %bitcast3A = vector.bitcast %get3A_611 : vector<16xi32> to vector<32xbf16>
                %mul3A_612 = arith.constant 32 : i32
                %mul3A_613 = arith.muli %scan3A_605, %mul3A_612 : i32
                %add3A_614 = arith.addi %mul3A_491, %mul3A_613 : i32
                %get3A_615 = arith.index_cast %add3A_614 : i32 to index
                %get3A_616 = tpu.vector_load %arg9[%get3A_615] {strides = array<i32>} : memref<164352xbf16, #tpu.memory_space<vmem>>, vector<32xbf16>,
                %max3A = arith.maximumf %get3A_616, %bitcast3A : vector<32xbf16>
                %mul3A_617 = arith.constant 32 : i32
                %mul3A_618 = arith.muli %scan3A_605, %mul3A_617 : i32
                %add3A_619 = arith.addi %mul3A_491, %mul3A_618 : i32
                %swap3A_620 = arith.index_cast %add3A_619 : i32 to index
                %swap3A_621 = tpu.vector_load %arg9[%swap3A_620] {strides = array<i32>} : memref<164352xbf16, #tpu.memory_space<vmem>>, vector<32xbf16>,
                tpu.vector_store %arg9[%swap3A_620], %max3A {strides = array<i32>} : memref<164352xbf16, #tpu.memory_space<vmem>>, vector<32xbf16>,
                %scan3A_622 = arith.constant 0 : i32
                scf.yield %scan3A_622 : i32
              }
              %scan3A_498 = arith.constant 16 : i32
              %slice3A_499 = vector.extract_strided_slice %get3A_363 {offsets = [9], sizes = [1], strides = [1]} : vector<16xi32> to vector<1xi32>
              %squeeze3A_500 = vector.extract %slice3A_499[0] : i32 from vector<1xi32>
              %mul3A_501 = arith.constant 16 : i32
              %mul3A_502 = arith.muli %scan3A_358, %mul3A_501 : i32
              %add3A_503 = arith.constant 9 : i32
              %add3A_504 = arith.addi %mul3A_502, %add3A_503 : i32
              %mul3A_505 = arith.constant 512 : i32
              %mul3A_506 = arith.muli %squeeze3A_500, %mul3A_505 : i32
              %scan3A_507 = arith.constant 0 : i32
              %scan3A_508 = arith.constant 0 : i32
              %scan3A_509 = arith.constant 16 : i32
              %scan3A_510 = arith.addi %scan3A_508, %scan3A_509 : i32
              %scan3A_511 = arith.constant 1 : i32
              %scan3A_512 = scf.for %scan3A_605 = %scan3A_508 to %scan3A_510 step %scan3A_511 iter_args(%scan3A_606 = %scan3A_507) -> (i32)  : i32 {
                %mul3A_607 = arith.constant 16 : i32
                %mul3A_608 = arith.muli %scan3A_605, %mul3A_607 : i32
                %get3A_609 = arith.index_cast %add3A_504 : i32 to index
                %get3A_610 = arith.index_cast %mul3A_608 : i32 to index
                %get3A_611 = tpu.vector_load %arg8[%get3A_609, %get3A_610] {strides = array<i32>} : memref<128x256xi32, #tpu.memory_space<vmem>>, vector<16xi32>,
                %bitcast3A = vector.bitcast %get3A_611 : vector<16xi32> to vector<32xbf16>
                %mul3A_612 = arith.constant 32 : i32
                %mul3A_613 = arith.muli %scan3A_605, %mul3A_612 : i32
                %add3A_614 = arith.addi %mul3A_506, %mul3A_613 : i32
                %get3A_615 = arith.index_cast %add3A_614 : i32 to index
                %get3A_616 = tpu.vector_load %arg9[%get3A_615] {strides = array<i32>} : memref<164352xbf16, #tpu.memory_space<vmem>>, vector<32xbf16>,
                %max3A = arith.maximumf %get3A_616, %bitcast3A : vector<32xbf16>
                %mul3A_617 = arith.constant 32 : i32
                %mul3A_618 = arith.muli %scan3A_605, %mul3A_617 : i32
                %add3A_619 = arith.addi %mul3A_506, %mul3A_618 : i32
                %swap3A_620 = arith.index_cast %add3A_619 : i32 to index
                %swap3A_621 = tpu.vector_load %arg9[%swap3A_620] {strides = array<i32>} : memref<164352xbf16, #tpu.memory_space<vmem>>, vector<32xbf16>,
                tpu.vector_store %arg9[%swap3A_620], %max3A {strides = array<i32>} : memref<164352xbf16, #tpu.memory_space<vmem>>, vector<32xbf16>,
                %scan3A_622 = arith.constant 0 : i32
                scf.yield %scan3A_622 : i32
              }
              %scan3A_513 = arith.constant 16 : i32
              %slice3A_514 = vector.extract_strided_slice %get3A_363 {offsets = [10], sizes = [1], strides = [1]} : vector<16xi32> to vector<1xi32>
              %squeeze3A_515 = vector.extract %slice3A_514[0] : i32 from vector<1xi32>
              %mul3A_516 = arith.constant 16 : i32
              %mul3A_517 = arith.muli %scan3A_358, %mul3A_516 : i32
              %add3A_518 = arith.constant 10 : i32
              %add3A_519 = arith.addi %mul3A_517, %add3A_518 : i32
              %mul3A_520 = arith.constant 512 : i32
              %mul3A_521 = arith.muli %squeeze3A_515, %mul3A_520 : i32
              %scan3A_522 = arith.constant 0 : i32
              %scan3A_523 = arith.constant 0 : i32
              %scan3A_524 = arith.constant 16 : i32
              %scan3A_525 = arith.addi %scan3A_523, %scan3A_524 : i32
              %scan3A_526 = arith.constant 1 : i32
              %scan3A_527 = scf.for %scan3A_605 = %scan3A_523 to %scan3A_525 step %scan3A_526 iter_args(%scan3A_606 = %scan3A_522) -> (i32)  : i32 {
                %mul3A_607 = arith.constant 16 : i32
                %mul3A_608 = arith.muli %scan3A_605, %mul3A_607 : i32
                %get3A_609 = arith.index_cast %add3A_519 : i32 to index
                %get3A_610 = arith.index_cast %mul3A_608 : i32 to index
                %get3A_611 = tpu.vector_load %arg8[%get3A_609, %get3A_610] {strides = array<i32>} : memref<128x256xi32, #tpu.memory_space<vmem>>, vector<16xi32>,
                %bitcast3A = vector.bitcast %get3A_611 : vector<16xi32> to vector<32xbf16>
                %mul3A_612 = arith.constant 32 : i32
                %mul3A_613 = arith.muli %scan3A_605, %mul3A_612 : i32
                %add3A_614 = arith.addi %mul3A_521, %mul3A_613 : i32
                %get3A_615 = arith.index_cast %add3A_614 : i32 to index
                %get3A_616 = tpu.vector_load %arg9[%get3A_615] {strides = array<i32>} : memref<164352xbf16, #tpu.memory_space<vmem>>, vector<32xbf16>,
                %max3A = arith.maximumf %get3A_616, %bitcast3A : vector<32xbf16>
                %mul3A_617 = arith.constant 32 : i32
                %mul3A_618 = arith.muli %scan3A_605, %mul3A_617 : i32
                %add3A_619 = arith.addi %mul3A_521, %mul3A_618 : i32
                %swap3A_620 = arith.index_cast %add3A_619 : i32 to index
                %swap3A_621 = tpu.vector_load %arg9[%swap3A_620] {strides = array<i32>} : memref<164352xbf16, #tpu.memory_space<vmem>>, vector<32xbf16>,
                tpu.vector_store %arg9[%swap3A_620], %max3A {strides = array<i32>} : memref<164352xbf16, #tpu.memory_space<vmem>>, vector<32xbf16>,
                %scan3A_622 = arith.constant 0 : i32
                scf.yield %scan3A_622 : i32
              }
              %scan3A_528 = arith.constant 16 : i32
              %slice3A_529 = vector.extract_strided_slice %get3A_363 {offsets = [11], sizes = [1], strides = [1]} : vector<16xi32> to vector<1xi32>
              %squeeze3A_530 = vector.extract %slice3A_529[0] : i32 from vector<1xi32>
              %mul3A_531 = arith.constant 16 : i32
              %mul3A_532 = arith.muli %scan3A_358, %mul3A_531 : i32
              %add3A_533 = arith.constant 11 : i32
              %add3A_534 = arith.addi %mul3A_532, %add3A_533 : i32
              %mul3A_535 = arith.constant 512 : i32
              %mul3A_536 = arith.muli %squeeze3A_530, %mul3A_535 : i32
              %scan3A_537 = arith.constant 0 : i32
              %scan3A_538 = arith.constant 0 : i32
              %scan3A_539 = arith.constant 16 : i32
              %scan3A_540 = arith.addi %scan3A_538, %scan3A_539 : i32
              %scan3A_541 = arith.constant 1 : i32
              %scan3A_542 = scf.for %scan3A_605 = %scan3A_538 to %scan3A_540 step %scan3A_541 iter_args(%scan3A_606 = %scan3A_537) -> (i32)  : i32 {
                %mul3A_607 = arith.constant 16 : i32
                %mul3A_608 = arith.muli %scan3A_605, %mul3A_607 : i32
                %get3A_609 = arith.index_cast %add3A_534 : i32 to index
                %get3A_610 = arith.index_cast %mul3A_608 : i32 to index
                %get3A_611 = tpu.vector_load %arg8[%get3A_609, %get3A_610] {strides = array<i32>} : memref<128x256xi32, #tpu.memory_space<vmem>>, vector<16xi32>,
                %bitcast3A = vector.bitcast %get3A_611 : vector<16xi32> to vector<32xbf16>
                %mul3A_612 = arith.constant 32 : i32
                %mul3A_613 = arith.muli %scan3A_605, %mul3A_612 : i32
                %add3A_614 = arith.addi %mul3A_536, %mul3A_613 : i32
                %get3A_615 = arith.index_cast %add3A_614 : i32 to index
                %get3A_616 = tpu.vector_load %arg9[%get3A_615] {strides = array<i32>} : memref<164352xbf16, #tpu.memory_space<vmem>>, vector<32xbf16>,
                %max3A = arith.maximumf %get3A_616, %bitcast3A : vector<32xbf16>
                %mul3A_617 = arith.constant 32 : i32
                %mul3A_618 = arith.muli %scan3A_605, %mul3A_617 : i32
                %add3A_619 = arith.addi %mul3A_536, %mul3A_618 : i32
                %swap3A_620 = arith.index_cast %add3A_619 : i32 to index
                %swap3A_621 = tpu.vector_load %arg9[%swap3A_620] {strides = array<i32>} : memref<164352xbf16, #tpu.memory_space<vmem>>, vector<32xbf16>,
                tpu.vector_store %arg9[%swap3A_620], %max3A {strides = array<i32>} : memref<164352xbf16, #tpu.memory_space<vmem>>, vector<32xbf16>,
                %scan3A_622 = arith.constant 0 : i32
                scf.yield %scan3A_622 : i32
              }
              %scan3A_543 = arith.constant 16 : i32
              %slice3A_544 = vector.extract_strided_slice %get3A_363 {offsets = [12], sizes = [1], strides = [1]} : vector<16xi32> to vector<1xi32>
              %squeeze3A_545 = vector.extract %slice3A_544[0] : i32 from vector<1xi32>
              %mul3A_546 = arith.constant 16 : i32
              %mul3A_547 = arith.muli %scan3A_358, %mul3A_546 : i32
              %add3A_548 = arith.constant 12 : i32
              %add3A_549 = arith.addi %mul3A_547, %add3A_548 : i32
              %mul3A_550 = arith.constant 512 : i32
              %mul3A_551 = arith.muli %squeeze3A_545, %mul3A_550 : i32
              %scan3A_552 = arith.constant 0 : i32
              %scan3A_553 = arith.constant 0 : i32
              %scan3A_554 = arith.constant 16 : i32
              %scan3A_555 = arith.addi %scan3A_553, %scan3A_554 : i32
              %scan3A_556 = arith.constant 1 : i32
              %scan3A_557 = scf.for %scan3A_605 = %scan3A_553 to %scan3A_555 step %scan3A_556 iter_args(%scan3A_606 = %scan3A_552) -> (i32)  : i32 {
                %mul3A_607 = arith.constant 16 : i32
                %mul3A_608 = arith.muli %scan3A_605, %mul3A_607 : i32
                %get3A_609 = arith.index_cast %add3A_549 : i32 to index
                %get3A_610 = arith.index_cast %mul3A_608 : i32 to index
                %get3A_611 = tpu.vector_load %arg8[%get3A_609, %get3A_610] {strides = array<i32>} : memref<128x256xi32, #tpu.memory_space<vmem>>, vector<16xi32>,
                %bitcast3A = vector.bitcast %get3A_611 : vector<16xi32> to vector<32xbf16>
                %mul3A_612 = arith.constant 32 : i32
                %mul3A_613 = arith.muli %scan3A_605, %mul3A_612 : i32
                %add3A_614 = arith.addi %mul3A_551, %mul3A_613 : i32
                %get3A_615 = arith.index_cast %add3A_614 : i32 to index
                %get3A_616 = tpu.vector_load %arg9[%get3A_615] {strides = array<i32>} : memref<164352xbf16, #tpu.memory_space<vmem>>, vector<32xbf16>,
                %max3A = arith.maximumf %get3A_616, %bitcast3A : vector<32xbf16>
                %mul3A_617 = arith.constant 32 : i32
                %mul3A_618 = arith.muli %scan3A_605, %mul3A_617 : i32
                %add3A_619 = arith.addi %mul3A_551, %mul3A_618 : i32
                %swap3A_620 = arith.index_cast %add3A_619 : i32 to index
                %swap3A_621 = tpu.vector_load %arg9[%swap3A_620] {strides = array<i32>} : memref<164352xbf16, #tpu.memory_space<vmem>>, vector<32xbf16>,
                tpu.vector_store %arg9[%swap3A_620], %max3A {strides = array<i32>} : memref<164352xbf16, #tpu.memory_space<vmem>>, vector<32xbf16>,
                %scan3A_622 = arith.constant 0 : i32
                scf.yield %scan3A_622 : i32
              }
              %scan3A_558 = arith.constant 16 : i32
              %slice3A_559 = vector.extract_strided_slice %get3A_363 {offsets = [13], sizes = [1], strides = [1]} : vector<16xi32> to vector<1xi32>
              %squeeze3A_560 = vector.extract %slice3A_559[0] : i32 from vector<1xi32>
              %mul3A_561 = arith.constant 16 : i32
              %mul3A_562 = arith.muli %scan3A_358, %mul3A_561 : i32
              %add3A_563 = arith.constant 13 : i32
              %add3A_564 = arith.addi %mul3A_562, %add3A_563 : i32
              %mul3A_565 = arith.constant 512 : i32
              %mul3A_566 = arith.muli %squeeze3A_560, %mul3A_565 : i32
              %scan3A_567 = arith.constant 0 : i32
              %scan3A_568 = arith.constant 0 : i32
              %scan3A_569 = arith.constant 16 : i32
              %scan3A_570 = arith.addi %scan3A_568, %scan3A_569 : i32
              %scan3A_571 = arith.constant 1 : i32
              %scan3A_572 = scf.for %scan3A_605 = %scan3A_568 to %scan3A_570 step %scan3A_571 iter_args(%scan3A_606 = %scan3A_567) -> (i32)  : i32 {
                %mul3A_607 = arith.constant 16 : i32
                %mul3A_608 = arith.muli %scan3A_605, %mul3A_607 : i32
                %get3A_609 = arith.index_cast %add3A_564 : i32 to index
                %get3A_610 = arith.index_cast %mul3A_608 : i32 to index
                %get3A_611 = tpu.vector_load %arg8[%get3A_609, %get3A_610] {strides = array<i32>} : memref<128x256xi32, #tpu.memory_space<vmem>>, vector<16xi32>,
                %bitcast3A = vector.bitcast %get3A_611 : vector<16xi32> to vector<32xbf16>
                %mul3A_612 = arith.constant 32 : i32
                %mul3A_613 = arith.muli %scan3A_605, %mul3A_612 : i32
                %add3A_614 = arith.addi %mul3A_566, %mul3A_613 : i32
                %get3A_615 = arith.index_cast %add3A_614 : i32 to index
                %get3A_616 = tpu.vector_load %arg9[%get3A_615] {strides = array<i32>} : memref<164352xbf16, #tpu.memory_space<vmem>>, vector<32xbf16>,
                %max3A = arith.maximumf %get3A_616, %bitcast3A : vector<32xbf16>
                %mul3A_617 = arith.constant 32 : i32
                %mul3A_618 = arith.muli %scan3A_605, %mul3A_617 : i32
                %add3A_619 = arith.addi %mul3A_566, %mul3A_618 : i32
                %swap3A_620 = arith.index_cast %add3A_619 : i32 to index
                %swap3A_621 = tpu.vector_load %arg9[%swap3A_620] {strides = array<i32>} : memref<164352xbf16, #tpu.memory_space<vmem>>, vector<32xbf16>,
                tpu.vector_store %arg9[%swap3A_620], %max3A {strides = array<i32>} : memref<164352xbf16, #tpu.memory_space<vmem>>, vector<32xbf16>,
                %scan3A_622 = arith.constant 0 : i32
                scf.yield %scan3A_622 : i32
              }
              %scan3A_573 = arith.constant 16 : i32
              %slice3A_574 = vector.extract_strided_slice %get3A_363 {offsets = [14], sizes = [1], strides = [1]} : vector<16xi32> to vector<1xi32>
              %squeeze3A_575 = vector.extract %slice3A_574[0] : i32 from vector<1xi32>
              %mul3A_576 = arith.constant 16 : i32
              %mul3A_577 = arith.muli %scan3A_358, %mul3A_576 : i32
              %add3A_578 = arith.constant 14 : i32
              %add3A_579 = arith.addi %mul3A_577, %add3A_578 : i32
              %mul3A_580 = arith.constant 512 : i32
              %mul3A_581 = arith.muli %squeeze3A_575, %mul3A_580 : i32
              %scan3A_582 = arith.constant 0 : i32
              %scan3A_583 = arith.constant 0 : i32
              %scan3A_584 = arith.constant 16 : i32
              %scan3A_585 = arith.addi %scan3A_583, %scan3A_584 : i32
              %scan3A_586 = arith.constant 1 : i32
              %scan3A_587 = scf.for %scan3A_605 = %scan3A_583 to %scan3A_585 step %scan3A_586 iter_args(%scan3A_606 = %scan3A_582) -> (i32)  : i32 {
                %mul3A_607 = arith.constant 16 : i32
                %mul3A_608 = arith.muli %scan3A_605, %mul3A_607 : i32
                %get3A_609 = arith.index_cast %add3A_579 : i32 to index
                %get3A_610 = arith.index_cast %mul3A_608 : i32 to index
                %get3A_611 = tpu.vector_load %arg8[%get3A_609, %get3A_610] {strides = array<i32>} : memref<128x256xi32, #tpu.memory_space<vmem>>, vector<16xi32>,
                %bitcast3A = vector.bitcast %get3A_611 : vector<16xi32> to vector<32xbf16>
                %mul3A_612 = arith.constant 32 : i32
                %mul3A_613 = arith.muli %scan3A_605, %mul3A_612 : i32
                %add3A_614 = arith.addi %mul3A_581, %mul3A_613 : i32
                %get3A_615 = arith.index_cast %add3A_614 : i32 to index
                %get3A_616 = tpu.vector_load %arg9[%get3A_615] {strides = array<i32>} : memref<164352xbf16, #tpu.memory_space<vmem>>, vector<32xbf16>,
                %max3A = arith.maximumf %get3A_616, %bitcast3A : vector<32xbf16>
                %mul3A_617 = arith.constant 32 : i32
                %mul3A_618 = arith.muli %scan3A_605, %mul3A_617 : i32
                %add3A_619 = arith.addi %mul3A_581, %mul3A_618 : i32
                %swap3A_620 = arith.index_cast %add3A_619 : i32 to index
                %swap3A_621 = tpu.vector_load %arg9[%swap3A_620] {strides = array<i32>} : memref<164352xbf16, #tpu.memory_space<vmem>>, vector<32xbf16>,
                tpu.vector_store %arg9[%swap3A_620], %max3A {strides = array<i32>} : memref<164352xbf16, #tpu.memory_space<vmem>>, vector<32xbf16>,
                %scan3A_622 = arith.constant 0 : i32
                scf.yield %scan3A_622 : i32
              }
              %scan3A_588 = arith.constant 16 : i32
              %slice3A_589 = vector.extract_strided_slice %get3A_363 {offsets = [15], sizes = [1], strides = [1]} : vector<16xi32> to vector<1xi32>
              %squeeze3A_590 = vector.extract %slice3A_589[0] : i32 from vector<1xi32>
              %mul3A_591 = arith.constant 16 : i32
              %mul3A_592 = arith.muli %scan3A_358, %mul3A_591 : i32
              %add3A_593 = arith.constant 15 : i32
              %add3A_594 = arith.addi %mul3A_592, %add3A_593 : i32
              %mul3A_595 = arith.constant 512 : i32
              %mul3A_596 = arith.muli %squeeze3A_590, %mul3A_595 : i32
              %scan3A_597 = arith.constant 0 : i32
              %scan3A_598 = arith.constant 0 : i32
              %scan3A_599 = arith.constant 16 : i32
              %scan3A_600 = arith.addi %scan3A_598, %scan3A_599 : i32
              %scan3A_601 = arith.constant 1 : i32
              %scan3A_602 = scf.for %scan3A_605 = %scan3A_598 to %scan3A_600 step %scan3A_601 iter_args(%scan3A_606 = %scan3A_597) -> (i32)  : i32 {
                %mul3A_607 = arith.constant 16 : i32
                %mul3A_608 = arith.muli %scan3A_605, %mul3A_607 : i32
                %get3A_609 = arith.index_cast %add3A_594 : i32 to index
                %get3A_610 = arith.index_cast %mul3A_608 : i32 to index
                %get3A_611 = tpu.vector_load %arg8[%get3A_609, %get3A_610] {strides = array<i32>} : memref<128x256xi32, #tpu.memory_space<vmem>>, vector<16xi32>,
                %bitcast3A = vector.bitcast %get3A_611 : vector<16xi32> to vector<32xbf16>
                %mul3A_612 = arith.constant 32 : i32
                %mul3A_613 = arith.muli %scan3A_605, %mul3A_612 : i32
                %add3A_614 = arith.addi %mul3A_596, %mul3A_613 : i32
                %get3A_615 = arith.index_cast %add3A_614 : i32 to index
                %get3A_616 = tpu.vector_load %arg9[%get3A_615] {strides = array<i32>} : memref<164352xbf16, #tpu.memory_space<vmem>>, vector<32xbf16>,
                %max3A = arith.maximumf %get3A_616, %bitcast3A : vector<32xbf16>
                %mul3A_617 = arith.constant 32 : i32
                %mul3A_618 = arith.muli %scan3A_605, %mul3A_617 : i32
                %add3A_619 = arith.addi %mul3A_596, %mul3A_618 : i32
                %swap3A_620 = arith.index_cast %add3A_619 : i32 to index
                %swap3A_621 = tpu.vector_load %arg9[%swap3A_620] {strides = array<i32>} : memref<164352xbf16, #tpu.memory_space<vmem>>, vector<32xbf16>,
                tpu.vector_store %arg9[%swap3A_620], %max3A {strides = array<i32>} : memref<164352xbf16, #tpu.memory_space<vmem>>, vector<32xbf16>,
                %scan3A_622 = arith.constant 0 : i32
                scf.yield %scan3A_622 : i32
              }
              %scan3A_603 = arith.constant 16 : i32
              %scan3A_604 = arith.constant 0 : i32
              scf.yield %scan3A_604 : i32
            }
            %scan3A_356 = arith.constant 8 : i32
            %cond3A_357 = arith.constant 0 : i32
            scf.yield %cond3A_357 : i32
          } else {
            scf.yield %add3A_233 : i32
          }
          scf.yield %cond3A_239 : i32
        } else {
          scf.yield %scan3A_205 : i32
        }
        scf.yield %cond3A_218 : i32
      }
      %scan3A_203 = arith.constant 100 : i32
      scf.yield %scan3A_202 : i32
    }
    %scan3A_79 = arith.constant 100 : i32
    %get3A = arith.constant 0 : index
    %get3A_80 = tpu.vector_load %arg7[%get3A] {strides = array<i32>} : memref<128xi32, #tpu.memory_space<vmem>>, vector<16xi32>,
    %iota3A = tpu.iota {dimensions = array<i32: 0>} : vector<16xi32>
    %add3A_81 = arith.constant 0 : i32
    %add3A_82 = vector.broadcast %add3A_81 : i32 to vector<16xi32>
    %add3A_83 = arith.addi %add3A_82, %iota3A : vector<16xi32>
    %lt3A = vector.broadcast %scan3A_78 : i32 to vector<16xi32>
    %lt3A_84 = arith.cmpi slt, %add3A_83, %lt3A : vector<16xi32>
    %jit3A = arith.constant 320 : i32
    %broadcast_in_dim3A_85 = vector.broadcast %jit3A : i32 to vector<16xi32>
    %select_n3A = arith.select %lt3A_84, %get3A_80, %broadcast_in_dim3A_85 : vector<16xi1>, vector<16xi32>
    %swap3A_86 = arith.constant 0 : index
    %swap3A_87 = tpu.vector_load %arg7[%swap3A_86] {strides = array<i32>} : memref<128xi32, #tpu.memory_space<vmem>>, vector<16xi32>,
    tpu.vector_store %arg7[%swap3A_86], %select_n3A {strides = array<i32>} : memref<128xi32, #tpu.memory_space<vmem>>, vector<16xi32>,
    %get3A_88 = arith.constant 16 : index
    %get3A_89 = tpu.vector_load %arg7[%get3A_88] {strides = array<i32>} : memref<128xi32, #tpu.memory_space<vmem>>, vector<16xi32>,
    %iota3A_90 = tpu.iota {dimensions = array<i32: 0>} : vector<16xi32>
    %add3A_91 = arith.constant 16 : i32
    %add3A_92 = vector.broadcast %add3A_91 : i32 to vector<16xi32>
    %add3A_93 = arith.addi %add3A_92, %iota3A_90 : vector<16xi32>
    %lt3A_94 = vector.broadcast %scan3A_78 : i32 to vector<16xi32>
    %lt3A_95 = arith.cmpi slt, %add3A_93, %lt3A_94 : vector<16xi32>
    %jit3A_96 = arith.constant 320 : i32
    %broadcast_in_dim3A_97 = vector.broadcast %jit3A_96 : i32 to vector<16xi32>
    %select_n3A_98 = arith.select %lt3A_95, %get3A_89, %broadcast_in_dim3A_97 : vector<16xi1>, vector<16xi32>
    %swap3A_99 = arith.constant 16 : index
    %swap3A_100 = tpu.vector_load %arg7[%swap3A_99] {strides = array<i32>} : memref<128xi32, #tpu.memory_space<vmem>>, vector<16xi32>,
    tpu.vector_store %arg7[%swap3A_99], %select_n3A_98 {strides = array<i32>} : memref<128xi32, #tpu.memory_space<vmem>>, vector<16xi32>,
    %get3A_101 = arith.constant 32 : index
    %get3A_102 = tpu.vector_load %arg7[%get3A_101] {strides = array<i32>} : memref<128xi32, #tpu.memory_space<vmem>>, vector<16xi32>,
    %iota3A_103 = tpu.iota {dimensions = array<i32: 0>} : vector<16xi32>
    %add3A_104 = arith.constant 32 : i32
    %add3A_105 = vector.broadcast %add3A_104 : i32 to vector<16xi32>
    %add3A_106 = arith.addi %add3A_105, %iota3A_103 : vector<16xi32>
    %lt3A_107 = vector.broadcast %scan3A_78 : i32 to vector<16xi32>
    %lt3A_108 = arith.cmpi slt, %add3A_106, %lt3A_107 : vector<16xi32>
    %jit3A_109 = arith.constant 320 : i32
    %broadcast_in_dim3A_110 = vector.broadcast %jit3A_109 : i32 to vector<16xi32>
    %select_n3A_111 = arith.select %lt3A_108, %get3A_102, %broadcast_in_dim3A_110 : vector<16xi1>, vector<16xi32>
    %swap3A_112 = arith.constant 32 : index
    %swap3A_113 = tpu.vector_load %arg7[%swap3A_112] {strides = array<i32>} : memref<128xi32, #tpu.memory_space<vmem>>, vector<16xi32>,
    tpu.vector_store %arg7[%swap3A_112], %select_n3A_111 {strides = array<i32>} : memref<128xi32, #tpu.memory_space<vmem>>, vector<16xi32>,
    %get3A_114 = arith.constant 48 : index
    %get3A_115 = tpu.vector_load %arg7[%get3A_114] {strides = array<i32>} : memref<128xi32, #tpu.memory_space<vmem>>, vector<16xi32>,
    %iota3A_116 = tpu.iota {dimensions = array<i32: 0>} : vector<16xi32>
    %add3A_117 = arith.constant 48 : i32
    %add3A_118 = vector.broadcast %add3A_117 : i32 to vector<16xi32>
    %add3A_119 = arith.addi %add3A_118, %iota3A_116 : vector<16xi32>
    %lt3A_120 = vector.broadcast %scan3A_78 : i32 to vector<16xi32>
    %lt3A_121 = arith.cmpi slt, %add3A_119, %lt3A_120 : vector<16xi32>
    %jit3A_122 = arith.constant 320 : i32
    %broadcast_in_dim3A_123 = vector.broadcast %jit3A_122 : i32 to vector<16xi32>
    %select_n3A_124 = arith.select %lt3A_121, %get3A_115, %broadcast_in_dim3A_123 : vector<16xi1>, vector<16xi32>
    %swap3A_125 = arith.constant 48 : index
    %swap3A_126 = tpu.vector_load %arg7[%swap3A_125] {strides = array<i32>} : memref<128xi32, #tpu.memory_space<vmem>>, vector<16xi32>,
    tpu.vector_store %arg7[%swap3A_125], %select_n3A_124 {strides = array<i32>} : memref<128xi32, #tpu.memory_space<vmem>>, vector<16xi32>,
    %get3A_127 = arith.constant 64 : index
    %get3A_128 = tpu.vector_load %arg7[%get3A_127] {strides = array<i32>} : memref<128xi32, #tpu.memory_space<vmem>>, vector<16xi32>,
    %iota3A_129 = tpu.iota {dimensions = array<i32: 0>} : vector<16xi32>
    %add3A_130 = arith.constant 64 : i32
    %add3A_131 = vector.broadcast %add3A_130 : i32 to vector<16xi32>
    %add3A_132 = arith.addi %add3A_131, %iota3A_129 : vector<16xi32>
    %lt3A_133 = vector.broadcast %scan3A_78 : i32 to vector<16xi32>
    %lt3A_134 = arith.cmpi slt, %add3A_132, %lt3A_133 : vector<16xi32>
    %jit3A_135 = arith.constant 320 : i32
    %broadcast_in_dim3A_136 = vector.broadcast %jit3A_135 : i32 to vector<16xi32>
    %select_n3A_137 = arith.select %lt3A_134, %get3A_128, %broadcast_in_dim3A_136 : vector<16xi1>, vector<16xi32>
    %swap3A_138 = arith.constant 64 : index
    %swap3A_139 = tpu.vector_load %arg7[%swap3A_138] {strides = array<i32>} : memref<128xi32, #tpu.memory_space<vmem>>, vector<16xi32>,
    tpu.vector_store %arg7[%swap3A_138], %select_n3A_137 {strides = array<i32>} : memref<128xi32, #tpu.memory_space<vmem>>, vector<16xi32>,
    %get3A_140 = arith.constant 80 : index
    %get3A_141 = tpu.vector_load %arg7[%get3A_140] {strides = array<i32>} : memref<128xi32, #tpu.memory_space<vmem>>, vector<16xi32>,
    %iota3A_142 = tpu.iota {dimensions = array<i32: 0>} : vector<16xi32>
    %add3A_143 = arith.constant 80 : i32
    %add3A_144 = vector.broadcast %add3A_143 : i32 to vector<16xi32>
    %add3A_145 = arith.addi %add3A_144, %iota3A_142 : vector<16xi32>
    %lt3A_146 = vector.broadcast %scan3A_78 : i32 to vector<16xi32>
    %lt3A_147 = arith.cmpi slt, %add3A_145, %lt3A_146 : vector<16xi32>
    %jit3A_148 = arith.constant 320 : i32
    %broadcast_in_dim3A_149 = vector.broadcast %jit3A_148 : i32 to vector<16xi32>
    %select_n3A_150 = arith.select %lt3A_147, %get3A_141, %broadcast_in_dim3A_149 : vector<16xi1>, vector<16xi32>
    %swap3A_151 = arith.constant 80 : index
    %swap3A_152 = tpu.vector_load %arg7[%swap3A_151] {strides = array<i32>} : memref<128xi32, #tpu.memory_space<vmem>>, vector<16xi32>,
    tpu.vector_store %arg7[%swap3A_151], %select_n3A_150 {strides = array<i32>} : memref<128xi32, #tpu.memory_space<vmem>>, vector<16xi32>,
    %get3A_153 = arith.constant 96 : index
    %get3A_154 = tpu.vector_load %arg7[%get3A_153] {strides = array<i32>} : memref<128xi32, #tpu.memory_space<vmem>>, vector<16xi32>,
    %iota3A_155 = tpu.iota {dimensions = array<i32: 0>} : vector<16xi32>
    %add3A_156 = arith.constant 96 : i32
    %add3A_157 = vector.broadcast %add3A_156 : i32 to vector<16xi32>
    %add3A_158 = arith.addi %add3A_157, %iota3A_155 : vector<16xi32>
    %lt3A_159 = vector.broadcast %scan3A_78 : i32 to vector<16xi32>
    %lt3A_160 = arith.cmpi slt, %add3A_158, %lt3A_159 : vector<16xi32>
    %jit3A_161 = arith.constant 320 : i32
    %broadcast_in_dim3A_162 = vector.broadcast %jit3A_161 : i32 to vector<16xi32>
    %select_n3A_163 = arith.select %lt3A_160, %get3A_154, %broadcast_in_dim3A_162 : vector<16xi1>, vector<16xi32>
    %swap3A_164 = arith.constant 96 : index
    %swap3A_165 = tpu.vector_load %arg7[%swap3A_164] {strides = array<i32>} : memref<128xi32, #tpu.memory_space<vmem>>, vector<16xi32>,
    tpu.vector_store %arg7[%swap3A_164], %select_n3A_163 {strides = array<i32>} : memref<128xi32, #tpu.memory_space<vmem>>, vector<16xi32>,
    %get3A_166 = arith.constant 112 : index
    %get3A_167 = tpu.vector_load %arg7[%get3A_166] {strides = array<i32>} : memref<128xi32, #tpu.memory_space<vmem>>, vector<16xi32>,
    %iota3A_168 = tpu.iota {dimensions = array<i32: 0>} : vector<16xi32>
    %add3A_169 = arith.constant 112 : i32
    %add3A_170 = vector.broadcast %add3A_169 : i32 to vector<16xi32>
    %add3A_171 = arith.addi %add3A_170, %iota3A_168 : vector<16xi32>
    %lt3A_172 = vector.broadcast %scan3A_78 : i32 to vector<16xi32>
    %lt3A_173 = arith.cmpi slt, %add3A_171, %lt3A_172 : vector<16xi32>
    %jit3A_174 = arith.constant 320 : i32
    %broadcast_in_dim3A_175 = vector.broadcast %jit3A_174 : i32 to vector<16xi32>
    %select_n3A_176 = arith.select %lt3A_173, %get3A_167, %broadcast_in_dim3A_175 : vector<16xi1>, vector<16xi32>
    %swap3A_177 = arith.constant 112 : index
    %swap3A_178 = tpu.vector_load %arg7[%swap3A_177] {strides = array<i32>} : memref<128xi32, #tpu.memory_space<vmem>>, vector<16xi32>,
    tpu.vector_store %arg7[%swap3A_177], %select_n3A_176 {strides = array<i32>} : memref<128xi32, #tpu.memory_space<vmem>>, vector<16xi32>,
    %dma_start3A = arith.constant 0 : i32
    %dma_start3A_179 = arith.constant 0 : i32
    %dma_start3A_180 = tpu.memref_slice %arg3[%dma_start3A, %dma_start3A_179] : memref<160000x256xi32, #tpu.memory_space<hbm>> -> memref<160000x256xi32, #tpu.memory_space<hbm>>
    tpu.enqueue_indirect_dma source(%dma_start3A_180 : memref<160000x256xi32, #tpu.memory_space<hbm>>) target(%arg8 : memref<128x256xi32, #tpu.memory_space<vmem>>) offsets(%arg6 : memref<128xi32, #tpu.memory_space<vmem>>) semaphore(%arg10 : memref<!tpu.dma_semaphore, #tpu.memory_space<semaphore_mem>>)
    %dma_wait3A = arith.constant 0 : i32
    %dma_wait3A_181 = arith.constant 0 : i32
    %dma_wait3A_182 = tpu.memref_slice %arg3[%dma_wait3A, %dma_wait3A_181] : memref<160000x256xi32, #tpu.memory_space<hbm>> -> memref<160000x256xi32, #tpu.memory_space<hbm>>
    tpu.wait_indirect_dma semaphore(%arg10 : memref<!tpu.dma_semaphore, #tpu.memory_space<semaphore_mem>>) src(%dma_wait3A_182 : memref<160000x256xi32, #tpu.memory_space<hbm>>) dst(%arg8 : memref<128x256xi32, #tpu.memory_space<vmem>>)
    %scan3A_183 = arith.constant 0 : i32
    %scan3A_184 = arith.constant 0 : i32
    %scan3A_185 = arith.constant 8 : i32
    %scan3A_186 = arith.addi %scan3A_184, %scan3A_185 : i32
    %scan3A_187 = arith.constant 1 : i32
    %scan3A_188 = scf.for %scan3A_194 = %scan3A_184 to %scan3A_186 step %scan3A_187 iter_args(%scan3A_195 = %scan3A_183) -> (i32)  : i32 {
      %mul3A_196 = arith.constant 16 : i32
      %mul3A_197 = arith.muli %scan3A_194, %mul3A_196 : i32
      %get3A_198 = arith.index_cast %mul3A_197 : i32 to index
      %get3A_199 = tpu.vector_load %arg7[%get3A_198] {strides = array<i32>} : memref<128xi32, #tpu.memory_space<vmem>>, vector<16xi32>,
      %slice3A = vector.extract_strided_slice %get3A_199 {offsets = [0], sizes = [1], strides = [1]} : vector<16xi32> to vector<1xi32>
      %squeeze3A = vector.extract %slice3A[0] : i32 from vector<1xi32>
      %mul3A_200 = arith.constant 16 : i32
      %mul3A_201 = arith.muli %scan3A_194, %mul3A_200 : i32
      %add3A_202 = arith.constant 0 : i32
      %add3A_203 = arith.addi %mul3A_201, %add3A_202 : i32
      %mul3A_204 = arith.constant 512 : i32
      %mul3A_205 = arith.muli %squeeze3A, %mul3A_204 : i32
      %scan3A_206 = arith.constant 0 : i32
      %scan3A_207 = arith.constant 0 : i32
      %scan3A_208 = arith.constant 16 : i32
      %scan3A_209 = arith.addi %scan3A_207, %scan3A_208 : i32
      %scan3A_210 = arith.constant 1 : i32
      %scan3A_211 = scf.for %scan3A_439 = %scan3A_207 to %scan3A_209 step %scan3A_210 iter_args(%scan3A_440 = %scan3A_206) -> (i32)  : i32 {
        %mul3A_441 = arith.constant 16 : i32
        %mul3A_442 = arith.muli %scan3A_439, %mul3A_441 : i32
        %get3A_443 = arith.index_cast %add3A_203 : i32 to index
        %get3A_444 = arith.index_cast %mul3A_442 : i32 to index
        %get3A_445 = tpu.vector_load %arg8[%get3A_443, %get3A_444] {strides = array<i32>} : memref<128x256xi32, #tpu.memory_space<vmem>>, vector<16xi32>,
        %bitcast3A = vector.bitcast %get3A_445 : vector<16xi32> to vector<32xbf16>
        %mul3A_446 = arith.constant 32 : i32
        %mul3A_447 = arith.muli %scan3A_439, %mul3A_446 : i32
        %add3A_448 = arith.addi %mul3A_205, %mul3A_447 : i32
        %get3A_449 = arith.index_cast %add3A_448 : i32 to index
        %get3A_450 = tpu.vector_load %arg9[%get3A_449] {strides = array<i32>} : memref<164352xbf16, #tpu.memory_space<vmem>>, vector<32xbf16>,
        %max3A = arith.maximumf %get3A_450, %bitcast3A : vector<32xbf16>
        %mul3A_451 = arith.constant 32 : i32
        %mul3A_452 = arith.muli %scan3A_439, %mul3A_451 : i32
        %add3A_453 = arith.addi %mul3A_205, %mul3A_452 : i32
        %swap3A_454 = arith.index_cast %add3A_453 : i32 to index
        %swap3A_455 = tpu.vector_load %arg9[%swap3A_454] {strides = array<i32>} : memref<164352xbf16, #tpu.memory_space<vmem>>, vector<32xbf16>,
        tpu.vector_store %arg9[%swap3A_454], %max3A {strides = array<i32>} : memref<164352xbf16, #tpu.memory_space<vmem>>, vector<32xbf16>,
        %scan3A_456 = arith.constant 0 : i32
        scf.yield %scan3A_456 : i32
      }
      %scan3A_212 = arith.constant 16 : i32
      %slice3A_213 = vector.extract_strided_slice %get3A_199 {offsets = [1], sizes = [1], strides = [1]} : vector<16xi32> to vector<1xi32>
      %squeeze3A_214 = vector.extract %slice3A_213[0] : i32 from vector<1xi32>
      %mul3A_215 = arith.constant 16 : i32
      %mul3A_216 = arith.muli %scan3A_194, %mul3A_215 : i32
      %add3A_217 = arith.constant 1 : i32
      %add3A_218 = arith.addi %mul3A_216, %add3A_217 : i32
      %mul3A_219 = arith.constant 512 : i32
      %mul3A_220 = arith.muli %squeeze3A_214, %mul3A_219 : i32
      %scan3A_221 = arith.constant 0 : i32
      %scan3A_222 = arith.constant 0 : i32
      %scan3A_223 = arith.constant 16 : i32
      %scan3A_224 = arith.addi %scan3A_222, %scan3A_223 : i32
      %scan3A_225 = arith.constant 1 : i32
      %scan3A_226 = scf.for %scan3A_439 = %scan3A_222 to %scan3A_224 step %scan3A_225 iter_args(%scan3A_440 = %scan3A_221) -> (i32)  : i32 {
        %mul3A_441 = arith.constant 16 : i32
        %mul3A_442 = arith.muli %scan3A_439, %mul3A_441 : i32
        %get3A_443 = arith.index_cast %add3A_218 : i32 to index
        %get3A_444 = arith.index_cast %mul3A_442 : i32 to index
        %get3A_445 = tpu.vector_load %arg8[%get3A_443, %get3A_444] {strides = array<i32>} : memref<128x256xi32, #tpu.memory_space<vmem>>, vector<16xi32>,
        %bitcast3A = vector.bitcast %get3A_445 : vector<16xi32> to vector<32xbf16>
        %mul3A_446 = arith.constant 32 : i32
        %mul3A_447 = arith.muli %scan3A_439, %mul3A_446 : i32
        %add3A_448 = arith.addi %mul3A_220, %mul3A_447 : i32
        %get3A_449 = arith.index_cast %add3A_448 : i32 to index
        %get3A_450 = tpu.vector_load %arg9[%get3A_449] {strides = array<i32>} : memref<164352xbf16, #tpu.memory_space<vmem>>, vector<32xbf16>,
        %max3A = arith.maximumf %get3A_450, %bitcast3A : vector<32xbf16>
        %mul3A_451 = arith.constant 32 : i32
        %mul3A_452 = arith.muli %scan3A_439, %mul3A_451 : i32
        %add3A_453 = arith.addi %mul3A_220, %mul3A_452 : i32
        %swap3A_454 = arith.index_cast %add3A_453 : i32 to index
        %swap3A_455 = tpu.vector_load %arg9[%swap3A_454] {strides = array<i32>} : memref<164352xbf16, #tpu.memory_space<vmem>>, vector<32xbf16>,
        tpu.vector_store %arg9[%swap3A_454], %max3A {strides = array<i32>} : memref<164352xbf16, #tpu.memory_space<vmem>>, vector<32xbf16>,
        %scan3A_456 = arith.constant 0 : i32
        scf.yield %scan3A_456 : i32
      }
      %scan3A_227 = arith.constant 16 : i32
      %slice3A_228 = vector.extract_strided_slice %get3A_199 {offsets = [2], sizes = [1], strides = [1]} : vector<16xi32> to vector<1xi32>
      %squeeze3A_229 = vector.extract %slice3A_228[0] : i32 from vector<1xi32>
      %mul3A_230 = arith.constant 16 : i32
      %mul3A_231 = arith.muli %scan3A_194, %mul3A_230 : i32
      %add3A_232 = arith.constant 2 : i32
      %add3A_233 = arith.addi %mul3A_231, %add3A_232 : i32
      %mul3A_234 = arith.constant 512 : i32
      %mul3A_235 = arith.muli %squeeze3A_229, %mul3A_234 : i32
      %scan3A_236 = arith.constant 0 : i32
      %scan3A_237 = arith.constant 0 : i32
      %scan3A_238 = arith.constant 16 : i32
      %scan3A_239 = arith.addi %scan3A_237, %scan3A_238 : i32
      %scan3A_240 = arith.constant 1 : i32
      %scan3A_241 = scf.for %scan3A_439 = %scan3A_237 to %scan3A_239 step %scan3A_240 iter_args(%scan3A_440 = %scan3A_236) -> (i32)  : i32 {
        %mul3A_441 = arith.constant 16 : i32
        %mul3A_442 = arith.muli %scan3A_439, %mul3A_441 : i32
        %get3A_443 = arith.index_cast %add3A_233 : i32 to index
        %get3A_444 = arith.index_cast %mul3A_442 : i32 to index
        %get3A_445 = tpu.vector_load %arg8[%get3A_443, %get3A_444] {strides = array<i32>} : memref<128x256xi32, #tpu.memory_space<vmem>>, vector<16xi32>,
        %bitcast3A = vector.bitcast %get3A_445 : vector<16xi32> to vector<32xbf16>
        %mul3A_446 = arith.constant 32 : i32
        %mul3A_447 = arith.muli %scan3A_439, %mul3A_446 : i32
        %add3A_448 = arith.addi %mul3A_235, %mul3A_447 : i32
        %get3A_449 = arith.index_cast %add3A_448 : i32 to index
        %get3A_450 = tpu.vector_load %arg9[%get3A_449] {strides = array<i32>} : memref<164352xbf16, #tpu.memory_space<vmem>>, vector<32xbf16>,
        %max3A = arith.maximumf %get3A_450, %bitcast3A : vector<32xbf16>
        %mul3A_451 = arith.constant 32 : i32
        %mul3A_452 = arith.muli %scan3A_439, %mul3A_451 : i32
        %add3A_453 = arith.addi %mul3A_235, %mul3A_452 : i32
        %swap3A_454 = arith.index_cast %add3A_453 : i32 to index
        %swap3A_455 = tpu.vector_load %arg9[%swap3A_454] {strides = array<i32>} : memref<164352xbf16, #tpu.memory_space<vmem>>, vector<32xbf16>,
        tpu.vector_store %arg9[%swap3A_454], %max3A {strides = array<i32>} : memref<164352xbf16, #tpu.memory_space<vmem>>, vector<32xbf16>,
        %scan3A_456 = arith.constant 0 : i32
        scf.yield %scan3A_456 : i32
      }
      %scan3A_242 = arith.constant 16 : i32
      %slice3A_243 = vector.extract_strided_slice %get3A_199 {offsets = [3], sizes = [1], strides = [1]} : vector<16xi32> to vector<1xi32>
      %squeeze3A_244 = vector.extract %slice3A_243[0] : i32 from vector<1xi32>
      %mul3A_245 = arith.constant 16 : i32
      %mul3A_246 = arith.muli %scan3A_194, %mul3A_245 : i32
      %add3A_247 = arith.constant 3 : i32
      %add3A_248 = arith.addi %mul3A_246, %add3A_247 : i32
      %mul3A_249 = arith.constant 512 : i32
      %mul3A_250 = arith.muli %squeeze3A_244, %mul3A_249 : i32
      %scan3A_251 = arith.constant 0 : i32
      %scan3A_252 = arith.constant 0 : i32
      %scan3A_253 = arith.constant 16 : i32
      %scan3A_254 = arith.addi %scan3A_252, %scan3A_253 : i32
      %scan3A_255 = arith.constant 1 : i32
      %scan3A_256 = scf.for %scan3A_439 = %scan3A_252 to %scan3A_254 step %scan3A_255 iter_args(%scan3A_440 = %scan3A_251) -> (i32)  : i32 {
        %mul3A_441 = arith.constant 16 : i32
        %mul3A_442 = arith.muli %scan3A_439, %mul3A_441 : i32
        %get3A_443 = arith.index_cast %add3A_248 : i32 to index
        %get3A_444 = arith.index_cast %mul3A_442 : i32 to index
        %get3A_445 = tpu.vector_load %arg8[%get3A_443, %get3A_444] {strides = array<i32>} : memref<128x256xi32, #tpu.memory_space<vmem>>, vector<16xi32>,
        %bitcast3A = vector.bitcast %get3A_445 : vector<16xi32> to vector<32xbf16>
        %mul3A_446 = arith.constant 32 : i32
        %mul3A_447 = arith.muli %scan3A_439, %mul3A_446 : i32
        %add3A_448 = arith.addi %mul3A_250, %mul3A_447 : i32
        %get3A_449 = arith.index_cast %add3A_448 : i32 to index
        %get3A_450 = tpu.vector_load %arg9[%get3A_449] {strides = array<i32>} : memref<164352xbf16, #tpu.memory_space<vmem>>, vector<32xbf16>,
        %max3A = arith.maximumf %get3A_450, %bitcast3A : vector<32xbf16>
        %mul3A_451 = arith.constant 32 : i32
        %mul3A_452 = arith.muli %scan3A_439, %mul3A_451 : i32
        %add3A_453 = arith.addi %mul3A_250, %mul3A_452 : i32
        %swap3A_454 = arith.index_cast %add3A_453 : i32 to index
        %swap3A_455 = tpu.vector_load %arg9[%swap3A_454] {strides = array<i32>} : memref<164352xbf16, #tpu.memory_space<vmem>>, vector<32xbf16>,
        tpu.vector_store %arg9[%swap3A_454], %max3A {strides = array<i32>} : memref<164352xbf16, #tpu.memory_space<vmem>>, vector<32xbf16>,
        %scan3A_456 = arith.constant 0 : i32
        scf.yield %scan3A_456 : i32
      }
      %scan3A_257 = arith.constant 16 : i32
      %slice3A_258 = vector.extract_strided_slice %get3A_199 {offsets = [4], sizes = [1], strides = [1]} : vector<16xi32> to vector<1xi32>
      %squeeze3A_259 = vector.extract %slice3A_258[0] : i32 from vector<1xi32>
      %mul3A_260 = arith.constant 16 : i32
      %mul3A_261 = arith.muli %scan3A_194, %mul3A_260 : i32
      %add3A_262 = arith.constant 4 : i32
      %add3A_263 = arith.addi %mul3A_261, %add3A_262 : i32
      %mul3A_264 = arith.constant 512 : i32
      %mul3A_265 = arith.muli %squeeze3A_259, %mul3A_264 : i32
      %scan3A_266 = arith.constant 0 : i32
      %scan3A_267 = arith.constant 0 : i32
      %scan3A_268 = arith.constant 16 : i32
      %scan3A_269 = arith.addi %scan3A_267, %scan3A_268 : i32
      %scan3A_270 = arith.constant 1 : i32
      %scan3A_271 = scf.for %scan3A_439 = %scan3A_267 to %scan3A_269 step %scan3A_270 iter_args(%scan3A_440 = %scan3A_266) -> (i32)  : i32 {
        %mul3A_441 = arith.constant 16 : i32
        %mul3A_442 = arith.muli %scan3A_439, %mul3A_441 : i32
        %get3A_443 = arith.index_cast %add3A_263 : i32 to index
        %get3A_444 = arith.index_cast %mul3A_442 : i32 to index
        %get3A_445 = tpu.vector_load %arg8[%get3A_443, %get3A_444] {strides = array<i32>} : memref<128x256xi32, #tpu.memory_space<vmem>>, vector<16xi32>,
        %bitcast3A = vector.bitcast %get3A_445 : vector<16xi32> to vector<32xbf16>
        %mul3A_446 = arith.constant 32 : i32
        %mul3A_447 = arith.muli %scan3A_439, %mul3A_446 : i32
        %add3A_448 = arith.addi %mul3A_265, %mul3A_447 : i32
        %get3A_449 = arith.index_cast %add3A_448 : i32 to index
        %get3A_450 = tpu.vector_load %arg9[%get3A_449] {strides = array<i32>} : memref<164352xbf16, #tpu.memory_space<vmem>>, vector<32xbf16>,
        %max3A = arith.maximumf %get3A_450, %bitcast3A : vector<32xbf16>
        %mul3A_451 = arith.constant 32 : i32
        %mul3A_452 = arith.muli %scan3A_439, %mul3A_451 : i32
        %add3A_453 = arith.addi %mul3A_265, %mul3A_452 : i32
        %swap3A_454 = arith.index_cast %add3A_453 : i32 to index
        %swap3A_455 = tpu.vector_load %arg9[%swap3A_454] {strides = array<i32>} : memref<164352xbf16, #tpu.memory_space<vmem>>, vector<32xbf16>,
        tpu.vector_store %arg9[%swap3A_454], %max3A {strides = array<i32>} : memref<164352xbf16, #tpu.memory_space<vmem>>, vector<32xbf16>,
        %scan3A_456 = arith.constant 0 : i32
        scf.yield %scan3A_456 : i32
      }
      %scan3A_272 = arith.constant 16 : i32
      %slice3A_273 = vector.extract_strided_slice %get3A_199 {offsets = [5], sizes = [1], strides = [1]} : vector<16xi32> to vector<1xi32>
      %squeeze3A_274 = vector.extract %slice3A_273[0] : i32 from vector<1xi32>
      %mul3A_275 = arith.constant 16 : i32
      %mul3A_276 = arith.muli %scan3A_194, %mul3A_275 : i32
      %add3A_277 = arith.constant 5 : i32
      %add3A_278 = arith.addi %mul3A_276, %add3A_277 : i32
      %mul3A_279 = arith.constant 512 : i32
      %mul3A_280 = arith.muli %squeeze3A_274, %mul3A_279 : i32
      %scan3A_281 = arith.constant 0 : i32
      %scan3A_282 = arith.constant 0 : i32
      %scan3A_283 = arith.constant 16 : i32
      %scan3A_284 = arith.addi %scan3A_282, %scan3A_283 : i32
      %scan3A_285 = arith.constant 1 : i32
      %scan3A_286 = scf.for %scan3A_439 = %scan3A_282 to %scan3A_284 step %scan3A_285 iter_args(%scan3A_440 = %scan3A_281) -> (i32)  : i32 {
        %mul3A_441 = arith.constant 16 : i32
        %mul3A_442 = arith.muli %scan3A_439, %mul3A_441 : i32
        %get3A_443 = arith.index_cast %add3A_278 : i32 to index
        %get3A_444 = arith.index_cast %mul3A_442 : i32 to index
        %get3A_445 = tpu.vector_load %arg8[%get3A_443, %get3A_444] {strides = array<i32>} : memref<128x256xi32, #tpu.memory_space<vmem>>, vector<16xi32>,
        %bitcast3A = vector.bitcast %get3A_445 : vector<16xi32> to vector<32xbf16>
        %mul3A_446 = arith.constant 32 : i32
        %mul3A_447 = arith.muli %scan3A_439, %mul3A_446 : i32
        %add3A_448 = arith.addi %mul3A_280, %mul3A_447 : i32
        %get3A_449 = arith.index_cast %add3A_448 : i32 to index
        %get3A_450 = tpu.vector_load %arg9[%get3A_449] {strides = array<i32>} : memref<164352xbf16, #tpu.memory_space<vmem>>, vector<32xbf16>,
        %max3A = arith.maximumf %get3A_450, %bitcast3A : vector<32xbf16>
        %mul3A_451 = arith.constant 32 : i32
        %mul3A_452 = arith.muli %scan3A_439, %mul3A_451 : i32
        %add3A_453 = arith.addi %mul3A_280, %mul3A_452 : i32
        %swap3A_454 = arith.index_cast %add3A_453 : i32 to index
        %swap3A_455 = tpu.vector_load %arg9[%swap3A_454] {strides = array<i32>} : memref<164352xbf16, #tpu.memory_space<vmem>>, vector<32xbf16>,
        tpu.vector_store %arg9[%swap3A_454], %max3A {strides = array<i32>} : memref<164352xbf16, #tpu.memory_space<vmem>>, vector<32xbf16>,
        %scan3A_456 = arith.constant 0 : i32
        scf.yield %scan3A_456 : i32
      }
      %scan3A_287 = arith.constant 16 : i32
      %slice3A_288 = vector.extract_strided_slice %get3A_199 {offsets = [6], sizes = [1], strides = [1]} : vector<16xi32> to vector<1xi32>
      %squeeze3A_289 = vector.extract %slice3A_288[0] : i32 from vector<1xi32>
      %mul3A_290 = arith.constant 16 : i32
      %mul3A_291 = arith.muli %scan3A_194, %mul3A_290 : i32
      %add3A_292 = arith.constant 6 : i32
      %add3A_293 = arith.addi %mul3A_291, %add3A_292 : i32
      %mul3A_294 = arith.constant 512 : i32
      %mul3A_295 = arith.muli %squeeze3A_289, %mul3A_294 : i32
      %scan3A_296 = arith.constant 0 : i32
      %scan3A_297 = arith.constant 0 : i32
      %scan3A_298 = arith.constant 16 : i32
      %scan3A_299 = arith.addi %scan3A_297, %scan3A_298 : i32
      %scan3A_300 = arith.constant 1 : i32
      %scan3A_301 = scf.for %scan3A_439 = %scan3A_297 to %scan3A_299 step %scan3A_300 iter_args(%scan3A_440 = %scan3A_296) -> (i32)  : i32 {
        %mul3A_441 = arith.constant 16 : i32
        %mul3A_442 = arith.muli %scan3A_439, %mul3A_441 : i32
        %get3A_443 = arith.index_cast %add3A_293 : i32 to index
        %get3A_444 = arith.index_cast %mul3A_442 : i32 to index
        %get3A_445 = tpu.vector_load %arg8[%get3A_443, %get3A_444] {strides = array<i32>} : memref<128x256xi32, #tpu.memory_space<vmem>>, vector<16xi32>,
        %bitcast3A = vector.bitcast %get3A_445 : vector<16xi32> to vector<32xbf16>
        %mul3A_446 = arith.constant 32 : i32
        %mul3A_447 = arith.muli %scan3A_439, %mul3A_446 : i32
        %add3A_448 = arith.addi %mul3A_295, %mul3A_447 : i32
        %get3A_449 = arith.index_cast %add3A_448 : i32 to index
        %get3A_450 = tpu.vector_load %arg9[%get3A_449] {strides = array<i32>} : memref<164352xbf16, #tpu.memory_space<vmem>>, vector<32xbf16>,
        %max3A = arith.maximumf %get3A_450, %bitcast3A : vector<32xbf16>
        %mul3A_451 = arith.constant 32 : i32
        %mul3A_452 = arith.muli %scan3A_439, %mul3A_451 : i32
        %add3A_453 = arith.addi %mul3A_295, %mul3A_452 : i32
        %swap3A_454 = arith.index_cast %add3A_453 : i32 to index
        %swap3A_455 = tpu.vector_load %arg9[%swap3A_454] {strides = array<i32>} : memref<164352xbf16, #tpu.memory_space<vmem>>, vector<32xbf16>,
        tpu.vector_store %arg9[%swap3A_454], %max3A {strides = array<i32>} : memref<164352xbf16, #tpu.memory_space<vmem>>, vector<32xbf16>,
        %scan3A_456 = arith.constant 0 : i32
        scf.yield %scan3A_456 : i32
      }
      %scan3A_302 = arith.constant 16 : i32
      %slice3A_303 = vector.extract_strided_slice %get3A_199 {offsets = [7], sizes = [1], strides = [1]} : vector<16xi32> to vector<1xi32>
      %squeeze3A_304 = vector.extract %slice3A_303[0] : i32 from vector<1xi32>
      %mul3A_305 = arith.constant 16 : i32
      %mul3A_306 = arith.muli %scan3A_194, %mul3A_305 : i32
      %add3A_307 = arith.constant 7 : i32
      %add3A_308 = arith.addi %mul3A_306, %add3A_307 : i32
      %mul3A_309 = arith.constant 512 : i32
      %mul3A_310 = arith.muli %squeeze3A_304, %mul3A_309 : i32
      %scan3A_311 = arith.constant 0 : i32
      %scan3A_312 = arith.constant 0 : i32
      %scan3A_313 = arith.constant 16 : i32
      %scan3A_314 = arith.addi %scan3A_312, %scan3A_313 : i32
      %scan3A_315 = arith.constant 1 : i32
      %scan3A_316 = scf.for %scan3A_439 = %scan3A_312 to %scan3A_314 step %scan3A_315 iter_args(%scan3A_440 = %scan3A_311) -> (i32)  : i32 {
        %mul3A_441 = arith.constant 16 : i32
        %mul3A_442 = arith.muli %scan3A_439, %mul3A_441 : i32
        %get3A_443 = arith.index_cast %add3A_308 : i32 to index
        %get3A_444 = arith.index_cast %mul3A_442 : i32 to index
        %get3A_445 = tpu.vector_load %arg8[%get3A_443, %get3A_444] {strides = array<i32>} : memref<128x256xi32, #tpu.memory_space<vmem>>, vector<16xi32>,
        %bitcast3A = vector.bitcast %get3A_445 : vector<16xi32> to vector<32xbf16>
        %mul3A_446 = arith.constant 32 : i32
        %mul3A_447 = arith.muli %scan3A_439, %mul3A_446 : i32
        %add3A_448 = arith.addi %mul3A_310, %mul3A_447 : i32
        %get3A_449 = arith.index_cast %add3A_448 : i32 to index
        %get3A_450 = tpu.vector_load %arg9[%get3A_449] {strides = array<i32>} : memref<164352xbf16, #tpu.memory_space<vmem>>, vector<32xbf16>,
        %max3A = arith.maximumf %get3A_450, %bitcast3A : vector<32xbf16>
        %mul3A_451 = arith.constant 32 : i32
        %mul3A_452 = arith.muli %scan3A_439, %mul3A_451 : i32
        %add3A_453 = arith.addi %mul3A_310, %mul3A_452 : i32
        %swap3A_454 = arith.index_cast %add3A_453 : i32 to index
        %swap3A_455 = tpu.vector_load %arg9[%swap3A_454] {strides = array<i32>} : memref<164352xbf16, #tpu.memory_space<vmem>>, vector<32xbf16>,
        tpu.vector_store %arg9[%swap3A_454], %max3A {strides = array<i32>} : memref<164352xbf16, #tpu.memory_space<vmem>>, vector<32xbf16>,
        %scan3A_456 = arith.constant 0 : i32
        scf.yield %scan3A_456 : i32
      }
      %scan3A_317 = arith.constant 16 : i32
      %slice3A_318 = vector.extract_strided_slice %get3A_199 {offsets = [8], sizes = [1], strides = [1]} : vector<16xi32> to vector<1xi32>
      %squeeze3A_319 = vector.extract %slice3A_318[0] : i32 from vector<1xi32>
      %mul3A_320 = arith.constant 16 : i32
      %mul3A_321 = arith.muli %scan3A_194, %mul3A_320 : i32
      %add3A_322 = arith.constant 8 : i32
      %add3A_323 = arith.addi %mul3A_321, %add3A_322 : i32
      %mul3A_324 = arith.constant 512 : i32
      %mul3A_325 = arith.muli %squeeze3A_319, %mul3A_324 : i32
      %scan3A_326 = arith.constant 0 : i32
      %scan3A_327 = arith.constant 0 : i32
      %scan3A_328 = arith.constant 16 : i32
      %scan3A_329 = arith.addi %scan3A_327, %scan3A_328 : i32
      %scan3A_330 = arith.constant 1 : i32
      %scan3A_331 = scf.for %scan3A_439 = %scan3A_327 to %scan3A_329 step %scan3A_330 iter_args(%scan3A_440 = %scan3A_326) -> (i32)  : i32 {
        %mul3A_441 = arith.constant 16 : i32
        %mul3A_442 = arith.muli %scan3A_439, %mul3A_441 : i32
        %get3A_443 = arith.index_cast %add3A_323 : i32 to index
        %get3A_444 = arith.index_cast %mul3A_442 : i32 to index
        %get3A_445 = tpu.vector_load %arg8[%get3A_443, %get3A_444] {strides = array<i32>} : memref<128x256xi32, #tpu.memory_space<vmem>>, vector<16xi32>,
        %bitcast3A = vector.bitcast %get3A_445 : vector<16xi32> to vector<32xbf16>
        %mul3A_446 = arith.constant 32 : i32
        %mul3A_447 = arith.muli %scan3A_439, %mul3A_446 : i32
        %add3A_448 = arith.addi %mul3A_325, %mul3A_447 : i32
        %get3A_449 = arith.index_cast %add3A_448 : i32 to index
        %get3A_450 = tpu.vector_load %arg9[%get3A_449] {strides = array<i32>} : memref<164352xbf16, #tpu.memory_space<vmem>>, vector<32xbf16>,
        %max3A = arith.maximumf %get3A_450, %bitcast3A : vector<32xbf16>
        %mul3A_451 = arith.constant 32 : i32
        %mul3A_452 = arith.muli %scan3A_439, %mul3A_451 : i32
        %add3A_453 = arith.addi %mul3A_325, %mul3A_452 : i32
        %swap3A_454 = arith.index_cast %add3A_453 : i32 to index
        %swap3A_455 = tpu.vector_load %arg9[%swap3A_454] {strides = array<i32>} : memref<164352xbf16, #tpu.memory_space<vmem>>, vector<32xbf16>,
        tpu.vector_store %arg9[%swap3A_454], %max3A {strides = array<i32>} : memref<164352xbf16, #tpu.memory_space<vmem>>, vector<32xbf16>,
        %scan3A_456 = arith.constant 0 : i32
        scf.yield %scan3A_456 : i32
      }
      %scan3A_332 = arith.constant 16 : i32
      %slice3A_333 = vector.extract_strided_slice %get3A_199 {offsets = [9], sizes = [1], strides = [1]} : vector<16xi32> to vector<1xi32>
      %squeeze3A_334 = vector.extract %slice3A_333[0] : i32 from vector<1xi32>
      %mul3A_335 = arith.constant 16 : i32
      %mul3A_336 = arith.muli %scan3A_194, %mul3A_335 : i32
      %add3A_337 = arith.constant 9 : i32
      %add3A_338 = arith.addi %mul3A_336, %add3A_337 : i32
      %mul3A_339 = arith.constant 512 : i32
      %mul3A_340 = arith.muli %squeeze3A_334, %mul3A_339 : i32
      %scan3A_341 = arith.constant 0 : i32
      %scan3A_342 = arith.constant 0 : i32
      %scan3A_343 = arith.constant 16 : i32
      %scan3A_344 = arith.addi %scan3A_342, %scan3A_343 : i32
      %scan3A_345 = arith.constant 1 : i32
      %scan3A_346 = scf.for %scan3A_439 = %scan3A_342 to %scan3A_344 step %scan3A_345 iter_args(%scan3A_440 = %scan3A_341) -> (i32)  : i32 {
        %mul3A_441 = arith.constant 16 : i32
        %mul3A_442 = arith.muli %scan3A_439, %mul3A_441 : i32
        %get3A_443 = arith.index_cast %add3A_338 : i32 to index
        %get3A_444 = arith.index_cast %mul3A_442 : i32 to index
        %get3A_445 = tpu.vector_load %arg8[%get3A_443, %get3A_444] {strides = array<i32>} : memref<128x256xi32, #tpu.memory_space<vmem>>, vector<16xi32>,
        %bitcast3A = vector.bitcast %get3A_445 : vector<16xi32> to vector<32xbf16>
        %mul3A_446 = arith.constant 32 : i32
        %mul3A_447 = arith.muli %scan3A_439, %mul3A_446 : i32
        %add3A_448 = arith.addi %mul3A_340, %mul3A_447 : i32
        %get3A_449 = arith.index_cast %add3A_448 : i32 to index
        %get3A_450 = tpu.vector_load %arg9[%get3A_449] {strides = array<i32>} : memref<164352xbf16, #tpu.memory_space<vmem>>, vector<32xbf16>,
        %max3A = arith.maximumf %get3A_450, %bitcast3A : vector<32xbf16>
        %mul3A_451 = arith.constant 32 : i32
        %mul3A_452 = arith.muli %scan3A_439, %mul3A_451 : i32
        %add3A_453 = arith.addi %mul3A_340, %mul3A_452 : i32
        %swap3A_454 = arith.index_cast %add3A_453 : i32 to index
        %swap3A_455 = tpu.vector_load %arg9[%swap3A_454] {strides = array<i32>} : memref<164352xbf16, #tpu.memory_space<vmem>>, vector<32xbf16>,
        tpu.vector_store %arg9[%swap3A_454], %max3A {strides = array<i32>} : memref<164352xbf16, #tpu.memory_space<vmem>>, vector<32xbf16>,
        %scan3A_456 = arith.constant 0 : i32
        scf.yield %scan3A_456 : i32
      }
      %scan3A_347 = arith.constant 16 : i32
      %slice3A_348 = vector.extract_strided_slice %get3A_199 {offsets = [10], sizes = [1], strides = [1]} : vector<16xi32> to vector<1xi32>
      %squeeze3A_349 = vector.extract %slice3A_348[0] : i32 from vector<1xi32>
      %mul3A_350 = arith.constant 16 : i32
      %mul3A_351 = arith.muli %scan3A_194, %mul3A_350 : i32
      %add3A_352 = arith.constant 10 : i32
      %add3A_353 = arith.addi %mul3A_351, %add3A_352 : i32
      %mul3A_354 = arith.constant 512 : i32
      %mul3A_355 = arith.muli %squeeze3A_349, %mul3A_354 : i32
      %scan3A_356 = arith.constant 0 : i32
      %scan3A_357 = arith.constant 0 : i32
      %scan3A_358 = arith.constant 16 : i32
      %scan3A_359 = arith.addi %scan3A_357, %scan3A_358 : i32
      %scan3A_360 = arith.constant 1 : i32
      %scan3A_361 = scf.for %scan3A_439 = %scan3A_357 to %scan3A_359 step %scan3A_360 iter_args(%scan3A_440 = %scan3A_356) -> (i32)  : i32 {
        %mul3A_441 = arith.constant 16 : i32
        %mul3A_442 = arith.muli %scan3A_439, %mul3A_441 : i32
        %get3A_443 = arith.index_cast %add3A_353 : i32 to index
        %get3A_444 = arith.index_cast %mul3A_442 : i32 to index
        %get3A_445 = tpu.vector_load %arg8[%get3A_443, %get3A_444] {strides = array<i32>} : memref<128x256xi32, #tpu.memory_space<vmem>>, vector<16xi32>,
        %bitcast3A = vector.bitcast %get3A_445 : vector<16xi32> to vector<32xbf16>
        %mul3A_446 = arith.constant 32 : i32
        %mul3A_447 = arith.muli %scan3A_439, %mul3A_446 : i32
        %add3A_448 = arith.addi %mul3A_355, %mul3A_447 : i32
        %get3A_449 = arith.index_cast %add3A_448 : i32 to index
        %get3A_450 = tpu.vector_load %arg9[%get3A_449] {strides = array<i32>} : memref<164352xbf16, #tpu.memory_space<vmem>>, vector<32xbf16>,
        %max3A = arith.maximumf %get3A_450, %bitcast3A : vector<32xbf16>
        %mul3A_451 = arith.constant 32 : i32
        %mul3A_452 = arith.muli %scan3A_439, %mul3A_451 : i32
        %add3A_453 = arith.addi %mul3A_355, %mul3A_452 : i32
        %swap3A_454 = arith.index_cast %add3A_453 : i32 to index
        %swap3A_455 = tpu.vector_load %arg9[%swap3A_454] {strides = array<i32>} : memref<164352xbf16, #tpu.memory_space<vmem>>, vector<32xbf16>,
        tpu.vector_store %arg9[%swap3A_454], %max3A {strides = array<i32>} : memref<164352xbf16, #tpu.memory_space<vmem>>, vector<32xbf16>,
        %scan3A_456 = arith.constant 0 : i32
        scf.yield %scan3A_456 : i32
      }
      %scan3A_362 = arith.constant 16 : i32
      %slice3A_363 = vector.extract_strided_slice %get3A_199 {offsets = [11], sizes = [1], strides = [1]} : vector<16xi32> to vector<1xi32>
      %squeeze3A_364 = vector.extract %slice3A_363[0] : i32 from vector<1xi32>
      %mul3A_365 = arith.constant 16 : i32
      %mul3A_366 = arith.muli %scan3A_194, %mul3A_365 : i32
      %add3A_367 = arith.constant 11 : i32
      %add3A_368 = arith.addi %mul3A_366, %add3A_367 : i32
      %mul3A_369 = arith.constant 512 : i32
      %mul3A_370 = arith.muli %squeeze3A_364, %mul3A_369 : i32
      %scan3A_371 = arith.constant 0 : i32
      %scan3A_372 = arith.constant 0 : i32
      %scan3A_373 = arith.constant 16 : i32
      %scan3A_374 = arith.addi %scan3A_372, %scan3A_373 : i32
      %scan3A_375 = arith.constant 1 : i32
      %scan3A_376 = scf.for %scan3A_439 = %scan3A_372 to %scan3A_374 step %scan3A_375 iter_args(%scan3A_440 = %scan3A_371) -> (i32)  : i32 {
        %mul3A_441 = arith.constant 16 : i32
        %mul3A_442 = arith.muli %scan3A_439, %mul3A_441 : i32
        %get3A_443 = arith.index_cast %add3A_368 : i32 to index
        %get3A_444 = arith.index_cast %mul3A_442 : i32 to index
        %get3A_445 = tpu.vector_load %arg8[%get3A_443, %get3A_444] {strides = array<i32>} : memref<128x256xi32, #tpu.memory_space<vmem>>, vector<16xi32>,
        %bitcast3A = vector.bitcast %get3A_445 : vector<16xi32> to vector<32xbf16>
        %mul3A_446 = arith.constant 32 : i32
        %mul3A_447 = arith.muli %scan3A_439, %mul3A_446 : i32
        %add3A_448 = arith.addi %mul3A_370, %mul3A_447 : i32
        %get3A_449 = arith.index_cast %add3A_448 : i32 to index
        %get3A_450 = tpu.vector_load %arg9[%get3A_449] {strides = array<i32>} : memref<164352xbf16, #tpu.memory_space<vmem>>, vector<32xbf16>,
        %max3A = arith.maximumf %get3A_450, %bitcast3A : vector<32xbf16>
        %mul3A_451 = arith.constant 32 : i32
        %mul3A_452 = arith.muli %scan3A_439, %mul3A_451 : i32
        %add3A_453 = arith.addi %mul3A_370, %mul3A_452 : i32
        %swap3A_454 = arith.index_cast %add3A_453 : i32 to index
        %swap3A_455 = tpu.vector_load %arg9[%swap3A_454] {strides = array<i32>} : memref<164352xbf16, #tpu.memory_space<vmem>>, vector<32xbf16>,
        tpu.vector_store %arg9[%swap3A_454], %max3A {strides = array<i32>} : memref<164352xbf16, #tpu.memory_space<vmem>>, vector<32xbf16>,
        %scan3A_456 = arith.constant 0 : i32
        scf.yield %scan3A_456 : i32
      }
      %scan3A_377 = arith.constant 16 : i32
      %slice3A_378 = vector.extract_strided_slice %get3A_199 {offsets = [12], sizes = [1], strides = [1]} : vector<16xi32> to vector<1xi32>
      %squeeze3A_379 = vector.extract %slice3A_378[0] : i32 from vector<1xi32>
      %mul3A_380 = arith.constant 16 : i32
      %mul3A_381 = arith.muli %scan3A_194, %mul3A_380 : i32
      %add3A_382 = arith.constant 12 : i32
      %add3A_383 = arith.addi %mul3A_381, %add3A_382 : i32
      %mul3A_384 = arith.constant 512 : i32
      %mul3A_385 = arith.muli %squeeze3A_379, %mul3A_384 : i32
      %scan3A_386 = arith.constant 0 : i32
      %scan3A_387 = arith.constant 0 : i32
      %scan3A_388 = arith.constant 16 : i32
      %scan3A_389 = arith.addi %scan3A_387, %scan3A_388 : i32
      %scan3A_390 = arith.constant 1 : i32
      %scan3A_391 = scf.for %scan3A_439 = %scan3A_387 to %scan3A_389 step %scan3A_390 iter_args(%scan3A_440 = %scan3A_386) -> (i32)  : i32 {
        %mul3A_441 = arith.constant 16 : i32
        %mul3A_442 = arith.muli %scan3A_439, %mul3A_441 : i32
        %get3A_443 = arith.index_cast %add3A_383 : i32 to index
        %get3A_444 = arith.index_cast %mul3A_442 : i32 to index
        %get3A_445 = tpu.vector_load %arg8[%get3A_443, %get3A_444] {strides = array<i32>} : memref<128x256xi32, #tpu.memory_space<vmem>>, vector<16xi32>,
        %bitcast3A = vector.bitcast %get3A_445 : vector<16xi32> to vector<32xbf16>
        %mul3A_446 = arith.constant 32 : i32
        %mul3A_447 = arith.muli %scan3A_439, %mul3A_446 : i32
        %add3A_448 = arith.addi %mul3A_385, %mul3A_447 : i32
        %get3A_449 = arith.index_cast %add3A_448 : i32 to index
        %get3A_450 = tpu.vector_load %arg9[%get3A_449] {strides = array<i32>} : memref<164352xbf16, #tpu.memory_space<vmem>>, vector<32xbf16>,
        %max3A = arith.maximumf %get3A_450, %bitcast3A : vector<32xbf16>
        %mul3A_451 = arith.constant 32 : i32
        %mul3A_452 = arith.muli %scan3A_439, %mul3A_451 : i32
        %add3A_453 = arith.addi %mul3A_385, %mul3A_452 : i32
        %swap3A_454 = arith.index_cast %add3A_453 : i32 to index
        %swap3A_455 = tpu.vector_load %arg9[%swap3A_454] {strides = array<i32>} : memref<164352xbf16, #tpu.memory_space<vmem>>, vector<32xbf16>,
        tpu.vector_store %arg9[%swap3A_454], %max3A {strides = array<i32>} : memref<164352xbf16, #tpu.memory_space<vmem>>, vector<32xbf16>,
        %scan3A_456 = arith.constant 0 : i32
        scf.yield %scan3A_456 : i32
      }
      %scan3A_392 = arith.constant 16 : i32
      %slice3A_393 = vector.extract_strided_slice %get3A_199 {offsets = [13], sizes = [1], strides = [1]} : vector<16xi32> to vector<1xi32>
      %squeeze3A_394 = vector.extract %slice3A_393[0] : i32 from vector<1xi32>
      %mul3A_395 = arith.constant 16 : i32
      %mul3A_396 = arith.muli %scan3A_194, %mul3A_395 : i32
      %add3A_397 = arith.constant 13 : i32
      %add3A_398 = arith.addi %mul3A_396, %add3A_397 : i32
      %mul3A_399 = arith.constant 512 : i32
      %mul3A_400 = arith.muli %squeeze3A_394, %mul3A_399 : i32
      %scan3A_401 = arith.constant 0 : i32
      %scan3A_402 = arith.constant 0 : i32
      %scan3A_403 = arith.constant 16 : i32
      %scan3A_404 = arith.addi %scan3A_402, %scan3A_403 : i32
      %scan3A_405 = arith.constant 1 : i32
      %scan3A_406 = scf.for %scan3A_439 = %scan3A_402 to %scan3A_404 step %scan3A_405 iter_args(%scan3A_440 = %scan3A_401) -> (i32)  : i32 {
        %mul3A_441 = arith.constant 16 : i32
        %mul3A_442 = arith.muli %scan3A_439, %mul3A_441 : i32
        %get3A_443 = arith.index_cast %add3A_398 : i32 to index
        %get3A_444 = arith.index_cast %mul3A_442 : i32 to index
        %get3A_445 = tpu.vector_load %arg8[%get3A_443, %get3A_444] {strides = array<i32>} : memref<128x256xi32, #tpu.memory_space<vmem>>, vector<16xi32>,
        %bitcast3A = vector.bitcast %get3A_445 : vector<16xi32> to vector<32xbf16>
        %mul3A_446 = arith.constant 32 : i32
        %mul3A_447 = arith.muli %scan3A_439, %mul3A_446 : i32
        %add3A_448 = arith.addi %mul3A_400, %mul3A_447 : i32
        %get3A_449 = arith.index_cast %add3A_448 : i32 to index
        %get3A_450 = tpu.vector_load %arg9[%get3A_449] {strides = array<i32>} : memref<164352xbf16, #tpu.memory_space<vmem>>, vector<32xbf16>,
        %max3A = arith.maximumf %get3A_450, %bitcast3A : vector<32xbf16>
        %mul3A_451 = arith.constant 32 : i32
        %mul3A_452 = arith.muli %scan3A_439, %mul3A_451 : i32
        %add3A_453 = arith.addi %mul3A_400, %mul3A_452 : i32
        %swap3A_454 = arith.index_cast %add3A_453 : i32 to index
        %swap3A_455 = tpu.vector_load %arg9[%swap3A_454] {strides = array<i32>} : memref<164352xbf16, #tpu.memory_space<vmem>>, vector<32xbf16>,
        tpu.vector_store %arg9[%swap3A_454], %max3A {strides = array<i32>} : memref<164352xbf16, #tpu.memory_space<vmem>>, vector<32xbf16>,
        %scan3A_456 = arith.constant 0 : i32
        scf.yield %scan3A_456 : i32
      }
      %scan3A_407 = arith.constant 16 : i32
      %slice3A_408 = vector.extract_strided_slice %get3A_199 {offsets = [14], sizes = [1], strides = [1]} : vector<16xi32> to vector<1xi32>
      %squeeze3A_409 = vector.extract %slice3A_408[0] : i32 from vector<1xi32>
      %mul3A_410 = arith.constant 16 : i32
      %mul3A_411 = arith.muli %scan3A_194, %mul3A_410 : i32
      %add3A_412 = arith.constant 14 : i32
      %add3A_413 = arith.addi %mul3A_411, %add3A_412 : i32
      %mul3A_414 = arith.constant 512 : i32
      %mul3A_415 = arith.muli %squeeze3A_409, %mul3A_414 : i32
      %scan3A_416 = arith.constant 0 : i32
      %scan3A_417 = arith.constant 0 : i32
      %scan3A_418 = arith.constant 16 : i32
      %scan3A_419 = arith.addi %scan3A_417, %scan3A_418 : i32
      %scan3A_420 = arith.constant 1 : i32
      %scan3A_421 = scf.for %scan3A_439 = %scan3A_417 to %scan3A_419 step %scan3A_420 iter_args(%scan3A_440 = %scan3A_416) -> (i32)  : i32 {
        %mul3A_441 = arith.constant 16 : i32
        %mul3A_442 = arith.muli %scan3A_439, %mul3A_441 : i32
        %get3A_443 = arith.index_cast %add3A_413 : i32 to index
        %get3A_444 = arith.index_cast %mul3A_442 : i32 to index
        %get3A_445 = tpu.vector_load %arg8[%get3A_443, %get3A_444] {strides = array<i32>} : memref<128x256xi32, #tpu.memory_space<vmem>>, vector<16xi32>,
        %bitcast3A = vector.bitcast %get3A_445 : vector<16xi32> to vector<32xbf16>
        %mul3A_446 = arith.constant 32 : i32
        %mul3A_447 = arith.muli %scan3A_439, %mul3A_446 : i32
        %add3A_448 = arith.addi %mul3A_415, %mul3A_447 : i32
        %get3A_449 = arith.index_cast %add3A_448 : i32 to index
        %get3A_450 = tpu.vector_load %arg9[%get3A_449] {strides = array<i32>} : memref<164352xbf16, #tpu.memory_space<vmem>>, vector<32xbf16>,
        %max3A = arith.maximumf %get3A_450, %bitcast3A : vector<32xbf16>
        %mul3A_451 = arith.constant 32 : i32
        %mul3A_452 = arith.muli %scan3A_439, %mul3A_451 : i32
        %add3A_453 = arith.addi %mul3A_415, %mul3A_452 : i32
        %swap3A_454 = arith.index_cast %add3A_453 : i32 to index
        %swap3A_455 = tpu.vector_load %arg9[%swap3A_454] {strides = array<i32>} : memref<164352xbf16, #tpu.memory_space<vmem>>, vector<32xbf16>,
        tpu.vector_store %arg9[%swap3A_454], %max3A {strides = array<i32>} : memref<164352xbf16, #tpu.memory_space<vmem>>, vector<32xbf16>,
        %scan3A_456 = arith.constant 0 : i32
        scf.yield %scan3A_456 : i32
      }
      %scan3A_422 = arith.constant 16 : i32
      %slice3A_423 = vector.extract_strided_slice %get3A_199 {offsets = [15], sizes = [1], strides = [1]} : vector<16xi32> to vector<1xi32>
      %squeeze3A_424 = vector.extract %slice3A_423[0] : i32 from vector<1xi32>
      %mul3A_425 = arith.constant 16 : i32
      %mul3A_426 = arith.muli %scan3A_194, %mul3A_425 : i32
      %add3A_427 = arith.constant 15 : i32
      %add3A_428 = arith.addi %mul3A_426, %add3A_427 : i32
      %mul3A_429 = arith.constant 512 : i32
      %mul3A_430 = arith.muli %squeeze3A_424, %mul3A_429 : i32
      %scan3A_431 = arith.constant 0 : i32
      %scan3A_432 = arith.constant 0 : i32
      %scan3A_433 = arith.constant 16 : i32
      %scan3A_434 = arith.addi %scan3A_432, %scan3A_433 : i32
      %scan3A_435 = arith.constant 1 : i32
      %scan3A_436 = scf.for %scan3A_439 = %scan3A_432 to %scan3A_434 step %scan3A_435 iter_args(%scan3A_440 = %scan3A_431) -> (i32)  : i32 {
        %mul3A_441 = arith.constant 16 : i32
        %mul3A_442 = arith.muli %scan3A_439, %mul3A_441 : i32
        %get3A_443 = arith.index_cast %add3A_428 : i32 to index
        %get3A_444 = arith.index_cast %mul3A_442 : i32 to index
        %get3A_445 = tpu.vector_load %arg8[%get3A_443, %get3A_444] {strides = array<i32>} : memref<128x256xi32, #tpu.memory_space<vmem>>, vector<16xi32>,
        %bitcast3A = vector.bitcast %get3A_445 : vector<16xi32> to vector<32xbf16>
        %mul3A_446 = arith.constant 32 : i32
        %mul3A_447 = arith.muli %scan3A_439, %mul3A_446 : i32
        %add3A_448 = arith.addi %mul3A_430, %mul3A_447 : i32
        %get3A_449 = arith.index_cast %add3A_448 : i32 to index
        %get3A_450 = tpu.vector_load %arg9[%get3A_449] {strides = array<i32>} : memref<164352xbf16, #tpu.memory_space<vmem>>, vector<32xbf16>,
        %max3A = arith.maximumf %get3A_450, %bitcast3A : vector<32xbf16>
        %mul3A_451 = arith.constant 32 : i32
        %mul3A_452 = arith.muli %scan3A_439, %mul3A_451 : i32
        %add3A_453 = arith.addi %mul3A_430, %mul3A_452 : i32
        %swap3A_454 = arith.index_cast %add3A_453 : i32 to index
        %swap3A_455 = tpu.vector_load %arg9[%swap3A_454] {strides = array<i32>} : memref<164352xbf16, #tpu.memory_space<vmem>>, vector<32xbf16>,
        tpu.vector_store %arg9[%swap3A_454], %max3A {strides = array<i32>} : memref<164352xbf16, #tpu.memory_space<vmem>>, vector<32xbf16>,
        %scan3A_456 = arith.constant 0 : i32
        scf.yield %scan3A_456 : i32
      }
      %scan3A_437 = arith.constant 16 : i32
      %scan3A_438 = arith.constant 0 : i32
      scf.yield %scan3A_438 : i32
    }
    %scan3A_189 = arith.constant 8 : i32
    %mul3A_190 = arith.constant 320 : i32
    %mul3A_191 = arith.muli %add3A, %mul3A_190 : i32
    %mul3A_192 = arith.constant 512 : i32
    %mul3A_193 = arith.muli %mul3A_191, %mul3A_192 : i32
    "tpu.region"() ({
      %run_scoped3A = tpu.sem_alloc : memref<!tpu.dma_semaphore, #tpu.memory_space<semaphore_mem>>
      %dma_start3A_194 = arith.constant 0 : i32
      %dma_start3A_195 = tpu.memref_slice %arg9[%dma_start3A_194] : memref<164352xbf16, #tpu.memory_space<vmem>> -> memref<163840xbf16, #tpu.memory_space<vmem>>
      %dma_start3A_196 = tpu.memref_slice %arg4[%mul3A_193] : memref<5242880xbf16, #tpu.memory_space<hbm>> -> memref<163840xbf16, #tpu.memory_space<hbm>>
      %dma_start3A_197 = tpu.memref_slice %arg4[%mul3A_193] : memref<5242880xbf16, #tpu.memory_space<hbm>> -> memref<163840xbf16, #tpu.memory_space<hbm>>
      %dma_start3A_198 = arith.constant 0 : i32
      %dma_start3A_199 = tpu.memref_slice %arg9[%dma_start3A_198] : memref<164352xbf16, #tpu.memory_space<vmem>> -> memref<163840xbf16, #tpu.memory_space<vmem>>
      tpu.enqueue_dma source(%dma_start3A_199 : memref<163840xbf16, #tpu.memory_space<vmem>>) target(%dma_start3A_197 : memref<163840xbf16, #tpu.memory_space<hbm>>) target_semaphore(%run_scoped3A : memref<!tpu.dma_semaphore, #tpu.memory_space<semaphore_mem>>)
      %dma_wait3A_200 = arith.constant 0 : i32
      %dma_wait3A_201 = tpu.memref_slice %arg9[%dma_wait3A_200] : memref<164352xbf16, #tpu.memory_space<vmem>> -> memref<163840xbf16, #tpu.memory_space<vmem>>
      %dma_wait3A_202 = tpu.memref_slice %arg4[%mul3A_193] : memref<5242880xbf16, #tpu.memory_space<hbm>> -> memref<163840xbf16, #tpu.memory_space<hbm>>
      %dma_wait3A_203 = tpu.memref_slice %arg4[%mul3A_193] : memref<5242880xbf16, #tpu.memory_space<hbm>> -> memref<163840xbf16, #tpu.memory_space<hbm>>
      %dma_wait3A_204 = arith.constant 0 : i32
      %dma_wait3A_205 = tpu.memref_slice %arg9[%dma_wait3A_204] : memref<164352xbf16, #tpu.memory_space<vmem>> -> memref<163840xbf16, #tpu.memory_space<vmem>>
      tpu.wait_dma2 semaphore(%run_scoped3A : memref<!tpu.dma_semaphore, #tpu.memory_space<semaphore_mem>>) src(%dma_wait3A_205 : memref<163840xbf16, #tpu.memory_space<vmem>>) dst(%dma_wait3A_203 : memref<163840xbf16, #tpu.memory_space<hbm>>)
      tpu.yield
    }) : () -> ()
    return
  }
}

module attributes {stable_mosaic.version = 14 : i64} {
  func.func @_mlp_body(%arg0: i32, %arg1: memref<1600x256xf32, #tpu.memory_space<vmem>>, %arg2: memref<1600x256xf32, #tpu.memory_space<vmem>>, %arg3: memref<512x1024xf32, #tpu.memory_space<vmem>>, %arg4: memref<1x1024xf32, #tpu.memory_space<vmem>>, %arg5: memref<1024x512xf32, #tpu.memory_space<vmem>>, %arg6: memref<1x512xf32, #tpu.memory_space<vmem>>, %arg7: memref<1600x256xi32, #tpu.memory_space<vmem>>) attributes {dimension_semantics = [#tpu.dimension_semantics<arbitrary>], iteration_bounds = array<i64: 100>, scalar_prefetch = 0 : i64, scratch_operands = 0 : i64, tpu.core_type = #tpu.core_type<tc>, window_params = [{transform_indices = @transform_0, window_bounds = array<i64: 1600, 256>}, {transform_indices = @transform_1, window_bounds = array<i64: 1600, 256>}, {pipeline_mode = #tpu.pipeline_mode<synchronous>, transform_indices = @transform_2, window_bounds = array<i64: 512, 1024>}, {pipeline_mode = #tpu.pipeline_mode<synchronous>, transform_indices = @transform_3, window_bounds = array<i64: 1, 1024>}, {pipeline_mode = #tpu.pipeline_mode<synchronous>, transform_indices = @transform_4, window_bounds = array<i64: 1024, 512>}, {pipeline_mode = #tpu.pipeline_mode<synchronous>, transform_indices = @transform_5, window_bounds = array<i64: 1, 512>}, {transform_indices = @transform_6, window_bounds = array<i64: 1600, 256>}]} {
    %get3A = arith.constant 0 : index
    %get3A_0 = arith.constant 0 : index
    %get3A_1 = vector.load %arg1[%get3A, %get3A_0] : memref<1600x256xf32, #tpu.memory_space<vmem>>, vector<1600x256xf32>
    %get3A_2 = arith.constant 0 : index
    %get3A_3 = arith.constant 0 : index
    %get3A_4 = vector.load %arg2[%get3A_2, %get3A_3] : memref<1600x256xf32, #tpu.memory_space<vmem>>, vector<1600x256xf32>
    %sub3A = arith.subf %get3A_4, %get3A_1 : vector<1600x256xf32>
    %concatenate3A = tpu.concatenate %get3A_1, %sub3A in 1 : vector<1600x256xf32>, vector<1600x256xf32> -> vector<1600x512xf32>
    %convert_element_type3A = arith.truncf %concatenate3A : vector<1600x512xf32> to vector<1600x512xbf16>
    %get3A_5 = arith.constant 0 : index
    %get3A_6 = arith.constant 0 : index
    %get3A_7 = vector.load %arg3[%get3A_5, %get3A_6] : memref<512x1024xf32, #tpu.memory_space<vmem>>, vector<512x1024xf32>
    %convert_element_type3A_8 = arith.truncf %get3A_7 : vector<512x1024xf32> to vector<512x1024xbf16>
    %dot_general3A = arith.constant dense<0.000000e+00> : vector<1600x1024xf32>
    %dot_general3A_9 = tpu.matmul %convert_element_type3A, %convert_element_type3A_8, %dot_general3A {dimension_numbers = #tpu.dot_dimension_numbers<[1], [0], [0], [1], [0, 0, 1, 1], [], []>, transpose_lhs_hint = false} : vector<1600x512xbf16>, vector<512x1024xbf16>, vector<1600x1024xf32> -> vector<1600x1024xf32>
    %get3A_10 = arith.constant 0 : index
    %get3A_11 = arith.constant 0 : index
    %get3A_12 = vector.load %arg4[%get3A_10, %get3A_11] : memref<1x1024xf32, #tpu.memory_space<vmem>>, vector<1x1024xf32>
    %add3A = vector.broadcast %get3A_12 : vector<1x1024xf32> to vector<1600x1024xf32>
    %add3A_13 = arith.addf %dot_general3A_9, %add3A : vector<1600x1024xf32>
    %max3A = arith.constant 0.000000e+00 : f32
    %max3A_14 = vector.broadcast %max3A : f32 to vector<1600x1024xf32>
    %max3A_15 = arith.maximumf %add3A_13, %max3A_14 : vector<1600x1024xf32>
    %convert_element_type3A_16 = arith.truncf %max3A_15 : vector<1600x1024xf32> to vector<1600x1024xbf16>
    %get3A_17 = arith.constant 0 : index
    %get3A_18 = arith.constant 0 : index
    %get3A_19 = vector.load %arg5[%get3A_17, %get3A_18] : memref<1024x512xf32, #tpu.memory_space<vmem>>, vector<1024x512xf32>
    %convert_element_type3A_20 = arith.truncf %get3A_19 : vector<1024x512xf32> to vector<1024x512xbf16>
    %dot_general3A_21 = arith.constant dense<0.000000e+00> : vector<1600x512xf32>
    %dot_general3A_22 = tpu.matmul %convert_element_type3A_16, %convert_element_type3A_20, %dot_general3A_21 {dimension_numbers = #tpu.dot_dimension_numbers<[1], [0], [0], [1], [0, 0, 1, 1], [], []>, transpose_lhs_hint = false} : vector<1600x1024xbf16>, vector<1024x512xbf16>, vector<1600x512xf32> -> vector<1600x512xf32>
    %get3A_23 = arith.constant 0 : index
    %get3A_24 = arith.constant 0 : index
    %get3A_25 = vector.load %arg6[%get3A_23, %get3A_24] : memref<1x512xf32, #tpu.memory_space<vmem>>, vector<1x512xf32>
    %add3A_26 = vector.broadcast %get3A_25 : vector<1x512xf32> to vector<1600x512xf32>
    %add3A_27 = arith.addf %dot_general3A_22, %add3A_26 : vector<1600x512xf32>
    %max3A_28 = arith.constant 0.000000e+00 : f32
    %max3A_29 = vector.broadcast %max3A_28 : f32 to vector<1600x512xf32>
    %max3A_30 = arith.maximumf %add3A_27, %max3A_29 : vector<1600x512xf32>
    %slice3A = vector.extract_strided_slice %max3A_30 {offsets = [0, 0], sizes = [1600, 256], strides = [1, 1]} : vector<1600x512xf32> to vector<1600x256xf32>
    %bitcast_convert_type3A = tpu.bitcast %slice3A : vector<1600x256xf32> -> vector<1600x256xi32>
    %slice3A_31 = vector.extract_strided_slice %max3A_30 {offsets = [0, 256], sizes = [1600, 256], strides = [1, 1]} : vector<1600x512xf32> to vector<1600x256xf32>
    %bitcast_convert_type3A_32 = tpu.bitcast %slice3A_31 : vector<1600x256xf32> -> vector<1600x256xi32>
    %add3A_33 = arith.constant 32767 : i32
    %add3A_34 = vector.broadcast %add3A_33 : i32 to vector<1600x256xi32>
    %add3A_35 = arith.addi %bitcast_convert_type3A, %add3A_34 : vector<1600x256xi32>
    %shift_right_logical3A = arith.constant 16 : i32
    %shift_right_logical3A_36 = vector.broadcast %shift_right_logical3A : i32 to vector<1600x256xi32>
    %shift_right_logical3A_37 = arith.shrui %bitcast_convert_type3A, %shift_right_logical3A_36 : vector<1600x256xi32>
    %and3A = arith.constant 1 : i32
    %and3A_38 = vector.broadcast %and3A : i32 to vector<1600x256xi32>
    %and3A_39 = arith.andi %shift_right_logical3A_37, %and3A_38 : vector<1600x256xi32>
    %add3A_40 = arith.addi %add3A_35, %and3A_39 : vector<1600x256xi32>
    %shift_right_logical3A_41 = arith.constant 16 : i32
    %shift_right_logical3A_42 = vector.broadcast %shift_right_logical3A_41 : i32 to vector<1600x256xi32>
    %shift_right_logical3A_43 = arith.shrui %add3A_40, %shift_right_logical3A_42 : vector<1600x256xi32>
    %add3A_44 = arith.constant 32767 : i32
    %add3A_45 = vector.broadcast %add3A_44 : i32 to vector<1600x256xi32>
    %add3A_46 = arith.addi %bitcast_convert_type3A_32, %add3A_45 : vector<1600x256xi32>
    %shift_right_logical3A_47 = arith.constant 16 : i32
    %shift_right_logical3A_48 = vector.broadcast %shift_right_logical3A_47 : i32 to vector<1600x256xi32>
    %shift_right_logical3A_49 = arith.shrui %bitcast_convert_type3A_32, %shift_right_logical3A_48 : vector<1600x256xi32>
    %and3A_50 = arith.constant 1 : i32
    %and3A_51 = vector.broadcast %and3A_50 : i32 to vector<1600x256xi32>
    %and3A_52 = arith.andi %shift_right_logical3A_49, %and3A_51 : vector<1600x256xi32>
    %add3A_53 = arith.addi %add3A_46, %and3A_52 : vector<1600x256xi32>
    %shift_right_logical3A_54 = arith.constant 16 : i32
    %shift_right_logical3A_55 = vector.broadcast %shift_right_logical3A_54 : i32 to vector<1600x256xi32>
    %shift_right_logical3A_56 = arith.shrui %add3A_53, %shift_right_logical3A_55 : vector<1600x256xi32>
    %shift_left3A = arith.constant 16 : i32
    %shift_left3A_57 = vector.broadcast %shift_left3A : i32 to vector<1600x256xi32>
    %shift_left3A_58 = arith.shli %shift_right_logical3A_56, %shift_left3A_57 : vector<1600x256xi32>
    %or3A = arith.ori %shift_right_logical3A_43, %shift_left3A_58 : vector<1600x256xi32>
    %bitcast_convert_type3A_59 = tpu.bitcast %or3A : vector<1600x256xi32> -> vector<1600x256xi32>
    %swap3A = arith.constant 0 : index
    %swap3A_60 = arith.constant 0 : index
    %swap3A_61 = vector.load %arg7[%swap3A, %swap3A_60] : memref<1600x256xi32, #tpu.memory_space<vmem>>, vector<1600x256xi32>
    tpu.vector_store %arg7[%swap3A, %swap3A_60], %bitcast_convert_type3A_59 {strides = array<i32>} : memref<1600x256xi32, #tpu.memory_space<vmem>>, vector<1600x256xi32>,
    return
  }
  func.func @transform_0(%arg0: i32) -> (i32, i32) {
    %c0_i32 = arith.constant 0 : i32
    %c0_i32_0 = arith.constant 0 : i32
    return %arg0, %c0_i32 : i32, i32
  }
  func.func @transform_1(%arg0: i32) -> (i32, i32) {
    %c0_i32 = arith.constant 0 : i32
    %c0_i32_0 = arith.constant 0 : i32
    return %arg0, %c0_i32 : i32, i32
  }
  func.func @transform_2(%arg0: i32) -> (i32, i32) {
    %c0_i32 = arith.constant 0 : i32
    %c0_i32_0 = arith.constant 0 : i32
    %c0_i32_1 = arith.constant 0 : i32
    return %c0_i32, %c0_i32_0 : i32, i32
  }
  func.func @transform_3(%arg0: i32) -> (i32, i32) {
    %c0_i32 = arith.constant 0 : i32
    %c0_i32_0 = arith.constant 0 : i32
    %c0_i32_1 = arith.constant 0 : i32
    return %c0_i32, %c0_i32_0 : i32, i32
  }
  func.func @transform_4(%arg0: i32) -> (i32, i32) {
    %c0_i32 = arith.constant 0 : i32
    %c0_i32_0 = arith.constant 0 : i32
    %c0_i32_1 = arith.constant 0 : i32
    return %c0_i32, %c0_i32_0 : i32, i32
  }
  func.func @transform_5(%arg0: i32) -> (i32, i32) {
    %c0_i32 = arith.constant 0 : i32
    %c0_i32_0 = arith.constant 0 : i32
    %c0_i32_1 = arith.constant 0 : i32
    return %c0_i32, %c0_i32_0 : i32, i32
  }
  func.func @transform_6(%arg0: i32) -> (i32, i32) {
    %c0_i32 = arith.constant 0 : i32
    %c0_i32_0 = arith.constant 0 : i32
    return %arg0, %c0_i32 : i32, i32
  }
}

module attributes {stable_mosaic.version = 14 : i64} {
  func.func @_cast_body(%arg0: i32, %arg1: memref<1024x512xbf16, #tpu.memory_space<vmem>>, %arg2: memref<1024x512xf32, #tpu.memory_space<vmem>>) attributes {dimension_semantics = [#tpu.dimension_semantics<arbitrary>], iteration_bounds = array<i64: 10>, scalar_prefetch = 0 : i64, scratch_operands = 0 : i64, tpu.core_type = #tpu.core_type<tc>, window_params = [{transform_indices = @transform_0, window_bounds = array<i64: 1024, 512>}, {transform_indices = @transform_1, window_bounds = array<i64: 1024, 512>}]} {
    %get3A = arith.constant 0 : index
    %get3A_0 = arith.constant 0 : index
    %get3A_1 = vector.load %arg1[%get3A, %get3A_0] : memref<1024x512xbf16, #tpu.memory_space<vmem>>, vector<1024x512xbf16>
    %convert_element_type3A = arith.extf %get3A_1 : vector<1024x512xbf16> to vector<1024x512xf32>
    %swap3A = arith.constant 0 : index
    %swap3A_2 = arith.constant 0 : index
    %swap3A_3 = vector.load %arg2[%swap3A, %swap3A_2] : memref<1024x512xf32, #tpu.memory_space<vmem>>, vector<1024x512xf32>
    tpu.vector_store %arg2[%swap3A, %swap3A_2], %convert_element_type3A {strides = array<i32>} : memref<1024x512xf32, #tpu.memory_space<vmem>>, vector<1024x512xf32>,
    return
  }
  func.func @transform_0(%arg0: i32) -> (i32, i32) {
    %c0_i32 = arith.constant 0 : i32
    %c0_i32_0 = arith.constant 0 : i32
    return %arg0, %c0_i32 : i32, i32
  }
  func.func @transform_1(%arg0: i32) -> (i32, i32) {
    %c0_i32 = arith.constant 0 : i32
    %c0_i32_0 = arith.constant 0 : i32
    return %arg0, %c0_i32 : i32, i32
  }
}

</mosaic_0001>

<sc_bundles>
// kernel: kernel.6.cloned.1.call-start
scs
__scs_entry_jumppad:
0x0: {  	(pc) =	sbr.rel $0x88, $3  }
0x1: {  	(tag) =	ssettag $0x0;
	lr =	simm.s32 $0x1  }
0x2: {  	[smem:$0x3F9B] =	sst lr;
	_ =	strace $0xD0000000  }
0x3: {  	_ = 	snop  }
0x4: {  	_ = 	snop  }
0x5: {  	_ = 	snop  }
0x6: {  	_ = 	snop  }
0x7: {  	_ = 	snop  }
__scs_overlays_trampoline_lowered:
0x8: {  	[smem:$0x3FAA] =	sst s0  }
0x9: {  	[smem:$0x3FAB] =	sst s1  }
0xa: {  	[smem:$0x3FAC] =	sst s2  }
0xb: {  	[smem:$0x3FAD] =	sst s3  }
0xc: {  	[smem:$0x3FAE] =	sst s4  }
0xd: {  	[smem:$0x3FAF] =	sst s5  }
0xe: {  	[smem:$0x3FB0] =	sst s6  }
0xf: {  	[smem:$0x3FB1] =	sst s7  }
0x10: {  	[smem:$0x3FB2] =	sst s8  }
0x11: {  	[smem:$0x3FB3] =	sst s9;
	s0 =	simm.s32 @!p0 $0x0  }
0x12: {  	s1 =	sld [smem:$0x3F99];
	s0 =	simm.s32 @p0 $0x1  }
0x13: {  	[smem:$0x3FB4] =	sst s0;
	s0 =	simm.s32 @!p1 $0x0  }
0x14: {  	s2 =	sld [smem:$0x3F98];
	s0 =	simm.s32 @p1 $0x1  }
0x15: {  	[smem:$0x3FB5] =	sst s0;
	s0 =	simm.s32 @!p2 $0x0  }
0x16: {  	s3 =	sld [smem:$0x3FDB];
	s0 =	simm.s32 @p2 $0x1  }
0x17: {  	s4 =	simm.s32 $0x1BF5;
	[smem:$0x3FB7] =	sst s0  }
0x18: {  	s0 =	sld [smem:$0x3F9A];
	_ =	swait.ge [sflag:s4], $0x0  }
0x19: {  	s7 =	sld [smem:$0x3F9B]  }
0x1a: {  	s8 =	sadd.s32 $0xFFFFE003, lr  }
0x1b: {  	s9 =	sadd.s32 $0xFFFFFEF7, lr;
	s5 =	simm.s32 $0xFFFFFFFF;
	p2 =	slt.u32 s8, $0xFFFFF086  }
0x1c: {  	p1 =	slt.u32 s9, $0xF7A;
	s5 =	simm.s32 @!p2 $0x0  }
0x1d: {  	s5 =	simm.s32 @p1 $0x1;
	p0 =	seq.s32 s7, s2  }
0x1e: {  	s7 =	smul.u32 @!p0 $0xF7A, s2;
	p2 =	seq.s32 @!p0 s5, $0x0  }
0x1f: {  	s9 =	smul.u32 $0xF7A, s1;
	s8 =	simm.s32 @!p0 $0x1BF5;
	p2 =	por !p2, p0  }
0x20: {  	[sflag:s8] =	ssyncset.s32 @!p0 $0xFFFFF086;
	s6 =	sadd.s32 @!p0 s3, s7;
	s7 =	simm.s32 @!p0 $0x108  }
0x21: {  	s3 =	sadd.s32 s3, s9;
	s6 =	sadd.s32 @!p0 $0x88, s6;
	s7 =	simm.s32 @p2 $0x1082  }
0x22: {  	[simem:s7], [sflag:s8] =	dma.local @!p0 [hbm:s6], $0xF7A  }
0x23: {  	s9 =	sor.u32 $0xD0000000, s2;
	s6 =	simm.s32 $0x108;
	_ =	swait.ge @!p0 [sflag:s8], $0x0  }
0x24: {  	s3 =	sadd.s32 $0x88, s3;
	s6 =	simm.s32 @!p1 $0x1082;
	[sflag:s4] =	ssyncset.s32 $0xFFFFF086  }
0x25: {  	[simem:s6], [sflag:s4] =	dma.local [hbm:s3], $0xF7A  }
0x26: {  	[smem:$0x3F9B] =	sst s1;
	(tag) =	ssettag s2;
	_ =	strace s9  }
0x27: {  	s1 =	sld [smem:$0x3FAB]  }
0x28: {  	s2 =	sld [smem:$0x3FAC]  }
0x29: {  	s4 =	sld [smem:$0x3FAE]  }
0x2a: {  	p0 =	seq.s32 s5, $0x0;
	s5 =	sld [smem:$0x3FAF]  }
0x2b: {  	s6 =	sld [smem:$0x3FB0]  }
0x2c: {  	s7 =	sld [smem:$0x3FB1]  }
0x2d: {  	s3 =	simm.s32 $0x108;
	s8 =	sld [smem:$0x3FB2]  }
0x2e: {  	s3 =	simm.s32 @!p0 $0x1082;
	s9 =	sld [smem:$0x3FB3]  }
0x2f: {  	lr =	sadd.s32 s0, s3;
	s0 =	sld [smem:$0x3FAA]  }
0x30: {  	s3 =	sld [smem:$0x3FAD]  }
0x31: {  	[smem:$0x3FB6] =	sst s10  }
0x32: {  	s10 =	sld [smem:$0x3FB4];
	_ =	sdelay $0x3  }
0x33: {  	p0 =	seq.s32 s10, $0x1;
	s10 =	sld [smem:$0x3FB6];
	_ =	sdelay $0x3  }
0x34: {  	[smem:$0x3FB6] =	sst s10  }
0x35: {  	s10 =	sld [smem:$0x3FB5];
	_ =	sdelay $0x3  }
0x36: {  	p1 =	seq.s32 s10, $0x1;
	s10 =	sld [smem:$0x3FB6];
	_ =	sdelay $0x3  }
0x37: {  	[smem:$0x3FB6] =	sst s10  }
0x38: {  	s10 =	sld [smem:$0x3FB7]  }
0x39: {  	_ = 	snop;
	(pc) =	sbr.ind lr, $3  }
0x3a: {  	_ = 	snop  }
0x3b: {  	_ = 	snop  }
0x3c: {  	p2 =	seq.s32 s10, $0x1;
	s10 =	sld [smem:$0x3FB6]  }
0x3d: {  	_ =	shalt  }
0x3e: {  	_ =	shalt  }
0x3f: {  	_ =	shalt  }
0x40: {  	_ =	shalt  }
0x41: {  	_ =	shalt  }
0x42: {  	_ =	shalt  }
0x43: {  	_ =	shalt  }
0x44: {  	_ =	shalt  }
0x45: {  	_ =	shalt  }
0x46: {  	_ =	shalt  }
0x47: {  	_ =	shalt  }
0x48: {  	_ =	shalt  }
0x49: {  	_ =	shalt  }
0x4a: {  	_ =	shalt  }
0x4b: {  	_ =	shalt  }
0x4c: {  	_ =	shalt  }
0x4d: {  	_ =	shalt  }
0x4e: {  	_ =	shalt  }
0x4f: {  	_ =	shalt  }
0x50: {  	_ =	shalt  }
0x51: {  	_ =	shalt  }
0x52: {  	_ =	shalt  }
0x53: {  	_ =	shalt  }
0x54: {  	_ =	shalt  }
0x55: {  	_ =	shalt  }
0x56: {  	_ =	shalt  }
0x57: {  	_ =	shalt  }
0x58: {  	_ =	shalt  }
0x59: {  	_ =	shalt  }
0x5a: {  	_ =	shalt  }
0x5b: {  	_ =	shalt  }
0x5c: {  	_ =	shalt  }
0x5d: {  	_ =	shalt  }
0x5e: {  	_ =	shalt  }
0x5f: {  	_ =	shalt  }
0x60: {  	_ =	shalt  }
0x61: {  	_ =	shalt  }
0x62: {  	_ =	shalt  }
0x63: {  	_ =	shalt  }
0x64: {  	_ =	shalt  }
0x65: {  	_ =	shalt  }
0x66: {  	_ =	shalt  }
0x67: {  	_ =	shalt  }
0x68: {  	_ =	shalt  }
0x69: {  	_ =	shalt  }
0x6a: {  	_ =	shalt  }
0x6b: {  	_ =	shalt  }
0x6c: {  	_ =	shalt  }
0x6d: {  	_ =	shalt  }
0x6e: {  	_ =	shalt  }
0x6f: {  	_ =	shalt  }
0x70: {  	_ =	shalt  }
0x71: {  	_ =	shalt  }
0x72: {  	_ =	shalt  }
0x73: {  	_ =	shalt  }
0x74: {  	_ =	shalt  }
0x75: {  	_ =	shalt  }
0x76: {  	_ =	shalt  }
0x77: {  	_ =	shalt  }
0x78: {  	_ =	shalt  }
0x79: {  	_ =	shalt  }
0x7a: {  	_ =	shalt  }
0x7b: {  	_ =	shalt  }
0x7c: {  	_ =	shalt  }
0x7d: {  	_ =	shalt  }
0x7e: {  	_ =	shalt  }
0x7f: {  	_ =	shalt  }
0x80: {  	_ =	shalt  }
0x81: {  	_ =	shalt  }
0x82: {  	_ =	shalt  }
0x83: {  	_ =	shalt  }
0x84: {  	_ =	shalt  }
0x85: {  	_ =	shalt  }
0x86: {  	_ =	shalt  }
0x87: {  	_ =	shalt  }
.Lfunc_end0:
.L_simem_size_0:
called_computation_lowered:
.L_overlay_start_0:
0x88: {  	s2 =	sld [smem:$0x3FD9]  }
0x89: {  	s3 =	sld [smem:$0x3FFE];
	_ =	sdelay $0x1  }
0x8a: {  	s1 =	srdreg.scid  }
0x8b: {  	s0 =	sand.u32 $0x1, s1  }
0x8c: {  	s17 =	sshll.u32 s0, $0xA;
	s2 =	sadd.s32 s3, s2  }
0x8d: {  	s2 =	sadd.s32 s2, s17  }
0x8e: {  	[smem:$0x3FC2] =	sst s2  }
0x8f: {  	_ = 	snop  }
0x90: {  	s2 =	sld [smem:$0x3FC9]  }
0x91: {  	s18 =	sld [smem:$0x3FD0];
	(tm) =	ssettm $0x1  }
0x92: {  	s4 =	sld [smem:$0x3FFB];
	_ =	sdelay $0x3  }
0x93: {  	_ =	strace s4  }
0x94: {  	s4 =	sld [smem:$0x3FFC];
	_ =	sdelay $0x3  }
0x95: {  	_ =	strace s4  }
0x96: {  	s4 =	sld [smem:$0x3FFD];
	_ =	sdelay $0x3  }
0x97: {  	_ =	strace s4  }
0x98: {  	_ =	strace $0x8FFFFFFF  }
0x99: {  	s19 =	sld [smem:$0x3FDB];
	_ =	sdelay $0x1  }
0x9a: {  	s5 =	simm.s32 $_scs_section_size  }
0x9b: {  	s6 =	simm.s32 $_size__tile_overlayer_lowered;
	s7 =	simm.s32 $_tile_overlayer_lowered  }
0x9c: {  	s22 =	simm.s32 $0x1BFF;
	s21 =	sshll.u32 s7, $0x1;
	s4 =	sadd.s32 s5, s19  }
0x9d: {  	s8 =	simm.s32 $0x0;
	s20 =	sshll.u32 s6, $0x1;
	s6 =	sadd.s32 s21, s4  }
0x9e: {  	[timem:s8], [sflag:s22] =	dma.local [hbm:s6], s20  }
0x9f: {  	_ =	swait.ge [sflag:s22], s20  }
0xa0: {  	s5 =	ssub.s32 $0x0, s20;
	[sflag:s22] =	ssyncset.done $0x0  }
0xa1: {  	[sflag:s22] =	ssyncadd.s32 s5;
	_ =	sdelay $0x1  }
0xa2: {  	s23 =	simm.s32 $0x1B8B  }
0xa3: {  	_ =	swait.ge [sflag:s23], $0x1  }
0xa4: {  	[sflag:s23] =	ssyncset.done $0x0  }
0xa5: {  	s25 =	simm.s32 $0x1B8E;
	s24 =	sld [smem:$0x3FFE];
	[sflag:s23] =	ssyncadd.s32 $0xFFFFFFFF  }
0xa6: {  	s26 =	simm.s32 $execute0_lowered;
	[smem:$0x3FD2] =	sst s25  }
0xa7: {  	s6 =	sshll.u32 s26, $0x1;
	_ =	strace $0x80000046;
	[dreg:$0x1] =	wrdreg $0xFFFFFFFF  }
0xa8: {  	s28 =	simm.s32 $_size_execute0_lowered;
	s4 =	sadd.s32 s4, s6;
	[dreg:$0x0] =	wrdreg $0x0  }
0xa9: {  	s6 =	sshll.u32 s28, $0x1;
	[dreg:$0x2] =	wrdreg s4  }
0xaa: {  	[dreg:$0x3] =	wrdreg s6  }
0xab: {  	[dreg:$0x4] =	wrdreg $0xC0  }
0xac: {  	_ =	task [dreg:s8], $0x5FFFF  }
0xad: {  	[dreg:$0x1] =	wrdreg $0xFFFFFFFF  }
0xae: {  	[dreg:$0x0] =	wrdreg $0x60  }
0xaf: {  	[dreg:$0x2] =	wrdreg s2  }
0xb0: {  	[dreg:$0x3] =	wrdreg s24  }
0xb1: {  	[dreg:$0x4] =	wrdreg s18  }
0xb2: {  	[dreg:$0x5] =	wrdreg $0x9  }
0xb3: {  	_ =	task.clear_ibuf [dreg:s8], $0x6FFFF;
	_ =	strace $0x90000046  }
0xb4: {  	s29 =	simm.s32 $0x9;
	_ =	strace $0x80000048  }
0xb5: {  	_ =	swait.ge [sflag:s29], $0x1  }
0xb6: {  	[sflag:s29] =	ssyncadd.s32 $0xFFFFFFFF  }
0xb7: {  	_ =	strace $0x90000048  }
0xb8: {  	_ =	sfence  }
0xb9: {  	s30 =	sld [smem:$0x0];
	_ =	sdelay $0x2  }
0xba: {  	s31 =	sshll.u32 s1, $0xD;
	s1 =	sshrl.u32 s1, $0x2  }
0xbb: {  	s3 =	sand.u32 $0x4000, s31;
	s1 =	sadd.s32 s1, s30  }
0xbc: {  	s0 =	sor.u32 s3, s0;
	s1 =	sshll.u32 s1, $0x11  }
0xbd: {  	s0 =	sor.u32 s1, s0  }
0xbe: {  	s0 =	sadd.s32 $0x8F2B, s0  }
0xbf: {  	[sflag:s0] =	ssyncadd.remote.s32 $0x1  }
0xc0: {  	_ =	sfence.sel $0xFFFF  }
0xc1: {  	[dreg:$0x0] =	wrdreg $0xFFFFFFFF;
	(pc) =	sbr.abs _section_cstart, $3  }
0xc2: {  	[dreg:$0x1] =	wrdreg $0xFFFFFFFF  }
0xc3: {  	_ =	task.clear_ibuf [dreg:s8], $0x2FFFF;
	_ =	strace $0x9FFFFFFF  }
0xc4: {  	(tm) =	ssettm $0x7FFFFFFF  }
0xc5: {  	_ =	shalt  }
tec
execute0_lowered:
.L_overlay_start_1:
0x0: {  	(tag) =	ssettag $0x1  }
0x1: {  	s1 =	rddreg [dreg:$0x0]  }
0x2: {  	s0 =	rddreg [dreg:$0x1]  }
0x3: {  	s2 =	rddreg [dreg:$0x2];
	s3 =	simm.s32 $0x0;
	s4 =	srdreg.scid  }
0x4: {  	s11 =	stileid.u32;
	s20 =	simm.s32 $0x2900;
	s21 =	simm.s32 $0x3100  }
0x5: {  	s28 =	simm.s32 $0x6100;
	s29 =	simm.s32 $0x6900;
	s30 =	simm.s32 $0x7100  }
0x6: {  	s31 =	simm.s32 $0x7900;
	s12 =	simm.s32 $0xE200;
	s13 =	simm.s32 $0xEA00  }
0x7: {  	s14 =	simm.s32 $0xF200;
	[smem:$0x7FF] =	sst s3;
	s4 =	sand.u32 $0x1, s4  }
0x8: {  	s5 =	sadd.s32 $0xC00, s0;
	s7 =	sshll.u32 s11, $0x1;
	s8 =	sshll.u32 s11, $0xC  }
0x9: {  	s23 =	sshll.u32 s11, $0x4;
	s11 =	simm.s32 $0xDA00;
	_ =	strace $0x80000047  }
0xa: {  	s6 =	ssub.s32 $0x2, s4;
	s10 =	sor.u32 s4, s7;
	s0 =	sadd.s32 s8, s0  }
0xb: {  	s24 =	sshll.u32 s4, $0x3;
	s9 =	sshrl.u32 s6, $0x1;
	s7 =	sshll.u32 s10, $0x3  }
0xc: {  	s25 =	sor.u32 $0x40, s10;
	s10 =	sshll.u32 s4, $0xB;
	s26 =	sadd.s32 $0x4E7C00, s0  }
0xd: {  	s0 =	sadd.s32 $0x5C00, s0;
	s6 =	ssub.s32 s6, s9;
	[dreg:$0x7] =	wrdreg s25  }
0xe: {  	s22 =	sadd.s32 s5, s7;
	s7 =	sadd.s32 s2, s7;
	[dreg:$0x8] =	wrdreg s26  }
0xf: {  	s2 =	sadd.s32 s23, s2;
	s5 =	sadd.s32 s23, s5;
	[dreg:$0x9] =	wrdreg s0  }
.Ltmp0:
0x10: {  	s23 =	simm.s32 $0x4100;
	s25 =	simm.s32 $0x5100;
	(pc) =	sbr.rel .LBB2_1-.Ltmp0, $4  }
0x11: {  	s26 =	simm.s32 $0x5900;
	s0 =	simm.s32 $0xFA00;
	[dreg:$0x4] =	wrdreg s22  }
0x12: {  	v2 =	vlaneseq.u32;
	[dreg:$0x5] =	wrdreg s7;
	s6 =	smax.u32 s6, $0x1;
	s7 =	sadd.s32 s24, s2  }
0x13: {  	vm0 =	vmmov $0xffff;
	v1 =	vshrl.u32 v2, $0x3;
	s8 =	sadd.s32 s24, s5;
	s22 =	simm.s32 $0x3900;
	s24 =	simm.s32 $0x4900  }
0x14: {  	v0 =	vand.u32 $0x7, v2;
	v2 =	vor.u32 $0x8, v2;
	v1 =	vmul.u32 $0x8, v1;
	s2 =	simm.s32 $0x6;
	s5 =	simm.s32 $0x0;
	[dreg:$0x6] =	wrdreg s6  }
.LBB2_7:
0x15: {  	s5 =	rddreg [dreg:$0xa]  }
0x16: {  	s4 =	rddreg [dreg:$0x6];
	s5 =	sadd.s32 $0x1, s5  }
0x17: {  	p0 =	sne.s32 s5, s4  }
.Ltmp1:
0x18: {  	_ = 	snop;
	(pc) =	sbr.rel @!p0 .LBB2_8-.Ltmp1, $1  }
0x19: {  	_ =	sdelay $0x3  }
.LBB2_1:
0x1a: {  	[dreg:$0xa] =	wrdreg s5  }
0x1b: {  	s4 =	rddreg [dreg:$0x4];
	s19 =	simm.s32 $0x5  }
0x1c: {  	[tilespmem:s3], [sflag:$0x5] =	stream.linear.gather [hbm4b:s4+s3], $0x40, $0x38;
	[tilespmem:$0x10200] =	vst v63  }
0x1d: {  	_ =	swait.ge [sflag:s19], $0x40  }
0x1e: {  	[sflag:s19] =	ssyncset.done $0x0  }
0x1f: {  	s6 =	simm.s32 $0x80;
	s9 =	rddreg [dreg:$0x5];
	[sflag:s19] =	ssyncadd.s32 $0xFFFFFFC0  }
0x20: {  	[tilespmem:s6], [sflag:$0x5] =	stream.linear.gather [hbm4b:s9+s3], $0x40, $0x38;
	[tilespmem:$0x10200] =	vst v63  }
0x21: {  	_ =	swait.ge [sflag:s19], $0x40  }
0x22: {  	[sflag:s19] =	ssyncset.done $0x0  }
0x23: {  	[sflag:s19] =	ssyncadd.s32 $0xFFFFFFC0  }
0x24: {  	v3 =	vld [tilespmem:$0x0];
	_ =	sdelay $0x4  }
0x25: {  	v4 =	vshll.u32 v3, $0x1  }
0x26: {  	v3 =	vand.u32 $0x7, v3;
	v4 =	vand.u32 $0xFFFFFFF0, v4  }
0x27: {  	v3 =	vor.u32 v3, v4  }
0x28: {  	v4 =	vperm.xlane v3, v0;
	_ =	sdelay $0x1  }
0x29: {  	v3 =	vperm.xlane v3, v2;
	v4 =	vadd.s32 v1, v4;
	_ =	sdelay $0x1  }
0x2a: {  	v3 =	vadd.s32 v1, v3;
	_ =	sdelay $0x1  }
0x2b: {  	s15 =	simm.s32 $0x100  }
0x2c: {  	[tilespmem:s15], [sflag:$0x1] =	stream.indirect_vreg.gather [hbm4b:s1+s3], $0x80, v4, vm0, $0xb8;
	[tilespmem:$0x10200] =	vst v63  }
0x2d: {  	s16 =	simm.s32 $0x900  }
0x2e: {  	[tilespmem:s16], [sflag:$0x1] =	stream.indirect_vreg.gather [hbm4b:s1+s3], $0x80, v3, vm0, $0xb8;
	[tilespmem:$0x10200] =	vst v63  }
0x2f: {  	v3 =	vld [tilespmem:$0x10];
	_ =	sdelay $0x4  }
0x30: {  	v57 =	vshll.u32 v3, $0x1  }
0x31: {  	v3 =	vand.u32 $0x7, v3;
	v4 =	vand.u32 $0xFFFFFFF0, v57  }
0x32: {  	v3 =	vor.u32 v3, v4  }
0x33: {  	v4 =	vperm.xlane v3, v0;
	_ =	sdelay $0x1  }
0x34: {  	v3 =	vperm.xlane v3, v2;
	v4 =	vadd.s32 v1, v4;
	_ =	sdelay $0x1  }
0x35: {  	v3 =	vadd.s32 v1, v3;
	_ =	sdelay $0x1  }
0x36: {  	s17 =	simm.s32 $0x1100  }
0x37: {  	[tilespmem:s17], [sflag:$0x1] =	stream.indirect_vreg.gather [hbm4b:s1+s3], $0x80, v4, vm0, $0xb8;
	[tilespmem:$0x10200] =	vst v63  }
0x38: {  	s18 =	simm.s32 $0x1900  }
0x39: {  	[tilespmem:s18], [sflag:$0x1] =	stream.indirect_vreg.gather [hbm4b:s1+s3], $0x80, v3, vm0, $0xb8;
	[tilespmem:$0x10200] =	vst v63  }
0x3a: {  	v3 =	vld [tilespmem:$0x20];
	_ =	sdelay $0x4  }
0x3b: {  	v58 =	vshll.u32 v3, $0x1  }
0x3c: {  	v3 =	vand.u32 $0x7, v3;
	v4 =	vand.u32 $0xFFFFFFF0, v58  }
0x3d: {  	v3 =	vor.u32 v3, v4  }
0x3e: {  	v4 =	vperm.xlane v3, v0;
	_ =	sdelay $0x1  }
0x3f: {  	v3 =	vperm.xlane v3, v2;
	v4 =	vadd.s32 v1, v4;
	_ =	sdelay $0x1  }
0x40: {  	v3 =	vadd.s32 v1, v3;
	_ =	sdelay $0x1  }
0x41: {  	s19 =	simm.s32 $0x2100  }
0x42: {  	[tilespmem:s19], [sflag:$0x1] =	stream.indirect_vreg.gather [hbm4b:s1+s3], $0x80, v4, vm0, $0xb8;
	[tilespmem:$0x10200] =	vst v63  }
0x43: {  	_ = 	snop  }
0x44: {  	[tilespmem:s20], [sflag:$0x1] =	stream.indirect_vreg.gather [hbm4b:s1+s3], $0x80, v3, vm0, $0xb8;
	[tilespmem:$0x10200] =	vst v63  }
0x45: {  	v3 =	vld [tilespmem:$0x30];
	_ =	sdelay $0x4  }
0x46: {  	v59 =	vshll.u32 v3, $0x1  }
0x47: {  	v3 =	vand.u32 $0x7, v3;
	v4 =	vand.u32 $0xFFFFFFF0, v59  }
0x48: {  	v3 =	vor.u32 v3, v4  }
0x49: {  	v4 =	vperm.xlane v3, v0;
	_ =	sdelay $0x1  }
0x4a: {  	v3 =	vperm.xlane v3, v2;
	v4 =	vadd.s32 v1, v4;
	_ =	sdelay $0x1  }
0x4b: {  	v3 =	vadd.s32 v1, v3;
	_ =	sdelay $0x2  }
0x4c: {  	[tilespmem:s21], [sflag:$0x1] =	stream.indirect_vreg.gather [hbm4b:s1+s3], $0x80, v4, vm0, $0xb8;
	[tilespmem:$0x10200] =	vst v63  }
0x4d: {  	_ = 	snop  }
0x4e: {  	[tilespmem:s22], [sflag:$0x1] =	stream.indirect_vreg.gather [hbm4b:s1+s3], $0x80, v3, vm0, $0xb8;
	[tilespmem:$0x10200] =	vst v63  }
0x4f: {  	v3 =	vld [tilespmem:$0x80];
	_ =	sdelay $0x4  }
0x50: {  	v60 =	vshll.u32 v3, $0x1  }
0x51: {  	v3 =	vand.u32 $0x7, v3;
	v4 =	vand.u32 $0xFFFFFFF0, v60  }
0x52: {  	v3 =	vor.u32 v3, v4  }
0x53: {  	v4 =	vperm.xlane v3, v0;
	_ =	sdelay $0x1  }
0x54: {  	v3 =	vperm.xlane v3, v2;
	v4 =	vadd.s32 v1, v4;
	_ =	sdelay $0x1  }
0x55: {  	v3 =	vadd.s32 v1, v3;
	_ =	sdelay $0x2  }
0x56: {  	[tilespmem:s23], [sflag:$0x2] =	stream.indirect_vreg.gather [hbm4b:s1+s3], $0x80, v4, vm0, $0xb8;
	[tilespmem:$0x10200] =	vst v63  }
0x57: {  	_ = 	snop  }
0x58: {  	[tilespmem:s24], [sflag:$0x2] =	stream.indirect_vreg.gather [hbm4b:s1+s3], $0x80, v3, vm0, $0xb8;
	[tilespmem:$0x10200] =	vst v63  }
0x59: {  	v3 =	vld [tilespmem:$0x90];
	_ =	sdelay $0x4  }
0x5a: {  	v61 =	vshll.u32 v3, $0x1  }
0x5b: {  	v3 =	vand.u32 $0x7, v3;
	v4 =	vand.u32 $0xFFFFFFF0, v61  }
0x5c: {  	v3 =	vor.u32 v3, v4  }
0x5d: {  	v4 =	vperm.xlane v3, v0;
	_ =	sdelay $0x1  }
0x5e: {  	v3 =	vperm.xlane v3, v2;
	v4 =	vadd.s32 v1, v4;
	_ =	sdelay $0x1  }
0x5f: {  	v3 =	vadd.s32 v1, v3;
	_ =	sdelay $0x2  }
0x60: {  	[tilespmem:s25], [sflag:$0x2] =	stream.indirect_vreg.gather [hbm4b:s1+s3], $0x80, v4, vm0, $0xb8;
	[tilespmem:$0x10200] =	vst v63  }
0x61: {  	_ = 	snop  }
0x62: {  	[tilespmem:s26], [sflag:$0x2] =	stream.indirect_vreg.gather [hbm4b:s1+s3], $0x80, v3, vm0, $0xb8;
	[tilespmem:$0x10200] =	vst v63  }
0x63: {  	v3 =	vld [tilespmem:$0xA0];
	_ =	sdelay $0x4  }
0x64: {  	v62 =	vshll.u32 v3, $0x1  }
0x65: {  	v3 =	vand.u32 $0x7, v3;
	v4 =	vand.u32 $0xFFFFFFF0, v62  }
0x66: {  	v3 =	vor.u32 v3, v4  }
0x67: {  	v4 =	vperm.xlane v3, v0;
	_ =	sdelay $0x1  }
0x68: {  	v3 =	vperm.xlane v3, v2;
	v4 =	vadd.s32 v1, v4;
	_ =	sdelay $0x1  }
0x69: {  	v3 =	vadd.s32 v1, v3;
	_ =	sdelay $0x2  }
0x6a: {  	[tilespmem:s28], [sflag:$0x2] =	stream.indirect_vreg.gather [hbm4b:s1+s3], $0x80, v4, vm0, $0xb8;
	[tilespmem:$0x10200] =	vst v63  }
0x6b: {  	_ = 	snop  }
0x6c: {  	[tilespmem:s29], [sflag:$0x2] =	stream.indirect_vreg.gather [hbm4b:s1+s3], $0x80, v3, vm0, $0xb8;
	[tilespmem:$0x10200] =	vst v63  }
0x6d: {  	v3 =	vld [tilespmem:$0xB0];
	_ =	sdelay $0x4  }
0x6e: {  	v63 =	vshll.u32 v3, $0x1  }
0x6f: {  	v3 =	vand.u32 $0x7, v3;
	v4 =	vand.u32 $0xFFFFFFF0, v63  }
0x70: {  	v3 =	vor.u32 v3, v4  }
0x71: {  	v4 =	vperm.xlane v3, v0;
	_ =	sdelay $0x1  }
0x72: {  	v3 =	vperm.xlane v3, v2;
	v4 =	vadd.s32 v1, v4;
	_ =	sdelay $0x1  }
0x73: {  	v3 =	vadd.s32 v1, v3  }
.Ltmp2:
0x74: {  	s4 =	rddreg [dreg:$0x8];
	(pc) =	sbr.rel .LBB2_2-.Ltmp2, $4  }
0x75: {  	s15 =	rddreg [dreg:$0x9]  }
0x76: {  	[tilespmem:s30], [sflag:$0x2] =	stream.indirect_vreg.gather [hbm4b:s1+s3], $0x80, v4, vm0, $0xb8;
	[tilespmem:$0x10200] =	vst v63  }
0x77: {  	s16 =	rddreg [dreg:$0x7];
	s17 =	simm.s32 $0x0  }
0x78: {  	[tilespmem:s31], [sflag:$0x2] =	stream.indirect_vreg.gather [hbm4b:s1+s3], $0x80, v3, vm0, $0xb8;
	[tilespmem:$0x10200] =	vst v63  }
.LBB2_6:
0x79: {  	s5 =	simm.s32 @!p0 $0x3  }
0x7a: {  	_ =	swait.ge @!p0 [sflag:s5], $0x4000  }
0x7b: {  	[sflag:s5] =	ssyncset.done @!p0 $0x0  }
0x7c: {  	[sflag:s5] =	ssyncadd.s32 @!p0 $0xFFFFC000;
	s5 =	simm.s32 @!p0 $0x4  }
0x7d: {  	_ =	swait.ge @!p0 [sflag:s5], $0x4000  }
0x7e: {  	[sflag:s5] =	ssyncset.done @!p0 $0x0  }
0x7f: {  	[sflag:s5] =	ssyncadd.s32 @!p0 $0xFFFFC000;
	s5 =	sadd.s32 @!p0 s15, s10  }
0x80: {  	s6 =	simm.s32 @!p0 $0x0;
	s9 =	simm.s32 @!p0 $0x8200;
	s5 =	sadd.s32 @!p0 $0x10000, s5  }
0x81: {  	[hbm4b:s5+s6] =	stream.linear.scatter @!p0 [tilespmem:s9], [sflag:$0x6], $0x4000, $0x38;
	[tilespmem:$0x10200] =	vst v63  }
0x82: {  	s5 =	simm.s32 @!p0 $0x6  }
0x83: {  	_ =	swait.ge @!p0 [sflag:s5], $0x4000  }
0x84: {  	s9 =	sadd.s32 @!p0 s4, s10;
	[sflag:s5] =	ssyncset.done @!p0 $0x0  }
0x85: {  	[sflag:s5] =	ssyncadd.s32 @!p0 $0xFFFFC000;
	s5 =	sadd.s32 @!p0 $0x10000, s9;
	s9 =	simm.s32 @!p0 $0xC200  }
0x86: {  	[hbm4b:s5+s6] =	stream.linear.scatter @!p0 [tilespmem:s9], [sflag:$0x5], $0x4000, $0x38;
	[tilespmem:$0x10200] =	vst v63  }
0x87: {  	s5 =	simm.s32 @!p0 $0x5  }
0x88: {  	_ =	swait.ge @!p0 [sflag:s5], $0x4000  }
0x89: {  	s17 =	sadd.s32 $0x200, s17;
	[sflag:s5] =	ssyncset.done @!p0 $0x0  }
0x8a: {  	[sflag:s5] =	ssyncadd.s32 @!p0 $0xFFFFC000;
	p0 =	sne.s32 s17, $0x5000  }
.Ltmp3:
0x8b: {  	_ = 	snop;
	(pc) =	sbr.rel @!p0 .LBB2_7-.Ltmp3, $2  }
0x8c: {  	_ =	sdelay $0x2  }
0x8d: {  	s16 =	sadd.s32 $0x40, s16;
	s15 =	sadd.s32 $0x20000, s15;
	s4 =	sadd.s32 $0x20000, s4  }
.LBB2_2:
0x8e: {  	s5 =	sadd.s32 $0xFFFFFFE0, s16  }
0x8f: {  	p0 =	sgt.u32 s5, $0x9C3  }
.Ltmp4:
0x90: {  	_ = 	snop;
	(pc) =	sbr.rel @p0 .LBB2_4-.Ltmp4, $2  }
0x91: {  	_ =	sdelay $0x2  }
0x92: {  	s5 =	sadd.s32 s17, s8  }
0x93: {  	s18 =	sadd.s32 $0x100, s5;
	s6 =	simm.s32 $0x8100  }
0x94: {  	[tilespmem:s6], [sflag:$0x6] =	stream.linear.gather [hbm4b:s18+s3], $0x40, $0x38;
	[tilespmem:$0x10200] =	vst v63  }
0x95: {  	_ =	swait.ge [sflag:s2], $0x40  }
0x96: {  	s6 =	sadd.s32 s17, s7;
	[sflag:s2] =	ssyncset.done $0x0  }
0x97: {  	s9 =	simm.s32 $0x8180;
	s18 =	sadd.s32 $0x100, s6;
	[sflag:s2] =	ssyncadd.s32 $0xFFFFFFC0  }
0x98: {  	[tilespmem:s9], [sflag:$0x6] =	stream.linear.gather [hbm4b:s18+s3], $0x40, $0x38;
	[tilespmem:$0x10200] =	vst v63  }
0x99: {  	_ =	swait.ge [sflag:s2], $0x40  }
0x9a: {  	[sflag:s2] =	ssyncset.done $0x0  }
0x9b: {  	[sflag:s2] =	ssyncadd.s32 $0xFFFFFFC0  }
0x9c: {  	v3 =	vld [tilespmem:$0x8100];
	_ =	sdelay $0x4  }
0x9d: {  	v4 =	vshll.u32 v3, $0x1  }
0x9e: {  	v3 =	vand.u32 $0x7, v3;
	v4 =	vand.u32 $0xFFFFFFF0, v4  }
0x9f: {  	v3 =	vor.u32 v3, v4  }
0xa0: {  	v4 =	vperm.xlane v3, v0;
	_ =	sdelay $0x1  }
0xa1: {  	v3 =	vperm.xlane v3, v2;
	v4 =	vadd.s32 v1, v4;
	_ =	sdelay $0x1  }
0xa2: {  	v3 =	vadd.s32 v1, v3;
	_ =	sdelay $0x1  }
0xa3: {  	s18 =	simm.s32 $0x8200  }
0xa4: {  	[tilespmem:s18], [sflag:$0x3] =	stream.indirect_vreg.gather [hbm4b:s1+s3], $0x80, v4, vm0, $0xb8;
	[tilespmem:$0x10200] =	vst v63  }
0xa5: {  	s19 =	simm.s32 $0x8A00  }
0xa6: {  	[tilespmem:s19], [sflag:$0x3] =	stream.indirect_vreg.gather [hbm4b:s1+s3], $0x80, v3, vm0, $0xb8;
	[tilespmem:$0x10200] =	vst v63  }
0xa7: {  	v3 =	vld [tilespmem:$0x8110];
	_ =	sdelay $0x4  }
0xa8: {  	v57 =	vshll.u32 v3, $0x1  }
0xa9: {  	v3 =	vand.u32 $0x7, v3;
	v4 =	vand.u32 $0xFFFFFFF0, v57  }
0xaa: {  	v3 =	vor.u32 v3, v4  }
0xab: {  	v4 =	vperm.xlane v3, v0;
	_ =	sdelay $0x1  }
0xac: {  	v3 =	vperm.xlane v3, v2;
	v4 =	vadd.s32 v1, v4;
	_ =	sdelay $0x1  }
0xad: {  	v3 =	vadd.s32 v1, v3;
	_ =	sdelay $0x1  }
0xae: {  	s9 =	simm.s32 $0x9200  }
0xaf: {  	[tilespmem:s9], [sflag:$0x3] =	stream.indirect_vreg.gather [hbm4b:s1+s3], $0x80, v4, vm0, $0xb8;
	[tilespmem:$0x10200] =	vst v63  }
0xb0: {  	s18 =	simm.s32 $0x9A00  }
0xb1: {  	[tilespmem:s18], [sflag:$0x3] =	stream.indirect_vreg.gather [hbm4b:s1+s3], $0x80, v3, vm0, $0xb8;
	[tilespmem:$0x10200] =	vst v63  }
0xb2: {  	v3 =	vld [tilespmem:$0x8120];
	_ =	sdelay $0x4  }
0xb3: {  	v58 =	vshll.u32 v3, $0x1  }
0xb4: {  	v3 =	vand.u32 $0x7, v3;
	v4 =	vand.u32 $0xFFFFFFF0, v58  }
0xb5: {  	v3 =	vor.u32 v3, v4  }
0xb6: {  	v4 =	vperm.xlane v3, v0;
	_ =	sdelay $0x1  }
0xb7: {  	v3 =	vperm.xlane v3, v2;
	v4 =	vadd.s32 v1, v4;
	_ =	sdelay $0x1  }
0xb8: {  	v3 =	vadd.s32 v1, v3;
	_ =	sdelay $0x1  }
0xb9: {  	s19 =	simm.s32 $0xA200  }
0xba: {  	[tilespmem:s19], [sflag:$0x3] =	stream.indirect_vreg.gather [hbm4b:s1+s3], $0x80, v4, vm0, $0xb8;
	[tilespmem:$0x10200] =	vst v63  }
0xbb: {  	s9 =	simm.s32 $0xAA00  }
0xbc: {  	[tilespmem:s9], [sflag:$0x3] =	stream.indirect_vreg.gather [hbm4b:s1+s3], $0x80, v3, vm0, $0xb8;
	[tilespmem:$0x10200] =	vst v63  }
0xbd: {  	v3 =	vld [tilespmem:$0x8130];
	_ =	sdelay $0x4  }
0xbe: {  	v59 =	vshll.u32 v3, $0x1  }
0xbf: {  	v3 =	vand.u32 $0x7, v3;
	v4 =	vand.u32 $0xFFFFFFF0, v59  }
0xc0: {  	v3 =	vor.u32 v3, v4  }
0xc1: {  	v4 =	vperm.xlane v3, v0;
	_ =	sdelay $0x1  }
0xc2: {  	v3 =	vperm.xlane v3, v2;
	v4 =	vadd.s32 v1, v4;
	_ =	sdelay $0x1  }
0xc3: {  	v3 =	vadd.s32 v1, v3;
	_ =	sdelay $0x1  }
0xc4: {  	s18 =	simm.s32 $0xB200  }
0xc5: {  	[tilespmem:s18], [sflag:$0x3] =	stream.indirect_vreg.gather [hbm4b:s1+s3], $0x80, v4, vm0, $0xb8;
	[tilespmem:$0x10200] =	vst v63  }
0xc6: {  	s19 =	simm.s32 $0xBA00  }
0xc7: {  	[tilespmem:s19], [sflag:$0x3] =	stream.indirect_vreg.gather [hbm4b:s1+s3], $0x80, v3, vm0, $0xb8;
	[tilespmem:$0x10200] =	vst v63  }
0xc8: {  	v3 =	vld [tilespmem:$0x8180];
	_ =	sdelay $0x4  }
0xc9: {  	v60 =	vshll.u32 v3, $0x1  }
0xca: {  	v3 =	vand.u32 $0x7, v3;
	v4 =	vand.u32 $0xFFFFFFF0, v60  }
0xcb: {  	v3 =	vor.u32 v3, v4  }
0xcc: {  	v4 =	vperm.xlane v3, v0;
	_ =	sdelay $0x1  }
0xcd: {  	v3 =	vperm.xlane v3, v2;
	v4 =	vadd.s32 v1, v4;
	_ =	sdelay $0x1  }
0xce: {  	v3 =	vadd.s32 v1, v3;
	_ =	sdelay $0x1  }
0xcf: {  	s9 =	simm.s32 $0xC200  }
0xd0: {  	[tilespmem:s9], [sflag:$0x4] =	stream.indirect_vreg.gather [hbm4b:s1+s3], $0x80, v4, vm0, $0xb8;
	[tilespmem:$0x10200] =	vst v63  }
0xd1: {  	s18 =	simm.s32 $0xCA00  }
0xd2: {  	[tilespmem:s18], [sflag:$0x4] =	stream.indirect_vreg.gather [hbm4b:s1+s3], $0x80, v3, vm0, $0xb8;
	[tilespmem:$0x10200] =	vst v63  }
0xd3: {  	v3 =	vld [tilespmem:$0x8190];
	_ =	sdelay $0x4  }
0xd4: {  	v61 =	vshll.u32 v3, $0x1  }
0xd5: {  	v3 =	vand.u32 $0x7, v3;
	v4 =	vand.u32 $0xFFFFFFF0, v61  }
0xd6: {  	v3 =	vor.u32 v3, v4  }
0xd7: {  	v4 =	vperm.xlane v3, v0;
	_ =	sdelay $0x1  }
0xd8: {  	v3 =	vperm.xlane v3, v2;
	v4 =	vadd.s32 v1, v4;
	_ =	sdelay $0x1  }
0xd9: {  	v3 =	vadd.s32 v1, v3;
	_ =	sdelay $0x1  }
0xda: {  	s19 =	simm.s32 $0xD200  }
0xdb: {  	[tilespmem:s19], [sflag:$0x4] =	stream.indirect_vreg.gather [hbm4b:s1+s3], $0x80, v4, vm0, $0xb8;
	[tilespmem:$0x10200] =	vst v63  }
0xdc: {  	_ = 	snop  }
0xdd: {  	[tilespmem:s11], [sflag:$0x4] =	stream.indirect_vreg.gather [hbm4b:s1+s3], $0x80, v3, vm0, $0xb8;
	[tilespmem:$0x10200] =	vst v63  }
0xde: {  	v3 =	vld [tilespmem:$0x81A0];
	_ =	sdelay $0x4  }
0xdf: {  	v62 =	vshll.u32 v3, $0x1  }
0xe0: {  	v3 =	vand.u32 $0x7, v3;
	v4 =	vand.u32 $0xFFFFFFF0, v62  }
0xe1: {  	v3 =	vor.u32 v3, v4  }
0xe2: {  	v4 =	vperm.xlane v3, v0;
	_ =	sdelay $0x1  }
0xe3: {  	v3 =	vperm.xlane v3, v2;
	v4 =	vadd.s32 v1, v4;
	_ =	sdelay $0x1  }
0xe4: {  	v3 =	vadd.s32 v1, v3;
	_ =	sdelay $0x2  }
0xe5: {  	[tilespmem:s12], [sflag:$0x4] =	stream.indirect_vreg.gather [hbm4b:s1+s3], $0x80, v4, vm0, $0xb8;
	[tilespmem:$0x10200] =	vst v63  }
0xe6: {  	_ = 	snop  }
0xe7: {  	[tilespmem:s13], [sflag:$0x4] =	stream.indirect_vreg.gather [hbm4b:s1+s3], $0x80, v3, vm0, $0xb8;
	[tilespmem:$0x10200] =	vst v63  }
0xe8: {  	v3 =	vld [tilespmem:$0x81B0];
	_ =	sdelay $0x4  }
0xe9: {  	v63 =	vshll.u32 v3, $0x1  }
0xea: {  	v3 =	vand.u32 $0x7, v3;
	v4 =	vand.u32 $0xFFFFFFF0, v63  }
0xeb: {  	v3 =	vor.u32 v3, v4  }
0xec: {  	v4 =	vperm.xlane v3, v0;
	_ =	sdelay $0x1  }
0xed: {  	v3 =	vperm.xlane v3, v2;
	v4 =	vadd.s32 v1, v4;
	_ =	sdelay $0x1  }
0xee: {  	v3 =	vadd.s32 v1, v3;
	_ =	sdelay $0x2  }
0xef: {  	[tilespmem:s14], [sflag:$0x4] =	stream.indirect_vreg.gather [hbm4b:s1+s3], $0x80, v4, vm0, $0xb8;
	[tilespmem:$0x10200] =	vst v63  }
0xf0: {  	_ = 	snop  }
0xf1: {  	[tilespmem:s0], [sflag:$0x4] =	stream.indirect_vreg.gather [hbm4b:s1+s3], $0x80, v3, vm0, $0xb8;
	[tilespmem:$0x10200] =	vst v63  }
.LBB2_4:
0xf2: {  	s18 =	sadd.s32 $0xFFFFFFC0, s16  }
0xf3: {  	p1 =	sgt.u32 s18, $0x9C3  }
0xf4: {  	s18 =	simm.s32 @!p1 $0x1  }
0xf5: {  	_ =	swait.ge @!p1 [sflag:s18], $0x4000  }
0xf6: {  	[sflag:s18] =	ssyncset.done @!p1 $0x0  }
0xf7: {  	[sflag:s18] =	ssyncadd.s32 @!p1 $0xFFFFC000;
	s18 =	simm.s32 @!p1 $0x2  }
0xf8: {  	_ =	swait.ge @!p1 [sflag:s18], $0x4000  }
0xf9: {  	s6 =	simm.s32 @!p1 $0x0;
	[sflag:s18] =	ssyncset.done @!p1 $0x0  }
0xfa: {  	s19 =	simm.s32 @!p1 $0x100;
	[sflag:s18] =	ssyncadd.s32 @!p1 $0xFFFFC000;
	s18 =	sadd.s32 @!p1 s15, s10  }
0xfb: {  	[hbm4b:s18+s6] =	stream.linear.scatter @!p1 [tilespmem:s19], [sflag:$0x6], $0x4000, $0x38;
	[tilespmem:$0x10200] =	vst v63  }
0xfc: {  	s18 =	simm.s32 @!p1 $0x6  }
0xfd: {  	_ =	swait.ge @!p1 [sflag:s18], $0x4000  }
0xfe: {  	p2 =	sgt.u32 s16, $0x9C3;
	s9 =	simm.s32 @!p1 $0x4100;
	[sflag:s18] =	ssyncset.done @!p1 $0x0  }
.Ltmp5:
0xff: {  	s19 =	sadd.s32 @!p1 s4, s10;
	[sflag:s18] =	ssyncadd.s32 @!p1 $0xFFFFC000;
	(pc) =	sbr.rel @p2 .LBB2_6-.Ltmp5, $4  }
0x100: {  	[hbm4b:s19+s6] =	stream.linear.scatter @!p1 [tilespmem:s9], [sflag:$0x6], $0x4000, $0x38;
	[tilespmem:$0x10200] =	vst v63  }
0x101: {  	_ =	swait.ge @!p1 [sflag:s18], $0x4000  }
0x102: {  	[sflag:s18] =	ssyncset.done @!p1 $0x0  }
0x103: {  	[sflag:s18] =	ssyncadd.s32 @!p1 $0xFFFFC000  }
0x104: {  	s5 =	sadd.s32 $0x200, s5  }
0x105: {  	[tilespmem:s3], [sflag:$0x6] =	stream.linear.gather [hbm4b:s5+s3], $0x40, $0x38;
	[tilespmem:$0x10200] =	vst v63  }
0x106: {  	_ =	swait.ge [sflag:s2], $0x40  }
0x107: {  	s18 =	sadd.s32 s17, s7;
	[sflag:s2] =	ssyncset.done $0x0  }
0x108: {  	s6 =	simm.s32 $0x80;
	s5 =	sadd.s32 $0x200, s18;
	[sflag:s2] =	ssyncadd.s32 $0xFFFFFFC0  }
0x109: {  	[tilespmem:s6], [sflag:$0x6] =	stream.linear.gather [hbm4b:s5+s3], $0x40, $0x38;
	[tilespmem:$0x10200] =	vst v63  }
0x10a: {  	_ =	swait.ge [sflag:s2], $0x40  }
0x10b: {  	[sflag:s2] =	ssyncset.done $0x0  }
0x10c: {  	[sflag:s2] =	ssyncadd.s32 $0xFFFFFFC0  }
0x10d: {  	v3 =	vld [tilespmem:$0x0];
	_ =	sdelay $0x4  }
0x10e: {  	v4 =	vshll.u32 v3, $0x1  }
0x10f: {  	v3 =	vand.u32 $0x7, v3;
	v4 =	vand.u32 $0xFFFFFFF0, v4  }
0x110: {  	v3 =	vor.u32 v3, v4  }
0x111: {  	v4 =	vperm.xlane v3, v0;
	_ =	sdelay $0x1  }
0x112: {  	v3 =	vperm.xlane v3, v2;
	v4 =	vadd.s32 v1, v4;
	_ =	sdelay $0x1  }
0x113: {  	v3 =	vadd.s32 v1, v3;
	_ =	sdelay $0x1  }
0x114: {  	s19 =	simm.s32 $0x100  }
0x115: {  	[tilespmem:s19], [sflag:$0x1] =	stream.indirect_vreg.gather [hbm4b:s1+s3], $0x80, v4, vm0, $0xb8;
	[tilespmem:$0x10200] =	vst v63  }
0x116: {  	s6 =	simm.s32 $0x900  }
0x117: {  	[tilespmem:s6], [sflag:$0x1] =	stream.indirect_vreg.gather [hbm4b:s1+s3], $0x80, v3, vm0, $0xb8;
	[tilespmem:$0x10200] =	vst v63  }
0x118: {  	v3 =	vld [tilespmem:$0x10];
	_ =	sdelay $0x4  }
0x119: {  	v57 =	vshll.u32 v3, $0x1  }
0x11a: {  	v3 =	vand.u32 $0x7, v3;
	v4 =	vand.u32 $0xFFFFFFF0, v57  }
0x11b: {  	v3 =	vor.u32 v3, v4  }
0x11c: {  	v4 =	vperm.xlane v3, v0;
	_ =	sdelay $0x1  }
0x11d: {  	v3 =	vperm.xlane v3, v2;
	v4 =	vadd.s32 v1, v4;
	_ =	sdelay $0x1  }
0x11e: {  	v3 =	vadd.s32 v1, v3;
	_ =	sdelay $0x1  }
0x11f: {  	s9 =	simm.s32 $0x1100  }
0x120: {  	[tilespmem:s9], [sflag:$0x1] =	stream.indirect_vreg.gather [hbm4b:s1+s3], $0x80, v4, vm0, $0xb8;
	[tilespmem:$0x10200] =	vst v63  }
0x121: {  	s18 =	simm.s32 $0x1900  }
0x122: {  	[tilespmem:s18], [sflag:$0x1] =	stream.indirect_vreg.gather [hbm4b:s1+s3], $0x80, v3, vm0, $0xb8;
	[tilespmem:$0x10200] =	vst v63  }
0x123: {  	v3 =	vld [tilespmem:$0x20];
	_ =	sdelay $0x4  }
0x124: {  	v58 =	vshll.u32 v3, $0x1  }
0x125: {  	v3 =	vand.u32 $0x7, v3;
	v4 =	vand.u32 $0xFFFFFFF0, v58  }
0x126: {  	v3 =	vor.u32 v3, v4  }
0x127: {  	v4 =	vperm.xlane v3, v0;
	_ =	sdelay $0x1  }
0x128: {  	v3 =	vperm.xlane v3, v2;
	v4 =	vadd.s32 v1, v4;
	_ =	sdelay $0x1  }
0x129: {  	v3 =	vadd.s32 v1, v3;
	_ =	sdelay $0x1  }
0x12a: {  	s19 =	simm.s32 $0x2100  }
0x12b: {  	[tilespmem:s19], [sflag:$0x1] =	stream.indirect_vreg.gather [hbm4b:s1+s3], $0x80, v4, vm0, $0xb8;
	[tilespmem:$0x10200] =	vst v63  }
0x12c: {  	_ = 	snop  }
0x12d: {  	[tilespmem:s20], [sflag:$0x1] =	stream.indirect_vreg.gather [hbm4b:s1+s3], $0x80, v3, vm0, $0xb8;
	[tilespmem:$0x10200] =	vst v63  }
0x12e: {  	v3 =	vld [tilespmem:$0x30];
	_ =	sdelay $0x4  }
0x12f: {  	v59 =	vshll.u32 v3, $0x1  }
0x130: {  	v3 =	vand.u32 $0x7, v3;
	v4 =	vand.u32 $0xFFFFFFF0, v59  }
0x131: {  	v3 =	vor.u32 v3, v4  }
0x132: {  	v4 =	vperm.xlane v3, v0;
	_ =	sdelay $0x1  }
0x133: {  	v3 =	vperm.xlane v3, v2;
	v4 =	vadd.s32 v1, v4;
	_ =	sdelay $0x1  }
0x134: {  	v3 =	vadd.s32 v1, v3;
	_ =	sdelay $0x2  }
0x135: {  	[tilespmem:s21], [sflag:$0x1] =	stream.indirect_vreg.gather [hbm4b:s1+s3], $0x80, v4, vm0, $0xb8;
	[tilespmem:$0x10200] =	vst v63  }
0x136: {  	_ = 	snop  }
0x137: {  	[tilespmem:s22], [sflag:$0x1] =	stream.indirect_vreg.gather [hbm4b:s1+s3], $0x80, v3, vm0, $0xb8;
	[tilespmem:$0x10200] =	vst v63  }
0x138: {  	v3 =	vld [tilespmem:$0x80];
	_ =	sdelay $0x4  }
0x139: {  	v60 =	vshll.u32 v3, $0x1  }
0x13a: {  	v3 =	vand.u32 $0x7, v3;
	v4 =	vand.u32 $0xFFFFFFF0, v60  }
0x13b: {  	v3 =	vor.u32 v3, v4  }
0x13c: {  	v4 =	vperm.xlane v3, v0;
	_ =	sdelay $0x1  }
0x13d: {  	v3 =	vperm.xlane v3, v2;
	v4 =	vadd.s32 v1, v4;
	_ =	sdelay $0x1  }
0x13e: {  	v3 =	vadd.s32 v1, v3;
	_ =	sdelay $0x2  }
0x13f: {  	[tilespmem:s23], [sflag:$0x2] =	stream.indirect_vreg.gather [hbm4b:s1+s3], $0x80, v4, vm0, $0xb8;
	[tilespmem:$0x10200] =	vst v63  }
0x140: {  	_ = 	snop  }
0x141: {  	[tilespmem:s24], [sflag:$0x2] =	stream.indirect_vreg.gather [hbm4b:s1+s3], $0x80, v3, vm0, $0xb8;
	[tilespmem:$0x10200] =	vst v63  }
0x142: {  	v3 =	vld [tilespmem:$0x90];
	_ =	sdelay $0x4  }
0x143: {  	v61 =	vshll.u32 v3, $0x1  }
0x144: {  	v3 =	vand.u32 $0x7, v3;
	v4 =	vand.u32 $0xFFFFFFF0, v61  }
0x145: {  	v3 =	vor.u32 v3, v4  }
0x146: {  	v4 =	vperm.xlane v3, v0;
	_ =	sdelay $0x1  }
0x147: {  	v3 =	vperm.xlane v3, v2;
	v4 =	vadd.s32 v1, v4;
	_ =	sdelay $0x1  }
0x148: {  	v3 =	vadd.s32 v1, v3;
	_ =	sdelay $0x2  }
0x149: {  	[tilespmem:s25], [sflag:$0x2] =	stream.indirect_vreg.gather [hbm4b:s1+s3], $0x80, v4, vm0, $0xb8;
	[tilespmem:$0x10200] =	vst v63  }
0x14a: {  	_ = 	snop  }
0x14b: {  	[tilespmem:s26], [sflag:$0x2] =	stream.indirect_vreg.gather [hbm4b:s1+s3], $0x80, v3, vm0, $0xb8;
	[tilespmem:$0x10200] =	vst v63  }
0x14c: {  	v3 =	vld [tilespmem:$0xA0];
	_ =	sdelay $0x4  }
0x14d: {  	v62 =	vshll.u32 v3, $0x1  }
0x14e: {  	v3 =	vand.u32 $0x7, v3;
	v4 =	vand.u32 $0xFFFFFFF0, v62  }
0x14f: {  	v3 =	vor.u32 v3, v4  }
0x150: {  	v4 =	vperm.xlane v3, v0;
	_ =	sdelay $0x1  }
0x151: {  	v3 =	vperm.xlane v3, v2;
	v4 =	vadd.s32 v1, v4;
	_ =	sdelay $0x1  }
0x152: {  	v3 =	vadd.s32 v1, v3;
	_ =	sdelay $0x2  }
0x153: {  	[tilespmem:s28], [sflag:$0x2] =	stream.indirect_vreg.gather [hbm4b:s1+s3], $0x80, v4, vm0, $0xb8;
	[tilespmem:$0x10200] =	vst v63  }
0x154: {  	_ = 	snop  }
0x155: {  	[tilespmem:s29], [sflag:$0x2] =	stream.indirect_vreg.gather [hbm4b:s1+s3], $0x80, v3, vm0, $0xb8;
	[tilespmem:$0x10200] =	vst v63  }
0x156: {  	v3 =	vld [tilespmem:$0xB0];
	_ =	sdelay $0x4  }
0x157: {  	v63 =	vshll.u32 v3, $0x1  }
0x158: {  	v3 =	vand.u32 $0x7, v3;
	v4 =	vand.u32 $0xFFFFFFF0, v63  }
0x159: {  	v3 =	vor.u32 v3, v4  }
0x15a: {  	v4 =	vperm.xlane v3, v0;
	_ =	sdelay $0x1  }
0x15b: {  	v3 =	vperm.xlane v3, v2;
	v4 =	vadd.s32 v1, v4;
	_ =	sdelay $0x1  }
0x15c: {  	v3 =	vadd.s32 v1, v3  }
.Ltmp6:
0x15d: {  	_ = 	snop;
	(pc) =	sbr.rel .LBB2_6-.Ltmp6, $4  }
0x15e: {  	_ = 	snop  }
0x15f: {  	[tilespmem:s30], [sflag:$0x2] =	stream.indirect_vreg.gather [hbm4b:s1+s3], $0x80, v4, vm0, $0xb8;
	[tilespmem:$0x10200] =	vst v63  }
0x160: {  	_ = 	snop  }
0x161: {  	[tilespmem:s31], [sflag:$0x2] =	stream.indirect_vreg.gather [hbm4b:s1+s3], $0x80, v3, vm0, $0xb8;
	[tilespmem:$0x10200] =	vst v63  }
.LBB2_8:
0x162: {  	_ =	sfence.sel $0x180000  }
0x163: {  	[bflag:$0x0] =	sbarrier.arrive $0xFFFF  }
0x164: {  	_ =	strace $0x90000047  }
0x165: {  	s0 =	stileid.u32;
	[bflag:$0x2] =	sbarrier.arrive $0xFFFF  }
0x166: {  	p0 =	sne.s32 s0, $0x0;
	s0 =	rddreg [dreg:$0x3]  }
0x167: {  	s0 =	sadd.s32 @!p0 $0x100000, s0  }
0x168: {  	[sflag:s0] =	ssyncadd.tile.s32 @!p0 $0x1;
	_ =	shalt  }
.Lfunc_end2:
_tile_overlayer_lowered:
.L_overlay_start_2:
0x169: {  	(tag) =	ssettag $0x2  }
0x16a: {  	s0 =	rddreg [dreg:$0x0];
	s2 =	stileid.u32  }
0x16b: {  	s1 =	rddreg [dreg:$0x1];
	p0 =	sne.s32 s2, $0x0  }
0x16c: {  	s3 =	rddreg [dreg:$0x2];
	[bflag:$0x3] =	sbarrier.arrive $0xFFFF;
	s2 =	simm.s32 @!p0 $0x1C05  }
0x16d: {  	[timem:s3], [sflag:s2] =	dma.local @!p0 [hbm:s0], s1  }
0x16e: {  	s0 =	simm.s32 @!p0 $0x5  }
0x16f: {  	_ =	swait.ge @!p0 [sflag:s0], s1  }
0x170: {  	s1 =	ssub.s32 @!p0 $0x0, s1;
	[sflag:s0] =	ssyncset.done @!p0 $0x0  }
0x171: {  	[sflag:s0] =	ssyncadd.s32 @!p0 s1  }
0x172: {  	[bflag:$0x3] =	sbarrier.arrive $0xFFFF  }
0x173: {  	_ =	shalt  }

// kernel: kernel.9.cloned.1.call-start
scs
__scs_entry_jumppad:
0x0: {  	(pc) =	sbr.rel $0x88, $3  }
0x1: {  	(tag) =	ssettag $0x0;
	lr =	simm.s32 $0x1  }
0x2: {  	[smem:$0x3F9B] =	sst lr;
	_ =	strace $0xD0000000  }
0x3: {  	_ = 	snop  }
0x4: {  	_ = 	snop  }
0x5: {  	_ = 	snop  }
0x6: {  	_ = 	snop  }
0x7: {  	_ = 	snop  }
__scs_overlays_trampoline_lowered:
0x8: {  	[smem:$0x3FAA] =	sst s0  }
0x9: {  	[smem:$0x3FAB] =	sst s1  }
0xa: {  	[smem:$0x3FAC] =	sst s2  }
0xb: {  	[smem:$0x3FAD] =	sst s3  }
0xc: {  	[smem:$0x3FAE] =	sst s4  }
0xd: {  	[smem:$0x3FAF] =	sst s5  }
0xe: {  	[smem:$0x3FB0] =	sst s6  }
0xf: {  	[smem:$0x3FB1] =	sst s7  }
0x10: {  	[smem:$0x3FB2] =	sst s8  }
0x11: {  	[smem:$0x3FB3] =	sst s9;
	s0 =	simm.s32 @!p0 $0x0  }
0x12: {  	s1 =	sld [smem:$0x3F99];
	s0 =	simm.s32 @p0 $0x1  }
0x13: {  	[smem:$0x3FB4] =	sst s0;
	s0 =	simm.s32 @!p1 $0x0  }
0x14: {  	s2 =	sld [smem:$0x3F98];
	s0 =	simm.s32 @p1 $0x1  }
0x15: {  	[smem:$0x3FB5] =	sst s0;
	s0 =	simm.s32 @!p2 $0x0  }
0x16: {  	s3 =	sld [smem:$0x3FDB];
	s0 =	simm.s32 @p2 $0x1  }
0x17: {  	s4 =	simm.s32 $0x1BF5;
	[smem:$0x3FB7] =	sst s0  }
0x18: {  	s0 =	sld [smem:$0x3F9A];
	_ =	swait.ge [sflag:s4], $0x0  }
0x19: {  	s7 =	sld [smem:$0x3F9B]  }
0x1a: {  	s8 =	sadd.s32 $0xFFFFE003, lr  }
0x1b: {  	s9 =	sadd.s32 $0xFFFFFEF7, lr;
	s5 =	simm.s32 $0xFFFFFFFF;
	p2 =	slt.u32 s8, $0xFFFFF086  }
0x1c: {  	p1 =	slt.u32 s9, $0xF7A;
	s5 =	simm.s32 @!p2 $0x0  }
0x1d: {  	s5 =	simm.s32 @p1 $0x1;
	p0 =	seq.s32 s7, s2  }
0x1e: {  	s7 =	smul.u32 @!p0 $0xF7A, s2;
	p2 =	seq.s32 @!p0 s5, $0x0  }
0x1f: {  	s9 =	smul.u32 $0xF7A, s1;
	s8 =	simm.s32 @!p0 $0x1BF5;
	p2 =	por !p2, p0  }
0x20: {  	[sflag:s8] =	ssyncset.s32 @!p0 $0xFFFFF086;
	s6 =	sadd.s32 @!p0 s3, s7;
	s7 =	simm.s32 @!p0 $0x108  }
0x21: {  	s3 =	sadd.s32 s3, s9;
	s6 =	sadd.s32 @!p0 $0x88, s6;
	s7 =	simm.s32 @p2 $0x1082  }
0x22: {  	[simem:s7], [sflag:s8] =	dma.local @!p0 [hbm:s6], $0xF7A  }
0x23: {  	s9 =	sor.u32 $0xD0000000, s2;
	s6 =	simm.s32 $0x108;
	_ =	swait.ge @!p0 [sflag:s8], $0x0  }
0x24: {  	s3 =	sadd.s32 $0x88, s3;
	s6 =	simm.s32 @!p1 $0x1082;
	[sflag:s4] =	ssyncset.s32 $0xFFFFF086  }
0x25: {  	[simem:s6], [sflag:s4] =	dma.local [hbm:s3], $0xF7A  }
0x26: {  	[smem:$0x3F9B] =	sst s1;
	(tag) =	ssettag s2;
	_ =	strace s9  }
0x27: {  	s1 =	sld [smem:$0x3FAB]  }
0x28: {  	s2 =	sld [smem:$0x3FAC]  }
0x29: {  	s4 =	sld [smem:$0x3FAE]  }
0x2a: {  	p0 =	seq.s32 s5, $0x0;
	s5 =	sld [smem:$0x3FAF]  }
0x2b: {  	s6 =	sld [smem:$0x3FB0]  }
0x2c: {  	s7 =	sld [smem:$0x3FB1]  }
0x2d: {  	s3 =	simm.s32 $0x108;
	s8 =	sld [smem:$0x3FB2]  }
0x2e: {  	s3 =	simm.s32 @!p0 $0x1082;
	s9 =	sld [smem:$0x3FB3]  }
0x2f: {  	lr =	sadd.s32 s0, s3;
	s0 =	sld [smem:$0x3FAA]  }
0x30: {  	s3 =	sld [smem:$0x3FAD]  }
0x31: {  	[smem:$0x3FB6] =	sst s10  }
0x32: {  	s10 =	sld [smem:$0x3FB4];
	_ =	sdelay $0x3  }
0x33: {  	p0 =	seq.s32 s10, $0x1;
	s10 =	sld [smem:$0x3FB6];
	_ =	sdelay $0x3  }
0x34: {  	[smem:$0x3FB6] =	sst s10  }
0x35: {  	s10 =	sld [smem:$0x3FB5];
	_ =	sdelay $0x3  }
0x36: {  	p1 =	seq.s32 s10, $0x1;
	s10 =	sld [smem:$0x3FB6];
	_ =	sdelay $0x3  }
0x37: {  	[smem:$0x3FB6] =	sst s10  }
0x38: {  	s10 =	sld [smem:$0x3FB7]  }
0x39: {  	_ = 	snop;
	(pc) =	sbr.ind lr, $3  }
0x3a: {  	_ = 	snop  }
0x3b: {  	_ = 	snop  }
0x3c: {  	p2 =	seq.s32 s10, $0x1;
	s10 =	sld [smem:$0x3FB6]  }
0x3d: {  	_ =	shalt  }
0x3e: {  	_ =	shalt  }
0x3f: {  	_ =	shalt  }
0x40: {  	_ =	shalt  }
0x41: {  	_ =	shalt  }
0x42: {  	_ =	shalt  }
0x43: {  	_ =	shalt  }
0x44: {  	_ =	shalt  }
0x45: {  	_ =	shalt  }
0x46: {  	_ =	shalt  }
0x47: {  	_ =	shalt  }
0x48: {  	_ =	shalt  }
0x49: {  	_ =	shalt  }
0x4a: {  	_ =	shalt  }
0x4b: {  	_ =	shalt  }
0x4c: {  	_ =	shalt  }
0x4d: {  	_ =	shalt  }
0x4e: {  	_ =	shalt  }
0x4f: {  	_ =	shalt  }
0x50: {  	_ =	shalt  }
0x51: {  	_ =	shalt  }
0x52: {  	_ =	shalt  }
0x53: {  	_ =	shalt  }
0x54: {  	_ =	shalt  }
0x55: {  	_ =	shalt  }
0x56: {  	_ =	shalt  }
0x57: {  	_ =	shalt  }
0x58: {  	_ =	shalt  }
0x59: {  	_ =	shalt  }
0x5a: {  	_ =	shalt  }
0x5b: {  	_ =	shalt  }
0x5c: {  	_ =	shalt  }
0x5d: {  	_ =	shalt  }
0x5e: {  	_ =	shalt  }
0x5f: {  	_ =	shalt  }
0x60: {  	_ =	shalt  }
0x61: {  	_ =	shalt  }
0x62: {  	_ =	shalt  }
0x63: {  	_ =	shalt  }
0x64: {  	_ =	shalt  }
0x65: {  	_ =	shalt  }
0x66: {  	_ =	shalt  }
0x67: {  	_ =	shalt  }
0x68: {  	_ =	shalt  }
0x69: {  	_ =	shalt  }
0x6a: {  	_ =	shalt  }
0x6b: {  	_ =	shalt  }
0x6c: {  	_ =	shalt  }
0x6d: {  	_ =	shalt  }
0x6e: {  	_ =	shalt  }
0x6f: {  	_ =	shalt  }
0x70: {  	_ =	shalt  }
0x71: {  	_ =	shalt  }
0x72: {  	_ =	shalt  }
0x73: {  	_ =	shalt  }
0x74: {  	_ =	shalt  }
0x75: {  	_ =	shalt  }
0x76: {  	_ =	shalt  }
0x77: {  	_ =	shalt  }
0x78: {  	_ =	shalt  }
0x79: {  	_ =	shalt  }
0x7a: {  	_ =	shalt  }
0x7b: {  	_ =	shalt  }
0x7c: {  	_ =	shalt  }
0x7d: {  	_ =	shalt  }
0x7e: {  	_ =	shalt  }
0x7f: {  	_ =	shalt  }
0x80: {  	_ =	shalt  }
0x81: {  	_ =	shalt  }
0x82: {  	_ =	shalt  }
0x83: {  	_ =	shalt  }
0x84: {  	_ =	shalt  }
0x85: {  	_ =	shalt  }
0x86: {  	_ =	shalt  }
0x87: {  	_ =	shalt  }
.Lfunc_end0:
.L_simem_size_0:
called_computation.1_lowered:
.L_overlay_start_0:
0x88: {  	s2 =	sld [smem:$0x3FD9]  }
0x89: {  	s3 =	sld [smem:$0x3FFE];
	_ =	sdelay $0x1  }
0x8a: {  	s1 =	srdreg.scid  }
0x8b: {  	s0 =	sand.u32 $0x1, s1  }
0x8c: {  	s17 =	sshll.u32 s0, $0xA;
	s2 =	sadd.s32 s3, s2  }
0x8d: {  	s2 =	sadd.s32 s2, s17  }
0x8e: {  	[smem:$0x3FC2] =	sst s2  }
0x8f: {  	_ = 	snop  }
0x90: {  	s2 =	sld [smem:$0x3FD0];
	(tm) =	ssettm $0x1  }
0x91: {  	s18 =	sld [smem:$0x3FFB];
	_ =	sdelay $0x3  }
0x92: {  	_ =	strace s18  }
0x93: {  	s3 =	sld [smem:$0x3FFC];
	_ =	sdelay $0x3  }
0x94: {  	_ =	strace s3  }
0x95: {  	s3 =	sld [smem:$0x3FFD];
	_ =	sdelay $0x3  }
0x96: {  	_ =	strace s3  }
0x97: {  	_ =	strace $0x8FFFFFFF  }
0x98: {  	s19 =	sld [smem:$0x3FDB];
	_ =	sdelay $0x1  }
0x99: {  	s4 =	simm.s32 $_scs_section_size  }
0x9a: {  	s5 =	simm.s32 $_size__tile_overlayer_lowered;
	s6 =	simm.s32 $_tile_overlayer_lowered  }
0x9b: {  	s22 =	simm.s32 $0x1BFF;
	s21 =	sshll.u32 s6, $0x1;
	s3 =	sadd.s32 s4, s19  }
0x9c: {  	s7 =	simm.s32 $0x0;
	s20 =	sshll.u32 s5, $0x1;
	s5 =	sadd.s32 s21, s3  }
0x9d: {  	[timem:s7], [sflag:s22] =	dma.local [hbm:s5], s20  }
0x9e: {  	_ =	swait.ge [sflag:s22], s20  }
0x9f: {  	s4 =	ssub.s32 $0x0, s20;
	[sflag:s22] =	ssyncset.done $0x0  }
0xa0: {  	[sflag:s22] =	ssyncadd.s32 s4;
	_ =	sdelay $0x1  }
0xa1: {  	s23 =	simm.s32 $0x1B8B  }
0xa2: {  	_ =	swait.ge [sflag:s23], $0x1  }
0xa3: {  	[sflag:s23] =	ssyncset.done $0x0  }
0xa4: {  	s25 =	simm.s32 $0x1B8E;
	s24 =	sld [smem:$0x3FFE];
	[sflag:s23] =	ssyncadd.s32 $0xFFFFFFFF  }
0xa5: {  	s26 =	simm.s32 $execute0_lowered;
	[smem:$0x3FD2] =	sst s25  }
0xa6: {  	s5 =	sshll.u32 s26, $0x1;
	_ =	strace $0x80000049;
	[dreg:$0x1] =	wrdreg $0xFFFFFFFF  }
0xa7: {  	s28 =	simm.s32 $_size_execute0_lowered;
	s3 =	sadd.s32 s3, s5;
	[dreg:$0x0] =	wrdreg $0x0  }
0xa8: {  	s5 =	sshll.u32 s28, $0x1;
	[dreg:$0x2] =	wrdreg s3  }
0xa9: {  	[dreg:$0x3] =	wrdreg s5  }
0xaa: {  	[dreg:$0x4] =	wrdreg $0xC0  }
0xab: {  	_ =	task [dreg:s7], $0x5FFFF  }
0xac: {  	[dreg:$0x1] =	wrdreg $0xFFFFFFFF  }
0xad: {  	[dreg:$0x0] =	wrdreg $0x60  }
0xae: {  	[dreg:$0x2] =	wrdreg s24  }
0xaf: {  	[dreg:$0x3] =	wrdreg s2  }
0xb0: {  	[dreg:$0x4] =	wrdreg $0x9  }
0xb1: {  	_ =	task.clear_ibuf [dreg:s7], $0x5FFFF;
	_ =	strace $0x90000049  }
0xb2: {  	s29 =	simm.s32 $0x9;
	_ =	strace $0x8000004B  }
0xb3: {  	_ =	swait.ge [sflag:s29], $0x1  }
0xb4: {  	[sflag:s29] =	ssyncadd.s32 $0xFFFFFFFF  }
0xb5: {  	_ =	strace $0x9000004B  }
0xb6: {  	_ =	sfence  }
0xb7: {  	s30 =	sld [smem:$0x0];
	_ =	sdelay $0x2  }
0xb8: {  	s31 =	sshll.u32 s1, $0xD;
	s1 =	sshrl.u32 s1, $0x2  }
0xb9: {  	s3 =	sand.u32 $0x4000, s31;
	s1 =	sadd.s32 s1, s30  }
0xba: {  	s0 =	sor.u32 s3, s0;
	s1 =	sshll.u32 s1, $0x11  }
0xbb: {  	s0 =	sor.u32 s1, s0  }
0xbc: {  	s0 =	sadd.s32 $0x8F2B, s0  }
0xbd: {  	[sflag:s0] =	ssyncadd.remote.s32 $0x1  }
0xbe: {  	_ =	sfence.sel $0xFFFF  }
0xbf: {  	[dreg:$0x0] =	wrdreg $0xFFFFFFFF;
	(pc) =	sbr.abs _section_cstart, $3  }
0xc0: {  	[dreg:$0x1] =	wrdreg $0xFFFFFFFF  }
0xc1: {  	_ =	task.clear_ibuf [dreg:s7], $0x2FFFF;
	_ =	strace $0x9FFFFFFF  }
0xc2: {  	(tm) =	ssettm $0x7FFFFFFF  }
0xc3: {  	_ =	shalt  }
tec
execute0_lowered:
.L_overlay_start_1:
0x0: {  	(tag) =	ssettag $0x1  }
0x1: {  	s0 =	rddreg [dreg:$0x0];
	s1 =	srdreg.scid  }
0x2: {  	s3 =	stileid.u32;
	s2 =	rddreg [dreg:$0x1];
	s6 =	simm.s32 $0x0  }
0x3: {  	s15 =	simm.s32 $0x3F80;
	s16 =	simm.s32 $0x4780;
	s17 =	simm.s32 $0x4F80  }
0x4: {  	s18 =	simm.s32 $0x5780;
	s19 =	simm.s32 $0x5F80;
	s20 =	simm.s32 $0x6780  }
0x5: {  	s21 =	simm.s32 $0x6F80;
	s1 =	sand.u32 $0x1, s1;
	s3 =	sshll.u32 s3, $0x1  }
0x6: {  	s22 =	simm.s32 $0x7780;
	s23 =	simm.s32 $0x7F80;
	s3 =	sor.u32 s1, s3  }
0x7: {  	v2 =	vimm.s32 $0x0;
	v3 =	vimm.s32 $0x140;
	v5 =	vlaneseq.u32;
	s24 =	simm.s32 $0x1;
	[smem:$0x7FF] =	sst s6;
	s5 =	smul.u32 $0x140, s3  }
0x8: {  	v4 =	vimm.bf16 $0.0e+00;
	vm0 =	vmmov $0xffff;
	s4 =	sadd.s32 $0xC00, s0;
	v6 =	vor.u32 $0x10, v5;
	s1 =	ssub.s32 $0x2, s1;
	s3 =	smul.u32 $0x2800, s3  }
0x9: {  	v7 =	vor.u32 $0x20, v5;
	v8 =	vor.u32 $0x30, v5;
	v9 =	vor.u32 $0x40, v5;
	_ =	strace $0x8000004A;
	[dreg:$0x3] =	wrdreg s4;
	s30 =	sshrl.u32 s1, $0x1  }
0xa: {  	v10 =	vor.u32 $0x50, v5;
	v11 =	vor.u32 $0x60, v5;
	v12 =	vor.u32 $0x70, v5;
	s4 =	sadd.s32 $0x9C9C00, s0;
	s0 =	ssub.s32 s1, s30;
	s2 =	sadd.s32 s2, s3  }
0xb: {  	v13 =	vand.u32 $0x7, v5;
	v14 =	vshrl.u32 v5, $0x3;
	v15 =	vor.u32 $0x8, v5;
	s31 =	sadd.s32 $0x140, s5;
	s0 =	smax.u32 s0, $0x1;
	[dreg:$0x4] =	wrdreg s2  }
0xc: {  	s28 =	simm.s32 $0x0;
	v14 =	vmul.u32 $0x8, v14;
	v0 =	vmov s5;
	[dreg:$0x5] =	wrdreg s0;
	v1 =	vmov s31;
	s2 =	simm.s32 $0x0  }
.LBB2_1:
0xd: {  	[tilespmem:$0x680] =	vst v2  }
0xe: {  	[tilespmem:$0x700] =	vst v3  }
0xf: {  	[tilespmem:$0x690] =	vst v2  }
0x10: {  	[tilespmem:$0x710] =	vst v3  }
0x11: {  	[tilespmem:$0x6A0] =	vst v2  }
0x12: {  	[tilespmem:$0x720] =	vst v3  }
0x13: {  	[tilespmem:$0x6B0] =	vst v2  }
0x14: {  	[tilespmem:$0x730] =	vst v3  }
0x15: {  	[tilespmem:$0x6C0] =	vst v2  }
0x16: {  	[tilespmem:$0x740] =	vst v3  }
0x17: {  	[tilespmem:$0x6D0] =	vst v2  }
0x18: {  	[tilespmem:$0x750] =	vst v3  }
0x19: {  	[tilespmem:$0x6E0] =	vst v2  }
0x1a: {  	[tilespmem:$0x760] =	vst v3;
	s0 =	sand.u32 $0x3FF00, s6;
	s1 =	sand.u32 $0xC0, s6  }
0x1b: {  	[tilespmem:$0x6F0] =	vst v2;
	s0 =	sor.u32 s1, s0  }
0x1c: {  	[dreg:$0x6] =	wrdreg s2;
	[tilespmem:$0x770] =	vst v3;
	s1 =	sshrl.u32 s0, $0x1  }
0x1d: {  	s2 =	simm.s32 $0x0;
	s0 =	simm.s32 $0x1;
	[tilespmem:s1+$0x8780] =	vst v4;
	s1 =	simm.s32 $0x20  }
.LBB2_2:
0x1e: {  	s3 =	sand.u32 $0x3FF00, s1;
	s2 =	sadd.s32 $0x40, s2;
	p0 =	sne.s32 s0, $0x140F  }
.Ltmp0:
0x1f: {  	s0 =	sadd.s32 $0x1, s0;
	s5 =	sand.u32 $0xC0, s2;
	(pc) =	sbr.rel @p0 .LBB2_2-.Ltmp0, $4  }
0x20: {  	s3 =	sor.u32 s5, s3  }
0x21: {  	s3 =	sshrl.u32 s3, $0x1  }
0x22: {  	[tilespmem:s3+$0x8780] =	vst v4  }
0x23: {  	s1 =	sadd.s32 $0x20, s1  }
.Ltmp1:
0x24: {  	(pc) =	sbr.rel .LBB2_4-.Ltmp1, $2  }
0x25: {  	_ =	sdelay $0x2  }
0x26: {  	s0 =	simm.s32 $0x0;
	s29 =	simm.s32 $0x0  }
.LBB2_43:
0x27: {  	s29 =	sadd.s32 $0x1, s29  }
0x28: {  	p0 =	sne.s32 s29, $0x64  }
.Ltmp2:
0x29: {  	_ = 	snop;
	(pc) =	sbr.rel @!p0 .LBB2_44-.Ltmp2, $1  }
0x2a: {  	_ =	sdelay $0x3  }
.LBB2_4:
0x2b: {  	s30 =	smul.u32 $0x640, s29;
	_ =	sdelay $0x1  }
0x2c: {  	s2 =	rddreg [dreg:$0x3];
	s1 =	sshrl.u32 s30, $0x3  }
.Ltmp3:
0x2d: {  	s26 =	simm.s32 $0x2;
	s1 =	sadd.s32 s2, s1;
	(pc) =	sbr.rel .LBB2_5-.Ltmp3, $4  }
0x2e: {  	[tilespmem:s28], [sflag:$0x2] =	stream.linear.gather [hbm4b:s1+s28], $0x640, $0x38;
	[tilespmem:$0x1C880] =	vst v63  }
0x2f: {  	_ =	swait.ge [sflag:s26], $0x640  }
0x30: {  	[sflag:s26] =	ssyncset.done $0x0  }
0x31: {  	s31 =	simm.s32 $0x0;
	[sflag:s26] =	ssyncadd.s32 $0xFFFFF9C0  }
.LBB2_6:
0x32: {  	s1 =	smov.u32 @p0 s0  }
0x33: {  	s0 =	smov.u32 s1  }
.LBB2_42:
0x34: {  	s31 =	sadd.s32 $0x1, s31  }
0x35: {  	p0 =	sne.s32 s31, $0x64  }
.Ltmp4:
0x36: {  	_ = 	snop;
	(pc) =	sbr.rel @!p0 .LBB2_43-.Ltmp4, $1  }
0x37: {  	_ =	sdelay $0x3  }
.LBB2_5:
0x38: {  	s1 =	sshll.u32 s31, $0x4  }
0x39: {  	v16 =	vld [tilespmem:s1+$0x0];
	_ =	sdelay $0x4  }
0x3a: {  	vm1 =	vge.s32 v16, v0;
	vm2 =	vlt.s32 v16, v1  }
0x3b: {  	vm1 =	vmand vm1, vm2  }
0x3c: {  	v17 =	vsel vm1, $0x1, v2  }
0x3d: {  	(xrf0) =	vadd.scan.msk.s32 $0xffff, v17;
	_ =	sdelay $0x5  }
0x3e: {  	v17, _, _ =	vpop (xrf0)  }
0x3f: {  	(v2sf) =	vpush v17, $0xF;
	_ =	sdelay $0xe  }
0x40: {  	s2 =	spop (v2sf)  }
0x41: {  	p0 =	slt.s32 s2, $0x1  }
0x42: {  	v18 =	vmov @!p0 s0  }
0x43: {  	v18 =	vadd.s32 @!p0 $0xFFFFFFFF, v18  }
0x44: {  	v18 =	vbroadcast @!p0 v18, $0x0  }
0x45: {  	s3 =	sadd.s32 @!p0 s30, s1;
	s1 =	sadd.s32 @!p0 s0, s2  }
0x46: {  	p1 =	slt.s32 @!p0 s1, $0x70;
	v17 =	vadd.s32 @!p0 v17, v18  }
0x47: {  	p1 =	por p0, p1  }
.Ltmp5:
0x48: {  	_ = 	snop;
	(pc) =	sbr.rel @p1 .LBB2_6-.Ltmp5, $4  }
0x49: {  	v18 =	vlaneseq.u32 @!p0  }
0x4a: {  	s2 =	simm.s32 @!p0 $0x680;
	v18 =	vor.u32 @!p0 s3, v18  }
0x4b: {  	v16 =	vsub.s32 @!p0 v16, v0;
	[tilespmem:v17+s2+$0x0] =	vst.idx.msk @!p0 vm1, v18;
	s2 =	simm.s32 @!p0 $0x700  }
0x4c: {  	[tilespmem:v17+s2+$0x0] =	vst.idx.msk @!p0 vm1, v16  }
0x4d: {  	v16 =	vld [tilespmem:$0x700]  }
0x4e: {  	v17 =	vld [tilespmem:$0x680]  }
0x4f: {  	v18 =	vld [tilespmem:$0x710]  }
0x50: {  	v19 =	vld [tilespmem:$0x720]  }
0x51: {  	v20 =	vmov s1;
	v21 =	vld [tilespmem:$0x730]  }
0x52: {  	v22 =	vld [tilespmem:$0x740];
	vm1 =	vgt.s32 v20, v5  }
0x53: {  	vm2 =	vgt.s32 v20, v7;
	v16 =	vnsel vm1, $0x140, v16;
	v23 =	vshll.u32 v17, $0x1  }
0x54: {  	v24 =	vld [tilespmem:$0x750];
	vm1 =	vgt.s32 v20, v6;
	v17 =	vand.u32 $0x7, v17;
	v23 =	vand.u32 $0xFFFFFFF0, v23  }
0x55: {  	v59 =	vld [tilespmem:$0x760];
	v58 =	vnsel vm2, $0x140, v19;
	[tilespmem:$0x700] =	vst v16;
	v16 =	vnsel vm1, $0x140, v18;
	v17 =	vor.u32 v17, v23  }
0x56: {  	vm2 =	vgt.s32 v20, v9;
	vm1 =	vgt.s32 v20, v8;
	[tilespmem:$0x710] =	vst v16;
	v16 =	vld [tilespmem:$0x770];
	v23 =	vperm.xlane v17, v13  }
0x57: {  	[tilespmem:$0x720] =	vst v58;
	v60 =	vnsel vm2, $0x140, v22;
	v21 =	vnsel vm1, $0x140, v21  }
0x58: {  	vm1 =	vgt.s32 v20, v10;
	[tilespmem:$0x740] =	vst v60;
	v17 =	vperm.xlane v17, v15;
	v61 =	vadd.s32 v14, v23  }
0x59: {  	[tilespmem:$0x730] =	vst v21;
	v62 =	vnsel vm1, $0x140, v24;
	vm1 =	vgt.s32 v20, v11  }
0x5a: {  	[tilespmem:$0x750] =	vst v62;
	v63 =	vnsel vm1, $0x140, v59;
	vm1 =	vgt.s32 v20, v12;
	v17 =	vadd.s32 v14, v17  }
0x5b: {  	[tilespmem:$0x760] =	vst v63;
	v16 =	vnsel vm1, $0x140, v16  }
0x5c: {  	s0 =	simm.s32 $0x0;
	s2 =	simm.s32 $0x780;
	[tilespmem:$0x770] =	vst v16  }
0x5d: {  	[tilespmem:s2], [sflag:$0x1] =	stream.indirect_vreg.gather [hbm4b:s4+s0], $0x80, v61, vm0, $0xb8;
	[tilespmem:$0x1C880] =	vst v63  }
0x5e: {  	s11 =	simm.s32 $0xF80  }
0x5f: {  	[tilespmem:s11], [sflag:$0x1] =	stream.indirect_vreg.gather [hbm4b:s4+s0], $0x80, v17, vm0, $0xb8;
	[tilespmem:$0x1C880] =	vst v63  }
0x60: {  	v16 =	vld [tilespmem:$0x690];
	_ =	sdelay $0x4  }
0x61: {  	v17 =	vshll.u32 v16, $0x1  }
0x62: {  	v16 =	vand.u32 $0x7, v16;
	v17 =	vand.u32 $0xFFFFFFF0, v17  }
0x63: {  	v16 =	vor.u32 v16, v17  }
0x64: {  	v17 =	vperm.xlane v16, v13;
	_ =	sdelay $0x1  }
0x65: {  	v16 =	vperm.xlane v16, v15;
	v17 =	vadd.s32 v14, v17;
	_ =	sdelay $0x1  }
0x66: {  	v16 =	vadd.s32 v14, v16;
	_ =	sdelay $0x1  }
0x67: {  	s12 =	simm.s32 $0x1780  }
0x68: {  	[tilespmem:s12], [sflag:$0x1] =	stream.indirect_vreg.gather [hbm4b:s4+s0], $0x80, v17, vm0, $0xb8;
	[tilespmem:$0x1C880] =	vst v63  }
0x69: {  	s13 =	simm.s32 $0x1F80  }
0x6a: {  	[tilespmem:s13], [sflag:$0x1] =	stream.indirect_vreg.gather [hbm4b:s4+s0], $0x80, v16, vm0, $0xb8;
	[tilespmem:$0x1C880] =	vst v63  }
0x6b: {  	v16 =	vld [tilespmem:$0x6A0];
	_ =	sdelay $0x4  }
0x6c: {  	v17 =	vshll.u32 v16, $0x1  }
0x6d: {  	v16 =	vand.u32 $0x7, v16;
	v17 =	vand.u32 $0xFFFFFFF0, v17  }
0x6e: {  	v16 =	vor.u32 v16, v17  }
0x6f: {  	v17 =	vperm.xlane v16, v13;
	_ =	sdelay $0x1  }
0x70: {  	v16 =	vperm.xlane v16, v15;
	v17 =	vadd.s32 v14, v17;
	_ =	sdelay $0x1  }
0x71: {  	v16 =	vadd.s32 v14, v16;
	_ =	sdelay $0x1  }
0x72: {  	s14 =	simm.s32 $0x2780  }
0x73: {  	[tilespmem:s14], [sflag:$0x1] =	stream.indirect_vreg.gather [hbm4b:s4+s0], $0x80, v17, vm0, $0xb8;
	[tilespmem:$0x1C880] =	vst v63  }
0x74: {  	s25 =	simm.s32 $0x2F80  }
0x75: {  	[tilespmem:s25], [sflag:$0x1] =	stream.indirect_vreg.gather [hbm4b:s4+s0], $0x80, v16, vm0, $0xb8;
	[tilespmem:$0x1C880] =	vst v63  }
0x76: {  	v16 =	vld [tilespmem:$0x6B0];
	_ =	sdelay $0x4  }
0x77: {  	v17 =	vshll.u32 v16, $0x1  }
0x78: {  	v16 =	vand.u32 $0x7, v16;
	v17 =	vand.u32 $0xFFFFFFF0, v17  }
0x79: {  	v16 =	vor.u32 v16, v17  }
0x7a: {  	v17 =	vperm.xlane v16, v13;
	_ =	sdelay $0x1  }
0x7b: {  	v16 =	vperm.xlane v16, v15;
	v17 =	vadd.s32 v14, v17;
	_ =	sdelay $0x1  }
0x7c: {  	v16 =	vadd.s32 v14, v16;
	_ =	sdelay $0x1  }
0x7d: {  	s26 =	simm.s32 $0x3780  }
0x7e: {  	[tilespmem:s26], [sflag:$0x1] =	stream.indirect_vreg.gather [hbm4b:s4+s0], $0x80, v17, vm0, $0xb8;
	[tilespmem:$0x1C880] =	vst v63  }
0x7f: {  	_ = 	snop  }
0x80: {  	[tilespmem:s15], [sflag:$0x1] =	stream.indirect_vreg.gather [hbm4b:s4+s0], $0x80, v16, vm0, $0xb8;
	[tilespmem:$0x1C880] =	vst v63  }
0x81: {  	v16 =	vld [tilespmem:$0x6C0];
	_ =	sdelay $0x4  }
0x82: {  	v17 =	vshll.u32 v16, $0x1  }
0x83: {  	v16 =	vand.u32 $0x7, v16;
	v17 =	vand.u32 $0xFFFFFFF0, v17  }
0x84: {  	v16 =	vor.u32 v16, v17  }
0x85: {  	v17 =	vperm.xlane v16, v13;
	_ =	sdelay $0x1  }
0x86: {  	v16 =	vperm.xlane v16, v15;
	v17 =	vadd.s32 v14, v17;
	_ =	sdelay $0x1  }
0x87: {  	v16 =	vadd.s32 v14, v16;
	_ =	sdelay $0x2  }
0x88: {  	[tilespmem:s16], [sflag:$0x1] =	stream.indirect_vreg.gather [hbm4b:s4+s0], $0x80, v17, vm0, $0xb8;
	[tilespmem:$0x1C880] =	vst v63  }
0x89: {  	_ = 	snop  }
0x8a: {  	[tilespmem:s17], [sflag:$0x1] =	stream.indirect_vreg.gather [hbm4b:s4+s0], $0x80, v16, vm0, $0xb8;
	[tilespmem:$0x1C880] =	vst v63  }
0x8b: {  	v16 =	vld [tilespmem:$0x6D0];
	_ =	sdelay $0x4  }
0x8c: {  	v17 =	vshll.u32 v16, $0x1  }
0x8d: {  	v16 =	vand.u32 $0x7, v16;
	v17 =	vand.u32 $0xFFFFFFF0, v17  }
0x8e: {  	v16 =	vor.u32 v16, v17  }
0x8f: {  	v17 =	vperm.xlane v16, v13;
	_ =	sdelay $0x1  }
0x90: {  	v16 =	vperm.xlane v16, v15;
	v17 =	vadd.s32 v14, v17;
	_ =	sdelay $0x1  }
0x91: {  	v16 =	vadd.s32 v14, v16;
	_ =	sdelay $0x2  }
0x92: {  	[tilespmem:s18], [sflag:$0x1] =	stream.indirect_vreg.gather [hbm4b:s4+s0], $0x80, v17, vm0, $0xb8;
	[tilespmem:$0x1C880] =	vst v63  }
0x93: {  	_ = 	snop  }
0x94: {  	[tilespmem:s19], [sflag:$0x1] =	stream.indirect_vreg.gather [hbm4b:s4+s0], $0x80, v16, vm0, $0xb8;
	[tilespmem:$0x1C880] =	vst v63  }
0x95: {  	v16 =	vld [tilespmem:$0x6E0];
	_ =	sdelay $0x4  }
0x96: {  	v17 =	vshll.u32 v16, $0x1  }
0x97: {  	v16 =	vand.u32 $0x7, v16;
	v17 =	vand.u32 $0xFFFFFFF0, v17  }
0x98: {  	v16 =	vor.u32 v16, v17  }
0x99: {  	v17 =	vperm.xlane v16, v13;
	_ =	sdelay $0x1  }
0x9a: {  	v16 =	vperm.xlane v16, v15;
	v17 =	vadd.s32 v14, v17;
	_ =	sdelay $0x1  }
0x9b: {  	v16 =	vadd.s32 v14, v16;
	_ =	sdelay $0x2  }
0x9c: {  	[tilespmem:s20], [sflag:$0x1] =	stream.indirect_vreg.gather [hbm4b:s4+s0], $0x80, v17, vm0, $0xb8;
	[tilespmem:$0x1C880] =	vst v63  }
0x9d: {  	_ = 	snop  }
0x9e: {  	[tilespmem:s21], [sflag:$0x1] =	stream.indirect_vreg.gather [hbm4b:s4+s0], $0x80, v16, vm0, $0xb8;
	[tilespmem:$0x1C880] =	vst v63  }
0x9f: {  	v16 =	vld [tilespmem:$0x6F0];
	_ =	sdelay $0x4  }
0xa0: {  	v17 =	vshll.u32 v16, $0x1  }
0xa1: {  	v16 =	vand.u32 $0x7, v16;
	v17 =	vand.u32 $0xFFFFFFF0, v17  }
0xa2: {  	v16 =	vor.u32 v16, v17  }
0xa3: {  	v17 =	vperm.xlane v16, v13;
	_ =	sdelay $0x1  }
0xa4: {  	v16 =	vperm.xlane v16, v15;
	v17 =	vadd.s32 v14, v17;
	_ =	sdelay $0x1  }
0xa5: {  	v16 =	vadd.s32 v14, v16;
	_ =	sdelay $0x2  }
0xa6: {  	[tilespmem:s22], [sflag:$0x1] =	stream.indirect_vreg.gather [hbm4b:s4+s0], $0x80, v17, vm0, $0xb8;
	[tilespmem:$0x1C880] =	vst v63  }
0xa7: {  	_ = 	snop  }
0xa8: {  	[tilespmem:s23], [sflag:$0x1] =	stream.indirect_vreg.gather [hbm4b:s4+s0], $0x80, v16, vm0, $0xb8;
	[tilespmem:$0x1C880] =	vst v63  }
0xa9: {  	p1 =	sgt.s32 @!p0 s1, $0x6F;
	_ =	swait.ge [sflag:s24], $0x8000  }
0xaa: {  	p0 =	por !p1, p0;
	[sflag:s24] =	ssyncset.done $0x0  }
0xab: {  	s1 =	simm.s32 @!p0 $0x0;
	s25 =	simm.s32 $0x0;
	[sflag:s24] =	ssyncadd.s32 $0xFFFF8000  }
.LBB2_8:
0xac: {  	s2 =	sshll.u32 s25, $0x4  }
0xad: {  	s2 =	sand.u32 $0x3FFFFFF0, s2  }
0xae: {  	v16 =	vld [tilespmem:s2+$0x700];
	_ =	sdelay $0x4  }
0xaf: {  	(v2sf) =	vpush v16, $0x0;
	_ =	sdelay $0xd  }
0xb0: {  	s3 =	sshll.u32 s25, $0xC  }
0xb1: {  	s26 =	sand.u32 $0x100, s0;
	s7 =	sand.u32 $0x400, s0;
	s14 =	spop (v2sf)  }
0xb2: {  	s8 =	sand.u32 $0xC0, s0;
	s6 =	sand.u32 $0x3FFFF000, s3;
	s2 =	sshll.u32 s14, $0xA  }
0xb3: {  	s9 =	sand.u32 $0x70, s0;
	s5 =	sor.u32 $0x780, s6;
	s2 =	sshra.s32 s2, $0x2  }
0xb4: {  	s3 =	sshrl.u32 s26, $0x1;
	s7 =	sadd.s32 s7, s5;
	s2 =	sadd.s32 $0x8780, s2  }
0xb5: {  	s8 =	sshrl.u32 s8, $0x1;
	s10 =	sadd.s32 s9, s7;
	s3 =	sadd.s32 s3, s2  }
0xb6: {  	v18 =	vld [tilespmem:s10+$0x0];
	s26 =	sadd.s32 s8, s3  }
0xb7: {  	v17 =	vld [tilespmem:s26+$0x0];
	_ =	sdelay $0x1  }
0xb8: {  	s9 =	simm.s32 $0x80;
	s7 =	simm.s32 $0x10;
	s8 =	simm.s32 $0x20  }
0xb9: {  	s11 =	sand.u32 $0x400, s9;
	s3 =	simm.s32 $0x40;
	s13 =	sand.u32 $0x100, s8  }
0xba: {  	s10 =	simm.s32 $0x2;
	s12 =	sand.u32 $0xC0, s3;
	s13 =	sshrl.u32 s13, $0x1  }
.LBB2_9:
0xbb: {  	p0 =	sne.s32 s10, $0xF;
	s13 =	sadd.s32 s13, s2;
	s12 =	sshrl.u32 s12, $0x1;
	v17 =	vmax.bf16 v17, v18  }
0xbc: {  	s14 =	sand.u32 $0x70, s7;
	s11 =	sadd.s32 s11, s5;
	[tilespmem:s26+$0x0] =	vst v17;
	s26 =	sadd.s32 s12, s13  }
0xbd: {  	s11 =	sadd.s32 s14, s11;
	v17 =	vld [tilespmem:s26+$0x0]  }
.Ltmp6:
0xbe: {  	v18 =	vld [tilespmem:s11+$0x0];
	(pc) =	sbr.rel @p0 .LBB2_9-.Ltmp6, $4  }
0xbf: {  	_ = 	snop  }
0xc0: {  	s3 =	sadd.s32 $0x40, s3;
	s8 =	sadd.s32 $0x20, s8;
	s9 =	sadd.s32 $0x80, s9  }
0xc1: {  	s7 =	sadd.s32 $0x10, s7;
	s13 =	sand.u32 $0x100, s8;
	s11 =	sand.u32 $0x400, s9  }
0xc2: {  	s10 =	sadd.s32 $0x1, s10;
	s12 =	sand.u32 $0xC0, s3;
	s13 =	sshrl.u32 s13, $0x1  }
0xc3: {  	(v2sf) =	vpush v16, $0x1;
	_ =	sdelay $0x9  }
0xc4: {  	s2 =	sadd.s32 s13, s2;
	s3 =	sshrl.u32 s12, $0x1;
	v17 =	vmax.bf16 v17, v18  }
0xc5: {  	s7 =	sand.u32 $0x70, s7;
	s8 =	sadd.s32 s11, s5;
	s3 =	sadd.s32 s3, s2;
	[tilespmem:s26+$0x0] =	vst v17  }
0xc6: {  	s8 =	sadd.s32 s7, s8;
	v17 =	vld [tilespmem:s3+$0x0]  }
0xc7: {  	v18 =	vld [tilespmem:s8+$0x0];
	_ =	sdelay $0x1  }
0xc8: {  	s11 =	simm.s32 $0x0;
	s9 =	spop (v2sf)  }
0xc9: {  	s12 =	sand.u32 $0x100, s11;
	s7 =	sand.u32 $0x70, s11;
	s10 =	sshll.u32 s9, $0xA  }
0xca: {  	s8 =	sshrl.u32 s12, $0x1;
	s9 =	sand.u32 $0x400, s11;
	s2 =	sshra.s32 s10, $0x2  }
0xcb: {  	v17 =	vmax.bf16 v17, v18;
	s10 =	sand.u32 $0xC0, s11;
	s9 =	sadd.s32 s9, s5;
	s2 =	sadd.s32 $0x8780, s2  }
0xcc: {  	[tilespmem:s3+$0x0] =	vst v17;
	s10 =	sshrl.u32 s10, $0x1;
	s13 =	sadd.s32 s7, s9;
	s8 =	sadd.s32 s8, s2  }
0xcd: {  	v18 =	vld [tilespmem:s13+$0x80];
	s26 =	sadd.s32 s10, s8  }
0xce: {  	v17 =	vld [tilespmem:s26+$0x0]  }
0xcf: {  	s3 =	simm.s32 $0x40  }
0xd0: {  	s12 =	sand.u32 $0xC0, s3;
	s8 =	simm.s32 $0x20  }
0xd1: {  	s9 =	simm.s32 $0x80;
	s7 =	simm.s32 $0x10;
	s14 =	sand.u32 $0x100, s8  }
0xd2: {  	s11 =	sand.u32 $0x400, s9;
	s10 =	simm.s32 $0x2;
	s13 =	sshrl.u32 s14, $0x1  }
.LBB2_11:
0xd3: {  	p0 =	sne.s32 s10, $0xF;
	s13 =	sadd.s32 s13, s2;
	s12 =	sshrl.u32 s12, $0x1;
	v17 =	vmax.bf16 v17, v18  }
0xd4: {  	s14 =	sand.u32 $0x70, s7;
	s11 =	sadd.s32 s11, s5;
	[tilespmem:s26+$0x0] =	vst v17;
	s26 =	sadd.s32 s12, s13  }
0xd5: {  	s11 =	sadd.s32 s14, s11;
	v17 =	vld [tilespmem:s26+$0x0]  }
.Ltmp7:
0xd6: {  	v18 =	vld [tilespmem:s11+$0x80];
	(pc) =	sbr.rel @p0 .LBB2_11-.Ltmp7, $4  }
0xd7: {  	_ = 	snop  }
0xd8: {  	s3 =	sadd.s32 $0x40, s3;
	s8 =	sadd.s32 $0x20, s8;
	s9 =	sadd.s32 $0x80, s9  }
0xd9: {  	s7 =	sadd.s32 $0x10, s7;
	s13 =	sand.u32 $0x100, s8;
	s11 =	sand.u32 $0x400, s9  }
0xda: {  	s10 =	sadd.s32 $0x1, s10;
	s12 =	sand.u32 $0xC0, s3;
	s13 =	sshrl.u32 s13, $0x1  }
0xdb: {  	(v2sf) =	vpush v16, $0x2;
	_ =	sdelay $0x9  }
0xdc: {  	s2 =	sadd.s32 s13, s2;
	s3 =	sshrl.u32 s12, $0x1;
	v17 =	vmax.bf16 v17, v18  }
0xdd: {  	s7 =	sand.u32 $0x70, s7;
	s8 =	sadd.s32 s11, s5;
	s3 =	sadd.s32 s3, s2;
	[tilespmem:s26+$0x0] =	vst v17  }
0xde: {  	s8 =	sadd.s32 s7, s8;
	v17 =	vld [tilespmem:s3+$0x0]  }
0xdf: {  	v18 =	vld [tilespmem:s8+$0x80];
	_ =	sdelay $0x1  }
0xe0: {  	s11 =	simm.s32 $0x0;
	s9 =	spop (v2sf)  }
0xe1: {  	s12 =	sand.u32 $0x100, s11;
	s7 =	sand.u32 $0x70, s11;
	s10 =	sshll.u32 s9, $0xA  }
0xe2: {  	s8 =	sshrl.u32 s12, $0x1;
	s9 =	sand.u32 $0x400, s11;
	s2 =	sshra.s32 s10, $0x2  }
0xe3: {  	v17 =	vmax.bf16 v17, v18;
	s10 =	sand.u32 $0xC0, s11;
	s9 =	sadd.s32 s9, s5;
	s2 =	sadd.s32 $0x8780, s2  }
0xe4: {  	[tilespmem:s3+$0x0] =	vst v17;
	s10 =	sshrl.u32 s10, $0x1;
	s13 =	sadd.s32 s7, s9;
	s8 =	sadd.s32 s8, s2  }
0xe5: {  	v18 =	vld [tilespmem:s13+$0x100];
	s26 =	sadd.s32 s10, s8  }
0xe6: {  	v17 =	vld [tilespmem:s26+$0x0]  }
0xe7: {  	s3 =	simm.s32 $0x40  }
0xe8: {  	s12 =	sand.u32 $0xC0, s3;
	s8 =	simm.s32 $0x20  }
0xe9: {  	s9 =	simm.s32 $0x80;
	s7 =	simm.s32 $0x10;
	s14 =	sand.u32 $0x100, s8  }
0xea: {  	s11 =	sand.u32 $0x400, s9;
	s10 =	simm.s32 $0x2;
	s13 =	sshrl.u32 s14, $0x1  }
.LBB2_13:
0xeb: {  	p0 =	sne.s32 s10, $0xF;
	s13 =	sadd.s32 s13, s2;
	s12 =	sshrl.u32 s12, $0x1;
	v17 =	vmax.bf16 v17, v18  }
0xec: {  	s14 =	sand.u32 $0x70, s7;
	s11 =	sadd.s32 s11, s5;
	[tilespmem:s26+$0x0] =	vst v17;
	s26 =	sadd.s32 s12, s13  }
0xed: {  	s11 =	sadd.s32 s14, s11;
	v17 =	vld [tilespmem:s26+$0x0]  }
.Ltmp8:
0xee: {  	v18 =	vld [tilespmem:s11+$0x100];
	(pc) =	sbr.rel @p0 .LBB2_13-.Ltmp8, $4  }
0xef: {  	_ = 	snop  }
0xf0: {  	s3 =	sadd.s32 $0x40, s3;
	s8 =	sadd.s32 $0x20, s8;
	s9 =	sadd.s32 $0x80, s9  }
0xf1: {  	s7 =	sadd.s32 $0x10, s7;
	s13 =	sand.u32 $0x100, s8;
	s11 =	sand.u32 $0x400, s9  }
0xf2: {  	s10 =	sadd.s32 $0x1, s10;
	s12 =	sand.u32 $0xC0, s3;
	s13 =	sshrl.u32 s13, $0x1  }
0xf3: {  	(v2sf) =	vpush v16, $0x3;
	_ =	sdelay $0x9  }
0xf4: {  	s2 =	sadd.s32 s13, s2;
	s3 =	sshrl.u32 s12, $0x1;
	v17 =	vmax.bf16 v17, v18  }
0xf5: {  	s7 =	sand.u32 $0x70, s7;
	s8 =	sadd.s32 s11, s5;
	s3 =	sadd.s32 s3, s2;
	[tilespmem:s26+$0x0] =	vst v17  }
0xf6: {  	s8 =	sadd.s32 s7, s8;
	v17 =	vld [tilespmem:s3+$0x0]  }
0xf7: {  	v18 =	vld [tilespmem:s8+$0x100];
	_ =	sdelay $0x1  }
0xf8: {  	s11 =	simm.s32 $0x0;
	s9 =	spop (v2sf)  }
0xf9: {  	s12 =	sand.u32 $0x100, s11;
	s7 =	sand.u32 $0x70, s11;
	s10 =	sshll.u32 s9, $0xA  }
0xfa: {  	s8 =	sshrl.u32 s12, $0x1;
	s9 =	sand.u32 $0x400, s11;
	s2 =	sshra.s32 s10, $0x2  }
0xfb: {  	v17 =	vmax.bf16 v17, v18;
	s10 =	sand.u32 $0xC0, s11;
	s9 =	sadd.s32 s9, s5;
	s2 =	sadd.s32 $0x8780, s2  }
0xfc: {  	[tilespmem:s3+$0x0] =	vst v17;
	s10 =	sshrl.u32 s10, $0x1;
	s13 =	sadd.s32 s7, s9;
	s8 =	sadd.s32 s8, s2  }
0xfd: {  	v18 =	vld [tilespmem:s13+$0x180];
	s26 =	sadd.s32 s10, s8  }
0xfe: {  	v17 =	vld [tilespmem:s26+$0x0]  }
0xff: {  	s3 =	simm.s32 $0x40  }
0x100: {  	s12 =	sand.u32 $0xC0, s3;
	s8 =	simm.s32 $0x20  }
0x101: {  	s9 =	simm.s32 $0x80;
	s7 =	simm.s32 $0x10;
	s14 =	sand.u32 $0x100, s8  }
0x102: {  	s11 =	sand.u32 $0x400, s9;
	s10 =	simm.s32 $0x2;
	s13 =	sshrl.u32 s14, $0x1  }
.LBB2_15:
0x103: {  	p0 =	sne.s32 s10, $0xF;
	s13 =	sadd.s32 s13, s2;
	s12 =	sshrl.u32 s12, $0x1;
	v17 =	vmax.bf16 v17, v18  }
0x104: {  	s14 =	sand.u32 $0x70, s7;
	s11 =	sadd.s32 s11, s5;
	[tilespmem:s26+$0x0] =	vst v17;
	s26 =	sadd.s32 s12, s13  }
0x105: {  	s11 =	sadd.s32 s14, s11;
	v17 =	vld [tilespmem:s26+$0x0]  }
.Ltmp9:
0x106: {  	v18 =	vld [tilespmem:s11+$0x180];
	(pc) =	sbr.rel @p0 .LBB2_15-.Ltmp9, $4  }
0x107: {  	_ = 	snop  }
0x108: {  	s3 =	sadd.s32 $0x40, s3;
	s8 =	sadd.s32 $0x20, s8;
	s9 =	sadd.s32 $0x80, s9  }
0x109: {  	s7 =	sadd.s32 $0x10, s7;
	s13 =	sand.u32 $0x100, s8;
	s11 =	sand.u32 $0x400, s9  }
0x10a: {  	s10 =	sadd.s32 $0x1, s10;
	s12 =	sand.u32 $0xC0, s3;
	s13 =	sshrl.u32 s13, $0x1  }
0x10b: {  	(v2sf) =	vpush v16, $0x4;
	_ =	sdelay $0x9  }
0x10c: {  	s2 =	sadd.s32 s13, s2;
	s3 =	sshrl.u32 s12, $0x1;
	v17 =	vmax.bf16 v17, v18  }
0x10d: {  	s7 =	sand.u32 $0x70, s7;
	s8 =	sadd.s32 s11, s5;
	s3 =	sadd.s32 s3, s2;
	[tilespmem:s26+$0x0] =	vst v17  }
0x10e: {  	s8 =	sadd.s32 s7, s8;
	v17 =	vld [tilespmem:s3+$0x0]  }
0x10f: {  	v18 =	vld [tilespmem:s8+$0x180];
	_ =	sdelay $0x1  }
0x110: {  	s11 =	simm.s32 $0x0;
	s9 =	spop (v2sf)  }
0x111: {  	s12 =	sand.u32 $0x100, s11;
	s7 =	sand.u32 $0x70, s11;
	s10 =	sshll.u32 s9, $0xA  }
0x112: {  	s8 =	sshrl.u32 s12, $0x1;
	s9 =	sand.u32 $0x400, s11;
	s2 =	sshra.s32 s10, $0x2  }
0x113: {  	v17 =	vmax.bf16 v17, v18;
	s10 =	sand.u32 $0xC0, s11;
	s9 =	sadd.s32 s9, s5;
	s2 =	sadd.s32 $0x8780, s2  }
0x114: {  	[tilespmem:s3+$0x0] =	vst v17;
	s10 =	sshrl.u32 s10, $0x1;
	s13 =	sadd.s32 s7, s9;
	s8 =	sadd.s32 s8, s2  }
0x115: {  	v18 =	vld [tilespmem:s13+$0x200];
	s26 =	sadd.s32 s10, s8  }
0x116: {  	v17 =	vld [tilespmem:s26+$0x0]  }
0x117: {  	s3 =	simm.s32 $0x40  }
0x118: {  	s12 =	sand.u32 $0xC0, s3;
	s8 =	simm.s32 $0x20  }
0x119: {  	s9 =	simm.s32 $0x80;
	s7 =	simm.s32 $0x10;
	s14 =	sand.u32 $0x100, s8  }
0x11a: {  	s11 =	sand.u32 $0x400, s9;
	s10 =	simm.s32 $0x2;
	s13 =	sshrl.u32 s14, $0x1  }
.LBB2_17:
0x11b: {  	p0 =	sne.s32 s10, $0xF;
	s13 =	sadd.s32 s13, s2;
	s12 =	sshrl.u32 s12, $0x1;
	v17 =	vmax.bf16 v17, v18  }
0x11c: {  	s14 =	sand.u32 $0x70, s7;
	s11 =	sadd.s32 s11, s5;
	[tilespmem:s26+$0x0] =	vst v17;
	s26 =	sadd.s32 s12, s13  }
0x11d: {  	s11 =	sadd.s32 s14, s11;
	v17 =	vld [tilespmem:s26+$0x0]  }
.Ltmp10:
0x11e: {  	v18 =	vld [tilespmem:s11+$0x200];
	(pc) =	sbr.rel @p0 .LBB2_17-.Ltmp10, $4  }
0x11f: {  	_ = 	snop  }
0x120: {  	s3 =	sadd.s32 $0x40, s3;
	s8 =	sadd.s32 $0x20, s8;
	s9 =	sadd.s32 $0x80, s9  }
0x121: {  	s7 =	sadd.s32 $0x10, s7;
	s13 =	sand.u32 $0x100, s8;
	s11 =	sand.u32 $0x400, s9  }
0x122: {  	s10 =	sadd.s32 $0x1, s10;
	s12 =	sand.u32 $0xC0, s3;
	s13 =	sshrl.u32 s13, $0x1  }
0x123: {  	(v2sf) =	vpush v16, $0x5;
	_ =	sdelay $0x9  }
0x124: {  	s2 =	sadd.s32 s13, s2;
	s3 =	sshrl.u32 s12, $0x1;
	v17 =	vmax.bf16 v17, v18  }
0x125: {  	s7 =	sand.u32 $0x70, s7;
	s8 =	sadd.s32 s11, s5;
	s3 =	sadd.s32 s3, s2;
	[tilespmem:s26+$0x0] =	vst v17  }
0x126: {  	s8 =	sadd.s32 s7, s8;
	v17 =	vld [tilespmem:s3+$0x0]  }
0x127: {  	v18 =	vld [tilespmem:s8+$0x200];
	_ =	sdelay $0x1  }
0x128: {  	s11 =	simm.s32 $0x0;
	s9 =	spop (v2sf)  }
0x129: {  	s12 =	sand.u32 $0x100, s11;
	s7 =	sand.u32 $0x70, s11;
	s10 =	sshll.u32 s9, $0xA  }
0x12a: {  	s8 =	sshrl.u32 s12, $0x1;
	s9 =	sand.u32 $0x400, s11;
	s2 =	sshra.s32 s10, $0x2  }
0x12b: {  	v17 =	vmax.bf16 v17, v18;
	s10 =	sand.u32 $0xC0, s11;
	s9 =	sadd.s32 s9, s5;
	s2 =	sadd.s32 $0x8780, s2  }
0x12c: {  	[tilespmem:s3+$0x0] =	vst v17;
	s10 =	sshrl.u32 s10, $0x1;
	s13 =	sadd.s32 s7, s9;
	s8 =	sadd.s32 s8, s2  }
0x12d: {  	v18 =	vld [tilespmem:s13+$0x280];
	s26 =	sadd.s32 s10, s8  }
0x12e: {  	v17 =	vld [tilespmem:s26+$0x0]  }
0x12f: {  	s3 =	simm.s32 $0x40  }
0x130: {  	s12 =	sand.u32 $0xC0, s3;
	s8 =	simm.s32 $0x20  }
0x131: {  	s9 =	simm.s32 $0x80;
	s7 =	simm.s32 $0x10;
	s14 =	sand.u32 $0x100, s8  }
0x132: {  	s11 =	sand.u32 $0x400, s9;
	s10 =	simm.s32 $0x2;
	s13 =	sshrl.u32 s14, $0x1  }
.LBB2_19:
0x133: {  	p0 =	sne.s32 s10, $0xF;
	s13 =	sadd.s32 s13, s2;
	s12 =	sshrl.u32 s12, $0x1;
	v17 =	vmax.bf16 v17, v18  }
0x134: {  	s14 =	sand.u32 $0x70, s7;
	s11 =	sadd.s32 s11, s5;
	[tilespmem:s26+$0x0] =	vst v17;
	s26 =	sadd.s32 s12, s13  }
0x135: {  	s11 =	sadd.s32 s14, s11;
	v17 =	vld [tilespmem:s26+$0x0]  }
.Ltmp11:
0x136: {  	v18 =	vld [tilespmem:s11+$0x280];
	(pc) =	sbr.rel @p0 .LBB2_19-.Ltmp11, $4  }
0x137: {  	_ = 	snop  }
0x138: {  	s3 =	sadd.s32 $0x40, s3;
	s8 =	sadd.s32 $0x20, s8;
	s9 =	sadd.s32 $0x80, s9  }
0x139: {  	s7 =	sadd.s32 $0x10, s7;
	s13 =	sand.u32 $0x100, s8;
	s11 =	sand.u32 $0x400, s9  }
0x13a: {  	s10 =	sadd.s32 $0x1, s10;
	s12 =	sand.u32 $0xC0, s3;
	s13 =	sshrl.u32 s13, $0x1  }
0x13b: {  	(v2sf) =	vpush v16, $0x6;
	_ =	sdelay $0x9  }
0x13c: {  	s2 =	sadd.s32 s13, s2;
	s3 =	sshrl.u32 s12, $0x1;
	v17 =	vmax.bf16 v17, v18  }
0x13d: {  	s7 =	sand.u32 $0x70, s7;
	s8 =	sadd.s32 s11, s5;
	s3 =	sadd.s32 s3, s2;
	[tilespmem:s26+$0x0] =	vst v17  }
0x13e: {  	s8 =	sadd.s32 s7, s8;
	v17 =	vld [tilespmem:s3+$0x0]  }
0x13f: {  	v18 =	vld [tilespmem:s8+$0x280];
	_ =	sdelay $0x1  }
0x140: {  	s11 =	simm.s32 $0x0;
	s9 =	spop (v2sf)  }
0x141: {  	s12 =	sand.u32 $0x100, s11;
	s7 =	sand.u32 $0x70, s11;
	s10 =	sshll.u32 s9, $0xA  }
0x142: {  	s8 =	sshrl.u32 s12, $0x1;
	s9 =	sand.u32 $0x400, s11;
	s2 =	sshra.s32 s10, $0x2  }
0x143: {  	v17 =	vmax.bf16 v17, v18;
	s10 =	sand.u32 $0xC0, s11;
	s9 =	sadd.s32 s9, s5;
	s2 =	sadd.s32 $0x8780, s2  }
0x144: {  	[tilespmem:s3+$0x0] =	vst v17;
	s10 =	sshrl.u32 s10, $0x1;
	s13 =	sadd.s32 s7, s9;
	s8 =	sadd.s32 s8, s2  }
0x145: {  	v18 =	vld [tilespmem:s13+$0x300];
	s26 =	sadd.s32 s10, s8  }
0x146: {  	v17 =	vld [tilespmem:s26+$0x0]  }
0x147: {  	s3 =	simm.s32 $0x40  }
0x148: {  	s12 =	sand.u32 $0xC0, s3;
	s8 =	simm.s32 $0x20  }
0x149: {  	s9 =	simm.s32 $0x80;
	s7 =	simm.s32 $0x10;
	s14 =	sand.u32 $0x100, s8  }
0x14a: {  	s11 =	sand.u32 $0x400, s9;
	s10 =	simm.s32 $0x2;
	s13 =	sshrl.u32 s14, $0x1  }
.LBB2_21:
0x14b: {  	p0 =	sne.s32 s10, $0xF;
	s13 =	sadd.s32 s13, s2;
	s12 =	sshrl.u32 s12, $0x1;
	v17 =	vmax.bf16 v17, v18  }
0x14c: {  	s14 =	sand.u32 $0x70, s7;
	s11 =	sadd.s32 s11, s5;
	[tilespmem:s26+$0x0] =	vst v17;
	s26 =	sadd.s32 s12, s13  }
0x14d: {  	s11 =	sadd.s32 s14, s11;
	v17 =	vld [tilespmem:s26+$0x0]  }
.Ltmp12:
0x14e: {  	v18 =	vld [tilespmem:s11+$0x300];
	(pc) =	sbr.rel @p0 .LBB2_21-.Ltmp12, $4  }
0x14f: {  	_ = 	snop  }
0x150: {  	s3 =	sadd.s32 $0x40, s3;
	s8 =	sadd.s32 $0x20, s8;
	s9 =	sadd.s32 $0x80, s9  }
0x151: {  	s7 =	sadd.s32 $0x10, s7;
	s13 =	sand.u32 $0x100, s8;
	s11 =	sand.u32 $0x400, s9  }
0x152: {  	s10 =	sadd.s32 $0x1, s10;
	s12 =	sand.u32 $0xC0, s3;
	s13 =	sshrl.u32 s13, $0x1  }
0x153: {  	(v2sf) =	vpush v16, $0x7;
	_ =	sdelay $0x9  }
0x154: {  	s2 =	sadd.s32 s13, s2;
	s3 =	sshrl.u32 s12, $0x1;
	v17 =	vmax.bf16 v17, v18  }
0x155: {  	s7 =	sand.u32 $0x70, s7;
	s8 =	sadd.s32 s11, s5;
	s3 =	sadd.s32 s3, s2;
	[tilespmem:s26+$0x0] =	vst v17  }
0x156: {  	s8 =	sadd.s32 s7, s8;
	v17 =	vld [tilespmem:s3+$0x0]  }
0x157: {  	v18 =	vld [tilespmem:s8+$0x300];
	_ =	sdelay $0x1  }
0x158: {  	s11 =	simm.s32 $0x0;
	s9 =	spop (v2sf)  }
0x159: {  	s12 =	sand.u32 $0x100, s11;
	s7 =	sand.u32 $0x70, s11;
	s10 =	sshll.u32 s9, $0xA  }
0x15a: {  	s8 =	sshrl.u32 s12, $0x1;
	s9 =	sand.u32 $0x400, s11;
	s2 =	sshra.s32 s10, $0x2  }
0x15b: {  	v17 =	vmax.bf16 v17, v18;
	s10 =	sand.u32 $0xC0, s11;
	s9 =	sadd.s32 s9, s5;
	s2 =	sadd.s32 $0x8780, s2  }
0x15c: {  	[tilespmem:s3+$0x0] =	vst v17;
	s10 =	sshrl.u32 s10, $0x1;
	s13 =	sadd.s32 s7, s9;
	s8 =	sadd.s32 s8, s2  }
0x15d: {  	v18 =	vld [tilespmem:s13+$0x380];
	s26 =	sadd.s32 s10, s8  }
0x15e: {  	v17 =	vld [tilespmem:s26+$0x0]  }
0x15f: {  	s3 =	simm.s32 $0x40  }
0x160: {  	s12 =	sand.u32 $0xC0, s3;
	s8 =	simm.s32 $0x20  }
0x161: {  	s9 =	simm.s32 $0x80;
	s7 =	simm.s32 $0x10;
	s14 =	sand.u32 $0x100, s8  }
0x162: {  	s11 =	sand.u32 $0x400, s9;
	s10 =	simm.s32 $0x2;
	s13 =	sshrl.u32 s14, $0x1  }
.LBB2_23:
0x163: {  	p0 =	sne.s32 s10, $0xF;
	s13 =	sadd.s32 s13, s2;
	s12 =	sshrl.u32 s12, $0x1;
	v17 =	vmax.bf16 v17, v18  }
0x164: {  	s14 =	sand.u32 $0x70, s7;
	s11 =	sadd.s32 s11, s5;
	[tilespmem:s26+$0x0] =	vst v17;
	s26 =	sadd.s32 s12, s13  }
0x165: {  	s11 =	sadd.s32 s14, s11;
	v17 =	vld [tilespmem:s26+$0x0]  }
.Ltmp13:
0x166: {  	v18 =	vld [tilespmem:s11+$0x380];
	(pc) =	sbr.rel @p0 .LBB2_23-.Ltmp13, $4  }
0x167: {  	_ = 	snop  }
0x168: {  	s3 =	sadd.s32 $0x40, s3;
	s8 =	sadd.s32 $0x20, s8;
	s9 =	sadd.s32 $0x80, s9  }
0x169: {  	s7 =	sadd.s32 $0x10, s7;
	s13 =	sand.u32 $0x100, s8;
	s11 =	sand.u32 $0x400, s9  }
0x16a: {  	s10 =	sadd.s32 $0x1, s10;
	s12 =	sand.u32 $0xC0, s3;
	s13 =	sshrl.u32 s13, $0x1  }
0x16b: {  	(v2sf) =	vpush v16, $0x8;
	_ =	sdelay $0x9  }
0x16c: {  	s2 =	sadd.s32 s13, s2;
	s3 =	sshrl.u32 s12, $0x1;
	v17 =	vmax.bf16 v17, v18  }
0x16d: {  	s7 =	sand.u32 $0x70, s7;
	s8 =	sadd.s32 s11, s5;
	s3 =	sadd.s32 s3, s2;
	[tilespmem:s26+$0x0] =	vst v17  }
0x16e: {  	s8 =	sadd.s32 s7, s8;
	v17 =	vld [tilespmem:s3+$0x0]  }
0x16f: {  	v18 =	vld [tilespmem:s8+$0x380];
	_ =	sdelay $0x1  }
0x170: {  	s11 =	simm.s32 $0x0;
	s6 =	sadd.s32 $0xF80, s6;
	s9 =	spop (v2sf)  }
0x171: {  	s12 =	sand.u32 $0x100, s11;
	s7 =	sand.u32 $0x70, s11;
	s10 =	sshll.u32 s9, $0xA  }
0x172: {  	s8 =	sshrl.u32 s12, $0x1;
	s9 =	sand.u32 $0x400, s11;
	s2 =	sshra.s32 s10, $0x2  }
0x173: {  	v17 =	vmax.bf16 v17, v18;
	s10 =	sand.u32 $0xC0, s11;
	s9 =	sadd.s32 s9, s6;
	s2 =	sadd.s32 $0x8780, s2  }
0x174: {  	[tilespmem:s3+$0x0] =	vst v17;
	s10 =	sshrl.u32 s10, $0x1;
	s13 =	sadd.s32 s7, s9;
	s8 =	sadd.s32 s8, s2  }
0x175: {  	v18 =	vld [tilespmem:s13+$0x0];
	s26 =	sadd.s32 s10, s8  }
0x176: {  	v17 =	vld [tilespmem:s26+$0x0]  }
0x177: {  	s3 =	simm.s32 $0x40  }
0x178: {  	s12 =	sand.u32 $0xC0, s3;
	s8 =	simm.s32 $0x20  }
0x179: {  	s9 =	simm.s32 $0x80;
	s7 =	simm.s32 $0x10;
	s14 =	sand.u32 $0x100, s8  }
0x17a: {  	s11 =	sand.u32 $0x400, s9;
	s10 =	simm.s32 $0x2;
	s13 =	sshrl.u32 s14, $0x1  }
.LBB2_25:
0x17b: {  	p0 =	sne.s32 s10, $0xF;
	s13 =	sadd.s32 s13, s2;
	s12 =	sshrl.u32 s12, $0x1;
	v17 =	vmax.bf16 v17, v18  }
0x17c: {  	s14 =	sand.u32 $0x70, s7;
	s11 =	sadd.s32 s11, s6;
	[tilespmem:s26+$0x0] =	vst v17;
	s26 =	sadd.s32 s12, s13  }
0x17d: {  	s11 =	sadd.s32 s14, s11;
	v17 =	vld [tilespmem:s26+$0x0]  }
.Ltmp14:
0x17e: {  	v18 =	vld [tilespmem:s11+$0x0];
	(pc) =	sbr.rel @p0 .LBB2_25-.Ltmp14, $4  }
0x17f: {  	_ = 	snop  }
0x180: {  	s3 =	sadd.s32 $0x40, s3;
	s8 =	sadd.s32 $0x20, s8;
	s9 =	sadd.s32 $0x80, s9  }
0x181: {  	s7 =	sadd.s32 $0x10, s7;
	s13 =	sand.u32 $0x100, s8;
	s11 =	sand.u32 $0x400, s9  }
0x182: {  	s10 =	sadd.s32 $0x1, s10;
	s12 =	sand.u32 $0xC0, s3;
	s13 =	sshrl.u32 s13, $0x1  }
0x183: {  	(v2sf) =	vpush v16, $0x9;
	_ =	sdelay $0x9  }
0x184: {  	s2 =	sadd.s32 s13, s2;
	s3 =	sshrl.u32 s12, $0x1;
	v17 =	vmax.bf16 v17, v18  }
0x185: {  	s7 =	sand.u32 $0x70, s7;
	s6 =	sadd.s32 s11, s6;
	s3 =	sadd.s32 s3, s2;
	[tilespmem:s26+$0x0] =	vst v17  }
0x186: {  	s10 =	sadd.s32 s7, s6;
	v17 =	vld [tilespmem:s3+$0x0]  }
0x187: {  	v18 =	vld [tilespmem:s10+$0x0];
	_ =	sdelay $0x1  }
0x188: {  	s13 =	simm.s32 $0x0;
	s11 =	spop (v2sf)  }
0x189: {  	s14 =	sand.u32 $0x100, s13;
	s8 =	sand.u32 $0x400, s13;
	s12 =	sshll.u32 s11, $0xA  }
0x18a: {  	s9 =	sand.u32 $0xC0, s13;
	s7 =	sshrl.u32 s14, $0x1;
	s2 =	sshra.s32 s12, $0x2  }
0x18b: {  	s10 =	sand.u32 $0x70, s13;
	s8 =	sadd.s32 s8, s5;
	v17 =	vmax.bf16 v17, v18;
	s2 =	sadd.s32 $0x8780, s2  }
0x18c: {  	s9 =	sshrl.u32 s9, $0x1;
	s10 =	sadd.s32 s10, s8;
	[tilespmem:s3+$0x0] =	vst v17;
	s7 =	sadd.s32 s7, s2  }
0x18d: {  	v18 =	vld [tilespmem:s10+$0x880];
	s6 =	sadd.s32 s9, s7  }
0x18e: {  	s8 =	simm.s32 $0x20;
	v17 =	vld [tilespmem:s6+$0x0]  }
0x18f: {  	s26 =	sand.u32 $0x100, s8  }
0x190: {  	s13 =	sshrl.u32 s26, $0x1  }
0x191: {  	s3 =	simm.s32 $0x40;
	s10 =	simm.s32 $0x2;
	s9 =	simm.s32 $0x80  }
0x192: {  	s12 =	sand.u32 $0xC0, s3;
	s7 =	simm.s32 $0x10;
	s11 =	sand.u32 $0x400, s9  }
.LBB2_27:
0x193: {  	p0 =	sne.s32 s10, $0xF;
	s13 =	sadd.s32 s13, s2;
	s12 =	sshrl.u32 s12, $0x1;
	v17 =	vmax.bf16 v17, v18  }
0x194: {  	s14 =	sand.u32 $0x70, s7;
	s11 =	sadd.s32 s11, s5;
	[tilespmem:s6+$0x0] =	vst v17;
	s6 =	sadd.s32 s12, s13  }
0x195: {  	s11 =	sadd.s32 s14, s11;
	v17 =	vld [tilespmem:s6+$0x0]  }
.Ltmp15:
0x196: {  	v18 =	vld [tilespmem:s11+$0x880];
	(pc) =	sbr.rel @p0 .LBB2_27-.Ltmp15, $4  }
0x197: {  	_ = 	snop  }
0x198: {  	s3 =	sadd.s32 $0x40, s3;
	s8 =	sadd.s32 $0x20, s8;
	s9 =	sadd.s32 $0x80, s9  }
0x199: {  	s7 =	sadd.s32 $0x10, s7;
	s13 =	sand.u32 $0x100, s8;
	s11 =	sand.u32 $0x400, s9  }
0x19a: {  	s10 =	sadd.s32 $0x1, s10;
	s12 =	sand.u32 $0xC0, s3;
	s13 =	sshrl.u32 s13, $0x1  }
0x19b: {  	(v2sf) =	vpush v16, $0xA;
	_ =	sdelay $0x9  }
0x19c: {  	s2 =	sadd.s32 s13, s2;
	s3 =	sshrl.u32 s12, $0x1;
	v17 =	vmax.bf16 v17, v18  }
0x19d: {  	s7 =	sand.u32 $0x70, s7;
	s8 =	sadd.s32 s11, s5;
	s3 =	sadd.s32 s3, s2;
	[tilespmem:s6+$0x0] =	vst v17  }
0x19e: {  	s9 =	sadd.s32 s7, s8;
	v17 =	vld [tilespmem:s3+$0x0]  }
0x19f: {  	v18 =	vld [tilespmem:s9+$0x880];
	_ =	sdelay $0x1  }
0x1a0: {  	s12 =	simm.s32 $0x0;
	s10 =	spop (v2sf)  }
0x1a1: {  	s13 =	sand.u32 $0x100, s12;
	s14 =	sand.u32 $0x400, s12;
	s11 =	sshll.u32 s10, $0xA  }
0x1a2: {  	s7 =	sshrl.u32 s13, $0x1;
	s9 =	sand.u32 $0xC0, s12;
	s2 =	sshra.s32 s11, $0x2  }
0x1a3: {  	s8 =	sadd.s32 s14, s5;
	v17 =	vmax.bf16 v17, v18;
	s10 =	sand.u32 $0x70, s12;
	s2 =	sadd.s32 $0x8780, s2  }
0x1a4: {  	s9 =	sshrl.u32 s9, $0x1;
	[tilespmem:s3+$0x0] =	vst v17;
	s10 =	sadd.s32 s10, s8;
	s7 =	sadd.s32 s7, s2  }
0x1a5: {  	v18 =	vld [tilespmem:s10+$0x900];
	s6 =	sadd.s32 s9, s7  }
0x1a6: {  	v17 =	vld [tilespmem:s6+$0x0]  }
0x1a7: {  	s3 =	simm.s32 $0x40  }
0x1a8: {  	s12 =	sand.u32 $0xC0, s3;
	s8 =	simm.s32 $0x20  }
0x1a9: {  	s26 =	sand.u32 $0x100, s8;
	s10 =	simm.s32 $0x2;
	s9 =	simm.s32 $0x80  }
0x1aa: {  	s13 =	sshrl.u32 s26, $0x1;
	s7 =	simm.s32 $0x10;
	s11 =	sand.u32 $0x400, s9  }
.LBB2_29:
0x1ab: {  	p0 =	sne.s32 s10, $0xF;
	s13 =	sadd.s32 s13, s2;
	s12 =	sshrl.u32 s12, $0x1;
	v17 =	vmax.bf16 v17, v18  }
0x1ac: {  	s14 =	sand.u32 $0x70, s7;
	s11 =	sadd.s32 s11, s5;
	[tilespmem:s6+$0x0] =	vst v17;
	s6 =	sadd.s32 s12, s13  }
0x1ad: {  	s11 =	sadd.s32 s14, s11;
	v17 =	vld [tilespmem:s6+$0x0]  }
.Ltmp16:
0x1ae: {  	v18 =	vld [tilespmem:s11+$0x900];
	(pc) =	sbr.rel @p0 .LBB2_29-.Ltmp16, $4  }
0x1af: {  	_ = 	snop  }
0x1b0: {  	s3 =	sadd.s32 $0x40, s3;
	s8 =	sadd.s32 $0x20, s8;
	s9 =	sadd.s32 $0x80, s9  }
0x1b1: {  	s7 =	sadd.s32 $0x10, s7;
	s13 =	sand.u32 $0x100, s8;
	s11 =	sand.u32 $0x400, s9  }
0x1b2: {  	s10 =	sadd.s32 $0x1, s10;
	s12 =	sand.u32 $0xC0, s3;
	s13 =	sshrl.u32 s13, $0x1  }
0x1b3: {  	(v2sf) =	vpush v16, $0xB;
	_ =	sdelay $0x9  }
0x1b4: {  	s2 =	sadd.s32 s13, s2;
	s3 =	sshrl.u32 s12, $0x1;
	v17 =	vmax.bf16 v17, v18  }
0x1b5: {  	s7 =	sand.u32 $0x70, s7;
	s8 =	sadd.s32 s11, s5;
	s3 =	sadd.s32 s3, s2;
	[tilespmem:s6+$0x0] =	vst v17  }
0x1b6: {  	s9 =	sadd.s32 s7, s8;
	v17 =	vld [tilespmem:s3+$0x0]  }
0x1b7: {  	v18 =	vld [tilespmem:s9+$0x900];
	_ =	sdelay $0x1  }
0x1b8: {  	s12 =	simm.s32 $0x0;
	s10 =	spop (v2sf)  }
0x1b9: {  	s13 =	sand.u32 $0x100, s12;
	s14 =	sand.u32 $0x400, s12;
	s11 =	sshll.u32 s10, $0xA  }
0x1ba: {  	s7 =	sshrl.u32 s13, $0x1;
	s9 =	sand.u32 $0xC0, s12;
	s2 =	sshra.s32 s11, $0x2  }
0x1bb: {  	s8 =	sadd.s32 s14, s5;
	v17 =	vmax.bf16 v17, v18;
	s10 =	sand.u32 $0x70, s12;
	s2 =	sadd.s32 $0x8780, s2  }
0x1bc: {  	s9 =	sshrl.u32 s9, $0x1;
	[tilespmem:s3+$0x0] =	vst v17;
	s10 =	sadd.s32 s10, s8;
	s7 =	sadd.s32 s7, s2  }
0x1bd: {  	v18 =	vld [tilespmem:s10+$0x980];
	s6 =	sadd.s32 s9, s7  }
0x1be: {  	v17 =	vld [tilespmem:s6+$0x0]  }
0x1bf: {  	s3 =	simm.s32 $0x40  }
0x1c0: {  	s12 =	sand.u32 $0xC0, s3;
	s8 =	simm.s32 $0x20  }
0x1c1: {  	s26 =	sand.u32 $0x100, s8;
	s10 =	simm.s32 $0x2;
	s9 =	simm.s32 $0x80  }
0x1c2: {  	s13 =	sshrl.u32 s26, $0x1;
	s7 =	simm.s32 $0x10;
	s11 =	sand.u32 $0x400, s9  }
.LBB2_31:
0x1c3: {  	p0 =	sne.s32 s10, $0xF;
	s13 =	sadd.s32 s13, s2;
	s12 =	sshrl.u32 s12, $0x1;
	v17 =	vmax.bf16 v17, v18  }
0x1c4: {  	s14 =	sand.u32 $0x70, s7;
	s11 =	sadd.s32 s11, s5;
	[tilespmem:s6+$0x0] =	vst v17;
	s6 =	sadd.s32 s12, s13  }
0x1c5: {  	s11 =	sadd.s32 s14, s11;
	v17 =	vld [tilespmem:s6+$0x0]  }
.Ltmp17:
0x1c6: {  	v18 =	vld [tilespmem:s11+$0x980];
	(pc) =	sbr.rel @p0 .LBB2_31-.Ltmp17, $4  }
0x1c7: {  	_ = 	snop  }
0x1c8: {  	s3 =	sadd.s32 $0x40, s3;
	s8 =	sadd.s32 $0x20, s8;
	s9 =	sadd.s32 $0x80, s9  }
0x1c9: {  	s7 =	sadd.s32 $0x10, s7;
	s13 =	sand.u32 $0x100, s8;
	s11 =	sand.u32 $0x400, s9  }
0x1ca: {  	s10 =	sadd.s32 $0x1, s10;
	s12 =	sand.u32 $0xC0, s3;
	s13 =	sshrl.u32 s13, $0x1  }
0x1cb: {  	(v2sf) =	vpush v16, $0xC;
	_ =	sdelay $0x9  }
0x1cc: {  	s2 =	sadd.s32 s13, s2;
	s3 =	sshrl.u32 s12, $0x1;
	v17 =	vmax.bf16 v17, v18  }
0x1cd: {  	s7 =	sand.u32 $0x70, s7;
	s8 =	sadd.s32 s11, s5;
	s3 =	sadd.s32 s3, s2;
	[tilespmem:s6+$0x0] =	vst v17  }
0x1ce: {  	s9 =	sadd.s32 s7, s8;
	v17 =	vld [tilespmem:s3+$0x0]  }
0x1cf: {  	v18 =	vld [tilespmem:s9+$0x980];
	_ =	sdelay $0x1  }
0x1d0: {  	s12 =	simm.s32 $0x0;
	s10 =	spop (v2sf)  }
0x1d1: {  	s13 =	sand.u32 $0x100, s12;
	s14 =	sand.u32 $0x400, s12;
	s11 =	sshll.u32 s10, $0xA  }
0x1d2: {  	s7 =	sshrl.u32 s13, $0x1;
	s9 =	sand.u32 $0xC0, s12;
	s2 =	sshra.s32 s11, $0x2  }
0x1d3: {  	s8 =	sadd.s32 s14, s5;
	v17 =	vmax.bf16 v17, v18;
	s10 =	sand.u32 $0x70, s12;
	s2 =	sadd.s32 $0x8780, s2  }
0x1d4: {  	s9 =	sshrl.u32 s9, $0x1;
	[tilespmem:s3+$0x0] =	vst v17;
	s10 =	sadd.s32 s10, s8;
	s7 =	sadd.s32 s7, s2  }
0x1d5: {  	v18 =	vld [tilespmem:s10+$0xA00];
	s6 =	sadd.s32 s9, s7  }
0x1d6: {  	v17 =	vld [tilespmem:s6+$0x0]  }
0x1d7: {  	s3 =	simm.s32 $0x40  }
0x1d8: {  	s12 =	sand.u32 $0xC0, s3;
	s8 =	simm.s32 $0x20  }
0x1d9: {  	s26 =	sand.u32 $0x100, s8;
	s10 =	simm.s32 $0x2;
	s9 =	simm.s32 $0x80  }
0x1da: {  	s13 =	sshrl.u32 s26, $0x1;
	s7 =	simm.s32 $0x10;
	s11 =	sand.u32 $0x400, s9  }
.LBB2_33:
0x1db: {  	p0 =	sne.s32 s10, $0xF;
	s13 =	sadd.s32 s13, s2;
	s12 =	sshrl.u32 s12, $0x1;
	v17 =	vmax.bf16 v17, v18  }
0x1dc: {  	s14 =	sand.u32 $0x70, s7;
	s11 =	sadd.s32 s11, s5;
	[tilespmem:s6+$0x0] =	vst v17;
	s6 =	sadd.s32 s12, s13  }
0x1dd: {  	s11 =	sadd.s32 s14, s11;
	v17 =	vld [tilespmem:s6+$0x0]  }
.Ltmp18:
0x1de: {  	v18 =	vld [tilespmem:s11+$0xA00];
	(pc) =	sbr.rel @p0 .LBB2_33-.Ltmp18, $4  }
0x1df: {  	_ = 	snop  }
0x1e0: {  	s3 =	sadd.s32 $0x40, s3;
	s8 =	sadd.s32 $0x20, s8;
	s9 =	sadd.s32 $0x80, s9  }
0x1e1: {  	s7 =	sadd.s32 $0x10, s7;
	s13 =	sand.u32 $0x100, s8;
	s11 =	sand.u32 $0x400, s9  }
0x1e2: {  	s10 =	sadd.s32 $0x1, s10;
	s12 =	sand.u32 $0xC0, s3;
	s13 =	sshrl.u32 s13, $0x1  }
0x1e3: {  	(v2sf) =	vpush v16, $0xD;
	_ =	sdelay $0x9  }
0x1e4: {  	s2 =	sadd.s32 s13, s2;
	s3 =	sshrl.u32 s12, $0x1;
	v17 =	vmax.bf16 v17, v18  }
0x1e5: {  	s7 =	sand.u32 $0x70, s7;
	s8 =	sadd.s32 s11, s5;
	s3 =	sadd.s32 s3, s2;
	[tilespmem:s6+$0x0] =	vst v17  }
0x1e6: {  	s9 =	sadd.s32 s7, s8;
	v17 =	vld [tilespmem:s3+$0x0]  }
0x1e7: {  	v18 =	vld [tilespmem:s9+$0xA00];
	_ =	sdelay $0x1  }
0x1e8: {  	s12 =	simm.s32 $0x0;
	s10 =	spop (v2sf)  }
0x1e9: {  	s13 =	sand.u32 $0x100, s12;
	s14 =	sand.u32 $0x400, s12;
	s11 =	sshll.u32 s10, $0xA  }
0x1ea: {  	s7 =	sshrl.u32 s13, $0x1;
	s9 =	sand.u32 $0xC0, s12;
	s2 =	sshra.s32 s11, $0x2  }
0x1eb: {  	s8 =	sadd.s32 s14, s5;
	v17 =	vmax.bf16 v17, v18;
	s10 =	sand.u32 $0x70, s12;
	s2 =	sadd.s32 $0x8780, s2  }
0x1ec: {  	s9 =	sshrl.u32 s9, $0x1;
	[tilespmem:s3+$0x0] =	vst v17;
	s10 =	sadd.s32 s10, s8;
	s7 =	sadd.s32 s7, s2  }
0x1ed: {  	v18 =	vld [tilespmem:s10+$0xA80];
	s6 =	sadd.s32 s9, s7  }
0x1ee: {  	v17 =	vld [tilespmem:s6+$0x0]  }
0x1ef: {  	s3 =	simm.s32 $0x40  }
0x1f0: {  	s12 =	sand.u32 $0xC0, s3;
	s8 =	simm.s32 $0x20  }
0x1f1: {  	s26 =	sand.u32 $0x100, s8;
	s10 =	simm.s32 $0x2;
	s9 =	simm.s32 $0x80  }
0x1f2: {  	s13 =	sshrl.u32 s26, $0x1;
	s7 =	simm.s32 $0x10;
	s11 =	sand.u32 $0x400, s9  }
.LBB2_35:
0x1f3: {  	p0 =	sne.s32 s10, $0xF;
	s13 =	sadd.s32 s13, s2;
	s12 =	sshrl.u32 s12, $0x1;
	v17 =	vmax.bf16 v17, v18  }
0x1f4: {  	s14 =	sand.u32 $0x70, s7;
	s11 =	sadd.s32 s11, s5;
	[tilespmem:s6+$0x0] =	vst v17;
	s6 =	sadd.s32 s12, s13  }
0x1f5: {  	s11 =	sadd.s32 s14, s11;
	v17 =	vld [tilespmem:s6+$0x0]  }
.Ltmp19:
0x1f6: {  	v18 =	vld [tilespmem:s11+$0xA80];
	(pc) =	sbr.rel @p0 .LBB2_35-.Ltmp19, $4  }
0x1f7: {  	_ = 	snop  }
0x1f8: {  	s3 =	sadd.s32 $0x40, s3;
	s8 =	sadd.s32 $0x20, s8;
	s9 =	sadd.s32 $0x80, s9  }
0x1f9: {  	s7 =	sadd.s32 $0x10, s7;
	s13 =	sand.u32 $0x100, s8;
	s11 =	sand.u32 $0x400, s9  }
0x1fa: {  	s10 =	sadd.s32 $0x1, s10;
	s12 =	sand.u32 $0xC0, s3;
	s13 =	sshrl.u32 s13, $0x1  }
0x1fb: {  	(v2sf) =	vpush v16, $0xE;
	_ =	sdelay $0x9  }
0x1fc: {  	s2 =	sadd.s32 s13, s2;
	s3 =	sshrl.u32 s12, $0x1;
	v17 =	vmax.bf16 v17, v18  }
0x1fd: {  	s7 =	sand.u32 $0x70, s7;
	s8 =	sadd.s32 s11, s5;
	s3 =	sadd.s32 s3, s2;
	[tilespmem:s6+$0x0] =	vst v17  }
0x1fe: {  	s9 =	sadd.s32 s7, s8;
	v17 =	vld [tilespmem:s3+$0x0]  }
0x1ff: {  	v18 =	vld [tilespmem:s9+$0xA80];
	_ =	sdelay $0x1  }
0x200: {  	s12 =	simm.s32 $0x0;
	s10 =	spop (v2sf)  }
0x201: {  	s13 =	sand.u32 $0x100, s12;
	s14 =	sand.u32 $0x400, s12;
	s11 =	sshll.u32 s10, $0xA  }
0x202: {  	s7 =	sshrl.u32 s13, $0x1;
	s9 =	sand.u32 $0xC0, s12;
	s2 =	sshra.s32 s11, $0x2  }
0x203: {  	s8 =	sadd.s32 s14, s5;
	v17 =	vmax.bf16 v17, v18;
	s10 =	sand.u32 $0x70, s12;
	s2 =	sadd.s32 $0x8780, s2  }
0x204: {  	s9 =	sshrl.u32 s9, $0x1;
	[tilespmem:s3+$0x0] =	vst v17;
	s10 =	sadd.s32 s10, s8;
	s7 =	sadd.s32 s7, s2  }
0x205: {  	v18 =	vld [tilespmem:s10+$0xB00];
	s6 =	sadd.s32 s9, s7  }
0x206: {  	v17 =	vld [tilespmem:s6+$0x0]  }
0x207: {  	s3 =	simm.s32 $0x40  }
0x208: {  	s12 =	sand.u32 $0xC0, s3;
	s8 =	simm.s32 $0x20  }
0x209: {  	s26 =	sand.u32 $0x100, s8;
	s10 =	simm.s32 $0x2;
	s9 =	simm.s32 $0x80  }
0x20a: {  	s13 =	sshrl.u32 s26, $0x1;
	s7 =	simm.s32 $0x10;
	s11 =	sand.u32 $0x400, s9  }
.LBB2_37:
0x20b: {  	p0 =	sne.s32 s10, $0xF;
	s13 =	sadd.s32 s13, s2;
	s12 =	sshrl.u32 s12, $0x1;
	v17 =	vmax.bf16 v17, v18  }
0x20c: {  	s14 =	sand.u32 $0x70, s7;
	s11 =	sadd.s32 s11, s5;
	[tilespmem:s6+$0x0] =	vst v17;
	s6 =	sadd.s32 s12, s13  }
0x20d: {  	s11 =	sadd.s32 s14, s11;
	v17 =	vld [tilespmem:s6+$0x0]  }
.Ltmp20:
0x20e: {  	v18 =	vld [tilespmem:s11+$0xB00];
	(pc) =	sbr.rel @p0 .LBB2_37-.Ltmp20, $4  }
0x20f: {  	_ = 	snop  }
0x210: {  	s3 =	sadd.s32 $0x40, s3;
	s8 =	sadd.s32 $0x20, s8;
	s9 =	sadd.s32 $0x80, s9  }
0x211: {  	s7 =	sadd.s32 $0x10, s7;
	s13 =	sand.u32 $0x100, s8;
	s11 =	sand.u32 $0x400, s9  }
0x212: {  	s10 =	sadd.s32 $0x1, s10;
	s12 =	sand.u32 $0xC0, s3;
	s13 =	sshrl.u32 s13, $0x1  }
0x213: {  	(v2sf) =	vpush v16, $0xF;
	_ =	sdelay $0x9  }
0x214: {  	s2 =	sadd.s32 s13, s2;
	s3 =	sshrl.u32 s12, $0x1;
	v16 =	vmax.bf16 v17, v18  }
0x215: {  	s7 =	sand.u32 $0x70, s7;
	s8 =	sadd.s32 s11, s5;
	s3 =	sadd.s32 s3, s2;
	[tilespmem:s6+$0x0] =	vst v16  }
0x216: {  	s9 =	sadd.s32 s7, s8;
	v16 =	vld [tilespmem:s3+$0x0]  }
0x217: {  	v17 =	vld [tilespmem:s9+$0xB00];
	_ =	sdelay $0x1  }
0x218: {  	s12 =	simm.s32 $0x0;
	s10 =	spop (v2sf)  }
0x219: {  	s13 =	sand.u32 $0x100, s12;
	s14 =	sand.u32 $0x400, s12;
	s11 =	sshll.u32 s10, $0xA  }
0x21a: {  	s7 =	sshrl.u32 s13, $0x1;
	s9 =	sand.u32 $0xC0, s12;
	s2 =	sshra.s32 s11, $0x2  }
0x21b: {  	s8 =	sadd.s32 s14, s5;
	v16 =	vmax.bf16 v16, v17;
	s10 =	sand.u32 $0x70, s12;
	s2 =	sadd.s32 $0x8780, s2  }
0x21c: {  	s9 =	sshrl.u32 s9, $0x1;
	[tilespmem:s3+$0x0] =	vst v16;
	s10 =	sadd.s32 s10, s8;
	s7 =	sadd.s32 s7, s2  }
0x21d: {  	v17 =	vld [tilespmem:s10+$0xB80];
	s6 =	sadd.s32 s9, s7  }
0x21e: {  	v16 =	vld [tilespmem:s6+$0x0]  }
0x21f: {  	s3 =	simm.s32 $0x40  }
0x220: {  	s12 =	sand.u32 $0xC0, s3;
	s7 =	simm.s32 $0x20  }
0x221: {  	s8 =	simm.s32 $0x10;
	s9 =	simm.s32 $0x80;
	s26 =	sand.u32 $0x100, s7  }
0x222: {  	s10 =	simm.s32 $0x2;
	s11 =	sand.u32 $0x400, s9;
	s13 =	sshrl.u32 s26, $0x1  }
.LBB2_39:
0x223: {  	p0 =	sne.s32 s10, $0xF;
	s13 =	sadd.s32 s13, s2;
	s12 =	sshrl.u32 s12, $0x1;
	v16 =	vmax.bf16 v16, v17  }
0x224: {  	s14 =	sand.u32 $0x70, s8;
	s11 =	sadd.s32 s11, s5;
	[tilespmem:s6+$0x0] =	vst v16;
	s6 =	sadd.s32 s12, s13  }
0x225: {  	s11 =	sadd.s32 s14, s11;
	v16 =	vld [tilespmem:s6+$0x0]  }
.Ltmp21:
0x226: {  	v17 =	vld [tilespmem:s11+$0xB80];
	(pc) =	sbr.rel @p0 .LBB2_39-.Ltmp21, $4  }
0x227: {  	_ = 	snop  }
0x228: {  	s3 =	sadd.s32 $0x40, s3;
	s7 =	sadd.s32 $0x20, s7;
	s9 =	sadd.s32 $0x80, s9  }
0x229: {  	s8 =	sadd.s32 $0x10, s8;
	s13 =	sand.u32 $0x100, s7;
	s11 =	sand.u32 $0x400, s9  }
0x22a: {  	s10 =	sadd.s32 $0x1, s10;
	s12 =	sand.u32 $0xC0, s3;
	s13 =	sshrl.u32 s13, $0x1  }
0x22b: {  	s2 =	sadd.s32 s13, s2;
	s3 =	sshrl.u32 s12, $0x1;
	v16 =	vmax.bf16 v16, v17  }
0x22c: {  	s7 =	sand.u32 $0x70, s8;
	s5 =	sadd.s32 s11, s5;
	s2 =	sadd.s32 s3, s2;
	[tilespmem:s6+$0x0] =	vst v16  }
0x22d: {  	s26 =	sadd.s32 s7, s5;
	v16 =	vld [tilespmem:s2+$0x0]  }
0x22e: {  	s25 =	sadd.s32 $0x1, s25;
	v17 =	vld [tilespmem:s26+$0xB80]  }
0x22f: {  	p0 =	sne.s32 s25, $0x8  }
.Ltmp22:
0x230: {  	_ = 	snop;
	(pc) =	sbr.rel @p0 .LBB2_8-.Ltmp22, $3  }
0x231: {  	_ =	sdelay $0x1  }
0x232: {  	v16 =	vmax.bf16 v16, v17  }
0x233: {  	[tilespmem:s2+$0x0] =	vst v16  }
.Ltmp23:
0x234: {  	(pc) =	sbr.rel .LBB2_42-.Ltmp23, $2  }
0x235: {  	_ =	sdelay $0x2  }
0x236: {  	s0 =	smov.u32 s1  }
.LBB2_44:
0x237: {  	v16 =	vld [tilespmem:$0x700]  }
0x238: {  	v17 =	vld [tilespmem:$0x680]  }
0x239: {  	v18 =	vld [tilespmem:$0x710]  }
0x23a: {  	v19 =	vld [tilespmem:$0x720]  }
0x23b: {  	v20 =	vmov s0;
	v21 =	vld [tilespmem:$0x730]  }
0x23c: {  	v22 =	vld [tilespmem:$0x740];
	vm1 =	vgt.s32 v20, v5  }
0x23d: {  	vm2 =	vgt.s32 v20, v7;
	v16 =	vnsel vm1, $0x140, v16;
	v23 =	vshll.u32 v17, $0x1  }
0x23e: {  	v24 =	vld [tilespmem:$0x750];
	vm1 =	vgt.s32 v20, v6;
	v17 =	vand.u32 $0x7, v17;
	v23 =	vand.u32 $0xFFFFFFF0, v23  }
0x23f: {  	v59 =	vld [tilespmem:$0x760];
	v58 =	vnsel vm2, $0x140, v19;
	[tilespmem:$0x700] =	vst v16;
	v16 =	vnsel vm1, $0x140, v18;
	v17 =	vor.u32 v17, v23  }
0x240: {  	vm2 =	vgt.s32 v20, v9;
	vm1 =	vgt.s32 v20, v8;
	[tilespmem:$0x710] =	vst v16;
	v16 =	vld [tilespmem:$0x770];
	v23 =	vperm.xlane v17, v13  }
0x241: {  	[tilespmem:$0x720] =	vst v58;
	v60 =	vnsel vm2, $0x140, v22;
	v21 =	vnsel vm1, $0x140, v21  }
0x242: {  	vm1 =	vgt.s32 v20, v10;
	[tilespmem:$0x740] =	vst v60;
	v17 =	vperm.xlane v17, v15;
	v61 =	vadd.s32 v14, v23  }
0x243: {  	[tilespmem:$0x730] =	vst v21;
	v62 =	vnsel vm1, $0x140, v24;
	vm1 =	vgt.s32 v20, v11  }
0x244: {  	[tilespmem:$0x750] =	vst v62;
	v63 =	vnsel vm1, $0x140, v59;
	vm1 =	vgt.s32 v20, v12;
	v17 =	vadd.s32 v14, v17  }
0x245: {  	[tilespmem:$0x760] =	vst v63;
	v16 =	vnsel vm1, $0x140, v16  }
0x246: {  	s0 =	simm.s32 $0x0;
	s1 =	simm.s32 $0x780;
	[tilespmem:$0x770] =	vst v16  }
0x247: {  	[tilespmem:s1], [sflag:$0x1] =	stream.indirect_vreg.gather [hbm4b:s4+s0], $0x80, v61, vm0, $0xb8;
	[tilespmem:$0x1C880] =	vst v63  }
0x248: {  	s14 =	simm.s32 $0xF80  }
0x249: {  	[tilespmem:s14], [sflag:$0x1] =	stream.indirect_vreg.gather [hbm4b:s4+s0], $0x80, v17, vm0, $0xb8;
	[tilespmem:$0x1C880] =	vst v63  }
0x24a: {  	v16 =	vld [tilespmem:$0x690];
	_ =	sdelay $0x4  }
0x24b: {  	v17 =	vshll.u32 v16, $0x1  }
0x24c: {  	v16 =	vand.u32 $0x7, v16;
	v17 =	vand.u32 $0xFFFFFFF0, v17  }
0x24d: {  	v16 =	vor.u32 v16, v17  }
0x24e: {  	v17 =	vperm.xlane v16, v13;
	_ =	sdelay $0x1  }
0x24f: {  	v16 =	vperm.xlane v16, v15;
	v17 =	vadd.s32 v14, v17;
	_ =	sdelay $0x1  }
0x250: {  	v16 =	vadd.s32 v14, v16;
	_ =	sdelay $0x1  }
0x251: {  	s25 =	simm.s32 $0x1780  }
0x252: {  	[tilespmem:s25], [sflag:$0x1] =	stream.indirect_vreg.gather [hbm4b:s4+s0], $0x80, v17, vm0, $0xb8;
	[tilespmem:$0x1C880] =	vst v63  }
0x253: {  	s26 =	simm.s32 $0x1F80  }
0x254: {  	[tilespmem:s26], [sflag:$0x1] =	stream.indirect_vreg.gather [hbm4b:s4+s0], $0x80, v16, vm0, $0xb8;
	[tilespmem:$0x1C880] =	vst v63  }
0x255: {  	v16 =	vld [tilespmem:$0x6A0];
	_ =	sdelay $0x4  }
0x256: {  	v17 =	vshll.u32 v16, $0x1  }
0x257: {  	v16 =	vand.u32 $0x7, v16;
	v17 =	vand.u32 $0xFFFFFFF0, v17  }
0x258: {  	v16 =	vor.u32 v16, v17  }
0x259: {  	v17 =	vperm.xlane v16, v13;
	_ =	sdelay $0x1  }
0x25a: {  	v16 =	vperm.xlane v16, v15;
	v17 =	vadd.s32 v14, v17;
	_ =	sdelay $0x1  }
0x25b: {  	v16 =	vadd.s32 v14, v16;
	_ =	sdelay $0x1  }
0x25c: {  	s29 =	simm.s32 $0x2780  }
0x25d: {  	[tilespmem:s29], [sflag:$0x1] =	stream.indirect_vreg.gather [hbm4b:s4+s0], $0x80, v17, vm0, $0xb8;
	[tilespmem:$0x1C880] =	vst v63  }
0x25e: {  	s30 =	simm.s32 $0x2F80  }
0x25f: {  	[tilespmem:s30], [sflag:$0x1] =	stream.indirect_vreg.gather [hbm4b:s4+s0], $0x80, v16, vm0, $0xb8;
	[tilespmem:$0x1C880] =	vst v63  }
0x260: {  	v16 =	vld [tilespmem:$0x6B0];
	_ =	sdelay $0x4  }
0x261: {  	v17 =	vshll.u32 v16, $0x1  }
0x262: {  	v16 =	vand.u32 $0x7, v16;
	v17 =	vand.u32 $0xFFFFFFF0, v17  }
0x263: {  	v16 =	vor.u32 v16, v17  }
0x264: {  	v17 =	vperm.xlane v16, v13;
	_ =	sdelay $0x1  }
0x265: {  	v16 =	vperm.xlane v16, v15;
	v17 =	vadd.s32 v14, v17;
	_ =	sdelay $0x1  }
0x266: {  	v16 =	vadd.s32 v14, v16;
	_ =	sdelay $0x1  }
0x267: {  	s31 =	simm.s32 $0x3780  }
0x268: {  	[tilespmem:s31], [sflag:$0x1] =	stream.indirect_vreg.gather [hbm4b:s4+s0], $0x80, v17, vm0, $0xb8;
	[tilespmem:$0x1C880] =	vst v63  }
0x269: {  	_ = 	snop  }
0x26a: {  	[tilespmem:s15], [sflag:$0x1] =	stream.indirect_vreg.gather [hbm4b:s4+s0], $0x80, v16, vm0, $0xb8;
	[tilespmem:$0x1C880] =	vst v63  }
0x26b: {  	v16 =	vld [tilespmem:$0x6C0];
	_ =	sdelay $0x4  }
0x26c: {  	v17 =	vshll.u32 v16, $0x1  }
0x26d: {  	v16 =	vand.u32 $0x7, v16;
	v17 =	vand.u32 $0xFFFFFFF0, v17  }
0x26e: {  	v16 =	vor.u32 v16, v17  }
0x26f: {  	v17 =	vperm.xlane v16, v13;
	_ =	sdelay $0x1  }
0x270: {  	v16 =	vperm.xlane v16, v15;
	v17 =	vadd.s32 v14, v17;
	_ =	sdelay $0x1  }
0x271: {  	v16 =	vadd.s32 v14, v16;
	_ =	sdelay $0x2  }
0x272: {  	[tilespmem:s16], [sflag:$0x1] =	stream.indirect_vreg.gather [hbm4b:s4+s0], $0x80, v17, vm0, $0xb8;
	[tilespmem:$0x1C880] =	vst v63  }
0x273: {  	_ = 	snop  }
0x274: {  	[tilespmem:s17], [sflag:$0x1] =	stream.indirect_vreg.gather [hbm4b:s4+s0], $0x80, v16, vm0, $0xb8;
	[tilespmem:$0x1C880] =	vst v63  }
0x275: {  	v16 =	vld [tilespmem:$0x6D0];
	_ =	sdelay $0x4  }
0x276: {  	v17 =	vshll.u32 v16, $0x1  }
0x277: {  	v16 =	vand.u32 $0x7, v16;
	v17 =	vand.u32 $0xFFFFFFF0, v17  }
0x278: {  	v16 =	vor.u32 v16, v17  }
0x279: {  	v17 =	vperm.xlane v16, v13;
	_ =	sdelay $0x1  }
0x27a: {  	v16 =	vperm.xlane v16, v15;
	v17 =	vadd.s32 v14, v17;
	_ =	sdelay $0x1  }
0x27b: {  	v16 =	vadd.s32 v14, v16;
	_ =	sdelay $0x2  }
0x27c: {  	[tilespmem:s18], [sflag:$0x1] =	stream.indirect_vreg.gather [hbm4b:s4+s0], $0x80, v17, vm0, $0xb8;
	[tilespmem:$0x1C880] =	vst v63  }
0x27d: {  	_ = 	snop  }
0x27e: {  	[tilespmem:s19], [sflag:$0x1] =	stream.indirect_vreg.gather [hbm4b:s4+s0], $0x80, v16, vm0, $0xb8;
	[tilespmem:$0x1C880] =	vst v63  }
0x27f: {  	v16 =	vld [tilespmem:$0x6E0];
	_ =	sdelay $0x4  }
0x280: {  	v17 =	vshll.u32 v16, $0x1  }
0x281: {  	v16 =	vand.u32 $0x7, v16;
	v17 =	vand.u32 $0xFFFFFFF0, v17  }
0x282: {  	v16 =	vor.u32 v16, v17  }
0x283: {  	v17 =	vperm.xlane v16, v13;
	_ =	sdelay $0x1  }
0x284: {  	v16 =	vperm.xlane v16, v15;
	v17 =	vadd.s32 v14, v17;
	_ =	sdelay $0x1  }
0x285: {  	v16 =	vadd.s32 v14, v16;
	_ =	sdelay $0x2  }
0x286: {  	[tilespmem:s20], [sflag:$0x1] =	stream.indirect_vreg.gather [hbm4b:s4+s0], $0x80, v17, vm0, $0xb8;
	[tilespmem:$0x1C880] =	vst v63  }
0x287: {  	_ = 	snop  }
0x288: {  	[tilespmem:s21], [sflag:$0x1] =	stream.indirect_vreg.gather [hbm4b:s4+s0], $0x80, v16, vm0, $0xb8;
	[tilespmem:$0x1C880] =	vst v63  }
0x289: {  	v16 =	vld [tilespmem:$0x6F0];
	_ =	sdelay $0x4  }
0x28a: {  	v17 =	vshll.u32 v16, $0x1  }
0x28b: {  	v16 =	vand.u32 $0x7, v16;
	v17 =	vand.u32 $0xFFFFFFF0, v17  }
0x28c: {  	v16 =	vor.u32 v16, v17  }
0x28d: {  	v17 =	vperm.xlane v16, v13;
	_ =	sdelay $0x1  }
0x28e: {  	v16 =	vperm.xlane v16, v15;
	v17 =	vadd.s32 v14, v17;
	_ =	sdelay $0x1  }
0x28f: {  	v16 =	vadd.s32 v14, v16;
	_ =	sdelay $0x2  }
0x290: {  	[tilespmem:s22], [sflag:$0x1] =	stream.indirect_vreg.gather [hbm4b:s4+s0], $0x80, v17, vm0, $0xb8;
	[tilespmem:$0x1C880] =	vst v63  }
0x291: {  	_ = 	snop  }
0x292: {  	[tilespmem:s23], [sflag:$0x1] =	stream.indirect_vreg.gather [hbm4b:s4+s0], $0x80, v16, vm0, $0xb8;
	[tilespmem:$0x1C880] =	vst v63  }
0x293: {  	_ =	swait.ge [sflag:s24], $0x8000  }
0x294: {  	[sflag:s24] =	ssyncset.done $0x0  }
0x295: {  	s1 =	simm.s32 $0x0;
	[sflag:s24] =	ssyncadd.s32 $0xFFFF8000  }
.LBB2_45:
0x296: {  	s2 =	sshll.u32 s1, $0x4  }
0x297: {  	s2 =	sand.u32 $0x3FFFFFF0, s2  }
0x298: {  	v16 =	vld [tilespmem:s2+$0x700];
	_ =	sdelay $0x4  }
0x299: {  	(v2sf) =	vpush v16, $0x0;
	_ =	sdelay $0xd  }
0x29a: {  	s3 =	sshll.u32 s1, $0xC  }
0x29b: {  	s31 =	sand.u32 $0x100, s0;
	s7 =	sand.u32 $0x400, s0;
	s30 =	spop (v2sf)  }
0x29c: {  	s8 =	sand.u32 $0xC0, s0;
	s6 =	sand.u32 $0x3FFFF000, s3;
	s2 =	sshll.u32 s30, $0xA  }
0x29d: {  	s9 =	sand.u32 $0x70, s0;
	s5 =	sor.u32 $0x780, s6;
	s2 =	sshra.s32 s2, $0x2  }
0x29e: {  	s3 =	sshrl.u32 s31, $0x1;
	s7 =	sadd.s32 s7, s5;
	s2 =	sadd.s32 $0x8780, s2  }
0x29f: {  	s8 =	sshrl.u32 s8, $0x1;
	s10 =	sadd.s32 s9, s7;
	s3 =	sadd.s32 s3, s2  }
0x2a0: {  	v18 =	vld [tilespmem:s10+$0x0];
	s25 =	sadd.s32 s8, s3  }
0x2a1: {  	v17 =	vld [tilespmem:s25+$0x0];
	_ =	sdelay $0x1  }
0x2a2: {  	s9 =	simm.s32 $0x80;
	s7 =	simm.s32 $0x10;
	s8 =	simm.s32 $0x20  }
0x2a3: {  	s11 =	sand.u32 $0x400, s9;
	s3 =	simm.s32 $0x40;
	s13 =	sand.u32 $0x100, s8  }
0x2a4: {  	s10 =	simm.s32 $0x2;
	s12 =	sand.u32 $0xC0, s3;
	s13 =	sshrl.u32 s13, $0x1  }
.LBB2_46:
0x2a5: {  	p0 =	sne.s32 s10, $0xF;
	s13 =	sadd.s32 s13, s2;
	s12 =	sshrl.u32 s12, $0x1;
	v17 =	vmax.bf16 v17, v18  }
0x2a6: {  	s14 =	sand.u32 $0x70, s7;
	s11 =	sadd.s32 s11, s5;
	[tilespmem:s25+$0x0] =	vst v17;
	s25 =	sadd.s32 s12, s13  }
0x2a7: {  	s11 =	sadd.s32 s14, s11;
	v17 =	vld [tilespmem:s25+$0x0]  }
.Ltmp24:
0x2a8: {  	v18 =	vld [tilespmem:s11+$0x0];
	(pc) =	sbr.rel @p0 .LBB2_46-.Ltmp24, $4  }
0x2a9: {  	_ = 	snop  }
0x2aa: {  	s3 =	sadd.s32 $0x40, s3;
	s8 =	sadd.s32 $0x20, s8;
	s9 =	sadd.s32 $0x80, s9  }
0x2ab: {  	s7 =	sadd.s32 $0x10, s7;
	s13 =	sand.u32 $0x100, s8;
	s11 =	sand.u32 $0x400, s9  }
0x2ac: {  	s10 =	sadd.s32 $0x1, s10;
	s12 =	sand.u32 $0xC0, s3;
	s13 =	sshrl.u32 s13, $0x1  }
0x2ad: {  	(v2sf) =	vpush v16, $0x1;
	_ =	sdelay $0x9  }
0x2ae: {  	s2 =	sadd.s32 s13, s2;
	s3 =	sshrl.u32 s12, $0x1;
	v17 =	vmax.bf16 v17, v18  }
0x2af: {  	s7 =	sand.u32 $0x70, s7;
	s8 =	sadd.s32 s11, s5;
	s3 =	sadd.s32 s3, s2;
	[tilespmem:s25+$0x0] =	vst v17  }
0x2b0: {  	s13 =	sadd.s32 s7, s8;
	v17 =	vld [tilespmem:s3+$0x0]  }
0x2b1: {  	v18 =	vld [tilespmem:s13+$0x0];
	_ =	sdelay $0x1  }
0x2b2: {  	s26 =	simm.s32 $0x0;
	s14 =	spop (v2sf)  }
0x2b3: {  	s29 =	sand.u32 $0x100, s26;
	s9 =	sand.u32 $0x400, s26;
	s25 =	sshll.u32 s14, $0xA  }
0x2b4: {  	s10 =	sand.u32 $0xC0, s26;
	s7 =	sand.u32 $0x70, s26;
	s2 =	sshra.s32 s25, $0x2  }
0x2b5: {  	s8 =	sshrl.u32 s29, $0x1;
	s9 =	sadd.s32 s9, s5;
	v17 =	vmax.bf16 v17, v18;
	s2 =	sadd.s32 $0x8780, s2  }
0x2b6: {  	s10 =	sshrl.u32 s10, $0x1;
	s30 =	sadd.s32 s7, s9;
	[tilespmem:s3+$0x0] =	vst v17;
	s8 =	sadd.s32 s8, s2  }
0x2b7: {  	v18 =	vld [tilespmem:s30+$0x80];
	s25 =	sadd.s32 s10, s8  }
0x2b8: {  	v17 =	vld [tilespmem:s25+$0x0];
	_ =	sdelay $0x1  }
0x2b9: {  	s9 =	simm.s32 $0x80;
	s7 =	simm.s32 $0x10;
	s8 =	simm.s32 $0x20  }
0x2ba: {  	s11 =	sand.u32 $0x400, s9;
	s3 =	simm.s32 $0x40;
	s31 =	sand.u32 $0x100, s8  }
0x2bb: {  	s12 =	sand.u32 $0xC0, s3;
	s10 =	simm.s32 $0x2;
	s13 =	sshrl.u32 s31, $0x1  }
.LBB2_48:
0x2bc: {  	p0 =	sne.s32 s10, $0xF;
	s13 =	sadd.s32 s13, s2;
	s12 =	sshrl.u32 s12, $0x1;
	v17 =	vmax.bf16 v17, v18  }
0x2bd: {  	s14 =	sand.u32 $0x70, s7;
	s11 =	sadd.s32 s11, s5;
	[tilespmem:s25+$0x0] =	vst v17;
	s25 =	sadd.s32 s12, s13  }
0x2be: {  	s11 =	sadd.s32 s14, s11;
	v17 =	vld [tilespmem:s25+$0x0]  }
.Ltmp25:
0x2bf: {  	v18 =	vld [tilespmem:s11+$0x80];
	(pc) =	sbr.rel @p0 .LBB2_48-.Ltmp25, $4  }
0x2c0: {  	_ = 	snop  }
0x2c1: {  	s3 =	sadd.s32 $0x40, s3;
	s8 =	sadd.s32 $0x20, s8;
	s9 =	sadd.s32 $0x80, s9  }
0x2c2: {  	s7 =	sadd.s32 $0x10, s7;
	s13 =	sand.u32 $0x100, s8;
	s11 =	sand.u32 $0x400, s9  }
0x2c3: {  	s10 =	sadd.s32 $0x1, s10;
	s12 =	sand.u32 $0xC0, s3;
	s13 =	sshrl.u32 s13, $0x1  }
0x2c4: {  	(v2sf) =	vpush v16, $0x2;
	_ =	sdelay $0x9  }
0x2c5: {  	s2 =	sadd.s32 s13, s2;
	s3 =	sshrl.u32 s12, $0x1;
	v17 =	vmax.bf16 v17, v18  }
0x2c6: {  	s7 =	sand.u32 $0x70, s7;
	s8 =	sadd.s32 s11, s5;
	s3 =	sadd.s32 s3, s2;
	[tilespmem:s25+$0x0] =	vst v17  }
0x2c7: {  	s13 =	sadd.s32 s7, s8;
	v17 =	vld [tilespmem:s3+$0x0]  }
0x2c8: {  	v18 =	vld [tilespmem:s13+$0x80];
	_ =	sdelay $0x1  }
0x2c9: {  	s26 =	simm.s32 $0x0;
	s14 =	spop (v2sf)  }
0x2ca: {  	s29 =	sand.u32 $0x100, s26;
	s9 =	sand.u32 $0x400, s26;
	s25 =	sshll.u32 s14, $0xA  }
0x2cb: {  	s10 =	sand.u32 $0xC0, s26;
	s7 =	sand.u32 $0x70, s26;
	s2 =	sshra.s32 s25, $0x2  }
0x2cc: {  	s8 =	sshrl.u32 s29, $0x1;
	s9 =	sadd.s32 s9, s5;
	v17 =	vmax.bf16 v17, v18;
	s2 =	sadd.s32 $0x8780, s2  }
0x2cd: {  	s10 =	sshrl.u32 s10, $0x1;
	s30 =	sadd.s32 s7, s9;
	[tilespmem:s3+$0x0] =	vst v17;
	s8 =	sadd.s32 s8, s2  }
0x2ce: {  	v18 =	vld [tilespmem:s30+$0x100];
	s25 =	sadd.s32 s10, s8  }
0x2cf: {  	v17 =	vld [tilespmem:s25+$0x0];
	_ =	sdelay $0x1  }
0x2d0: {  	s9 =	simm.s32 $0x80;
	s7 =	simm.s32 $0x10;
	s8 =	simm.s32 $0x20  }
0x2d1: {  	s11 =	sand.u32 $0x400, s9;
	s3 =	simm.s32 $0x40;
	s31 =	sand.u32 $0x100, s8  }
0x2d2: {  	s12 =	sand.u32 $0xC0, s3;
	s10 =	simm.s32 $0x2;
	s13 =	sshrl.u32 s31, $0x1  }
.LBB2_50:
0x2d3: {  	p0 =	sne.s32 s10, $0xF;
	s13 =	sadd.s32 s13, s2;
	s12 =	sshrl.u32 s12, $0x1;
	v17 =	vmax.bf16 v17, v18  }
0x2d4: {  	s14 =	sand.u32 $0x70, s7;
	s11 =	sadd.s32 s11, s5;
	[tilespmem:s25+$0x0] =	vst v17;
	s25 =	sadd.s32 s12, s13  }
0x2d5: {  	s11 =	sadd.s32 s14, s11;
	v17 =	vld [tilespmem:s25+$0x0]  }
.Ltmp26:
0x2d6: {  	v18 =	vld [tilespmem:s11+$0x100];
	(pc) =	sbr.rel @p0 .LBB2_50-.Ltmp26, $4  }
0x2d7: {  	_ = 	snop  }
0x2d8: {  	s3 =	sadd.s32 $0x40, s3;
	s8 =	sadd.s32 $0x20, s8;
	s9 =	sadd.s32 $0x80, s9  }
0x2d9: {  	s7 =	sadd.s32 $0x10, s7;
	s13 =	sand.u32 $0x100, s8;
	s11 =	sand.u32 $0x400, s9  }
0x2da: {  	s10 =	sadd.s32 $0x1, s10;
	s12 =	sand.u32 $0xC0, s3;
	s13 =	sshrl.u32 s13, $0x1  }
0x2db: {  	(v2sf) =	vpush v16, $0x3;
	_ =	sdelay $0x9  }
0x2dc: {  	s2 =	sadd.s32 s13, s2;
	s3 =	sshrl.u32 s12, $0x1;
	v17 =	vmax.bf16 v17, v18  }
0x2dd: {  	s7 =	sand.u32 $0x70, s7;
	s8 =	sadd.s32 s11, s5;
	s3 =	sadd.s32 s3, s2;
	[tilespmem:s25+$0x0] =	vst v17  }
0x2de: {  	s13 =	sadd.s32 s7, s8;
	v17 =	vld [tilespmem:s3+$0x0]  }
0x2df: {  	v18 =	vld [tilespmem:s13+$0x100];
	_ =	sdelay $0x1  }
0x2e0: {  	s26 =	simm.s32 $0x0;
	s14 =	spop (v2sf)  }
0x2e1: {  	s29 =	sand.u32 $0x100, s26;
	s9 =	sand.u32 $0x400, s26;
	s25 =	sshll.u32 s14, $0xA  }
0x2e2: {  	s10 =	sand.u32 $0xC0, s26;
	s7 =	sand.u32 $0x70, s26;
	s2 =	sshra.s32 s25, $0x2  }
0x2e3: {  	s8 =	sshrl.u32 s29, $0x1;
	s9 =	sadd.s32 s9, s5;
	v17 =	vmax.bf16 v17, v18;
	s2 =	sadd.s32 $0x8780, s2  }
0x2e4: {  	s10 =	sshrl.u32 s10, $0x1;
	s30 =	sadd.s32 s7, s9;
	[tilespmem:s3+$0x0] =	vst v17;
	s8 =	sadd.s32 s8, s2  }
0x2e5: {  	v18 =	vld [tilespmem:s30+$0x180];
	s25 =	sadd.s32 s10, s8  }
0x2e6: {  	v17 =	vld [tilespmem:s25+$0x0];
	_ =	sdelay $0x1  }
0x2e7: {  	s9 =	simm.s32 $0x80;
	s7 =	simm.s32 $0x10;
	s8 =	simm.s32 $0x20  }
0x2e8: {  	s11 =	sand.u32 $0x400, s9;
	s3 =	simm.s32 $0x40;
	s31 =	sand.u32 $0x100, s8  }
0x2e9: {  	s12 =	sand.u32 $0xC0, s3;
	s10 =	simm.s32 $0x2;
	s13 =	sshrl.u32 s31, $0x1  }
.LBB2_52:
0x2ea: {  	p0 =	sne.s32 s10, $0xF;
	s13 =	sadd.s32 s13, s2;
	s12 =	sshrl.u32 s12, $0x1;
	v17 =	vmax.bf16 v17, v18  }
0x2eb: {  	s14 =	sand.u32 $0x70, s7;
	s11 =	sadd.s32 s11, s5;
	[tilespmem:s25+$0x0] =	vst v17;
	s25 =	sadd.s32 s12, s13  }
0x2ec: {  	s11 =	sadd.s32 s14, s11;
	v17 =	vld [tilespmem:s25+$0x0]  }
.Ltmp27:
0x2ed: {  	v18 =	vld [tilespmem:s11+$0x180];
	(pc) =	sbr.rel @p0 .LBB2_52-.Ltmp27, $4  }
0x2ee: {  	_ = 	snop  }
0x2ef: {  	s3 =	sadd.s32 $0x40, s3;
	s8 =	sadd.s32 $0x20, s8;
	s9 =	sadd.s32 $0x80, s9  }
0x2f0: {  	s7 =	sadd.s32 $0x10, s7;
	s13 =	sand.u32 $0x100, s8;
	s11 =	sand.u32 $0x400, s9  }
0x2f1: {  	s10 =	sadd.s32 $0x1, s10;
	s12 =	sand.u32 $0xC0, s3;
	s13 =	sshrl.u32 s13, $0x1  }
0x2f2: {  	(v2sf) =	vpush v16, $0x4;
	_ =	sdelay $0x9  }
0x2f3: {  	s2 =	sadd.s32 s13, s2;
	s3 =	sshrl.u32 s12, $0x1;
	v17 =	vmax.bf16 v17, v18  }
0x2f4: {  	s7 =	sand.u32 $0x70, s7;
	s8 =	sadd.s32 s11, s5;
	s3 =	sadd.s32 s3, s2;
	[tilespmem:s25+$0x0] =	vst v17  }
0x2f5: {  	s13 =	sadd.s32 s7, s8;
	v17 =	vld [tilespmem:s3+$0x0]  }
0x2f6: {  	v18 =	vld [tilespmem:s13+$0x180];
	_ =	sdelay $0x1  }
0x2f7: {  	s26 =	simm.s32 $0x0;
	s14 =	spop (v2sf)  }
0x2f8: {  	s29 =	sand.u32 $0x100, s26;
	s9 =	sand.u32 $0x400, s26;
	s25 =	sshll.u32 s14, $0xA  }
0x2f9: {  	s10 =	sand.u32 $0xC0, s26;
	s7 =	sand.u32 $0x70, s26;
	s2 =	sshra.s32 s25, $0x2  }
0x2fa: {  	s8 =	sshrl.u32 s29, $0x1;
	s9 =	sadd.s32 s9, s5;
	v17 =	vmax.bf16 v17, v18;
	s2 =	sadd.s32 $0x8780, s2  }
0x2fb: {  	s10 =	sshrl.u32 s10, $0x1;
	s30 =	sadd.s32 s7, s9;
	[tilespmem:s3+$0x0] =	vst v17;
	s8 =	sadd.s32 s8, s2  }
0x2fc: {  	v18 =	vld [tilespmem:s30+$0x200];
	s25 =	sadd.s32 s10, s8  }
0x2fd: {  	v17 =	vld [tilespmem:s25+$0x0];
	_ =	sdelay $0x1  }
0x2fe: {  	s9 =	simm.s32 $0x80;
	s7 =	simm.s32 $0x10;
	s8 =	simm.s32 $0x20  }
0x2ff: {  	s11 =	sand.u32 $0x400, s9;
	s3 =	simm.s32 $0x40;
	s31 =	sand.u32 $0x100, s8  }
0x300: {  	s12 =	sand.u32 $0xC0, s3;
	s10 =	simm.s32 $0x2;
	s13 =	sshrl.u32 s31, $0x1  }
.LBB2_54:
0x301: {  	p0 =	sne.s32 s10, $0xF;
	s13 =	sadd.s32 s13, s2;
	s12 =	sshrl.u32 s12, $0x1;
	v17 =	vmax.bf16 v17, v18  }
0x302: {  	s14 =	sand.u32 $0x70, s7;
	s11 =	sadd.s32 s11, s5;
	[tilespmem:s25+$0x0] =	vst v17;
	s25 =	sadd.s32 s12, s13  }
0x303: {  	s11 =	sadd.s32 s14, s11;
	v17 =	vld [tilespmem:s25+$0x0]  }
.Ltmp28:
0x304: {  	v18 =	vld [tilespmem:s11+$0x200];
	(pc) =	sbr.rel @p0 .LBB2_54-.Ltmp28, $4  }
0x305: {  	_ = 	snop  }
0x306: {  	s3 =	sadd.s32 $0x40, s3;
	s8 =	sadd.s32 $0x20, s8;
	s9 =	sadd.s32 $0x80, s9  }
0x307: {  	s7 =	sadd.s32 $0x10, s7;
	s13 =	sand.u32 $0x100, s8;
	s11 =	sand.u32 $0x400, s9  }
0x308: {  	s10 =	sadd.s32 $0x1, s10;
	s12 =	sand.u32 $0xC0, s3;
	s13 =	sshrl.u32 s13, $0x1  }
0x309: {  	(v2sf) =	vpush v16, $0x5;
	_ =	sdelay $0x9  }
0x30a: {  	s2 =	sadd.s32 s13, s2;
	s3 =	sshrl.u32 s12, $0x1;
	v17 =	vmax.bf16 v17, v18  }
0x30b: {  	s7 =	sand.u32 $0x70, s7;
	s8 =	sadd.s32 s11, s5;
	s3 =	sadd.s32 s3, s2;
	[tilespmem:s25+$0x0] =	vst v17  }
0x30c: {  	s13 =	sadd.s32 s7, s8;
	v17 =	vld [tilespmem:s3+$0x0]  }
0x30d: {  	v18 =	vld [tilespmem:s13+$0x200];
	_ =	sdelay $0x1  }
0x30e: {  	s26 =	simm.s32 $0x0;
	s14 =	spop (v2sf)  }
0x30f: {  	s29 =	sand.u32 $0x100, s26;
	s9 =	sand.u32 $0x400, s26;
	s25 =	sshll.u32 s14, $0xA  }
0x310: {  	s10 =	sand.u32 $0xC0, s26;
	s7 =	sand.u32 $0x70, s26;
	s2 =	sshra.s32 s25, $0x2  }
0x311: {  	s8 =	sshrl.u32 s29, $0x1;
	s9 =	sadd.s32 s9, s5;
	v17 =	vmax.bf16 v17, v18;
	s2 =	sadd.s32 $0x8780, s2  }
0x312: {  	s10 =	sshrl.u32 s10, $0x1;
	s30 =	sadd.s32 s7, s9;
	[tilespmem:s3+$0x0] =	vst v17;
	s8 =	sadd.s32 s8, s2  }
0x313: {  	v18 =	vld [tilespmem:s30+$0x280];
	s25 =	sadd.s32 s10, s8  }
0x314: {  	v17 =	vld [tilespmem:s25+$0x0];
	_ =	sdelay $0x1  }
0x315: {  	s9 =	simm.s32 $0x80;
	s7 =	simm.s32 $0x10;
	s8 =	simm.s32 $0x20  }
0x316: {  	s11 =	sand.u32 $0x400, s9;
	s3 =	simm.s32 $0x40;
	s31 =	sand.u32 $0x100, s8  }
0x317: {  	s12 =	sand.u32 $0xC0, s3;
	s10 =	simm.s32 $0x2;
	s13 =	sshrl.u32 s31, $0x1  }
.LBB2_56:
0x318: {  	p0 =	sne.s32 s10, $0xF;
	s13 =	sadd.s32 s13, s2;
	s12 =	sshrl.u32 s12, $0x1;
	v17 =	vmax.bf16 v17, v18  }
0x319: {  	s14 =	sand.u32 $0x70, s7;
	s11 =	sadd.s32 s11, s5;
	[tilespmem:s25+$0x0] =	vst v17;
	s25 =	sadd.s32 s12, s13  }
0x31a: {  	s11 =	sadd.s32 s14, s11;
	v17 =	vld [tilespmem:s25+$0x0]  }
.Ltmp29:
0x31b: {  	v18 =	vld [tilespmem:s11+$0x280];
	(pc) =	sbr.rel @p0 .LBB2_56-.Ltmp29, $4  }
0x31c: {  	_ = 	snop  }
0x31d: {  	s3 =	sadd.s32 $0x40, s3;
	s8 =	sadd.s32 $0x20, s8;
	s9 =	sadd.s32 $0x80, s9  }
0x31e: {  	s7 =	sadd.s32 $0x10, s7;
	s13 =	sand.u32 $0x100, s8;
	s11 =	sand.u32 $0x400, s9  }
0x31f: {  	s10 =	sadd.s32 $0x1, s10;
	s12 =	sand.u32 $0xC0, s3;
	s13 =	sshrl.u32 s13, $0x1  }
0x320: {  	(v2sf) =	vpush v16, $0x6;
	_ =	sdelay $0x9  }
0x321: {  	s2 =	sadd.s32 s13, s2;
	s3 =	sshrl.u32 s12, $0x1;
	v17 =	vmax.bf16 v17, v18  }
0x322: {  	s7 =	sand.u32 $0x70, s7;
	s8 =	sadd.s32 s11, s5;
	s3 =	sadd.s32 s3, s2;
	[tilespmem:s25+$0x0] =	vst v17  }
0x323: {  	s13 =	sadd.s32 s7, s8;
	v17 =	vld [tilespmem:s3+$0x0]  }
0x324: {  	v18 =	vld [tilespmem:s13+$0x280];
	_ =	sdelay $0x1  }
0x325: {  	s26 =	simm.s32 $0x0;
	s14 =	spop (v2sf)  }
0x326: {  	s29 =	sand.u32 $0x100, s26;
	s9 =	sand.u32 $0x400, s26;
	s25 =	sshll.u32 s14, $0xA  }
0x327: {  	s10 =	sand.u32 $0xC0, s26;
	s7 =	sand.u32 $0x70, s26;
	s2 =	sshra.s32 s25, $0x2  }
0x328: {  	s8 =	sshrl.u32 s29, $0x1;
	s9 =	sadd.s32 s9, s5;
	v17 =	vmax.bf16 v17, v18;
	s2 =	sadd.s32 $0x8780, s2  }
0x329: {  	s10 =	sshrl.u32 s10, $0x1;
	s30 =	sadd.s32 s7, s9;
	[tilespmem:s3+$0x0] =	vst v17;
	s8 =	sadd.s32 s8, s2  }
0x32a: {  	v18 =	vld [tilespmem:s30+$0x300];
	s25 =	sadd.s32 s10, s8  }
0x32b: {  	v17 =	vld [tilespmem:s25+$0x0];
	_ =	sdelay $0x1  }
0x32c: {  	s9 =	simm.s32 $0x80;
	s7 =	simm.s32 $0x10;
	s8 =	simm.s32 $0x20  }
0x32d: {  	s11 =	sand.u32 $0x400, s9;
	s3 =	simm.s32 $0x40;
	s31 =	sand.u32 $0x100, s8  }
0x32e: {  	s12 =	sand.u32 $0xC0, s3;
	s10 =	simm.s32 $0x2;
	s13 =	sshrl.u32 s31, $0x1  }
.LBB2_58:
0x32f: {  	p0 =	sne.s32 s10, $0xF;
	s13 =	sadd.s32 s13, s2;
	s12 =	sshrl.u32 s12, $0x1;
	v17 =	vmax.bf16 v17, v18  }
0x330: {  	s14 =	sand.u32 $0x70, s7;
	s11 =	sadd.s32 s11, s5;
	[tilespmem:s25+$0x0] =	vst v17;
	s25 =	sadd.s32 s12, s13  }
0x331: {  	s11 =	sadd.s32 s14, s11;
	v17 =	vld [tilespmem:s25+$0x0]  }
.Ltmp30:
0x332: {  	v18 =	vld [tilespmem:s11+$0x300];
	(pc) =	sbr.rel @p0 .LBB2_58-.Ltmp30, $4  }
0x333: {  	_ = 	snop  }
0x334: {  	s3 =	sadd.s32 $0x40, s3;
	s8 =	sadd.s32 $0x20, s8;
	s9 =	sadd.s32 $0x80, s9  }
0x335: {  	s7 =	sadd.s32 $0x10, s7;
	s13 =	sand.u32 $0x100, s8;
	s11 =	sand.u32 $0x400, s9  }
0x336: {  	s10 =	sadd.s32 $0x1, s10;
	s12 =	sand.u32 $0xC0, s3;
	s13 =	sshrl.u32 s13, $0x1  }
0x337: {  	(v2sf) =	vpush v16, $0x7;
	_ =	sdelay $0x9  }
0x338: {  	s2 =	sadd.s32 s13, s2;
	s3 =	sshrl.u32 s12, $0x1;
	v17 =	vmax.bf16 v17, v18  }
0x339: {  	s7 =	sand.u32 $0x70, s7;
	s8 =	sadd.s32 s11, s5;
	s3 =	sadd.s32 s3, s2;
	[tilespmem:s25+$0x0] =	vst v17  }
0x33a: {  	s13 =	sadd.s32 s7, s8;
	v17 =	vld [tilespmem:s3+$0x0]  }
0x33b: {  	v18 =	vld [tilespmem:s13+$0x300];
	_ =	sdelay $0x1  }
0x33c: {  	s26 =	simm.s32 $0x0;
	s14 =	spop (v2sf)  }
0x33d: {  	s29 =	sand.u32 $0x100, s26;
	s9 =	sand.u32 $0x400, s26;
	s25 =	sshll.u32 s14, $0xA  }
0x33e: {  	s10 =	sand.u32 $0xC0, s26;
	s7 =	sand.u32 $0x70, s26;
	s2 =	sshra.s32 s25, $0x2  }
0x33f: {  	s8 =	sshrl.u32 s29, $0x1;
	s9 =	sadd.s32 s9, s5;
	v17 =	vmax.bf16 v17, v18;
	s2 =	sadd.s32 $0x8780, s2  }
0x340: {  	s10 =	sshrl.u32 s10, $0x1;
	s30 =	sadd.s32 s7, s9;
	[tilespmem:s3+$0x0] =	vst v17;
	s8 =	sadd.s32 s8, s2  }
0x341: {  	v18 =	vld [tilespmem:s30+$0x380];
	s25 =	sadd.s32 s10, s8  }
0x342: {  	v17 =	vld [tilespmem:s25+$0x0];
	_ =	sdelay $0x1  }
0x343: {  	s9 =	simm.s32 $0x80;
	s7 =	simm.s32 $0x10;
	s8 =	simm.s32 $0x20  }
0x344: {  	s11 =	sand.u32 $0x400, s9;
	s3 =	simm.s32 $0x40;
	s31 =	sand.u32 $0x100, s8  }
0x345: {  	s12 =	sand.u32 $0xC0, s3;
	s10 =	simm.s32 $0x2;
	s13 =	sshrl.u32 s31, $0x1  }
.LBB2_60:
0x346: {  	p0 =	sne.s32 s10, $0xF;
	s13 =	sadd.s32 s13, s2;
	s12 =	sshrl.u32 s12, $0x1;
	v17 =	vmax.bf16 v17, v18  }
0x347: {  	s14 =	sand.u32 $0x70, s7;
	s11 =	sadd.s32 s11, s5;
	[tilespmem:s25+$0x0] =	vst v17;
	s25 =	sadd.s32 s12, s13  }
0x348: {  	s11 =	sadd.s32 s14, s11;
	v17 =	vld [tilespmem:s25+$0x0]  }
.Ltmp31:
0x349: {  	v18 =	vld [tilespmem:s11+$0x380];
	(pc) =	sbr.rel @p0 .LBB2_60-.Ltmp31, $4  }
0x34a: {  	_ = 	snop  }
0x34b: {  	s3 =	sadd.s32 $0x40, s3;
	s8 =	sadd.s32 $0x20, s8;
	s9 =	sadd.s32 $0x80, s9  }
0x34c: {  	s7 =	sadd.s32 $0x10, s7;
	s13 =	sand.u32 $0x100, s8;
	s11 =	sand.u32 $0x400, s9  }
0x34d: {  	s10 =	sadd.s32 $0x1, s10;
	s12 =	sand.u32 $0xC0, s3;
	s13 =	sshrl.u32 s13, $0x1  }
0x34e: {  	(v2sf) =	vpush v16, $0x8;
	_ =	sdelay $0x9  }
0x34f: {  	s2 =	sadd.s32 s13, s2;
	s3 =	sshrl.u32 s12, $0x1;
	v17 =	vmax.bf16 v17, v18  }
0x350: {  	s7 =	sand.u32 $0x70, s7;
	s8 =	sadd.s32 s11, s5;
	s3 =	sadd.s32 s3, s2;
	[tilespmem:s25+$0x0] =	vst v17  }
0x351: {  	s13 =	sadd.s32 s7, s8;
	v17 =	vld [tilespmem:s3+$0x0]  }
0x352: {  	v18 =	vld [tilespmem:s13+$0x380];
	_ =	sdelay $0x1  }
0x353: {  	s26 =	simm.s32 $0x0;
	s6 =	sadd.s32 $0xF80, s6;
	s14 =	spop (v2sf)  }
0x354: {  	s29 =	sand.u32 $0x100, s26;
	s9 =	sand.u32 $0x400, s26;
	s25 =	sshll.u32 s14, $0xA  }
0x355: {  	s10 =	sand.u32 $0xC0, s26;
	s7 =	sand.u32 $0x70, s26;
	s2 =	sshra.s32 s25, $0x2  }
0x356: {  	s8 =	sshrl.u32 s29, $0x1;
	s9 =	sadd.s32 s9, s6;
	v17 =	vmax.bf16 v17, v18;
	s2 =	sadd.s32 $0x8780, s2  }
0x357: {  	s10 =	sshrl.u32 s10, $0x1;
	s30 =	sadd.s32 s7, s9;
	[tilespmem:s3+$0x0] =	vst v17;
	s8 =	sadd.s32 s8, s2  }
0x358: {  	v18 =	vld [tilespmem:s30+$0x0];
	s25 =	sadd.s32 s10, s8  }
0x359: {  	v17 =	vld [tilespmem:s25+$0x0];
	_ =	sdelay $0x1  }
0x35a: {  	s9 =	simm.s32 $0x80;
	s7 =	simm.s32 $0x10;
	s8 =	simm.s32 $0x20  }
0x35b: {  	s11 =	sand.u32 $0x400, s9;
	s3 =	simm.s32 $0x40;
	s31 =	sand.u32 $0x100, s8  }
0x35c: {  	s12 =	sand.u32 $0xC0, s3;
	s10 =	simm.s32 $0x2;
	s13 =	sshrl.u32 s31, $0x1  }
.LBB2_62:
0x35d: {  	p0 =	sne.s32 s10, $0xF;
	s13 =	sadd.s32 s13, s2;
	s12 =	sshrl.u32 s12, $0x1;
	v17 =	vmax.bf16 v17, v18  }
0x35e: {  	s14 =	sand.u32 $0x70, s7;
	s11 =	sadd.s32 s11, s6;
	[tilespmem:s25+$0x0] =	vst v17;
	s25 =	sadd.s32 s12, s13  }
0x35f: {  	s11 =	sadd.s32 s14, s11;
	v17 =	vld [tilespmem:s25+$0x0]  }
.Ltmp32:
0x360: {  	v18 =	vld [tilespmem:s11+$0x0];
	(pc) =	sbr.rel @p0 .LBB2_62-.Ltmp32, $4  }
0x361: {  	_ = 	snop  }
0x362: {  	s3 =	sadd.s32 $0x40, s3;
	s8 =	sadd.s32 $0x20, s8;
	s9 =	sadd.s32 $0x80, s9  }
0x363: {  	s7 =	sadd.s32 $0x10, s7;
	s13 =	sand.u32 $0x100, s8;
	s11 =	sand.u32 $0x400, s9  }
0x364: {  	s10 =	sadd.s32 $0x1, s10;
	s12 =	sand.u32 $0xC0, s3;
	s13 =	sshrl.u32 s13, $0x1  }
0x365: {  	(v2sf) =	vpush v16, $0x9;
	_ =	sdelay $0x9  }
0x366: {  	s2 =	sadd.s32 s13, s2;
	s3 =	sshrl.u32 s12, $0x1;
	v17 =	vmax.bf16 v17, v18  }
0x367: {  	s7 =	sand.u32 $0x70, s7;
	s6 =	sadd.s32 s11, s6;
	s3 =	sadd.s32 s3, s2;
	[tilespmem:s25+$0x0] =	vst v17  }
0x368: {  	s14 =	sadd.s32 s7, s6;
	v17 =	vld [tilespmem:s3+$0x0]  }
0x369: {  	v18 =	vld [tilespmem:s14+$0x0];
	_ =	sdelay $0x1  }
0x36a: {  	s29 =	simm.s32 $0x0;
	s25 =	spop (v2sf)  }
0x36b: {  	s30 =	sand.u32 $0x100, s29;
	s8 =	sand.u32 $0x400, s29;
	s26 =	sshll.u32 s25, $0xA  }
0x36c: {  	s9 =	sand.u32 $0xC0, s29;
	s10 =	sand.u32 $0x70, s29;
	s2 =	sshra.s32 s26, $0x2  }
0x36d: {  	s7 =	sshrl.u32 s30, $0x1;
	s8 =	sadd.s32 s8, s5;
	v17 =	vmax.bf16 v17, v18;
	s2 =	sadd.s32 $0x8780, s2  }
0x36e: {  	s9 =	sshrl.u32 s9, $0x1;
	s10 =	sadd.s32 s10, s8;
	[tilespmem:s3+$0x0] =	vst v17;
	s7 =	sadd.s32 s7, s2  }
0x36f: {  	v18 =	vld [tilespmem:s10+$0x880];
	s6 =	sadd.s32 s9, s7  }
0x370: {  	v17 =	vld [tilespmem:s6+$0x0]  }
0x371: {  	s8 =	simm.s32 $0x20  }
0x372: {  	s31 =	sand.u32 $0x100, s8;
	s3 =	simm.s32 $0x40  }
0x373: {  	s13 =	sshrl.u32 s31, $0x1;
	s12 =	sand.u32 $0xC0, s3;
	s9 =	simm.s32 $0x80  }
0x374: {  	s10 =	simm.s32 $0x2;
	s7 =	simm.s32 $0x10;
	s11 =	sand.u32 $0x400, s9  }
.LBB2_64:
0x375: {  	p0 =	sne.s32 s10, $0xF;
	s13 =	sadd.s32 s13, s2;
	s12 =	sshrl.u32 s12, $0x1;
	v17 =	vmax.bf16 v17, v18  }
0x376: {  	s14 =	sand.u32 $0x70, s7;
	s11 =	sadd.s32 s11, s5;
	[tilespmem:s6+$0x0] =	vst v17;
	s6 =	sadd.s32 s12, s13  }
0x377: {  	s11 =	sadd.s32 s14, s11;
	v17 =	vld [tilespmem:s6+$0x0]  }
.Ltmp33:
0x378: {  	v18 =	vld [tilespmem:s11+$0x880];
	(pc) =	sbr.rel @p0 .LBB2_64-.Ltmp33, $4  }
0x379: {  	_ = 	snop  }
0x37a: {  	s3 =	sadd.s32 $0x40, s3;
	s8 =	sadd.s32 $0x20, s8;
	s9 =	sadd.s32 $0x80, s9  }
0x37b: {  	s7 =	sadd.s32 $0x10, s7;
	s13 =	sand.u32 $0x100, s8;
	s11 =	sand.u32 $0x400, s9  }
0x37c: {  	s10 =	sadd.s32 $0x1, s10;
	s12 =	sand.u32 $0xC0, s3;
	s13 =	sshrl.u32 s13, $0x1  }
0x37d: {  	(v2sf) =	vpush v16, $0xA;
	_ =	sdelay $0x9  }
0x37e: {  	s2 =	sadd.s32 s13, s2;
	s3 =	sshrl.u32 s12, $0x1;
	v17 =	vmax.bf16 v17, v18  }
0x37f: {  	s7 =	sand.u32 $0x70, s7;
	s8 =	sadd.s32 s11, s5;
	s3 =	sadd.s32 s3, s2;
	[tilespmem:s6+$0x0] =	vst v17  }
0x380: {  	s13 =	sadd.s32 s7, s8;
	v17 =	vld [tilespmem:s3+$0x0]  }
0x381: {  	v18 =	vld [tilespmem:s13+$0x880];
	_ =	sdelay $0x1  }
0x382: {  	s26 =	simm.s32 $0x0;
	s14 =	spop (v2sf)  }
0x383: {  	s29 =	sand.u32 $0x100, s26;
	s30 =	sand.u32 $0x400, s26;
	s25 =	sshll.u32 s14, $0xA  }
0x384: {  	s9 =	sand.u32 $0xC0, s26;
	s10 =	sand.u32 $0x70, s26;
	s2 =	sshra.s32 s25, $0x2  }
0x385: {  	s7 =	sshrl.u32 s29, $0x1;
	s8 =	sadd.s32 s30, s5;
	v17 =	vmax.bf16 v17, v18;
	s2 =	sadd.s32 $0x8780, s2  }
0x386: {  	s9 =	sshrl.u32 s9, $0x1;
	s10 =	sadd.s32 s10, s8;
	[tilespmem:s3+$0x0] =	vst v17;
	s7 =	sadd.s32 s7, s2  }
0x387: {  	v18 =	vld [tilespmem:s10+$0x900];
	s6 =	sadd.s32 s9, s7  }
0x388: {  	v17 =	vld [tilespmem:s6+$0x0]  }
0x389: {  	s8 =	simm.s32 $0x20  }
0x38a: {  	s31 =	sand.u32 $0x100, s8;
	s3 =	simm.s32 $0x40  }
0x38b: {  	s13 =	sshrl.u32 s31, $0x1;
	s12 =	sand.u32 $0xC0, s3;
	s9 =	simm.s32 $0x80  }
0x38c: {  	s10 =	simm.s32 $0x2;
	s7 =	simm.s32 $0x10;
	s11 =	sand.u32 $0x400, s9  }
.LBB2_66:
0x38d: {  	p0 =	sne.s32 s10, $0xF;
	s13 =	sadd.s32 s13, s2;
	s12 =	sshrl.u32 s12, $0x1;
	v17 =	vmax.bf16 v17, v18  }
0x38e: {  	s14 =	sand.u32 $0x70, s7;
	s11 =	sadd.s32 s11, s5;
	[tilespmem:s6+$0x0] =	vst v17;
	s6 =	sadd.s32 s12, s13  }
0x38f: {  	s11 =	sadd.s32 s14, s11;
	v17 =	vld [tilespmem:s6+$0x0]  }
.Ltmp34:
0x390: {  	v18 =	vld [tilespmem:s11+$0x900];
	(pc) =	sbr.rel @p0 .LBB2_66-.Ltmp34, $4  }
0x391: {  	_ = 	snop  }
0x392: {  	s3 =	sadd.s32 $0x40, s3;
	s8 =	sadd.s32 $0x20, s8;
	s9 =	sadd.s32 $0x80, s9  }
0x393: {  	s7 =	sadd.s32 $0x10, s7;
	s13 =	sand.u32 $0x100, s8;
	s11 =	sand.u32 $0x400, s9  }
0x394: {  	s10 =	sadd.s32 $0x1, s10;
	s12 =	sand.u32 $0xC0, s3;
	s13 =	sshrl.u32 s13, $0x1  }
0x395: {  	(v2sf) =	vpush v16, $0xB;
	_ =	sdelay $0x9  }
0x396: {  	s2 =	sadd.s32 s13, s2;
	s3 =	sshrl.u32 s12, $0x1;
	v17 =	vmax.bf16 v17, v18  }
0x397: {  	s7 =	sand.u32 $0x70, s7;
	s8 =	sadd.s32 s11, s5;
	s3 =	sadd.s32 s3, s2;
	[tilespmem:s6+$0x0] =	vst v17  }
0x398: {  	s13 =	sadd.s32 s7, s8;
	v17 =	vld [tilespmem:s3+$0x0]  }
0x399: {  	v18 =	vld [tilespmem:s13+$0x900];
	_ =	sdelay $0x1  }
0x39a: {  	s26 =	simm.s32 $0x0;
	s14 =	spop (v2sf)  }
0x39b: {  	s29 =	sand.u32 $0x100, s26;
	s30 =	sand.u32 $0x400, s26;
	s25 =	sshll.u32 s14, $0xA  }
0x39c: {  	s9 =	sand.u32 $0xC0, s26;
	s10 =	sand.u32 $0x70, s26;
	s2 =	sshra.s32 s25, $0x2  }
0x39d: {  	s7 =	sshrl.u32 s29, $0x1;
	s8 =	sadd.s32 s30, s5;
	v17 =	vmax.bf16 v17, v18;
	s2 =	sadd.s32 $0x8780, s2  }
0x39e: {  	s9 =	sshrl.u32 s9, $0x1;
	s10 =	sadd.s32 s10, s8;
	[tilespmem:s3+$0x0] =	vst v17;
	s7 =	sadd.s32 s7, s2  }
0x39f: {  	v18 =	vld [tilespmem:s10+$0x980];
	s6 =	sadd.s32 s9, s7  }
0x3a0: {  	v17 =	vld [tilespmem:s6+$0x0]  }
0x3a1: {  	s8 =	simm.s32 $0x20  }
0x3a2: {  	s31 =	sand.u32 $0x100, s8;
	s3 =	simm.s32 $0x40  }
0x3a3: {  	s13 =	sshrl.u32 s31, $0x1;
	s12 =	sand.u32 $0xC0, s3;
	s9 =	simm.s32 $0x80  }
0x3a4: {  	s10 =	simm.s32 $0x2;
	s7 =	simm.s32 $0x10;
	s11 =	sand.u32 $0x400, s9  }
.LBB2_68:
0x3a5: {  	p0 =	sne.s32 s10, $0xF;
	s13 =	sadd.s32 s13, s2;
	s12 =	sshrl.u32 s12, $0x1;
	v17 =	vmax.bf16 v17, v18  }
0x3a6: {  	s14 =	sand.u32 $0x70, s7;
	s11 =	sadd.s32 s11, s5;
	[tilespmem:s6+$0x0] =	vst v17;
	s6 =	sadd.s32 s12, s13  }
0x3a7: {  	s11 =	sadd.s32 s14, s11;
	v17 =	vld [tilespmem:s6+$0x0]  }
.Ltmp35:
0x3a8: {  	v18 =	vld [tilespmem:s11+$0x980];
	(pc) =	sbr.rel @p0 .LBB2_68-.Ltmp35, $4  }
0x3a9: {  	_ = 	snop  }
0x3aa: {  	s3 =	sadd.s32 $0x40, s3;
	s8 =	sadd.s32 $0x20, s8;
	s9 =	sadd.s32 $0x80, s9  }
0x3ab: {  	s7 =	sadd.s32 $0x10, s7;
	s13 =	sand.u32 $0x100, s8;
	s11 =	sand.u32 $0x400, s9  }
0x3ac: {  	s10 =	sadd.s32 $0x1, s10;
	s12 =	sand.u32 $0xC0, s3;
	s13 =	sshrl.u32 s13, $0x1  }
0x3ad: {  	(v2sf) =	vpush v16, $0xC;
	_ =	sdelay $0x9  }
0x3ae: {  	s2 =	sadd.s32 s13, s2;
	s3 =	sshrl.u32 s12, $0x1;
	v17 =	vmax.bf16 v17, v18  }
0x3af: {  	s7 =	sand.u32 $0x70, s7;
	s8 =	sadd.s32 s11, s5;
	s3 =	sadd.s32 s3, s2;
	[tilespmem:s6+$0x0] =	vst v17  }
0x3b0: {  	s13 =	sadd.s32 s7, s8;
	v17 =	vld [tilespmem:s3+$0x0]  }
0x3b1: {  	v18 =	vld [tilespmem:s13+$0x980];
	_ =	sdelay $0x1  }
0x3b2: {  	s26 =	simm.s32 $0x0;
	s14 =	spop (v2sf)  }
0x3b3: {  	s29 =	sand.u32 $0x100, s26;
	s30 =	sand.u32 $0x400, s26;
	s25 =	sshll.u32 s14, $0xA  }
0x3b4: {  	s9 =	sand.u32 $0xC0, s26;
	s10 =	sand.u32 $0x70, s26;
	s2 =	sshra.s32 s25, $0x2  }
0x3b5: {  	s7 =	sshrl.u32 s29, $0x1;
	s8 =	sadd.s32 s30, s5;
	v17 =	vmax.bf16 v17, v18;
	s2 =	sadd.s32 $0x8780, s2  }
0x3b6: {  	s9 =	sshrl.u32 s9, $0x1;
	s10 =	sadd.s32 s10, s8;
	[tilespmem:s3+$0x0] =	vst v17;
	s7 =	sadd.s32 s7, s2  }
0x3b7: {  	v18 =	vld [tilespmem:s10+$0xA00];
	s6 =	sadd.s32 s9, s7  }
0x3b8: {  	v17 =	vld [tilespmem:s6+$0x0]  }
0x3b9: {  	s8 =	simm.s32 $0x20  }
0x3ba: {  	s31 =	sand.u32 $0x100, s8;
	s3 =	simm.s32 $0x40  }
0x3bb: {  	s13 =	sshrl.u32 s31, $0x1;
	s12 =	sand.u32 $0xC0, s3;
	s9 =	simm.s32 $0x80  }
0x3bc: {  	s10 =	simm.s32 $0x2;
	s7 =	simm.s32 $0x10;
	s11 =	sand.u32 $0x400, s9  }
.LBB2_70:
0x3bd: {  	p0 =	sne.s32 s10, $0xF;
	s13 =	sadd.s32 s13, s2;
	s12 =	sshrl.u32 s12, $0x1;
	v17 =	vmax.bf16 v17, v18  }
0x3be: {  	s14 =	sand.u32 $0x70, s7;
	s11 =	sadd.s32 s11, s5;
	[tilespmem:s6+$0x0] =	vst v17;
	s6 =	sadd.s32 s12, s13  }
0x3bf: {  	s11 =	sadd.s32 s14, s11;
	v17 =	vld [tilespmem:s6+$0x0]  }
.Ltmp36:
0x3c0: {  	v18 =	vld [tilespmem:s11+$0xA00];
	(pc) =	sbr.rel @p0 .LBB2_70-.Ltmp36, $4  }
0x3c1: {  	_ = 	snop  }
0x3c2: {  	s3 =	sadd.s32 $0x40, s3;
	s8 =	sadd.s32 $0x20, s8;
	s9 =	sadd.s32 $0x80, s9  }
0x3c3: {  	s7 =	sadd.s32 $0x10, s7;
	s13 =	sand.u32 $0x100, s8;
	s11 =	sand.u32 $0x400, s9  }
0x3c4: {  	s10 =	sadd.s32 $0x1, s10;
	s12 =	sand.u32 $0xC0, s3;
	s13 =	sshrl.u32 s13, $0x1  }
0x3c5: {  	(v2sf) =	vpush v16, $0xD;
	_ =	sdelay $0x9  }
0x3c6: {  	s2 =	sadd.s32 s13, s2;
	s3 =	sshrl.u32 s12, $0x1;
	v17 =	vmax.bf16 v17, v18  }
0x3c7: {  	s7 =	sand.u32 $0x70, s7;
	s8 =	sadd.s32 s11, s5;
	s3 =	sadd.s32 s3, s2;
	[tilespmem:s6+$0x0] =	vst v17  }
0x3c8: {  	s13 =	sadd.s32 s7, s8;
	v17 =	vld [tilespmem:s3+$0x0]  }
0x3c9: {  	v18 =	vld [tilespmem:s13+$0xA00];
	_ =	sdelay $0x1  }
0x3ca: {  	s26 =	simm.s32 $0x0;
	s14 =	spop (v2sf)  }
0x3cb: {  	s29 =	sand.u32 $0x100, s26;
	s30 =	sand.u32 $0x400, s26;
	s25 =	sshll.u32 s14, $0xA  }
0x3cc: {  	s9 =	sand.u32 $0xC0, s26;
	s10 =	sand.u32 $0x70, s26;
	s2 =	sshra.s32 s25, $0x2  }
0x3cd: {  	s7 =	sshrl.u32 s29, $0x1;
	s8 =	sadd.s32 s30, s5;
	v17 =	vmax.bf16 v17, v18;
	s2 =	sadd.s32 $0x8780, s2  }
0x3ce: {  	s9 =	sshrl.u32 s9, $0x1;
	s10 =	sadd.s32 s10, s8;
	[tilespmem:s3+$0x0] =	vst v17;
	s7 =	sadd.s32 s7, s2  }
0x3cf: {  	v18 =	vld [tilespmem:s10+$0xA80];
	s6 =	sadd.s32 s9, s7  }
0x3d0: {  	v17 =	vld [tilespmem:s6+$0x0]  }
0x3d1: {  	s8 =	simm.s32 $0x20  }
0x3d2: {  	s31 =	sand.u32 $0x100, s8;
	s3 =	simm.s32 $0x40  }
0x3d3: {  	s13 =	sshrl.u32 s31, $0x1;
	s12 =	sand.u32 $0xC0, s3;
	s9 =	simm.s32 $0x80  }
0x3d4: {  	s10 =	simm.s32 $0x2;
	s7 =	simm.s32 $0x10;
	s11 =	sand.u32 $0x400, s9  }
.LBB2_72:
0x3d5: {  	p0 =	sne.s32 s10, $0xF;
	s13 =	sadd.s32 s13, s2;
	s12 =	sshrl.u32 s12, $0x1;
	v17 =	vmax.bf16 v17, v18  }
0x3d6: {  	s14 =	sand.u32 $0x70, s7;
	s11 =	sadd.s32 s11, s5;
	[tilespmem:s6+$0x0] =	vst v17;
	s6 =	sadd.s32 s12, s13  }
0x3d7: {  	s11 =	sadd.s32 s14, s11;
	v17 =	vld [tilespmem:s6+$0x0]  }
.Ltmp37:
0x3d8: {  	v18 =	vld [tilespmem:s11+$0xA80];
	(pc) =	sbr.rel @p0 .LBB2_72-.Ltmp37, $4  }
0x3d9: {  	_ = 	snop  }
0x3da: {  	s3 =	sadd.s32 $0x40, s3;
	s8 =	sadd.s32 $0x20, s8;
	s9 =	sadd.s32 $0x80, s9  }
0x3db: {  	s7 =	sadd.s32 $0x10, s7;
	s13 =	sand.u32 $0x100, s8;
	s11 =	sand.u32 $0x400, s9  }
0x3dc: {  	s10 =	sadd.s32 $0x1, s10;
	s12 =	sand.u32 $0xC0, s3;
	s13 =	sshrl.u32 s13, $0x1  }
0x3dd: {  	(v2sf) =	vpush v16, $0xE;
	_ =	sdelay $0x9  }
0x3de: {  	s2 =	sadd.s32 s13, s2;
	s3 =	sshrl.u32 s12, $0x1;
	v17 =	vmax.bf16 v17, v18  }
0x3df: {  	s7 =	sand.u32 $0x70, s7;
	s8 =	sadd.s32 s11, s5;
	s3 =	sadd.s32 s3, s2;
	[tilespmem:s6+$0x0] =	vst v17  }
0x3e0: {  	s13 =	sadd.s32 s7, s8;
	v17 =	vld [tilespmem:s3+$0x0]  }
0x3e1: {  	v18 =	vld [tilespmem:s13+$0xA80];
	_ =	sdelay $0x1  }
0x3e2: {  	s26 =	simm.s32 $0x0;
	s14 =	spop (v2sf)  }
0x3e3: {  	s29 =	sand.u32 $0x100, s26;
	s30 =	sand.u32 $0x400, s26;
	s25 =	sshll.u32 s14, $0xA  }
0x3e4: {  	s9 =	sand.u32 $0xC0, s26;
	s10 =	sand.u32 $0x70, s26;
	s2 =	sshra.s32 s25, $0x2  }
0x3e5: {  	s7 =	sshrl.u32 s29, $0x1;
	s8 =	sadd.s32 s30, s5;
	v17 =	vmax.bf16 v17, v18;
	s2 =	sadd.s32 $0x8780, s2  }
0x3e6: {  	s9 =	sshrl.u32 s9, $0x1;
	s10 =	sadd.s32 s10, s8;
	[tilespmem:s3+$0x0] =	vst v17;
	s7 =	sadd.s32 s7, s2  }
0x3e7: {  	v18 =	vld [tilespmem:s10+$0xB00];
	s6 =	sadd.s32 s9, s7  }
0x3e8: {  	v17 =	vld [tilespmem:s6+$0x0]  }
0x3e9: {  	s8 =	simm.s32 $0x20  }
0x3ea: {  	s31 =	sand.u32 $0x100, s8;
	s3 =	simm.s32 $0x40  }
0x3eb: {  	s13 =	sshrl.u32 s31, $0x1;
	s12 =	sand.u32 $0xC0, s3;
	s9 =	simm.s32 $0x80  }
0x3ec: {  	s10 =	simm.s32 $0x2;
	s7 =	simm.s32 $0x10;
	s11 =	sand.u32 $0x400, s9  }
.LBB2_74:
0x3ed: {  	p0 =	sne.s32 s10, $0xF;
	s13 =	sadd.s32 s13, s2;
	s12 =	sshrl.u32 s12, $0x1;
	v17 =	vmax.bf16 v17, v18  }
0x3ee: {  	s14 =	sand.u32 $0x70, s7;
	s11 =	sadd.s32 s11, s5;
	[tilespmem:s6+$0x0] =	vst v17;
	s6 =	sadd.s32 s12, s13  }
0x3ef: {  	s11 =	sadd.s32 s14, s11;
	v17 =	vld [tilespmem:s6+$0x0]  }
.Ltmp38:
0x3f0: {  	v18 =	vld [tilespmem:s11+$0xB00];
	(pc) =	sbr.rel @p0 .LBB2_74-.Ltmp38, $4  }
0x3f1: {  	_ = 	snop  }
0x3f2: {  	s3 =	sadd.s32 $0x40, s3;
	s8 =	sadd.s32 $0x20, s8;
	s9 =	sadd.s32 $0x80, s9  }
0x3f3: {  	s7 =	sadd.s32 $0x10, s7;
	s13 =	sand.u32 $0x100, s8;
	s11 =	sand.u32 $0x400, s9  }
0x3f4: {  	s10 =	sadd.s32 $0x1, s10;
	s12 =	sand.u32 $0xC0, s3;
	s13 =	sshrl.u32 s13, $0x1  }
0x3f5: {  	(v2sf) =	vpush v16, $0xF;
	_ =	sdelay $0x9  }
0x3f6: {  	s2 =	sadd.s32 s13, s2;
	s3 =	sshrl.u32 s12, $0x1;
	v16 =	vmax.bf16 v17, v18  }
0x3f7: {  	s7 =	sand.u32 $0x70, s7;
	s8 =	sadd.s32 s11, s5;
	s3 =	sadd.s32 s3, s2;
	[tilespmem:s6+$0x0] =	vst v16  }
0x3f8: {  	s13 =	sadd.s32 s7, s8;
	v16 =	vld [tilespmem:s3+$0x0]  }
0x3f9: {  	v17 =	vld [tilespmem:s13+$0xB00];
	_ =	sdelay $0x1  }
0x3fa: {  	s26 =	simm.s32 $0x0;
	s14 =	spop (v2sf)  }
0x3fb: {  	s29 =	sand.u32 $0x100, s26;
	s30 =	sand.u32 $0x400, s26;
	s25 =	sshll.u32 s14, $0xA  }
0x3fc: {  	s9 =	sand.u32 $0xC0, s26;
	s10 =	sand.u32 $0x70, s26;
	s2 =	sshra.s32 s25, $0x2  }
0x3fd: {  	s7 =	sshrl.u32 s29, $0x1;
	s8 =	sadd.s32 s30, s5;
	v16 =	vmax.bf16 v16, v17;
	s2 =	sadd.s32 $0x8780, s2  }
0x3fe: {  	s9 =	sshrl.u32 s9, $0x1;
	s10 =	sadd.s32 s10, s8;
	[tilespmem:s3+$0x0] =	vst v16;
	s7 =	sadd.s32 s7, s2  }
0x3ff: {  	v17 =	vld [tilespmem:s10+$0xB80];
	s6 =	sadd.s32 s9, s7  }
0x400: {  	v16 =	vld [tilespmem:s6+$0x0];
	_ =	sdelay $0x1  }
0x401: {  	s8 =	simm.s32 $0x10;
	s3 =	simm.s32 $0x40;
	s7 =	simm.s32 $0x20  }
0x402: {  	s12 =	sand.u32 $0xC0, s3;
	s9 =	simm.s32 $0x80;
	s31 =	sand.u32 $0x100, s7  }
0x403: {  	s10 =	simm.s32 $0x2;
	s11 =	sand.u32 $0x400, s9;
	s13 =	sshrl.u32 s31, $0x1  }
.LBB2_76:
0x404: {  	p0 =	sne.s32 s10, $0xF;
	s13 =	sadd.s32 s13, s2;
	s12 =	sshrl.u32 s12, $0x1;
	v16 =	vmax.bf16 v16, v17  }
0x405: {  	s14 =	sand.u32 $0x70, s8;
	s11 =	sadd.s32 s11, s5;
	[tilespmem:s6+$0x0] =	vst v16;
	s6 =	sadd.s32 s12, s13  }
0x406: {  	s11 =	sadd.s32 s14, s11;
	v16 =	vld [tilespmem:s6+$0x0]  }
.Ltmp39:
0x407: {  	v17 =	vld [tilespmem:s11+$0xB80];
	(pc) =	sbr.rel @p0 .LBB2_76-.Ltmp39, $4  }
0x408: {  	_ = 	snop  }
0x409: {  	s3 =	sadd.s32 $0x40, s3;
	s7 =	sadd.s32 $0x20, s7;
	s9 =	sadd.s32 $0x80, s9  }
0x40a: {  	s8 =	sadd.s32 $0x10, s8;
	s13 =	sand.u32 $0x100, s7;
	s11 =	sand.u32 $0x400, s9  }
0x40b: {  	s10 =	sadd.s32 $0x1, s10;
	s12 =	sand.u32 $0xC0, s3;
	s13 =	sshrl.u32 s13, $0x1  }
0x40c: {  	s2 =	sadd.s32 s13, s2;
	s3 =	sshrl.u32 s12, $0x1;
	v16 =	vmax.bf16 v16, v17  }
0x40d: {  	s7 =	sand.u32 $0x70, s8;
	s5 =	sadd.s32 s11, s5;
	s2 =	sadd.s32 s3, s2;
	[tilespmem:s6+$0x0] =	vst v16  }
0x40e: {  	s31 =	sadd.s32 s7, s5;
	v16 =	vld [tilespmem:s2+$0x0]  }
0x40f: {  	s1 =	sadd.s32 $0x1, s1;
	v17 =	vld [tilespmem:s31+$0xB80]  }
0x410: {  	p0 =	sne.s32 s1, $0x8  }
.Ltmp40:
0x411: {  	_ = 	snop;
	(pc) =	sbr.rel @p0 .LBB2_45-.Ltmp40, $3  }
0x412: {  	_ =	sdelay $0x1  }
0x413: {  	v16 =	vmax.bf16 v16, v17  }
0x414: {  	[tilespmem:s2+$0x0] =	vst v16  }
0x415: {  	s6 =	simm.s32 $0x0  }
0x416: {  	s0 =	rddreg [dreg:$0x4];
	s1 =	simm.s32 $0x8780;
	s30 =	simm.s32 $0x2  }
0x417: {  	[hbm4b:s0+s6] =	stream.linear.scatter [tilespmem:s1], [sflag:$0x2], $0x14000, $0x38;
	[tilespmem:$0x1C880] =	vst v63  }
0x418: {  	_ =	swait.ge [sflag:s30], $0x14000  }
0x419: {  	s2 =	rddreg [dreg:$0x6]  }
0x41a: {  	s31 =	rddreg [dreg:$0x5];
	s2 =	sadd.s32 $0x1, s2  }
0x41b: {  	p0 =	sne.s32 s2, s31  }
.Ltmp41:
0x41c: {  	_ = 	snop;
	(pc) =	sbr.rel @p0 .LBB2_1-.Ltmp41, $3  }
0x41d: {  	_ =	sdelay $0x1  }
0x41e: {  	[sflag:s30] =	ssyncset.done $0x0  }
0x41f: {  	[sflag:s30] =	ssyncadd.s32 $0xFFFEC000  }
0x420: {  	_ =	sfence.sel $0x180000  }
0x421: {  	[bflag:$0x0] =	sbarrier.arrive $0xFFFF  }
0x422: {  	_ =	strace $0x9000004A  }
0x423: {  	s0 =	stileid.u32;
	[bflag:$0x2] =	sbarrier.arrive $0xFFFF  }
0x424: {  	p0 =	sne.s32 s0, $0x0;
	s0 =	rddreg [dreg:$0x2]  }
0x425: {  	s0 =	sadd.s32 @!p0 $0x100000, s0  }
0x426: {  	[sflag:s0] =	ssyncadd.tile.s32 @!p0 $0x1;
	_ =	shalt  }
.Lfunc_end2:
_tile_overlayer_lowered:
.L_overlay_start_2:
0x427: {  	(tag) =	ssettag $0x2  }
0x428: {  	s0 =	rddreg [dreg:$0x0];
	s2 =	stileid.u32  }
0x429: {  	s1 =	rddreg [dreg:$0x1];
	p0 =	sne.s32 s2, $0x0  }
0x42a: {  	s3 =	rddreg [dreg:$0x2];
	[bflag:$0x3] =	sbarrier.arrive $0xFFFF;
	s2 =	simm.s32 @!p0 $0x1C02  }
0x42b: {  	[timem:s3], [sflag:s2] =	dma.local @!p0 [hbm:s0], s1  }
0x42c: {  	s0 =	simm.s32 @!p0 $0x2  }
0x42d: {  	_ =	swait.ge @!p0 [sflag:s0], s1  }
0x42e: {  	s1 =	ssub.s32 @!p0 $0x0, s1;
	[sflag:s0] =	ssyncset.done @!p0 $0x0  }
0x42f: {  	[sflag:s0] =	ssyncadd.s32 @!p0 s1  }
0x430: {  	[bflag:$0x3] =	sbarrier.arrive $0xFFFF  }
0x431: {  	_ =	shalt  }

</sc_bundles>
